<compile_context>
chip_gen: v7x
topology: tpu7x:2x2x1
jax: 0.10.2.dev20260603
libtpu: 0.0.44.dev20260713+nightly
codegen_flags: <defaults>
</compile_context>

<pallas_src>
import functools

import jax
import jax.numpy as jnp
from jax import lax
from jax.experimental import pallas as pl
from jax.experimental.pallas import tpu as pltpu
from jax.experimental.pallas import tpu_sc as plsc

N = 10000
E = 320000
IN_F = 128
HID = 16
HEADS = 8
EDGE_DIM = 16
OUT_F = 128

NC = 2
NS = 16
NW = NC * NS
EPT = E // NW
G = 80
NCH = EPT // G
ROW_STRIDE = 624
ROW_COPIES = 8


def _prep_nodes_body(x_ref, wfct_ref, bfc_ref, wlint_ref, cs_ref, cd_ref,
                     xt_ref, asrc_ref, adst_ref):
  h = jnp.dot(x_ref[...], wfct_ref[...], preferred_element_type=jnp.float32)
  h = h + bfc_ref[...]
  xt = jnp.dot(h, wlint_ref[...], preferred_element_type=jnp.float32)
  xt_ref[...] = xt
  asrc_ref[...] = jnp.dot(xt, cs_ref[...], preferred_element_type=jnp.float32)
  adst_ref[...] = jnp.dot(xt, cd_ref[...], preferred_element_type=jnp.float32)


def _prep_nodes(x, wfct, bfc, wlint, cs, cd):
  return pl.pallas_call(
      _prep_nodes_body,
      out_shape=[
          jax.ShapeDtypeStruct((N, HEADS * HID), jnp.float32),
          jax.ShapeDtypeStruct((N, 16), jnp.float32),
          jax.ShapeDtypeStruct((N, 16), jnp.float32),
      ],
  )(x, wfct, bfc, wlint, cs, cd)


_EB = 2000


def _prep_edges_body(ea_ref, ae_ref, out_ref):
  out_ref[...] = jnp.dot(ea_ref[...], ae_ref[...],
                         preferred_element_type=jnp.float32)


def _prep_edges(ea2, ae_blk):
  return pl.pallas_call(
      _prep_edges_body,
      grid=(E // 8 // _EB,),
      in_specs=[
          pl.BlockSpec((_EB, 128), lambda i: (i, 0)),
          pl.BlockSpec((128, 128), lambda i: (0, 0)),
      ],
      out_specs=pl.BlockSpec((_EB, 128), lambda i: (i, 0)),
      out_shape=jax.ShapeDtypeStruct((E // 8, 128), jnp.float32),
  )(ea2, ae_blk)


def _sc_body(src_hbm, dst_hbm, ae_hbm, asrc_hbm, adst_hbm, xt_hbm,
             outp_hbm, denp_hbm, attp_hbm,
             srcb, dstb, sdstb, aeb, asb, adb, xtb, exb,
             out_sh, den_sh,
             semL, semG, semS):
  cid = lax.axis_index("c")
  sid = lax.axis_index("s")
  wid = cid * NS + sid
  tile_base = wid * EPT

  io16 = lax.iota(jnp.int32, 16)
  zero16 = jnp.zeros((16,), jnp.float32)
  slope16 = jnp.full((16,), 0.2, jnp.float32)
  l0f = jnp.maximum(1.0 - io16.astype(jnp.float32),
                    jnp.zeros((16,), jnp.float32))

  def bc16(v):
    return jnp.broadcast_to(v, (16,))

  def lin_copies(ci, b):
    base = tile_base + ci * G
    return (
        pltpu.make_async_copy(src_hbm.at[pl.ds(base, G)],
                              srcb[b].at[pl.ds(0, G)], semL[b]),
        pltpu.make_async_copy(dst_hbm.at[pl.ds(base, G)],
                              dstb[b].at[pl.ds(0, G)], semL[b]),
        pltpu.make_async_copy(ae_hbm.at[pl.ds(base // 8, G // 8)], aeb[b],
                              semL[b]),
    )

  def gat_copies(b):
    si = srcb[b].at[pl.ds(0, G)]
    di = dstb[b].at[pl.ds(0, G)]
    return (
        pltpu.make_async_copy(asrc_hbm.at[si], asb[b], semG[b]),
        pltpu.make_async_copy(adst_hbm.at[di], adb[b], semG[b]),
        pltpu.make_async_copy(xt_hbm.at[si], xtb[b], semG[b]),
    )

  def sca_copies(b):
    return (
        pltpu.make_async_copy(exb[b], den_sh.at[sdstb[b]], semS[b]),
        pltpu.make_async_copy(xtb[b], out_sh.at[sdstb[b]], semS[b]),
    )

  def issue(copies):
    for c in copies:
      c.start()

  def wait(copies):
    for c in copies:
      c.wait()

  def issue_scatters(b):
    def cp(t, _):
      sdstb[b][pl.ds(t * 16, 16)] = dstb[b][pl.ds(t * 16, 16)]
      return 0
    lax.fori_loop(0, G // 16, cp, 0, unroll=True)
    pltpu.async_copy(exb[b], den_sh.at[sdstb[b]], semS[b], add=True)
    pltpu.async_copy(xtb[b], out_sh.at[sdstb[b]], semS[b], add=True)

  def stage_a(b, acc):
    def body(e, acc):
      s = asb[b][e, :]
      d = adb[b][e, :]
      a = aeb[b][lax.shift_right_logical(e, 3),
                 pl.ds(jnp.bitwise_and(e, 7) * 16, 16)]
      al = s + d + a
      al = jnp.maximum(al, slope16 * al)
      ex = jnp.exp(al)
      exb[b][e, :] = ex
      sv = srcb[b][pl.ds(e, 16)]
      dv = dstb[b][pl.ds(e, 16)]
      hit = (sv[0] == 6) & (dv[0] == 6)
      hitf = jnp.where(hit, jnp.float32(1.0), jnp.float32(0.0))
      return acc + ex * l0f * bc16(hitf)
    return lax.fori_loop(0, G, body, acc, unroll=4)

  def stage_b(b):
    def body(e, _):
      er = exb[b][e, :]
      for h in range(HEADS):
        exs = er.at[bc16(h)].get(mode="promise_in_bounds")
        sl = pl.ds(h * 16, 16)
        xtb[b][e, sl] = xtb[b][e, sl] * exs
      return 0
    lax.fori_loop(0, G, body, 0, unroll=2)

  def zero_body(i, _):
    xtb[0][lax.shift_right_logical(i, 3),
           pl.ds(jnp.bitwise_and(i, 7) * 16, 16)] = zero16
    return 0
  lax.fori_loop(0, G * HEADS, zero_body, 0, unroll=8)

  def zero_ex(e, _):
    exb[0][e, :] = zero16
    return 0
  lax.fori_loop(0, G, zero_ex, 0, unroll=4)

  row0 = sid * ROW_STRIDE
  for c in range(ROW_COPIES):
    pltpu.sync_copy(xtb[0], out_sh.at[pl.ds(row0 + c * G, G)])
    pltpu.sync_copy(exb[0], den_sh.at[pl.ds(row0 + c * G, G)])
  plsc.subcore_barrier()

  issue(lin_copies(0, 0))
  wait(lin_copies(0, 0))
  issue(lin_copies(1, 1))
  issue(gat_copies(0))

  wait(gat_copies(0))
  acc = stage_a(0, zero16)
  wait(lin_copies(1, 1))
  issue(gat_copies(1))
  stage_b(0)
  issue_scatters(0)
  issue(lin_copies(2, 0))

  def pair_body(k, acc):
    i1 = 2 * k + 1
    wait(gat_copies(1))
    acc = stage_a(1, acc)
    wait(lin_copies(i1 + 1, 0))
    wait(sca_copies(0))
    issue(gat_copies(0))
    stage_b(1)
    issue_scatters(1)

    @pl.when(k < NCH // 2 - 1)
    def _():
      issue(lin_copies(i1 + 2, 1))

    i2 = 2 * k + 2
    wait(gat_copies(0))
    acc = stage_a(0, acc)

    @pl.when(k < NCH // 2 - 1)
    def _():
      wait(lin_copies(i2 + 1, 1))
      wait(sca_copies(1))
      issue(gat_copies(1))

    stage_b(0)
    issue_scatters(0)

    @pl.when(k < NCH // 2 - 1)
    def _():
      issue(lin_copies(i2 + 2, 0))

    return acc

  acc = lax.fori_loop(0, (NCH - 1) // 2, pair_body, acc)
  wait(sca_copies(1))
  wait(sca_copies(0))
  plsc.subcore_barrier()

  orow0 = cid * N + row0
  for c in range(ROW_COPIES):
    pltpu.sync_copy(out_sh.at[pl.ds(row0 + c * G, G)], xtb[0])
    pltpu.sync_copy(xtb[0], outp_hbm.at[pl.ds(orow0 + c * G, G)])
    pltpu.sync_copy(den_sh.at[pl.ds(row0 + c * G, G)], exb[0])
    pltpu.sync_copy(exb[0], denp_hbm.at[pl.ds(orow0 + c * G, G)])

  exb[0][0, :] = acc
  for r in range(1, 8):
    exb[0][r, :] = zero16
  pltpu.sync_copy(exb[0].at[pl.ds(0, 8)], attp_hbm.at[pl.ds(wid * 8, 8)])


def _sc_message_pass(src, dst, aef, asrc, adst, xt):
  mesh = plsc.VectorSubcoreMesh(core_axis_name="c", subcore_axis_name="s")
  f32 = jnp.float32
  call = pl.kernel(
      _sc_body,
      out_type=[
          jax.ShapeDtypeStruct((NC * N, HEADS * HID), f32),
          jax.ShapeDtypeStruct((NC * N, 16), f32),
          jax.ShapeDtypeStruct((NW * 8, 16), f32),
      ],
      mesh=mesh,
      compiler_params=pltpu.CompilerParams(use_tc_tiling_on_sc=False),
      scratch_types=[
          [pltpu.VMEM((G + 16,), jnp.int32) for _ in range(2)],
          [pltpu.VMEM((G + 16,), jnp.int32) for _ in range(2)],
          [pltpu.VMEM((G,), jnp.int32) for _ in range(2)],
          [pltpu.VMEM((G // 8, 128), f32) for _ in range(2)],
          [pltpu.VMEM((G, 16), f32) for _ in range(2)],
          [pltpu.VMEM((G, 16), f32) for _ in range(2)],
          [pltpu.VMEM((G, HEADS * HID), f32) for _ in range(2)],
          [pltpu.VMEM((G, 16), f32) for _ in range(2)],
          pltpu.VMEM_SHARED((N, HEADS * HID), f32),
          pltpu.VMEM_SHARED((N, 16), f32),
          [pltpu.SemaphoreType.DMA for _ in range(2)],
          [pltpu.SemaphoreType.DMA for _ in range(2)],
          [pltpu.SemaphoreType.DMA for _ in range(2)],
      ],
  )
  return call(src, dst, aef, asrc, adst, xt)


_RB = 2000


def _fin1a_body(o0_ref, o1_ref, d0_ref, d1_ref, attp_ref, bias_ref, watt_ref,
                batt_ref, g_ref, sc_ref, att_ref):
  den = d0_ref[...] + d1_ref[...] + 1e-16
  ou = o0_ref[...] + o1_ref[...]
  rden = 1.0 / den
  acc = ou[:, 0:16] * rden[:, 0:1]
  for h in range(1, HEADS):
    acc = acc + ou[:, h * 16:(h + 1) * 16] * rden[:, h:h + 1]
  g = acc * (1.0 / HEADS) + bias_ref[...]
  g = jnp.where(g > 0, g, jnp.exp(g) - 1.0)
  g_ref[...] = g
  sc = jnp.dot(g, watt_ref[...], preferred_element_type=jnp.float32)
  sc_ref[...] = sc + batt_ref[...]

  @pl.when(pl.program_id(0) == 0)
  def _():
    att_ref[...] = jnp.sum(attp_ref[...]) / (
        d0_ref[6:7, 0:1] + d1_ref[6:7, 0:1] + 1e-16)


def _finalize1a(o0, o1, d0, d1, attp, bias, watt, batt):
  return pl.pallas_call(
      _fin1a_body,
      grid=(N // _RB,),
      in_specs=[
          pl.BlockSpec((_RB, HEADS * HID), lambda i: (i, 0)),
          pl.BlockSpec((_RB, HEADS * HID), lambda i: (i, 0)),
          pl.BlockSpec((_RB, 16), lambda i: (i, 0)),
          pl.BlockSpec((_RB, 16), lambda i: (i, 0)),
          pl.BlockSpec((NW * 8, 16), lambda i: (0, 0)),
          pl.BlockSpec((1, HID), lambda i: (0, 0)),
          pl.BlockSpec((HID, 1), lambda i: (0, 0)),
          pl.BlockSpec((1, 1), lambda i: (0, 0)),
      ],
      out_specs=[
          pl.BlockSpec((_RB, HID), lambda i: (i, 0)),
          pl.BlockSpec((_RB, 1), lambda i: (i, 0)),
          pl.BlockSpec((1, 1), lambda i: (0, 0)),
      ],
      out_shape=[
          jax.ShapeDtypeStruct((N, HID), jnp.float32),
          jax.ShapeDtypeStruct((N, 1), jnp.float32),
          jax.ShapeDtypeStruct((1, 1), jnp.float32),
      ],
  )(o0, o1, d0, d1, attp, bias, watt, batt)


def _fin1b_body(g_ref, sc_ref, flat_ref):
  sc = sc_ref[...]
  m = jnp.max(sc)
  w = jnp.exp(sc - m)
  w = w / jnp.sum(w)
  flat_ref[...] = g_ref[...] * w


def _finalize1b(g, sc):
  return pl.pallas_call(
      _fin1b_body,
      out_shape=jax.ShapeDtypeStruct((N, HID), jnp.float32),
  )(g, sc)


_WB = 6400


def _fin2_body(w_ref, f_ref, bout_ref, y_ref, acc_ref):
  j = pl.program_id(0)

  @pl.when(j == 0)
  def _():
    acc_ref[...] = jnp.zeros_like(acc_ref)

  acc_ref[...] += jnp.dot(w_ref[...], f_ref[...],
                          preferred_element_type=jnp.float32)

  @pl.when(j == (N * HID) // _WB - 1)
  def _():
    y_ref[...] = acc_ref[...] + bout_ref[...]


def _finalize2(w_out, flat_col, bout):
  nblk = (N * HID) // _WB
  return pl.pallas_call(
      _fin2_body,
      grid=(nblk,),
      in_specs=[
          pl.BlockSpec((OUT_F, _WB), lambda j: (0, j)),
          pl.BlockSpec((_WB, 1), lambda j: (j, 0)),
          pl.BlockSpec((OUT_F, 1), lambda j: (0, 0)),
      ],
      out_specs=pl.BlockSpec((OUT_F, 1), lambda j: (0, 0)),
      out_shape=jax.ShapeDtypeStruct((OUT_F, 1), jnp.float32),
      scratch_shapes=[pltpu.VMEM((OUT_F, 1), jnp.float32)],
  )(w_out, flat_col, bout)


def kernel(x, edge_index, edge_attr, W_fc, b_fc, W_lin, att_src, att_dst,
           W_edge, att_edge, bias_conv, W_att, b_att, W_out, b_out):
  f32 = jnp.float32
  src = edge_index[0].astype(jnp.int32)
  dst = edge_index[1].astype(jnp.int32)

  eye8 = jnp.eye(HEADS, dtype=f32)
  pad8 = jnp.zeros((HEADS * HID, HEADS), f32)
  cs = (att_src[0][:, :, None] * eye8[:, None, :]).reshape(HEADS * HID, HEADS)
  cd = (att_dst[0][:, :, None] * eye8[:, None, :]).reshape(HEADS * HID, HEADS)
  cs = jnp.concatenate([cs, pad8], axis=1)
  cd = jnp.concatenate([cd, pad8], axis=1)
  ae_w = jnp.einsum("hjd,hj->dh", W_edge.reshape(HEADS, HID, EDGE_DIM),
                    att_edge[0]).astype(f32)
  ae_w = jnp.concatenate([ae_w, jnp.zeros((EDGE_DIM, HEADS), f32)], axis=1)
  ae_blk = jnp.kron(jnp.eye(8, dtype=f32), ae_w)

  xt, asrc, adst = _prep_nodes(
      x, W_fc.T, b_fc.reshape(1, HID), W_lin.T, cs, cd)
  aef = _prep_edges(edge_attr.reshape(E // 8, 128), ae_blk)

  outp, denp, attp = _sc_message_pass(src, dst, aef, asrc, adst, xt)

  g, sc, att = _finalize1a(
      outp[:N], outp[N:], denp[:N], denp[N:], attp,
      bias_conv.reshape(1, HID), W_att.T.astype(f32), b_att.reshape(1, 1))
  flat = _finalize1b(g, sc)

  y = _finalize2(W_out, flat.reshape(N * HID, 1), b_out.reshape(OUT_F, 1))
  return (y.reshape(OUT_F), att[0, 0])

# --- scband reference (transcript-rebuilt; emitter-appended) ---
"""Pipeline reference for scband-model-g-60842506715229 (READ-ONLY COPY).

The authoritative reference and input builder live on the scoring server;
editing this copy changes nothing except your own understanding.
"""

import jax, jax.numpy as jnp
import numpy as np

N = 10000
E = 320000
IN_F = 128
HID = 16
HEADS = 8
EDGE_DIM = 16
OUT_F = 128

def setup_inputs(seed: int = 0):
    key = jax.random.key(seed)
    ks = jax.random.split(key, 16)
    inp = {}
    inp["x"] = jax.random.normal(ks[0], (N, IN_F), dtype=jnp.float32)
    inp["edge_index"] = jax.random.randint(ks[1], (2, E), 0, N)
    inp["edge_attr"] = jax.random.normal(ks[2], (E, EDGE_DIM), dtype=jnp.float32)
    inp["W_fc"] = jax.random.normal(ks[3], (HID, IN_F), dtype=jnp.float32) * 0.05
    inp["b_fc"] = jnp.zeros((HID,), dtype=jnp.float32)
    inp["W_lin"] = jax.random.normal(ks[4], (HEADS * HID, HID), dtype=jnp.float32) * 0.1
    inp["att_src"] = jax.random.normal(ks[5], (1, HEADS, HID), dtype=jnp.float32) * 0.1
    inp["att_dst"] = jax.random.normal(ks[6], (1, HEADS, HID), dtype=jnp.float32) * 0.1
    inp["W_edge"] = jax.random.normal(ks[7], (HEADS * HID, EDGE_DIM), dtype=jnp.float32) * 0.1
    inp["att_edge"] = jax.random.normal(ks[8], (1, HEADS, HID), dtype=jnp.float32) * 0.1
    inp["bias_conv"] = jnp.zeros((HID,), dtype=jnp.float32)
    inp["W_att"] = jax.random.normal(ks[9], (1, HID), dtype=jnp.float32) * 0.1
    inp["b_att"] = jnp.zeros((1,), dtype=jnp.float32)
    inp["W_out"] = jax.random.normal(ks[10], (OUT_F, N * HID), dtype=jnp.float32) * 0.01
    inp["b_out"] = jnp.zeros((OUT_F,), dtype=jnp.float32)
    return inp

def reference(x, edge_index, edge_attr, W_fc, b_fc, W_lin, att_src, att_dst, W_edge, att_edge, bias_conv, W_att, b_att, W_out, b_out):
    src = edge_index[0]
    dst = edge_index[1]
    # fc (matrix_in=False branch); dropout is identity at eval
    h = x @ W_fc.T + b_fc
    # NGATConv (GAT-style with edge features, heads=8, concat=False)
    xt = (h @ W_lin.T).reshape(N, HEADS, HID)
    a_src = (xt * att_src).sum(-1)
    a_dst = (xt * att_dst).sum(-1)
    e = (edge_attr @ W_edge.T).reshape(E, HEADS, HID)
    a_edge = (e * att_edge).sum(-1)
    alpha = a_src[src] + a_dst[dst] + a_edge
    alpha = jax.nn.leaky_relu(alpha, 0.2)
    amax = jax.ops.segment_max(alpha, dst, num_segments=N)
    amax = jnp.where(jnp.isfinite(amax), amax, 0.0)
    ex = jnp.exp(alpha - amax[dst])
    denom = jax.ops.segment_sum(ex, dst, num_segments=N)
    alpha_n = ex / (denom[dst] + 1e-16)
    msg = xt[src] * alpha_n[:, :, None]
    out = jax.ops.segment_sum(msg, dst, num_segments=N)
    out = out.mean(axis=1) + bias_conv  # concat=False -> head mean
    out = jax.nn.elu(out)
    # graph-level attention pooling over nodes
    score = out @ W_att.T + b_att
    w = jax.nn.softmax(score, axis=0)[:, 0]
    applied = out * w[:, None]
    flat = applied.reshape(1, -1)
    y = (flat @ W_out.T + b_out).reshape(-1)
    # atten_weight2[:, 6, 6][0]: dense attention entry (head 0, node 6 -> node 6),
    # computed without materializing the [heads, N, N] dense matrix
    mask = (src == 6) & (dst == 6)
    att_scalar = jnp.sum(jnp.where(mask, alpha_n[:, 0], 0.0))
    return (y, att_scalar)

if __name__ == "__main__":
    import jax
    _d = setup_inputs()
    print(jax.jit(kernel)(*tuple(_d.values())))

</pallas_src>

<mosaic_0001>
#map = affine_map<(d0, d1) -> (0)>
#map1 = affine_map<(d0, d1) -> (0, 0)>
module attributes {stable_mosaic.version = 14 : i64} {
  func.func @_sc_body(%arg0: i32, %arg1: i32, %arg2: memref<320000xi32, #tpu.memory_space<hbm>>, %arg3: memref<320000xi32, #tpu.memory_space<hbm>>, %arg4: memref<40000x128xf32, #tpu.memory_space<hbm>>, %arg5: memref<10000x16xf32, #tpu.memory_space<hbm>>, %arg6: memref<10000x16xf32, #tpu.memory_space<hbm>>, %arg7: memref<10000x128xf32, #tpu.memory_space<hbm>>, %arg8: memref<20000x128xf32, #tpu.memory_space<hbm>>, %arg9: memref<20000x16xf32, #tpu.memory_space<hbm>>, %arg10: memref<256x16xf32, #tpu.memory_space<hbm>>, %arg11: memref<96xi32, #tpu.memory_space<vmem>>, %arg12: memref<96xi32, #tpu.memory_space<vmem>>, %arg13: memref<96xi32, #tpu.memory_space<vmem>>, %arg14: memref<96xi32, #tpu.memory_space<vmem>>, %arg15: memref<80xi32, #tpu.memory_space<vmem>>, %arg16: memref<80xi32, #tpu.memory_space<vmem>>, %arg17: memref<10x128xf32, #tpu.memory_space<vmem>>, %arg18: memref<10x128xf32, #tpu.memory_space<vmem>>, %arg19: memref<80x16xf32, #tpu.memory_space<vmem>>, %arg20: memref<80x16xf32, #tpu.memory_space<vmem>>, %arg21: memref<80x16xf32, #tpu.memory_space<vmem>>, %arg22: memref<80x16xf32, #tpu.memory_space<vmem>>, %arg23: memref<80x128xf32, #tpu.memory_space<vmem>>, %arg24: memref<80x128xf32, #tpu.memory_space<vmem>>, %arg25: memref<80x16xf32, #tpu.memory_space<vmem>>, %arg26: memref<80x16xf32, #tpu.memory_space<vmem>>, %arg27: memref<10000x128xf32, #tpu.memory_space<vmem_shared>>, %arg28: memref<10000x16xf32, #tpu.memory_space<vmem_shared>>, %arg29: memref<!tpu.dma_semaphore, #tpu.memory_space<semaphore_mem>>, %arg30: memref<!tpu.dma_semaphore, #tpu.memory_space<semaphore_mem>>, %arg31: memref<!tpu.dma_semaphore, #tpu.memory_space<semaphore_mem>>, %arg32: memref<!tpu.dma_semaphore, #tpu.memory_space<semaphore_mem>>, %arg33: memref<!tpu.dma_semaphore, #tpu.memory_space<semaphore_mem>>, %arg34: memref<!tpu.dma_semaphore, #tpu.memory_space<semaphore_mem>>) attributes {dimension_semantics = [#tpu.dimension_semantics<core_parallel>, #tpu.dimension_semantics<subcore_parallel>], iteration_bounds = array<i64: 2, 16>, scalar_prefetch = 0 : i64, scratch_operands = 24 : i64, tpu.core_type = #tpu.core_type<sc_vector_subcore>, window_params = [{transform_indices = #map}, {transform_indices = #map}, {transform_indices = #map1}, {transform_indices = #map1}, {transform_indices = #map1}, {transform_indices = #map1}, {transform_indices = #map1}, {transform_indices = #map1}, {transform_indices = #map1}]} {
    %mul3A = arith.constant 16 : i32
    %mul3A_0 = arith.muli %arg0, %mul3A : i32
    %add3A = arith.addi %mul3A_0, %arg1 : i32
    %mul3A_1 = arith.constant 10000 : i32
    %mul3A_2 = arith.muli %add3A, %mul3A_1 : i32
    %iota3A = tpu.iota {dimensions = array<i32: 0>} : vector<16xi32>
    %broadcast_in_dim3A = arith.constant 0.000000e+00 : f32
    %broadcast_in_dim3A_3 = vector.broadcast %broadcast_in_dim3A : f32 to vector<16xf32>
    %broadcast_in_dim3A_4 = arith.constant 2.000000e-01 : f32
    %broadcast_in_dim3A_5 = vector.broadcast %broadcast_in_dim3A_4 : f32 to vector<16xf32>
    %convert_element_type3A = arith.sitofp %iota3A : vector<16xi32> to vector<16xf32>
    %sub3A = arith.constant 1.000000e+00 : f32
    %sub3A_6 = vector.broadcast %sub3A : f32 to vector<16xf32>
    %sub3A_7 = arith.subf %sub3A_6, %convert_element_type3A : vector<16xf32>
    %broadcast_in_dim3A_8 = arith.constant 0.000000e+00 : f32
    %broadcast_in_dim3A_9 = vector.broadcast %broadcast_in_dim3A_8 : f32 to vector<16xf32>
    %max3A = arith.maximumf %sub3A_7, %broadcast_in_dim3A_9 : vector<16xf32>
    %scan3A = arith.constant 0 : i32
    %scan3A_10 = arith.constant 0 : i32
    %scan3A_11 = arith.constant 640 : i32
    %scan3A_12 = arith.addi %scan3A_10, %scan3A_11 : i32
    %scan3A_13 = arith.constant 8 : i32
    %scan3A_14 = scf.for %scan3A_523 = %scan3A_10 to %scan3A_12 step %scan3A_13 iter_args(%scan3A_524 = %scan3A) -> (i32)  : i32 {
      %shift_right_logical3A = arith.constant 3 : i32
      %shift_right_logical3A_525 = arith.shrui %scan3A_523, %shift_right_logical3A : i32
      %and3A_526 = arith.constant 7 : i32
      %and3A_527 = arith.andi %scan3A_523, %and3A_526 : i32
      %mul3A_528 = arith.constant 16 : i32
      %mul3A_529 = arith.muli %and3A_527, %mul3A_528 : i32
      %swap3A_530 = arith.index_cast %shift_right_logical3A_525 : i32 to index
      %swap3A_531 = arith.index_cast %mul3A_529 : i32 to index
      %swap3A_532 = tpu.vector_load %arg23[%swap3A_530, %swap3A_531] {strides = array<i32>} : memref<80x128xf32, #tpu.memory_space<vmem>>, vector<1x16xf32>,
      %swap3A_533 = vector.shape_cast %swap3A_532 : vector<1x16xf32> to vector<16xf32>
      %swap3A_534 = vector.shape_cast %broadcast_in_dim3A_3 : vector<16xf32> to vector<1x16xf32>
      tpu.vector_store %arg23[%swap3A_530, %swap3A_531], %swap3A_534 {strides = array<i32>} : memref<80x128xf32, #tpu.memory_space<vmem>>, vector<1x16xf32>,
      %scan3A_535 = arith.constant 0 : i32
      %scan3A_536 = arith.constant 1 : i32
      %scan3A_537 = arith.addi %scan3A_523, %scan3A_536 : i32
      %shift_right_logical3A_538 = arith.constant 3 : i32
      %shift_right_logical3A_539 = arith.shrui %scan3A_537, %shift_right_logical3A_538 : i32
      %and3A_540 = arith.constant 7 : i32
      %and3A_541 = arith.andi %scan3A_537, %and3A_540 : i32
      %mul3A_542 = arith.constant 16 : i32
      %mul3A_543 = arith.muli %and3A_541, %mul3A_542 : i32
      %swap3A_544 = arith.index_cast %shift_right_logical3A_539 : i32 to index
      %swap3A_545 = arith.index_cast %mul3A_543 : i32 to index
      %swap3A_546 = tpu.vector_load %arg23[%swap3A_544, %swap3A_545] {strides = array<i32>} : memref<80x128xf32, #tpu.memory_space<vmem>>, vector<1x16xf32>,
      %swap3A_547 = vector.shape_cast %swap3A_546 : vector<1x16xf32> to vector<16xf32>
      %swap3A_548 = vector.shape_cast %broadcast_in_dim3A_3 : vector<16xf32> to vector<1x16xf32>
      tpu.vector_store %arg23[%swap3A_544, %swap3A_545], %swap3A_548 {strides = array<i32>} : memref<80x128xf32, #tpu.memory_space<vmem>>, vector<1x16xf32>,
      %scan3A_549 = arith.constant 0 : i32
      %scan3A_550 = arith.constant 2 : i32
      %scan3A_551 = arith.addi %scan3A_523, %scan3A_550 : i32
      %shift_right_logical3A_552 = arith.constant 3 : i32
      %shift_right_logical3A_553 = arith.shrui %scan3A_551, %shift_right_logical3A_552 : i32
      %and3A_554 = arith.constant 7 : i32
      %and3A_555 = arith.andi %scan3A_551, %and3A_554 : i32
      %mul3A_556 = arith.constant 16 : i32
      %mul3A_557 = arith.muli %and3A_555, %mul3A_556 : i32
      %swap3A_558 = arith.index_cast %shift_right_logical3A_553 : i32 to index
      %swap3A_559 = arith.index_cast %mul3A_557 : i32 to index
      %swap3A_560 = tpu.vector_load %arg23[%swap3A_558, %swap3A_559] {strides = array<i32>} : memref<80x128xf32, #tpu.memory_space<vmem>>, vector<1x16xf32>,
      %swap3A_561 = vector.shape_cast %swap3A_560 : vector<1x16xf32> to vector<16xf32>
      %swap3A_562 = vector.shape_cast %broadcast_in_dim3A_3 : vector<16xf32> to vector<1x16xf32>
      tpu.vector_store %arg23[%swap3A_558, %swap3A_559], %swap3A_562 {strides = array<i32>} : memref<80x128xf32, #tpu.memory_space<vmem>>, vector<1x16xf32>,
      %scan3A_563 = arith.constant 0 : i32
      %scan3A_564 = arith.constant 3 : i32
      %scan3A_565 = arith.addi %scan3A_523, %scan3A_564 : i32
      %shift_right_logical3A_566 = arith.constant 3 : i32
      %shift_right_logical3A_567 = arith.shrui %scan3A_565, %shift_right_logical3A_566 : i32
      %and3A_568 = arith.constant 7 : i32
      %and3A_569 = arith.andi %scan3A_565, %and3A_568 : i32
      %mul3A_570 = arith.constant 16 : i32
      %mul3A_571 = arith.muli %and3A_569, %mul3A_570 : i32
      %swap3A_572 = arith.index_cast %shift_right_logical3A_567 : i32 to index
      %swap3A_573 = arith.index_cast %mul3A_571 : i32 to index
      %swap3A_574 = tpu.vector_load %arg23[%swap3A_572, %swap3A_573] {strides = array<i32>} : memref<80x128xf32, #tpu.memory_space<vmem>>, vector<1x16xf32>,
      %swap3A_575 = vector.shape_cast %swap3A_574 : vector<1x16xf32> to vector<16xf32>
      %swap3A_576 = vector.shape_cast %broadcast_in_dim3A_3 : vector<16xf32> to vector<1x16xf32>
      tpu.vector_store %arg23[%swap3A_572, %swap3A_573], %swap3A_576 {strides = array<i32>} : memref<80x128xf32, #tpu.memory_space<vmem>>, vector<1x16xf32>,
      %scan3A_577 = arith.constant 0 : i32
      %scan3A_578 = arith.constant 4 : i32
      %scan3A_579 = arith.addi %scan3A_523, %scan3A_578 : i32
      %shift_right_logical3A_580 = arith.constant 3 : i32
      %shift_right_logical3A_581 = arith.shrui %scan3A_579, %shift_right_logical3A_580 : i32
      %and3A_582 = arith.constant 7 : i32
      %and3A_583 = arith.andi %scan3A_579, %and3A_582 : i32
      %mul3A_584 = arith.constant 16 : i32
      %mul3A_585 = arith.muli %and3A_583, %mul3A_584 : i32
      %swap3A_586 = arith.index_cast %shift_right_logical3A_581 : i32 to index
      %swap3A_587 = arith.index_cast %mul3A_585 : i32 to index
      %swap3A_588 = tpu.vector_load %arg23[%swap3A_586, %swap3A_587] {strides = array<i32>} : memref<80x128xf32, #tpu.memory_space<vmem>>, vector<1x16xf32>,
      %swap3A_589 = vector.shape_cast %swap3A_588 : vector<1x16xf32> to vector<16xf32>
      %swap3A_590 = vector.shape_cast %broadcast_in_dim3A_3 : vector<16xf32> to vector<1x16xf32>
      tpu.vector_store %arg23[%swap3A_586, %swap3A_587], %swap3A_590 {strides = array<i32>} : memref<80x128xf32, #tpu.memory_space<vmem>>, vector<1x16xf32>,
      %scan3A_591 = arith.constant 0 : i32
      %scan3A_592 = arith.constant 5 : i32
      %scan3A_593 = arith.addi %scan3A_523, %scan3A_592 : i32
      %shift_right_logical3A_594 = arith.constant 3 : i32
      %shift_right_logical3A_595 = arith.shrui %scan3A_593, %shift_right_logical3A_594 : i32
      %and3A_596 = arith.constant 7 : i32
      %and3A_597 = arith.andi %scan3A_593, %and3A_596 : i32
      %mul3A_598 = arith.constant 16 : i32
      %mul3A_599 = arith.muli %and3A_597, %mul3A_598 : i32
      %swap3A_600 = arith.index_cast %shift_right_logical3A_595 : i32 to index
      %swap3A_601 = arith.index_cast %mul3A_599 : i32 to index
      %swap3A_602 = tpu.vector_load %arg23[%swap3A_600, %swap3A_601] {strides = array<i32>} : memref<80x128xf32, #tpu.memory_space<vmem>>, vector<1x16xf32>,
      %swap3A_603 = vector.shape_cast %swap3A_602 : vector<1x16xf32> to vector<16xf32>
      %swap3A_604 = vector.shape_cast %broadcast_in_dim3A_3 : vector<16xf32> to vector<1x16xf32>
      tpu.vector_store %arg23[%swap3A_600, %swap3A_601], %swap3A_604 {strides = array<i32>} : memref<80x128xf32, #tpu.memory_space<vmem>>, vector<1x16xf32>,
      %scan3A_605 = arith.constant 0 : i32
      %scan3A_606 = arith.constant 6 : i32
      %scan3A_607 = arith.addi %scan3A_523, %scan3A_606 : i32
      %shift_right_logical3A_608 = arith.constant 3 : i32
      %shift_right_logical3A_609 = arith.shrui %scan3A_607, %shift_right_logical3A_608 : i32
      %and3A_610 = arith.constant 7 : i32
      %and3A_611 = arith.andi %scan3A_607, %and3A_610 : i32
      %mul3A_612 = arith.constant 16 : i32
      %mul3A_613 = arith.muli %and3A_611, %mul3A_612 : i32
      %swap3A_614 = arith.index_cast %shift_right_logical3A_609 : i32 to index
      %swap3A_615 = arith.index_cast %mul3A_613 : i32 to index
      %swap3A_616 = tpu.vector_load %arg23[%swap3A_614, %swap3A_615] {strides = array<i32>} : memref<80x128xf32, #tpu.memory_space<vmem>>, vector<1x16xf32>,
      %swap3A_617 = vector.shape_cast %swap3A_616 : vector<1x16xf32> to vector<16xf32>
      %swap3A_618 = vector.shape_cast %broadcast_in_dim3A_3 : vector<16xf32> to vector<1x16xf32>
      tpu.vector_store %arg23[%swap3A_614, %swap3A_615], %swap3A_618 {strides = array<i32>} : memref<80x128xf32, #tpu.memory_space<vmem>>, vector<1x16xf32>,
      %scan3A_619 = arith.constant 0 : i32
      %scan3A_620 = arith.constant 7 : i32
      %scan3A_621 = arith.addi %scan3A_523, %scan3A_620 : i32
      %shift_right_logical3A_622 = arith.constant 3 : i32
      %shift_right_logical3A_623 = arith.shrui %scan3A_621, %shift_right_logical3A_622 : i32
      %and3A_624 = arith.constant 7 : i32
      %and3A_625 = arith.andi %scan3A_621, %and3A_624 : i32
      %mul3A_626 = arith.constant 16 : i32
      %mul3A_627 = arith.muli %and3A_625, %mul3A_626 : i32
      %swap3A_628 = arith.index_cast %shift_right_logical3A_623 : i32 to index
      %swap3A_629 = arith.index_cast %mul3A_627 : i32 to index
      %swap3A_630 = tpu.vector_load %arg23[%swap3A_628, %swap3A_629] {strides = array<i32>} : memref<80x128xf32, #tpu.memory_space<vmem>>, vector<1x16xf32>,
      %swap3A_631 = vector.shape_cast %swap3A_630 : vector<1x16xf32> to vector<16xf32>
      %swap3A_632 = vector.shape_cast %broadcast_in_dim3A_3 : vector<16xf32> to vector<1x16xf32>
      tpu.vector_store %arg23[%swap3A_628, %swap3A_629], %swap3A_632 {strides = array<i32>} : memref<80x128xf32, #tpu.memory_space<vmem>>, vector<1x16xf32>,
      %scan3A_633 = arith.constant 0 : i32
      scf.yield %scan3A_633 : i32
    }
    %scan3A_15 = arith.constant 640 : i32
    %scan3A_16 = arith.constant 0 : i32
    %scan3A_17 = arith.constant 0 : i32
    %scan3A_18 = arith.constant 80 : i32
    %scan3A_19 = arith.addi %scan3A_17, %scan3A_18 : i32
    %scan3A_20 = arith.constant 4 : i32
    %scan3A_21 = scf.for %scan3A_523 = %scan3A_17 to %scan3A_19 step %scan3A_20 iter_args(%scan3A_524 = %scan3A_16) -> (i32)  : i32 {
      %swap3A_525 = arith.index_cast %scan3A_523 : i32 to index
      %swap3A_526 = arith.constant 0 : index
      %swap3A_527 = tpu.vector_load %arg25[%swap3A_525, %swap3A_526] {strides = array<i32>} : memref<80x16xf32, #tpu.memory_space<vmem>>, vector<1x16xf32>,
      %swap3A_528 = vector.shape_cast %swap3A_527 : vector<1x16xf32> to vector<16xf32>
      %swap3A_529 = vector.shape_cast %broadcast_in_dim3A_3 : vector<16xf32> to vector<1x16xf32>
      tpu.vector_store %arg25[%swap3A_525, %swap3A_526], %swap3A_529 {strides = array<i32>} : memref<80x16xf32, #tpu.memory_space<vmem>>, vector<1x16xf32>,
      %scan3A_530 = arith.constant 0 : i32
      %scan3A_531 = arith.constant 1 : i32
      %scan3A_532 = arith.addi %scan3A_523, %scan3A_531 : i32
      %swap3A_533 = arith.index_cast %scan3A_532 : i32 to index
      %swap3A_534 = arith.constant 0 : index
      %swap3A_535 = tpu.vector_load %arg25[%swap3A_533, %swap3A_534] {strides = array<i32>} : memref<80x16xf32, #tpu.memory_space<vmem>>, vector<1x16xf32>,
      %swap3A_536 = vector.shape_cast %swap3A_535 : vector<1x16xf32> to vector<16xf32>
      %swap3A_537 = vector.shape_cast %broadcast_in_dim3A_3 : vector<16xf32> to vector<1x16xf32>
      tpu.vector_store %arg25[%swap3A_533, %swap3A_534], %swap3A_537 {strides = array<i32>} : memref<80x16xf32, #tpu.memory_space<vmem>>, vector<1x16xf32>,
      %scan3A_538 = arith.constant 0 : i32
      %scan3A_539 = arith.constant 2 : i32
      %scan3A_540 = arith.addi %scan3A_523, %scan3A_539 : i32
      %swap3A_541 = arith.index_cast %scan3A_540 : i32 to index
      %swap3A_542 = arith.constant 0 : index
      %swap3A_543 = tpu.vector_load %arg25[%swap3A_541, %swap3A_542] {strides = array<i32>} : memref<80x16xf32, #tpu.memory_space<vmem>>, vector<1x16xf32>,
      %swap3A_544 = vector.shape_cast %swap3A_543 : vector<1x16xf32> to vector<16xf32>
      %swap3A_545 = vector.shape_cast %broadcast_in_dim3A_3 : vector<16xf32> to vector<1x16xf32>
      tpu.vector_store %arg25[%swap3A_541, %swap3A_542], %swap3A_545 {strides = array<i32>} : memref<80x16xf32, #tpu.memory_space<vmem>>, vector<1x16xf32>,
      %scan3A_546 = arith.constant 0 : i32
      %scan3A_547 = arith.constant 3 : i32
      %scan3A_548 = arith.addi %scan3A_523, %scan3A_547 : i32
      %swap3A_549 = arith.index_cast %scan3A_548 : i32 to index
      %swap3A_550 = arith.constant 0 : index
      %swap3A_551 = tpu.vector_load %arg25[%swap3A_549, %swap3A_550] {strides = array<i32>} : memref<80x16xf32, #tpu.memory_space<vmem>>, vector<1x16xf32>,
      %swap3A_552 = vector.shape_cast %swap3A_551 : vector<1x16xf32> to vector<16xf32>
      %swap3A_553 = vector.shape_cast %broadcast_in_dim3A_3 : vector<16xf32> to vector<1x16xf32>
      tpu.vector_store %arg25[%swap3A_549, %swap3A_550], %swap3A_553 {strides = array<i32>} : memref<80x16xf32, #tpu.memory_space<vmem>>, vector<1x16xf32>,
      %scan3A_554 = arith.constant 0 : i32
      scf.yield %scan3A_554 : i32
    }
    %scan3A_22 = arith.constant 80 : i32
    %mul3A_23 = arith.constant 624 : i32
    %mul3A_24 = arith.muli %arg1, %mul3A_23 : i32
    %add3A_25 = arith.constant 0 : i32
    %add3A_26 = arith.addi %mul3A_24, %add3A_25 : i32
    "tpu.region"() ({
      %run_scoped3A = tpu.sem_alloc : memref<!tpu.dma_semaphore, #tpu.memory_space<semaphore_mem>>
      %dma_start3A_523 = arith.constant 0 : i32
      %dma_start3A_524 = tpu.memref_slice %arg27[%add3A_26, %dma_start3A_523] : memref<10000x128xf32, #tpu.memory_space<vmem_shared>> -> memref<80x128xf32, #tpu.memory_space<vmem_shared>>
      %dma_start3A_525 = arith.constant 0 : i32
      %dma_start3A_526 = tpu.memref_slice %arg27[%add3A_26, %dma_start3A_525] : memref<10000x128xf32, #tpu.memory_space<vmem_shared>> -> memref<80x128xf32, #tpu.memory_space<vmem_shared>>
      tpu.enqueue_dma source(%arg23 : memref<80x128xf32, #tpu.memory_space<vmem>>) target(%dma_start3A_526 : memref<80x128xf32, #tpu.memory_space<vmem_shared>>) target_semaphore(%run_scoped3A : memref<!tpu.dma_semaphore, #tpu.memory_space<semaphore_mem>>)
      %dma_wait3A_527 = arith.constant 0 : i32
      %dma_wait3A_528 = tpu.memref_slice %arg27[%add3A_26, %dma_wait3A_527] : memref<10000x128xf32, #tpu.memory_space<vmem_shared>> -> memref<80x128xf32, #tpu.memory_space<vmem_shared>>
      %dma_wait3A_529 = arith.constant 0 : i32
      %dma_wait3A_530 = tpu.memref_slice %arg27[%add3A_26, %dma_wait3A_529] : memref<10000x128xf32, #tpu.memory_space<vmem_shared>> -> memref<80x128xf32, #tpu.memory_space<vmem_shared>>
      tpu.wait_dma2 semaphore(%run_scoped3A : memref<!tpu.dma_semaphore, #tpu.memory_space<semaphore_mem>>) src(%arg23 : memref<80x128xf32, #tpu.memory_space<vmem>>) dst(%dma_wait3A_530 : memref<80x128xf32, #tpu.memory_space<vmem_shared>>)
      tpu.yield
    }) : () -> ()
    %add3A_27 = arith.constant 0 : i32
    %add3A_28 = arith.addi %mul3A_24, %add3A_27 : i32
    "tpu.region"() ({
      %run_scoped3A = tpu.sem_alloc : memref<!tpu.dma_semaphore, #tpu.memory_space<semaphore_mem>>
      %dma_start3A_523 = arith.constant 0 : i32
      %dma_start3A_524 = tpu.memref_slice %arg28[%add3A_28, %dma_start3A_523] : memref<10000x16xf32, #tpu.memory_space<vmem_shared>> -> memref<80x16xf32, #tpu.memory_space<vmem_shared>>
      %dma_start3A_525 = arith.constant 0 : i32
      %dma_start3A_526 = tpu.memref_slice %arg28[%add3A_28, %dma_start3A_525] : memref<10000x16xf32, #tpu.memory_space<vmem_shared>> -> memref<80x16xf32, #tpu.memory_space<vmem_shared>>
      tpu.enqueue_dma source(%arg25 : memref<80x16xf32, #tpu.memory_space<vmem>>) target(%dma_start3A_526 : memref<80x16xf32, #tpu.memory_space<vmem_shared>>) target_semaphore(%run_scoped3A : memref<!tpu.dma_semaphore, #tpu.memory_space<semaphore_mem>>)
      %dma_wait3A_527 = arith.constant 0 : i32
      %dma_wait3A_528 = tpu.memref_slice %arg28[%add3A_28, %dma_wait3A_527] : memref<10000x16xf32, #tpu.memory_space<vmem_shared>> -> memref<80x16xf32, #tpu.memory_space<vmem_shared>>
      %dma_wait3A_529 = arith.constant 0 : i32
      %dma_wait3A_530 = tpu.memref_slice %arg28[%add3A_28, %dma_wait3A_529] : memref<10000x16xf32, #tpu.memory_space<vmem_shared>> -> memref<80x16xf32, #tpu.memory_space<vmem_shared>>
      tpu.wait_dma2 semaphore(%run_scoped3A : memref<!tpu.dma_semaphore, #tpu.memory_space<semaphore_mem>>) src(%arg25 : memref<80x16xf32, #tpu.memory_space<vmem>>) dst(%dma_wait3A_530 : memref<80x16xf32, #tpu.memory_space<vmem_shared>>)
      tpu.yield
    }) : () -> ()
    %add3A_29 = arith.constant 80 : i32
    %add3A_30 = arith.addi %mul3A_24, %add3A_29 : i32
    "tpu.region"() ({
      %run_scoped3A = tpu.sem_alloc : memref<!tpu.dma_semaphore, #tpu.memory_space<semaphore_mem>>
      %dma_start3A_523 = arith.constant 0 : i32
      %dma_start3A_524 = tpu.memref_slice %arg27[%add3A_30, %dma_start3A_523] : memref<10000x128xf32, #tpu.memory_space<vmem_shared>> -> memref<80x128xf32, #tpu.memory_space<vmem_shared>>
      %dma_start3A_525 = arith.constant 0 : i32
      %dma_start3A_526 = tpu.memref_slice %arg27[%add3A_30, %dma_start3A_525] : memref<10000x128xf32, #tpu.memory_space<vmem_shared>> -> memref<80x128xf32, #tpu.memory_space<vmem_shared>>
      tpu.enqueue_dma source(%arg23 : memref<80x128xf32, #tpu.memory_space<vmem>>) target(%dma_start3A_526 : memref<80x128xf32, #tpu.memory_space<vmem_shared>>) target_semaphore(%run_scoped3A : memref<!tpu.dma_semaphore, #tpu.memory_space<semaphore_mem>>)
      %dma_wait3A_527 = arith.constant 0 : i32
      %dma_wait3A_528 = tpu.memref_slice %arg27[%add3A_30, %dma_wait3A_527] : memref<10000x128xf32, #tpu.memory_space<vmem_shared>> -> memref<80x128xf32, #tpu.memory_space<vmem_shared>>
      %dma_wait3A_529 = arith.constant 0 : i32
      %dma_wait3A_530 = tpu.memref_slice %arg27[%add3A_30, %dma_wait3A_529] : memref<10000x128xf32, #tpu.memory_space<vmem_shared>> -> memref<80x128xf32, #tpu.memory_space<vmem_shared>>
      tpu.wait_dma2 semaphore(%run_scoped3A : memref<!tpu.dma_semaphore, #tpu.memory_space<semaphore_mem>>) src(%arg23 : memref<80x128xf32, #tpu.memory_space<vmem>>) dst(%dma_wait3A_530 : memref<80x128xf32, #tpu.memory_space<vmem_shared>>)
      tpu.yield
    }) : () -> ()
    %add3A_31 = arith.constant 80 : i32
    %add3A_32 = arith.addi %mul3A_24, %add3A_31 : i32
    "tpu.region"() ({
      %run_scoped3A = tpu.sem_alloc : memref<!tpu.dma_semaphore, #tpu.memory_space<semaphore_mem>>
      %dma_start3A_523 = arith.constant 0 : i32
      %dma_start3A_524 = tpu.memref_slice %arg28[%add3A_32, %dma_start3A_523] : memref<10000x16xf32, #tpu.memory_space<vmem_shared>> -> memref<80x16xf32, #tpu.memory_space<vmem_shared>>
      %dma_start3A_525 = arith.constant 0 : i32
      %dma_start3A_526 = tpu.memref_slice %arg28[%add3A_32, %dma_start3A_525] : memref<10000x16xf32, #tpu.memory_space<vmem_shared>> -> memref<80x16xf32, #tpu.memory_space<vmem_shared>>
      tpu.enqueue_dma source(%arg25 : memref<80x16xf32, #tpu.memory_space<vmem>>) target(%dma_start3A_526 : memref<80x16xf32, #tpu.memory_space<vmem_shared>>) target_semaphore(%run_scoped3A : memref<!tpu.dma_semaphore, #tpu.memory_space<semaphore_mem>>)
      %dma_wait3A_527 = arith.constant 0 : i32
      %dma_wait3A_528 = tpu.memref_slice %arg28[%add3A_32, %dma_wait3A_527] : memref<10000x16xf32, #tpu.memory_space<vmem_shared>> -> memref<80x16xf32, #tpu.memory_space<vmem_shared>>
      %dma_wait3A_529 = arith.constant 0 : i32
      %dma_wait3A_530 = tpu.memref_slice %arg28[%add3A_32, %dma_wait3A_529] : memref<10000x16xf32, #tpu.memory_space<vmem_shared>> -> memref<80x16xf32, #tpu.memory_space<vmem_shared>>
      tpu.wait_dma2 semaphore(%run_scoped3A : memref<!tpu.dma_semaphore, #tpu.memory_space<semaphore_mem>>) src(%arg25 : memref<80x16xf32, #tpu.memory_space<vmem>>) dst(%dma_wait3A_530 : memref<80x16xf32, #tpu.memory_space<vmem_shared>>)
      tpu.yield
    }) : () -> ()
    %add3A_33 = arith.constant 160 : i32
    %add3A_34 = arith.addi %mul3A_24, %add3A_33 : i32
    "tpu.region"() ({
      %run_scoped3A = tpu.sem_alloc : memref<!tpu.dma_semaphore, #tpu.memory_space<semaphore_mem>>
      %dma_start3A_523 = arith.constant 0 : i32
      %dma_start3A_524 = tpu.memref_slice %arg27[%add3A_34, %dma_start3A_523] : memref<10000x128xf32, #tpu.memory_space<vmem_shared>> -> memref<80x128xf32, #tpu.memory_space<vmem_shared>>
      %dma_start3A_525 = arith.constant 0 : i32
      %dma_start3A_526 = tpu.memref_slice %arg27[%add3A_34, %dma_start3A_525] : memref<10000x128xf32, #tpu.memory_space<vmem_shared>> -> memref<80x128xf32, #tpu.memory_space<vmem_shared>>
      tpu.enqueue_dma source(%arg23 : memref<80x128xf32, #tpu.memory_space<vmem>>) target(%dma_start3A_526 : memref<80x128xf32, #tpu.memory_space<vmem_shared>>) target_semaphore(%run_scoped3A : memref<!tpu.dma_semaphore, #tpu.memory_space<semaphore_mem>>)
      %dma_wait3A_527 = arith.constant 0 : i32
      %dma_wait3A_528 = tpu.memref_slice %arg27[%add3A_34, %dma_wait3A_527] : memref<10000x128xf32, #tpu.memory_space<vmem_shared>> -> memref<80x128xf32, #tpu.memory_space<vmem_shared>>
      %dma_wait3A_529 = arith.constant 0 : i32
      %dma_wait3A_530 = tpu.memref_slice %arg27[%add3A_34, %dma_wait3A_529] : memref<10000x128xf32, #tpu.memory_space<vmem_shared>> -> memref<80x128xf32, #tpu.memory_space<vmem_shared>>
      tpu.wait_dma2 semaphore(%run_scoped3A : memref<!tpu.dma_semaphore, #tpu.memory_space<semaphore_mem>>) src(%arg23 : memref<80x128xf32, #tpu.memory_space<vmem>>) dst(%dma_wait3A_530 : memref<80x128xf32, #tpu.memory_space<vmem_shared>>)
      tpu.yield
    }) : () -> ()
    %add3A_35 = arith.constant 160 : i32
    %add3A_36 = arith.addi %mul3A_24, %add3A_35 : i32
    "tpu.region"() ({
      %run_scoped3A = tpu.sem_alloc : memref<!tpu.dma_semaphore, #tpu.memory_space<semaphore_mem>>
      %dma_start3A_523 = arith.constant 0 : i32
      %dma_start3A_524 = tpu.memref_slice %arg28[%add3A_36, %dma_start3A_523] : memref<10000x16xf32, #tpu.memory_space<vmem_shared>> -> memref<80x16xf32, #tpu.memory_space<vmem_shared>>
      %dma_start3A_525 = arith.constant 0 : i32
      %dma_start3A_526 = tpu.memref_slice %arg28[%add3A_36, %dma_start3A_525] : memref<10000x16xf32, #tpu.memory_space<vmem_shared>> -> memref<80x16xf32, #tpu.memory_space<vmem_shared>>
      tpu.enqueue_dma source(%arg25 : memref<80x16xf32, #tpu.memory_space<vmem>>) target(%dma_start3A_526 : memref<80x16xf32, #tpu.memory_space<vmem_shared>>) target_semaphore(%run_scoped3A : memref<!tpu.dma_semaphore, #tpu.memory_space<semaphore_mem>>)
      %dma_wait3A_527 = arith.constant 0 : i32
      %dma_wait3A_528 = tpu.memref_slice %arg28[%add3A_36, %dma_wait3A_527] : memref<10000x16xf32, #tpu.memory_space<vmem_shared>> -> memref<80x16xf32, #tpu.memory_space<vmem_shared>>
      %dma_wait3A_529 = arith.constant 0 : i32
      %dma_wait3A_530 = tpu.memref_slice %arg28[%add3A_36, %dma_wait3A_529] : memref<10000x16xf32, #tpu.memory_space<vmem_shared>> -> memref<80x16xf32, #tpu.memory_space<vmem_shared>>
      tpu.wait_dma2 semaphore(%run_scoped3A : memref<!tpu.dma_semaphore, #tpu.memory_space<semaphore_mem>>) src(%arg25 : memref<80x16xf32, #tpu.memory_space<vmem>>) dst(%dma_wait3A_530 : memref<80x16xf32, #tpu.memory_space<vmem_shared>>)
      tpu.yield
    }) : () -> ()
    %add3A_37 = arith.constant 240 : i32
    %add3A_38 = arith.addi %mul3A_24, %add3A_37 : i32
    "tpu.region"() ({
      %run_scoped3A = tpu.sem_alloc : memref<!tpu.dma_semaphore, #tpu.memory_space<semaphore_mem>>
      %dma_start3A_523 = arith.constant 0 : i32
      %dma_start3A_524 = tpu.memref_slice %arg27[%add3A_38, %dma_start3A_523] : memref<10000x128xf32, #tpu.memory_space<vmem_shared>> -> memref<80x128xf32, #tpu.memory_space<vmem_shared>>
      %dma_start3A_525 = arith.constant 0 : i32
      %dma_start3A_526 = tpu.memref_slice %arg27[%add3A_38, %dma_start3A_525] : memref<10000x128xf32, #tpu.memory_space<vmem_shared>> -> memref<80x128xf32, #tpu.memory_space<vmem_shared>>
      tpu.enqueue_dma source(%arg23 : memref<80x128xf32, #tpu.memory_space<vmem>>) target(%dma_start3A_526 : memref<80x128xf32, #tpu.memory_space<vmem_shared>>) target_semaphore(%run_scoped3A : memref<!tpu.dma_semaphore, #tpu.memory_space<semaphore_mem>>)
      %dma_wait3A_527 = arith.constant 0 : i32
      %dma_wait3A_528 = tpu.memref_slice %arg27[%add3A_38, %dma_wait3A_527] : memref<10000x128xf32, #tpu.memory_space<vmem_shared>> -> memref<80x128xf32, #tpu.memory_space<vmem_shared>>
      %dma_wait3A_529 = arith.constant 0 : i32
      %dma_wait3A_530 = tpu.memref_slice %arg27[%add3A_38, %dma_wait3A_529] : memref<10000x128xf32, #tpu.memory_space<vmem_shared>> -> memref<80x128xf32, #tpu.memory_space<vmem_shared>>
      tpu.wait_dma2 semaphore(%run_scoped3A : memref<!tpu.dma_semaphore, #tpu.memory_space<semaphore_mem>>) src(%arg23 : memref<80x128xf32, #tpu.memory_space<vmem>>) dst(%dma_wait3A_530 : memref<80x128xf32, #tpu.memory_space<vmem_shared>>)
      tpu.yield
    }) : () -> ()
    %add3A_39 = arith.constant 240 : i32
    %add3A_40 = arith.addi %mul3A_24, %add3A_39 : i32
    "tpu.region"() ({
      %run_scoped3A = tpu.sem_alloc : memref<!tpu.dma_semaphore, #tpu.memory_space<semaphore_mem>>
      %dma_start3A_523 = arith.constant 0 : i32
      %dma_start3A_524 = tpu.memref_slice %arg28[%add3A_40, %dma_start3A_523] : memref<10000x16xf32, #tpu.memory_space<vmem_shared>> -> memref<80x16xf32, #tpu.memory_space<vmem_shared>>
      %dma_start3A_525 = arith.constant 0 : i32
      %dma_start3A_526 = tpu.memref_slice %arg28[%add3A_40, %dma_start3A_525] : memref<10000x16xf32, #tpu.memory_space<vmem_shared>> -> memref<80x16xf32, #tpu.memory_space<vmem_shared>>
      tpu.enqueue_dma source(%arg25 : memref<80x16xf32, #tpu.memory_space<vmem>>) target(%dma_start3A_526 : memref<80x16xf32, #tpu.memory_space<vmem_shared>>) target_semaphore(%run_scoped3A : memref<!tpu.dma_semaphore, #tpu.memory_space<semaphore_mem>>)
      %dma_wait3A_527 = arith.constant 0 : i32
      %dma_wait3A_528 = tpu.memref_slice %arg28[%add3A_40, %dma_wait3A_527] : memref<10000x16xf32, #tpu.memory_space<vmem_shared>> -> memref<80x16xf32, #tpu.memory_space<vmem_shared>>
      %dma_wait3A_529 = arith.constant 0 : i32
      %dma_wait3A_530 = tpu.memref_slice %arg28[%add3A_40, %dma_wait3A_529] : memref<10000x16xf32, #tpu.memory_space<vmem_shared>> -> memref<80x16xf32, #tpu.memory_space<vmem_shared>>
      tpu.wait_dma2 semaphore(%run_scoped3A : memref<!tpu.dma_semaphore, #tpu.memory_space<semaphore_mem>>) src(%arg25 : memref<80x16xf32, #tpu.memory_space<vmem>>) dst(%dma_wait3A_530 : memref<80x16xf32, #tpu.memory_space<vmem_shared>>)
      tpu.yield
    }) : () -> ()
    %add3A_41 = arith.constant 320 : i32
    %add3A_42 = arith.addi %mul3A_24, %add3A_41 : i32
    "tpu.region"() ({
      %run_scoped3A = tpu.sem_alloc : memref<!tpu.dma_semaphore, #tpu.memory_space<semaphore_mem>>
      %dma_start3A_523 = arith.constant 0 : i32
      %dma_start3A_524 = tpu.memref_slice %arg27[%add3A_42, %dma_start3A_523] : memref<10000x128xf32, #tpu.memory_space<vmem_shared>> -> memref<80x128xf32, #tpu.memory_space<vmem_shared>>
      %dma_start3A_525 = arith.constant 0 : i32
      %dma_start3A_526 = tpu.memref_slice %arg27[%add3A_42, %dma_start3A_525] : memref<10000x128xf32, #tpu.memory_space<vmem_shared>> -> memref<80x128xf32, #tpu.memory_space<vmem_shared>>
      tpu.enqueue_dma source(%arg23 : memref<80x128xf32, #tpu.memory_space<vmem>>) target(%dma_start3A_526 : memref<80x128xf32, #tpu.memory_space<vmem_shared>>) target_semaphore(%run_scoped3A : memref<!tpu.dma_semaphore, #tpu.memory_space<semaphore_mem>>)
      %dma_wait3A_527 = arith.constant 0 : i32
      %dma_wait3A_528 = tpu.memref_slice %arg27[%add3A_42, %dma_wait3A_527] : memref<10000x128xf32, #tpu.memory_space<vmem_shared>> -> memref<80x128xf32, #tpu.memory_space<vmem_shared>>
      %dma_wait3A_529 = arith.constant 0 : i32
      %dma_wait3A_530 = tpu.memref_slice %arg27[%add3A_42, %dma_wait3A_529] : memref<10000x128xf32, #tpu.memory_space<vmem_shared>> -> memref<80x128xf32, #tpu.memory_space<vmem_shared>>
      tpu.wait_dma2 semaphore(%run_scoped3A : memref<!tpu.dma_semaphore, #tpu.memory_space<semaphore_mem>>) src(%arg23 : memref<80x128xf32, #tpu.memory_space<vmem>>) dst(%dma_wait3A_530 : memref<80x128xf32, #tpu.memory_space<vmem_shared>>)
      tpu.yield
    }) : () -> ()
    %add3A_43 = arith.constant 320 : i32
    %add3A_44 = arith.addi %mul3A_24, %add3A_43 : i32
    "tpu.region"() ({
      %run_scoped3A = tpu.sem_alloc : memref<!tpu.dma_semaphore, #tpu.memory_space<semaphore_mem>>
      %dma_start3A_523 = arith.constant 0 : i32
      %dma_start3A_524 = tpu.memref_slice %arg28[%add3A_44, %dma_start3A_523] : memref<10000x16xf32, #tpu.memory_space<vmem_shared>> -> memref<80x16xf32, #tpu.memory_space<vmem_shared>>
      %dma_start3A_525 = arith.constant 0 : i32
      %dma_start3A_526 = tpu.memref_slice %arg28[%add3A_44, %dma_start3A_525] : memref<10000x16xf32, #tpu.memory_space<vmem_shared>> -> memref<80x16xf32, #tpu.memory_space<vmem_shared>>
      tpu.enqueue_dma source(%arg25 : memref<80x16xf32, #tpu.memory_space<vmem>>) target(%dma_start3A_526 : memref<80x16xf32, #tpu.memory_space<vmem_shared>>) target_semaphore(%run_scoped3A : memref<!tpu.dma_semaphore, #tpu.memory_space<semaphore_mem>>)
      %dma_wait3A_527 = arith.constant 0 : i32
      %dma_wait3A_528 = tpu.memref_slice %arg28[%add3A_44, %dma_wait3A_527] : memref<10000x16xf32, #tpu.memory_space<vmem_shared>> -> memref<80x16xf32, #tpu.memory_space<vmem_shared>>
      %dma_wait3A_529 = arith.constant 0 : i32
      %dma_wait3A_530 = tpu.memref_slice %arg28[%add3A_44, %dma_wait3A_529] : memref<10000x16xf32, #tpu.memory_space<vmem_shared>> -> memref<80x16xf32, #tpu.memory_space<vmem_shared>>
      tpu.wait_dma2 semaphore(%run_scoped3A : memref<!tpu.dma_semaphore, #tpu.memory_space<semaphore_mem>>) src(%arg25 : memref<80x16xf32, #tpu.memory_space<vmem>>) dst(%dma_wait3A_530 : memref<80x16xf32, #tpu.memory_space<vmem_shared>>)
      tpu.yield
    }) : () -> ()
    %add3A_45 = arith.constant 400 : i32
    %add3A_46 = arith.addi %mul3A_24, %add3A_45 : i32
    "tpu.region"() ({
      %run_scoped3A = tpu.sem_alloc : memref<!tpu.dma_semaphore, #tpu.memory_space<semaphore_mem>>
      %dma_start3A_523 = arith.constant 0 : i32
      %dma_start3A_524 = tpu.memref_slice %arg27[%add3A_46, %dma_start3A_523] : memref<10000x128xf32, #tpu.memory_space<vmem_shared>> -> memref<80x128xf32, #tpu.memory_space<vmem_shared>>
      %dma_start3A_525 = arith.constant 0 : i32
      %dma_start3A_526 = tpu.memref_slice %arg27[%add3A_46, %dma_start3A_525] : memref<10000x128xf32, #tpu.memory_space<vmem_shared>> -> memref<80x128xf32, #tpu.memory_space<vmem_shared>>
      tpu.enqueue_dma source(%arg23 : memref<80x128xf32, #tpu.memory_space<vmem>>) target(%dma_start3A_526 : memref<80x128xf32, #tpu.memory_space<vmem_shared>>) target_semaphore(%run_scoped3A : memref<!tpu.dma_semaphore, #tpu.memory_space<semaphore_mem>>)
      %dma_wait3A_527 = arith.constant 0 : i32
      %dma_wait3A_528 = tpu.memref_slice %arg27[%add3A_46, %dma_wait3A_527] : memref<10000x128xf32, #tpu.memory_space<vmem_shared>> -> memref<80x128xf32, #tpu.memory_space<vmem_shared>>
      %dma_wait3A_529 = arith.constant 0 : i32
      %dma_wait3A_530 = tpu.memref_slice %arg27[%add3A_46, %dma_wait3A_529] : memref<10000x128xf32, #tpu.memory_space<vmem_shared>> -> memref<80x128xf32, #tpu.memory_space<vmem_shared>>
      tpu.wait_dma2 semaphore(%run_scoped3A : memref<!tpu.dma_semaphore, #tpu.memory_space<semaphore_mem>>) src(%arg23 : memref<80x128xf32, #tpu.memory_space<vmem>>) dst(%dma_wait3A_530 : memref<80x128xf32, #tpu.memory_space<vmem_shared>>)
      tpu.yield
    }) : () -> ()
    %add3A_47 = arith.constant 400 : i32
    %add3A_48 = arith.addi %mul3A_24, %add3A_47 : i32
    "tpu.region"() ({
      %run_scoped3A = tpu.sem_alloc : memref<!tpu.dma_semaphore, #tpu.memory_space<semaphore_mem>>
      %dma_start3A_523 = arith.constant 0 : i32
      %dma_start3A_524 = tpu.memref_slice %arg28[%add3A_48, %dma_start3A_523] : memref<10000x16xf32, #tpu.memory_space<vmem_shared>> -> memref<80x16xf32, #tpu.memory_space<vmem_shared>>
      %dma_start3A_525 = arith.constant 0 : i32
      %dma_start3A_526 = tpu.memref_slice %arg28[%add3A_48, %dma_start3A_525] : memref<10000x16xf32, #tpu.memory_space<vmem_shared>> -> memref<80x16xf32, #tpu.memory_space<vmem_shared>>
      tpu.enqueue_dma source(%arg25 : memref<80x16xf32, #tpu.memory_space<vmem>>) target(%dma_start3A_526 : memref<80x16xf32, #tpu.memory_space<vmem_shared>>) target_semaphore(%run_scoped3A : memref<!tpu.dma_semaphore, #tpu.memory_space<semaphore_mem>>)
      %dma_wait3A_527 = arith.constant 0 : i32
      %dma_wait3A_528 = tpu.memref_slice %arg28[%add3A_48, %dma_wait3A_527] : memref<10000x16xf32, #tpu.memory_space<vmem_shared>> -> memref<80x16xf32, #tpu.memory_space<vmem_shared>>
      %dma_wait3A_529 = arith.constant 0 : i32
      %dma_wait3A_530 = tpu.memref_slice %arg28[%add3A_48, %dma_wait3A_529] : memref<10000x16xf32, #tpu.memory_space<vmem_shared>> -> memref<80x16xf32, #tpu.memory_space<vmem_shared>>
      tpu.wait_dma2 semaphore(%run_scoped3A : memref<!tpu.dma_semaphore, #tpu.memory_space<semaphore_mem>>) src(%arg25 : memref<80x16xf32, #tpu.memory_space<vmem>>) dst(%dma_wait3A_530 : memref<80x16xf32, #tpu.memory_space<vmem_shared>>)
      tpu.yield
    }) : () -> ()
    %add3A_49 = arith.constant 480 : i32
    %add3A_50 = arith.addi %mul3A_24, %add3A_49 : i32
    "tpu.region"() ({
      %run_scoped3A = tpu.sem_alloc : memref<!tpu.dma_semaphore, #tpu.memory_space<semaphore_mem>>
      %dma_start3A_523 = arith.constant 0 : i32
      %dma_start3A_524 = tpu.memref_slice %arg27[%add3A_50, %dma_start3A_523] : memref<10000x128xf32, #tpu.memory_space<vmem_shared>> -> memref<80x128xf32, #tpu.memory_space<vmem_shared>>
      %dma_start3A_525 = arith.constant 0 : i32
      %dma_start3A_526 = tpu.memref_slice %arg27[%add3A_50, %dma_start3A_525] : memref<10000x128xf32, #tpu.memory_space<vmem_shared>> -> memref<80x128xf32, #tpu.memory_space<vmem_shared>>
      tpu.enqueue_dma source(%arg23 : memref<80x128xf32, #tpu.memory_space<vmem>>) target(%dma_start3A_526 : memref<80x128xf32, #tpu.memory_space<vmem_shared>>) target_semaphore(%run_scoped3A : memref<!tpu.dma_semaphore, #tpu.memory_space<semaphore_mem>>)
      %dma_wait3A_527 = arith.constant 0 : i32
      %dma_wait3A_528 = tpu.memref_slice %arg27[%add3A_50, %dma_wait3A_527] : memref<10000x128xf32, #tpu.memory_space<vmem_shared>> -> memref<80x128xf32, #tpu.memory_space<vmem_shared>>
      %dma_wait3A_529 = arith.constant 0 : i32
      %dma_wait3A_530 = tpu.memref_slice %arg27[%add3A_50, %dma_wait3A_529] : memref<10000x128xf32, #tpu.memory_space<vmem_shared>> -> memref<80x128xf32, #tpu.memory_space<vmem_shared>>
      tpu.wait_dma2 semaphore(%run_scoped3A : memref<!tpu.dma_semaphore, #tpu.memory_space<semaphore_mem>>) src(%arg23 : memref<80x128xf32, #tpu.memory_space<vmem>>) dst(%dma_wait3A_530 : memref<80x128xf32, #tpu.memory_space<vmem_shared>>)
      tpu.yield
    }) : () -> ()
    %add3A_51 = arith.constant 480 : i32
    %add3A_52 = arith.addi %mul3A_24, %add3A_51 : i32
    "tpu.region"() ({
      %run_scoped3A = tpu.sem_alloc : memref<!tpu.dma_semaphore, #tpu.memory_space<semaphore_mem>>
      %dma_start3A_523 = arith.constant 0 : i32
      %dma_start3A_524 = tpu.memref_slice %arg28[%add3A_52, %dma_start3A_523] : memref<10000x16xf32, #tpu.memory_space<vmem_shared>> -> memref<80x16xf32, #tpu.memory_space<vmem_shared>>
      %dma_start3A_525 = arith.constant 0 : i32
      %dma_start3A_526 = tpu.memref_slice %arg28[%add3A_52, %dma_start3A_525] : memref<10000x16xf32, #tpu.memory_space<vmem_shared>> -> memref<80x16xf32, #tpu.memory_space<vmem_shared>>
      tpu.enqueue_dma source(%arg25 : memref<80x16xf32, #tpu.memory_space<vmem>>) target(%dma_start3A_526 : memref<80x16xf32, #tpu.memory_space<vmem_shared>>) target_semaphore(%run_scoped3A : memref<!tpu.dma_semaphore, #tpu.memory_space<semaphore_mem>>)
      %dma_wait3A_527 = arith.constant 0 : i32
      %dma_wait3A_528 = tpu.memref_slice %arg28[%add3A_52, %dma_wait3A_527] : memref<10000x16xf32, #tpu.memory_space<vmem_shared>> -> memref<80x16xf32, #tpu.memory_space<vmem_shared>>
      %dma_wait3A_529 = arith.constant 0 : i32
      %dma_wait3A_530 = tpu.memref_slice %arg28[%add3A_52, %dma_wait3A_529] : memref<10000x16xf32, #tpu.memory_space<vmem_shared>> -> memref<80x16xf32, #tpu.memory_space<vmem_shared>>
      tpu.wait_dma2 semaphore(%run_scoped3A : memref<!tpu.dma_semaphore, #tpu.memory_space<semaphore_mem>>) src(%arg25 : memref<80x16xf32, #tpu.memory_space<vmem>>) dst(%dma_wait3A_530 : memref<80x16xf32, #tpu.memory_space<vmem_shared>>)
      tpu.yield
    }) : () -> ()
    %add3A_53 = arith.constant 560 : i32
    %add3A_54 = arith.addi %mul3A_24, %add3A_53 : i32
    "tpu.region"() ({
      %run_scoped3A = tpu.sem_alloc : memref<!tpu.dma_semaphore, #tpu.memory_space<semaphore_mem>>
      %dma_start3A_523 = arith.constant 0 : i32
      %dma_start3A_524 = tpu.memref_slice %arg27[%add3A_54, %dma_start3A_523] : memref<10000x128xf32, #tpu.memory_space<vmem_shared>> -> memref<80x128xf32, #tpu.memory_space<vmem_shared>>
      %dma_start3A_525 = arith.constant 0 : i32
      %dma_start3A_526 = tpu.memref_slice %arg27[%add3A_54, %dma_start3A_525] : memref<10000x128xf32, #tpu.memory_space<vmem_shared>> -> memref<80x128xf32, #tpu.memory_space<vmem_shared>>
      tpu.enqueue_dma source(%arg23 : memref<80x128xf32, #tpu.memory_space<vmem>>) target(%dma_start3A_526 : memref<80x128xf32, #tpu.memory_space<vmem_shared>>) target_semaphore(%run_scoped3A : memref<!tpu.dma_semaphore, #tpu.memory_space<semaphore_mem>>)
      %dma_wait3A_527 = arith.constant 0 : i32
      %dma_wait3A_528 = tpu.memref_slice %arg27[%add3A_54, %dma_wait3A_527] : memref<10000x128xf32, #tpu.memory_space<vmem_shared>> -> memref<80x128xf32, #tpu.memory_space<vmem_shared>>
      %dma_wait3A_529 = arith.constant 0 : i32
      %dma_wait3A_530 = tpu.memref_slice %arg27[%add3A_54, %dma_wait3A_529] : memref<10000x128xf32, #tpu.memory_space<vmem_shared>> -> memref<80x128xf32, #tpu.memory_space<vmem_shared>>
      tpu.wait_dma2 semaphore(%run_scoped3A : memref<!tpu.dma_semaphore, #tpu.memory_space<semaphore_mem>>) src(%arg23 : memref<80x128xf32, #tpu.memory_space<vmem>>) dst(%dma_wait3A_530 : memref<80x128xf32, #tpu.memory_space<vmem_shared>>)
      tpu.yield
    }) : () -> ()
    %add3A_55 = arith.constant 560 : i32
    %add3A_56 = arith.addi %mul3A_24, %add3A_55 : i32
    "tpu.region"() ({
      %run_scoped3A = tpu.sem_alloc : memref<!tpu.dma_semaphore, #tpu.memory_space<semaphore_mem>>
      %dma_start3A_523 = arith.constant 0 : i32
      %dma_start3A_524 = tpu.memref_slice %arg28[%add3A_56, %dma_start3A_523] : memref<10000x16xf32, #tpu.memory_space<vmem_shared>> -> memref<80x16xf32, #tpu.memory_space<vmem_shared>>
      %dma_start3A_525 = arith.constant 0 : i32
      %dma_start3A_526 = tpu.memref_slice %arg28[%add3A_56, %dma_start3A_525] : memref<10000x16xf32, #tpu.memory_space<vmem_shared>> -> memref<80x16xf32, #tpu.memory_space<vmem_shared>>
      tpu.enqueue_dma source(%arg25 : memref<80x16xf32, #tpu.memory_space<vmem>>) target(%dma_start3A_526 : memref<80x16xf32, #tpu.memory_space<vmem_shared>>) target_semaphore(%run_scoped3A : memref<!tpu.dma_semaphore, #tpu.memory_space<semaphore_mem>>)
      %dma_wait3A_527 = arith.constant 0 : i32
      %dma_wait3A_528 = tpu.memref_slice %arg28[%add3A_56, %dma_wait3A_527] : memref<10000x16xf32, #tpu.memory_space<vmem_shared>> -> memref<80x16xf32, #tpu.memory_space<vmem_shared>>
      %dma_wait3A_529 = arith.constant 0 : i32
      %dma_wait3A_530 = tpu.memref_slice %arg28[%add3A_56, %dma_wait3A_529] : memref<10000x16xf32, #tpu.memory_space<vmem_shared>> -> memref<80x16xf32, #tpu.memory_space<vmem_shared>>
      tpu.wait_dma2 semaphore(%run_scoped3A : memref<!tpu.dma_semaphore, #tpu.memory_space<semaphore_mem>>) src(%arg25 : memref<80x16xf32, #tpu.memory_space<vmem>>) dst(%dma_wait3A_530 : memref<80x16xf32, #tpu.memory_space<vmem_shared>>)
      tpu.yield
    }) : () -> ()
    %barrier3A = arith.constant 0 : index
    tpu.barrier barrier_id(%barrier3A)
    %add3A_57 = arith.constant 0 : i32
    %add3A_58 = arith.addi %mul3A_2, %add3A_57 : i32
    %jit3A = arith.constant 8 : i32
    %div3A = arith.divsi %add3A_58, %jit3A : i32
    %sign3A = arith.constant 0 : i32
    %sign3A_59 = arith.cmpi sgt, %add3A_58, %sign3A : i32
    %sign3A_60 = arith.extui %sign3A_59 : i1 to i32
    %sign3A_61 = arith.constant 0 : i32
    %sign3A_62 = arith.cmpi slt, %add3A_58, %sign3A_61 : i32
    %sign3A_63 = arith.extui %sign3A_62 : i1 to i32
    %sign3A_64 = arith.subi %sign3A_60, %sign3A_63 : i32
    %sign3A_65 = arith.constant 0 : i32
    %sign3A_66 = arith.cmpi sgt, %jit3A, %sign3A_65 : i32
    %sign3A_67 = arith.extui %sign3A_66 : i1 to i32
    %sign3A_68 = arith.constant 0 : i32
    %sign3A_69 = arith.cmpi slt, %jit3A, %sign3A_68 : i32
    %sign3A_70 = arith.extui %sign3A_69 : i1 to i32
    %sign3A_71 = arith.subi %sign3A_67, %sign3A_70 : i32
    %ne3A = arith.cmpi ne, %sign3A_64, %sign3A_71 : i32
    %rem3A = arith.remsi %add3A_58, %jit3A : i32
    %ne3A_72 = arith.constant 0 : i32
    %ne3A_73 = arith.cmpi ne, %rem3A, %ne3A_72 : i32
    %and3A = arith.andi %ne3A, %ne3A_73 : i1
    %sub3A_74 = arith.constant 1 : i32
    %sub3A_75 = arith.subi %div3A, %sub3A_74 : i32
    %select_n3A = arith.select %and3A, %sub3A_75, %div3A : i32
    %dma_start3A = arith.constant 0 : i32
    %dma_start3A_76 = tpu.memref_slice %arg11[%dma_start3A] : memref<96xi32, #tpu.memory_space<vmem>> -> memref<80xi32, #tpu.memory_space<vmem>>
    %dma_start3A_77 = tpu.memref_slice %arg2[%add3A_58] : memref<320000xi32, #tpu.memory_space<hbm>> -> memref<80xi32, #tpu.memory_space<hbm>>
    %dma_start3A_78 = arith.constant 0 : i32
    %dma_start3A_79 = tpu.memref_slice %arg11[%dma_start3A_78] : memref<96xi32, #tpu.memory_space<vmem>> -> memref<80xi32, #tpu.memory_space<vmem>>
    %dma_start3A_80 = tpu.memref_slice %arg2[%add3A_58] : memref<320000xi32, #tpu.memory_space<hbm>> -> memref<80xi32, #tpu.memory_space<hbm>>
    tpu.enqueue_dma source(%dma_start3A_80 : memref<80xi32, #tpu.memory_space<hbm>>) target(%dma_start3A_79 : memref<80xi32, #tpu.memory_space<vmem>>) target_semaphore(%arg29 : memref<!tpu.dma_semaphore, #tpu.memory_space<semaphore_mem>>)
    %dma_start3A_81 = arith.constant 0 : i32
    %dma_start3A_82 = tpu.memref_slice %arg13[%dma_start3A_81] : memref<96xi32, #tpu.memory_space<vmem>> -> memref<80xi32, #tpu.memory_space<vmem>>
    %dma_start3A_83 = tpu.memref_slice %arg3[%add3A_58] : memref<320000xi32, #tpu.memory_space<hbm>> -> memref<80xi32, #tpu.memory_space<hbm>>
    %dma_start3A_84 = arith.constant 0 : i32
    %dma_start3A_85 = tpu.memref_slice %arg13[%dma_start3A_84] : memref<96xi32, #tpu.memory_space<vmem>> -> memref<80xi32, #tpu.memory_space<vmem>>
    %dma_start3A_86 = tpu.memref_slice %arg3[%add3A_58] : memref<320000xi32, #tpu.memory_space<hbm>> -> memref<80xi32, #tpu.memory_space<hbm>>
    tpu.enqueue_dma source(%dma_start3A_86 : memref<80xi32, #tpu.memory_space<hbm>>) target(%dma_start3A_85 : memref<80xi32, #tpu.memory_space<vmem>>) target_semaphore(%arg29 : memref<!tpu.dma_semaphore, #tpu.memory_space<semaphore_mem>>)
    %dma_start3A_87 = arith.constant 0 : i32
    %dma_start3A_88 = tpu.memref_slice %arg4[%select_n3A, %dma_start3A_87] : memref<40000x128xf32, #tpu.memory_space<hbm>> -> memref<10x128xf32, #tpu.memory_space<hbm>>
    %dma_start3A_89 = arith.constant 0 : i32
    %dma_start3A_90 = tpu.memref_slice %arg4[%select_n3A, %dma_start3A_89] : memref<40000x128xf32, #tpu.memory_space<hbm>> -> memref<10x128xf32, #tpu.memory_space<hbm>>
    tpu.enqueue_dma source(%dma_start3A_90 : memref<10x128xf32, #tpu.memory_space<hbm>>) target(%arg17 : memref<10x128xf32, #tpu.memory_space<vmem>>) target_semaphore(%arg29 : memref<!tpu.dma_semaphore, #tpu.memory_space<semaphore_mem>>)
    %add3A_91 = arith.constant 0 : i32
    %add3A_92 = arith.addi %mul3A_2, %add3A_91 : i32
    %jit3A_93 = arith.constant 8 : i32
    %div3A_94 = arith.divsi %add3A_92, %jit3A_93 : i32
    %sign3A_95 = arith.constant 0 : i32
    %sign3A_96 = arith.cmpi sgt, %add3A_92, %sign3A_95 : i32
    %sign3A_97 = arith.extui %sign3A_96 : i1 to i32
    %sign3A_98 = arith.constant 0 : i32
    %sign3A_99 = arith.cmpi slt, %add3A_92, %sign3A_98 : i32
    %sign3A_100 = arith.extui %sign3A_99 : i1 to i32
    %sign3A_101 = arith.subi %sign3A_97, %sign3A_100 : i32
    %sign3A_102 = arith.constant 0 : i32
    %sign3A_103 = arith.cmpi sgt, %jit3A_93, %sign3A_102 : i32
    %sign3A_104 = arith.extui %sign3A_103 : i1 to i32
    %sign3A_105 = arith.constant 0 : i32
    %sign3A_106 = arith.cmpi slt, %jit3A_93, %sign3A_105 : i32
    %sign3A_107 = arith.extui %sign3A_106 : i1 to i32
    %sign3A_108 = arith.subi %sign3A_104, %sign3A_107 : i32
    %ne3A_109 = arith.cmpi ne, %sign3A_101, %sign3A_108 : i32
    %rem3A_110 = arith.remsi %add3A_92, %jit3A_93 : i32
    %ne3A_111 = arith.constant 0 : i32
    %ne3A_112 = arith.cmpi ne, %rem3A_110, %ne3A_111 : i32
    %and3A_113 = arith.andi %ne3A_109, %ne3A_112 : i1
    %sub3A_114 = arith.constant 1 : i32
    %sub3A_115 = arith.subi %div3A_94, %sub3A_114 : i32
    %select_n3A_116 = arith.select %and3A_113, %sub3A_115, %div3A_94 : i32
    %dma_wait3A = arith.constant 0 : i32
    %dma_wait3A_117 = tpu.memref_slice %arg11[%dma_wait3A] : memref<96xi32, #tpu.memory_space<vmem>> -> memref<80xi32, #tpu.memory_space<vmem>>
    %dma_wait3A_118 = tpu.memref_slice %arg2[%add3A_92] : memref<320000xi32, #tpu.memory_space<hbm>> -> memref<80xi32, #tpu.memory_space<hbm>>
    %dma_wait3A_119 = arith.constant 0 : i32
    %dma_wait3A_120 = tpu.memref_slice %arg11[%dma_wait3A_119] : memref<96xi32, #tpu.memory_space<vmem>> -> memref<80xi32, #tpu.memory_space<vmem>>
    %dma_wait3A_121 = tpu.memref_slice %arg2[%add3A_92] : memref<320000xi32, #tpu.memory_space<hbm>> -> memref<80xi32, #tpu.memory_space<hbm>>
    tpu.wait_dma2 semaphore(%arg29 : memref<!tpu.dma_semaphore, #tpu.memory_space<semaphore_mem>>) src(%dma_wait3A_121 : memref<80xi32, #tpu.memory_space<hbm>>) dst(%dma_wait3A_120 : memref<80xi32, #tpu.memory_space<vmem>>)
    %dma_wait3A_122 = arith.constant 0 : i32
    %dma_wait3A_123 = tpu.memref_slice %arg13[%dma_wait3A_122] : memref<96xi32, #tpu.memory_space<vmem>> -> memref<80xi32, #tpu.memory_space<vmem>>
    %dma_wait3A_124 = tpu.memref_slice %arg3[%add3A_92] : memref<320000xi32, #tpu.memory_space<hbm>> -> memref<80xi32, #tpu.memory_space<hbm>>
    %dma_wait3A_125 = arith.constant 0 : i32
    %dma_wait3A_126 = tpu.memref_slice %arg13[%dma_wait3A_125] : memref<96xi32, #tpu.memory_space<vmem>> -> memref<80xi32, #tpu.memory_space<vmem>>
    %dma_wait3A_127 = tpu.memref_slice %arg3[%add3A_92] : memref<320000xi32, #tpu.memory_space<hbm>> -> memref<80xi32, #tpu.memory_space<hbm>>
    tpu.wait_dma2 semaphore(%arg29 : memref<!tpu.dma_semaphore, #tpu.memory_space<semaphore_mem>>) src(%dma_wait3A_127 : memref<80xi32, #tpu.memory_space<hbm>>) dst(%dma_wait3A_126 : memref<80xi32, #tpu.memory_space<vmem>>)
    %dma_wait3A_128 = arith.constant 0 : i32
    %dma_wait3A_129 = tpu.memref_slice %arg4[%select_n3A_116, %dma_wait3A_128] : memref<40000x128xf32, #tpu.memory_space<hbm>> -> memref<10x128xf32, #tpu.memory_space<hbm>>
    %dma_wait3A_130 = arith.constant 0 : i32
    %dma_wait3A_131 = tpu.memref_slice %arg4[%select_n3A_116, %dma_wait3A_130] : memref<40000x128xf32, #tpu.memory_space<hbm>> -> memref<10x128xf32, #tpu.memory_space<hbm>>
    tpu.wait_dma2 semaphore(%arg29 : memref<!tpu.dma_semaphore, #tpu.memory_space<semaphore_mem>>) src(%dma_wait3A_131 : memref<10x128xf32, #tpu.memory_space<hbm>>) dst(%arg17 : memref<10x128xf32, #tpu.memory_space<vmem>>)
    %add3A_132 = arith.constant 80 : i32
    %add3A_133 = arith.addi %mul3A_2, %add3A_132 : i32
    %jit3A_134 = arith.constant 8 : i32
    %div3A_135 = arith.divsi %add3A_133, %jit3A_134 : i32
    %sign3A_136 = arith.constant 0 : i32
    %sign3A_137 = arith.cmpi sgt, %add3A_133, %sign3A_136 : i32
    %sign3A_138 = arith.extui %sign3A_137 : i1 to i32
    %sign3A_139 = arith.constant 0 : i32
    %sign3A_140 = arith.cmpi slt, %add3A_133, %sign3A_139 : i32
    %sign3A_141 = arith.extui %sign3A_140 : i1 to i32
    %sign3A_142 = arith.subi %sign3A_138, %sign3A_141 : i32
    %sign3A_143 = arith.constant 0 : i32
    %sign3A_144 = arith.cmpi sgt, %jit3A_134, %sign3A_143 : i32
    %sign3A_145 = arith.extui %sign3A_144 : i1 to i32
    %sign3A_146 = arith.constant 0 : i32
    %sign3A_147 = arith.cmpi slt, %jit3A_134, %sign3A_146 : i32
    %sign3A_148 = arith.extui %sign3A_147 : i1 to i32
    %sign3A_149 = arith.subi %sign3A_145, %sign3A_148 : i32
    %ne3A_150 = arith.cmpi ne, %sign3A_142, %sign3A_149 : i32
    %rem3A_151 = arith.remsi %add3A_133, %jit3A_134 : i32
    %ne3A_152 = arith.constant 0 : i32
    %ne3A_153 = arith.cmpi ne, %rem3A_151, %ne3A_152 : i32
    %and3A_154 = arith.andi %ne3A_150, %ne3A_153 : i1
    %sub3A_155 = arith.constant 1 : i32
    %sub3A_156 = arith.subi %div3A_135, %sub3A_155 : i32
    %select_n3A_157 = arith.select %and3A_154, %sub3A_156, %div3A_135 : i32
    %dma_start3A_158 = arith.constant 0 : i32
    %dma_start3A_159 = tpu.memref_slice %arg12[%dma_start3A_158] : memref<96xi32, #tpu.memory_space<vmem>> -> memref<80xi32, #tpu.memory_space<vmem>>
    %dma_start3A_160 = tpu.memref_slice %arg2[%add3A_133] : memref<320000xi32, #tpu.memory_space<hbm>> -> memref<80xi32, #tpu.memory_space<hbm>>
    %dma_start3A_161 = arith.constant 0 : i32
    %dma_start3A_162 = tpu.memref_slice %arg12[%dma_start3A_161] : memref<96xi32, #tpu.memory_space<vmem>> -> memref<80xi32, #tpu.memory_space<vmem>>
    %dma_start3A_163 = tpu.memref_slice %arg2[%add3A_133] : memref<320000xi32, #tpu.memory_space<hbm>> -> memref<80xi32, #tpu.memory_space<hbm>>
    tpu.enqueue_dma source(%dma_start3A_163 : memref<80xi32, #tpu.memory_space<hbm>>) target(%dma_start3A_162 : memref<80xi32, #tpu.memory_space<vmem>>) target_semaphore(%arg30 : memref<!tpu.dma_semaphore, #tpu.memory_space<semaphore_mem>>)
    %dma_start3A_164 = arith.constant 0 : i32
    %dma_start3A_165 = tpu.memref_slice %arg14[%dma_start3A_164] : memref<96xi32, #tpu.memory_space<vmem>> -> memref<80xi32, #tpu.memory_space<vmem>>
    %dma_start3A_166 = tpu.memref_slice %arg3[%add3A_133] : memref<320000xi32, #tpu.memory_space<hbm>> -> memref<80xi32, #tpu.memory_space<hbm>>
    %dma_start3A_167 = arith.constant 0 : i32
    %dma_start3A_168 = tpu.memref_slice %arg14[%dma_start3A_167] : memref<96xi32, #tpu.memory_space<vmem>> -> memref<80xi32, #tpu.memory_space<vmem>>
    %dma_start3A_169 = tpu.memref_slice %arg3[%add3A_133] : memref<320000xi32, #tpu.memory_space<hbm>> -> memref<80xi32, #tpu.memory_space<hbm>>
    tpu.enqueue_dma source(%dma_start3A_169 : memref<80xi32, #tpu.memory_space<hbm>>) target(%dma_start3A_168 : memref<80xi32, #tpu.memory_space<vmem>>) target_semaphore(%arg30 : memref<!tpu.dma_semaphore, #tpu.memory_space<semaphore_mem>>)
    %dma_start3A_170 = arith.constant 0 : i32
    %dma_start3A_171 = tpu.memref_slice %arg4[%select_n3A_157, %dma_start3A_170] : memref<40000x128xf32, #tpu.memory_space<hbm>> -> memref<10x128xf32, #tpu.memory_space<hbm>>
    %dma_start3A_172 = arith.constant 0 : i32
    %dma_start3A_173 = tpu.memref_slice %arg4[%select_n3A_157, %dma_start3A_172] : memref<40000x128xf32, #tpu.memory_space<hbm>> -> memref<10x128xf32, #tpu.memory_space<hbm>>
    tpu.enqueue_dma source(%dma_start3A_173 : memref<10x128xf32, #tpu.memory_space<hbm>>) target(%arg18 : memref<10x128xf32, #tpu.memory_space<vmem>>) target_semaphore(%arg30 : memref<!tpu.dma_semaphore, #tpu.memory_space<semaphore_mem>>)
    %dma_start3A_174 = arith.constant 0 : i32
    %dma_start3A_175 = tpu.memref_slice %arg11[%dma_start3A_174] : memref<96xi32, #tpu.memory_space<vmem>> -> memref<80xi32, #tpu.memory_space<vmem>>
    %dma_start3A_176 = arith.constant 0 : i32
    %dma_start3A_177 = arith.constant 0 : i32
    %dma_start3A_178 = tpu.memref_slice %arg5[%dma_start3A_176, %dma_start3A_177] : memref<10000x16xf32, #tpu.memory_space<hbm>> -> memref<10000x16xf32, #tpu.memory_space<hbm>>
    tpu.enqueue_indirect_dma source(%dma_start3A_178 : memref<10000x16xf32, #tpu.memory_space<hbm>>) target(%arg19 : memref<80x16xf32, #tpu.memory_space<vmem>>) offsets(%dma_start3A_175 : memref<80xi32, #tpu.memory_space<vmem>>) semaphore(%arg31 : memref<!tpu.dma_semaphore, #tpu.memory_space<semaphore_mem>>)
    %dma_start3A_179 = arith.constant 0 : i32
    %dma_start3A_180 = tpu.memref_slice %arg13[%dma_start3A_179] : memref<96xi32, #tpu.memory_space<vmem>> -> memref<80xi32, #tpu.memory_space<vmem>>
    %dma_start3A_181 = arith.constant 0 : i32
    %dma_start3A_182 = arith.constant 0 : i32
    %dma_start3A_183 = tpu.memref_slice %arg6[%dma_start3A_181, %dma_start3A_182] : memref<10000x16xf32, #tpu.memory_space<hbm>> -> memref<10000x16xf32, #tpu.memory_space<hbm>>
    tpu.enqueue_indirect_dma source(%dma_start3A_183 : memref<10000x16xf32, #tpu.memory_space<hbm>>) target(%arg21 : memref<80x16xf32, #tpu.memory_space<vmem>>) offsets(%dma_start3A_180 : memref<80xi32, #tpu.memory_space<vmem>>) semaphore(%arg31 : memref<!tpu.dma_semaphore, #tpu.memory_space<semaphore_mem>>)
    %dma_start3A_184 = arith.constant 0 : i32
    %dma_start3A_185 = tpu.memref_slice %arg11[%dma_start3A_184] : memref<96xi32, #tpu.memory_space<vmem>> -> memref<80xi32, #tpu.memory_space<vmem>>
    %dma_start3A_186 = arith.constant 0 : i32
    %dma_start3A_187 = arith.constant 0 : i32
    %dma_start3A_188 = tpu.memref_slice %arg7[%dma_start3A_186, %dma_start3A_187] : memref<10000x128xf32, #tpu.memory_space<hbm>> -> memref<10000x128xf32, #tpu.memory_space<hbm>>
    tpu.enqueue_indirect_dma source(%dma_start3A_188 : memref<10000x128xf32, #tpu.memory_space<hbm>>) target(%arg23 : memref<80x128xf32, #tpu.memory_space<vmem>>) offsets(%dma_start3A_185 : memref<80xi32, #tpu.memory_space<vmem>>) semaphore(%arg31 : memref<!tpu.dma_semaphore, #tpu.memory_space<semaphore_mem>>)
    %dma_wait3A_189 = arith.constant 0 : i32
    %dma_wait3A_190 = tpu.memref_slice %arg11[%dma_wait3A_189] : memref<96xi32, #tpu.memory_space<vmem>> -> memref<80xi32, #tpu.memory_space<vmem>>
    %dma_wait3A_191 = arith.constant 0 : i32
    %dma_wait3A_192 = arith.constant 0 : i32
    %dma_wait3A_193 = tpu.memref_slice %arg5[%dma_wait3A_191, %dma_wait3A_192] : memref<10000x16xf32, #tpu.memory_space<hbm>> -> memref<10000x16xf32, #tpu.memory_space<hbm>>
    tpu.wait_indirect_dma semaphore(%arg31 : memref<!tpu.dma_semaphore, #tpu.memory_space<semaphore_mem>>) src(%dma_wait3A_193 : memref<10000x16xf32, #tpu.memory_space<hbm>>) dst(%arg19 : memref<80x16xf32, #tpu.memory_space<vmem>>)
    %dma_wait3A_194 = arith.constant 0 : i32
    %dma_wait3A_195 = tpu.memref_slice %arg13[%dma_wait3A_194] : memref<96xi32, #tpu.memory_space<vmem>> -> memref<80xi32, #tpu.memory_space<vmem>>
    %dma_wait3A_196 = arith.constant 0 : i32
    %dma_wait3A_197 = arith.constant 0 : i32
    %dma_wait3A_198 = tpu.memref_slice %arg6[%dma_wait3A_196, %dma_wait3A_197] : memref<10000x16xf32, #tpu.memory_space<hbm>> -> memref<10000x16xf32, #tpu.memory_space<hbm>>
    tpu.wait_indirect_dma semaphore(%arg31 : memref<!tpu.dma_semaphore, #tpu.memory_space<semaphore_mem>>) src(%dma_wait3A_198 : memref<10000x16xf32, #tpu.memory_space<hbm>>) dst(%arg21 : memref<80x16xf32, #tpu.memory_space<vmem>>)
    %dma_wait3A_199 = arith.constant 0 : i32
    %dma_wait3A_200 = tpu.memref_slice %arg11[%dma_wait3A_199] : memref<96xi32, #tpu.memory_space<vmem>> -> memref<80xi32, #tpu.memory_space<vmem>>
    %dma_wait3A_201 = arith.constant 0 : i32
    %dma_wait3A_202 = arith.constant 0 : i32
    %dma_wait3A_203 = tpu.memref_slice %arg7[%dma_wait3A_201, %dma_wait3A_202] : memref<10000x128xf32, #tpu.memory_space<hbm>> -> memref<10000x128xf32, #tpu.memory_space<hbm>>
    tpu.wait_indirect_dma semaphore(%arg31 : memref<!tpu.dma_semaphore, #tpu.memory_space<semaphore_mem>>) src(%dma_wait3A_203 : memref<10000x128xf32, #tpu.memory_space<hbm>>) dst(%arg23 : memref<80x128xf32, #tpu.memory_space<vmem>>)
    %scan3A_204 = arith.constant 0 : i32
    %scan3A_205 = arith.constant 80 : i32
    %scan3A_206 = arith.addi %scan3A_204, %scan3A_205 : i32
    %scan3A_207 = arith.constant 4 : i32
    %scan3A_208 = scf.for %scan3A_523 = %scan3A_204 to %scan3A_206 step %scan3A_207 iter_args(%scan3A_524 = %broadcast_in_dim3A_3) -> (vector<16xf32>)  : i32 {
      %get3A_525 = arith.index_cast %scan3A_523 : i32 to index
      %get3A_526 = arith.constant 0 : index
      %get3A_527 = tpu.vector_load %arg19[%get3A_525, %get3A_526] {strides = array<i32>} : memref<80x16xf32, #tpu.memory_space<vmem>>, vector<1x16xf32>,
      %get3A_528 = vector.shape_cast %get3A_527 : vector<1x16xf32> to vector<16xf32>
      %get3A_529 = arith.index_cast %scan3A_523 : i32 to index
      %get3A_530 = arith.constant 0 : index
      %get3A_531 = tpu.vector_load %arg21[%get3A_529, %get3A_530] {strides = array<i32>} : memref<80x16xf32, #tpu.memory_space<vmem>>, vector<1x16xf32>,
      %get3A_532 = vector.shape_cast %get3A_531 : vector<1x16xf32> to vector<16xf32>
      %shift_right_logical3A = arith.constant 3 : i32
      %shift_right_logical3A_533 = arith.shrui %scan3A_523, %shift_right_logical3A : i32
      %and3A_534 = arith.constant 7 : i32
      %and3A_535 = arith.andi %scan3A_523, %and3A_534 : i32
      %mul3A_536 = arith.constant 16 : i32
      %mul3A_537 = arith.muli %and3A_535, %mul3A_536 : i32
      %get3A_538 = arith.index_cast %shift_right_logical3A_533 : i32 to index
      %get3A_539 = arith.index_cast %mul3A_537 : i32 to index
      %get3A_540 = tpu.vector_load %arg17[%get3A_538, %get3A_539] {strides = array<i32>} : memref<10x128xf32, #tpu.memory_space<vmem>>, vector<1x16xf32>,
      %get3A_541 = vector.shape_cast %get3A_540 : vector<1x16xf32> to vector<16xf32>
      %add3A_542 = arith.addf %get3A_528, %get3A_532 : vector<16xf32>
      %add3A_543 = arith.addf %add3A_542, %get3A_541 : vector<16xf32>
      %mul3A_544 = arith.mulf %broadcast_in_dim3A_5, %add3A_543 : vector<16xf32>
      %max3A_545 = arith.maximumf %add3A_543, %mul3A_544 : vector<16xf32>
      %exp3A = math.exp %max3A_545 : vector<16xf32>
      %swap3A_546 = arith.index_cast %scan3A_523 : i32 to index
      %swap3A_547 = arith.constant 0 : index
      %swap3A_548 = tpu.vector_load %arg25[%swap3A_546, %swap3A_547] {strides = array<i32>} : memref<80x16xf32, #tpu.memory_space<vmem>>, vector<1x16xf32>,
      %swap3A_549 = vector.shape_cast %swap3A_548 : vector<1x16xf32> to vector<16xf32>
      %swap3A_550 = vector.shape_cast %exp3A : vector<16xf32> to vector<1x16xf32>
      tpu.vector_store %arg25[%swap3A_546, %swap3A_547], %swap3A_550 {strides = array<i32>} : memref<80x16xf32, #tpu.memory_space<vmem>>, vector<1x16xf32>,
      %get3A_551 = arith.index_cast %scan3A_523 : i32 to index
      %get3A_552 = tpu.vector_load %arg11[%get3A_551] {strides = array<i32>} : memref<96xi32, #tpu.memory_space<vmem>>, vector<16xi32>,
      %get3A_553 = vector.shape_cast %get3A_552 : vector<16xi32> to vector<16xi32>
      %get3A_554 = arith.index_cast %scan3A_523 : i32 to index
      %get3A_555 = tpu.vector_load %arg13[%get3A_554] {strides = array<i32>} : memref<96xi32, #tpu.memory_space<vmem>>, vector<16xi32>,
      %get3A_556 = vector.shape_cast %get3A_555 : vector<16xi32> to vector<16xi32>
      %slice3A = vector.extract_strided_slice %get3A_553 {offsets = [0], sizes = [1], strides = [1]} : vector<16xi32> to vector<1xi32>
      %squeeze3A = vector.extract %slice3A[0] : i32 from vector<1xi32>
      %eq3A = arith.constant 6 : i32
      %eq3A_557 = arith.cmpi eq, %squeeze3A, %eq3A : i32
      %slice3A_558 = vector.extract_strided_slice %get3A_556 {offsets = [0], sizes = [1], strides = [1]} : vector<16xi32> to vector<1xi32>
      %squeeze3A_559 = vector.extract %slice3A_558[0] : i32 from vector<1xi32>
      %eq3A_560 = arith.constant 6 : i32
      %eq3A_561 = arith.cmpi eq, %squeeze3A_559, %eq3A_560 : i32
      %and3A_562 = arith.andi %eq3A_557, %eq3A_561 : i1
      %jit3A_563 = arith.constant 1.000000e+00 : f32
      %jit3A_564 = arith.constant 0.000000e+00 : f32
      %select_n3A_565 = arith.select %and3A_562, %jit3A_563, %jit3A_564 : f32
      %mul3A_566 = arith.mulf %exp3A, %max3A : vector<16xf32>
      %broadcast_in_dim3A_567 = vector.broadcast %select_n3A_565 : f32 to vector<16xf32>
      %mul3A_568 = arith.mulf %mul3A_566, %broadcast_in_dim3A_567 : vector<16xf32>
      %add3A_569 = arith.addf %scan3A_524, %mul3A_568 : vector<16xf32>
      %scan3A_570 = arith.constant 1 : i32
      %scan3A_571 = arith.addi %scan3A_523, %scan3A_570 : i32
      %get3A_572 = arith.index_cast %scan3A_571 : i32 to index
      %get3A_573 = arith.constant 0 : index
      %get3A_574 = tpu.vector_load %arg19[%get3A_572, %get3A_573] {strides = array<i32>} : memref<80x16xf32, #tpu.memory_space<vmem>>, vector<1x16xf32>,
      %get3A_575 = vector.shape_cast %get3A_574 : vector<1x16xf32> to vector<16xf32>
      %get3A_576 = arith.index_cast %scan3A_571 : i32 to index
      %get3A_577 = arith.constant 0 : index
      %get3A_578 = tpu.vector_load %arg21[%get3A_576, %get3A_577] {strides = array<i32>} : memref<80x16xf32, #tpu.memory_space<vmem>>, vector<1x16xf32>,
      %get3A_579 = vector.shape_cast %get3A_578 : vector<1x16xf32> to vector<16xf32>
      %shift_right_logical3A_580 = arith.constant 3 : i32
      %shift_right_logical3A_581 = arith.shrui %scan3A_571, %shift_right_logical3A_580 : i32
      %and3A_582 = arith.constant 7 : i32
      %and3A_583 = arith.andi %scan3A_571, %and3A_582 : i32
      %mul3A_584 = arith.constant 16 : i32
      %mul3A_585 = arith.muli %and3A_583, %mul3A_584 : i32
      %get3A_586 = arith.index_cast %shift_right_logical3A_581 : i32 to index
      %get3A_587 = arith.index_cast %mul3A_585 : i32 to index
      %get3A_588 = tpu.vector_load %arg17[%get3A_586, %get3A_587] {strides = array<i32>} : memref<10x128xf32, #tpu.memory_space<vmem>>, vector<1x16xf32>,
      %get3A_589 = vector.shape_cast %get3A_588 : vector<1x16xf32> to vector<16xf32>
      %add3A_590 = arith.addf %get3A_575, %get3A_579 : vector<16xf32>
      %add3A_591 = arith.addf %add3A_590, %get3A_589 : vector<16xf32>
      %mul3A_592 = arith.mulf %broadcast_in_dim3A_5, %add3A_591 : vector<16xf32>
      %max3A_593 = arith.maximumf %add3A_591, %mul3A_592 : vector<16xf32>
      %exp3A_594 = math.exp %max3A_593 : vector<16xf32>
      %swap3A_595 = arith.index_cast %scan3A_571 : i32 to index
      %swap3A_596 = arith.constant 0 : index
      %swap3A_597 = tpu.vector_load %arg25[%swap3A_595, %swap3A_596] {strides = array<i32>} : memref<80x16xf32, #tpu.memory_space<vmem>>, vector<1x16xf32>,
      %swap3A_598 = vector.shape_cast %swap3A_597 : vector<1x16xf32> to vector<16xf32>
      %swap3A_599 = vector.shape_cast %exp3A_594 : vector<16xf32> to vector<1x16xf32>
      tpu.vector_store %arg25[%swap3A_595, %swap3A_596], %swap3A_599 {strides = array<i32>} : memref<80x16xf32, #tpu.memory_space<vmem>>, vector<1x16xf32>,
      %get3A_600 = arith.index_cast %scan3A_571 : i32 to index
      %get3A_601 = tpu.vector_load %arg11[%get3A_600] {strides = array<i32>} : memref<96xi32, #tpu.memory_space<vmem>>, vector<16xi32>,
      %get3A_602 = vector.shape_cast %get3A_601 : vector<16xi32> to vector<16xi32>
      %get3A_603 = arith.index_cast %scan3A_571 : i32 to index
      %get3A_604 = tpu.vector_load %arg13[%get3A_603] {strides = array<i32>} : memref<96xi32, #tpu.memory_space<vmem>>, vector<16xi32>,
      %get3A_605 = vector.shape_cast %get3A_604 : vector<16xi32> to vector<16xi32>
      %slice3A_606 = vector.extract_strided_slice %get3A_602 {offsets = [0], sizes = [1], strides = [1]} : vector<16xi32> to vector<1xi32>
      %squeeze3A_607 = vector.extract %slice3A_606[0] : i32 from vector<1xi32>
      %eq3A_608 = arith.constant 6 : i32
      %eq3A_609 = arith.cmpi eq, %squeeze3A_607, %eq3A_608 : i32
      %slice3A_610 = vector.extract_strided_slice %get3A_605 {offsets = [0], sizes = [1], strides = [1]} : vector<16xi32> to vector<1xi32>
      %squeeze3A_611 = vector.extract %slice3A_610[0] : i32 from vector<1xi32>
      %eq3A_612 = arith.constant 6 : i32
      %eq3A_613 = arith.cmpi eq, %squeeze3A_611, %eq3A_612 : i32
      %and3A_614 = arith.andi %eq3A_609, %eq3A_613 : i1
      %jit3A_615 = arith.constant 1.000000e+00 : f32
      %jit3A_616 = arith.constant 0.000000e+00 : f32
      %select_n3A_617 = arith.select %and3A_614, %jit3A_615, %jit3A_616 : f32
      %mul3A_618 = arith.mulf %exp3A_594, %max3A : vector<16xf32>
      %broadcast_in_dim3A_619 = vector.broadcast %select_n3A_617 : f32 to vector<16xf32>
      %mul3A_620 = arith.mulf %mul3A_618, %broadcast_in_dim3A_619 : vector<16xf32>
      %add3A_621 = arith.addf %add3A_569, %mul3A_620 : vector<16xf32>
      %scan3A_622 = arith.constant 2 : i32
      %scan3A_623 = arith.addi %scan3A_523, %scan3A_622 : i32
      %get3A_624 = arith.index_cast %scan3A_623 : i32 to index
      %get3A_625 = arith.constant 0 : index
      %get3A_626 = tpu.vector_load %arg19[%get3A_624, %get3A_625] {strides = array<i32>} : memref<80x16xf32, #tpu.memory_space<vmem>>, vector<1x16xf32>,
      %get3A_627 = vector.shape_cast %get3A_626 : vector<1x16xf32> to vector<16xf32>
      %get3A_628 = arith.index_cast %scan3A_623 : i32 to index
      %get3A_629 = arith.constant 0 : index
      %get3A_630 = tpu.vector_load %arg21[%get3A_628, %get3A_629] {strides = array<i32>} : memref<80x16xf32, #tpu.memory_space<vmem>>, vector<1x16xf32>,
      %get3A_631 = vector.shape_cast %get3A_630 : vector<1x16xf32> to vector<16xf32>
      %shift_right_logical3A_632 = arith.constant 3 : i32
      %shift_right_logical3A_633 = arith.shrui %scan3A_623, %shift_right_logical3A_632 : i32
      %and3A_634 = arith.constant 7 : i32
      %and3A_635 = arith.andi %scan3A_623, %and3A_634 : i32
      %mul3A_636 = arith.constant 16 : i32
      %mul3A_637 = arith.muli %and3A_635, %mul3A_636 : i32
      %get3A_638 = arith.index_cast %shift_right_logical3A_633 : i32 to index
      %get3A_639 = arith.index_cast %mul3A_637 : i32 to index
      %get3A_640 = tpu.vector_load %arg17[%get3A_638, %get3A_639] {strides = array<i32>} : memref<10x128xf32, #tpu.memory_space<vmem>>, vector<1x16xf32>,
      %get3A_641 = vector.shape_cast %get3A_640 : vector<1x16xf32> to vector<16xf32>
      %add3A_642 = arith.addf %get3A_627, %get3A_631 : vector<16xf32>
      %add3A_643 = arith.addf %add3A_642, %get3A_641 : vector<16xf32>
      %mul3A_644 = arith.mulf %broadcast_in_dim3A_5, %add3A_643 : vector<16xf32>
      %max3A_645 = arith.maximumf %add3A_643, %mul3A_644 : vector<16xf32>
      %exp3A_646 = math.exp %max3A_645 : vector<16xf32>
      %swap3A_647 = arith.index_cast %scan3A_623 : i32 to index
      %swap3A_648 = arith.constant 0 : index
      %swap3A_649 = tpu.vector_load %arg25[%swap3A_647, %swap3A_648] {strides = array<i32>} : memref<80x16xf32, #tpu.memory_space<vmem>>, vector<1x16xf32>,
      %swap3A_650 = vector.shape_cast %swap3A_649 : vector<1x16xf32> to vector<16xf32>
      %swap3A_651 = vector.shape_cast %exp3A_646 : vector<16xf32> to vector<1x16xf32>
      tpu.vector_store %arg25[%swap3A_647, %swap3A_648], %swap3A_651 {strides = array<i32>} : memref<80x16xf32, #tpu.memory_space<vmem>>, vector<1x16xf32>,
      %get3A_652 = arith.index_cast %scan3A_623 : i32 to index
      %get3A_653 = tpu.vector_load %arg11[%get3A_652] {strides = array<i32>} : memref<96xi32, #tpu.memory_space<vmem>>, vector<16xi32>,
      %get3A_654 = vector.shape_cast %get3A_653 : vector<16xi32> to vector<16xi32>
      %get3A_655 = arith.index_cast %scan3A_623 : i32 to index
      %get3A_656 = tpu.vector_load %arg13[%get3A_655] {strides = array<i32>} : memref<96xi32, #tpu.memory_space<vmem>>, vector<16xi32>,
      %get3A_657 = vector.shape_cast %get3A_656 : vector<16xi32> to vector<16xi32>
      %slice3A_658 = vector.extract_strided_slice %get3A_654 {offsets = [0], sizes = [1], strides = [1]} : vector<16xi32> to vector<1xi32>
      %squeeze3A_659 = vector.extract %slice3A_658[0] : i32 from vector<1xi32>
      %eq3A_660 = arith.constant 6 : i32
      %eq3A_661 = arith.cmpi eq, %squeeze3A_659, %eq3A_660 : i32
      %slice3A_662 = vector.extract_strided_slice %get3A_657 {offsets = [0], sizes = [1], strides = [1]} : vector<16xi32> to vector<1xi32>
      %squeeze3A_663 = vector.extract %slice3A_662[0] : i32 from vector<1xi32>
      %eq3A_664 = arith.constant 6 : i32
      %eq3A_665 = arith.cmpi eq, %squeeze3A_663, %eq3A_664 : i32
      %and3A_666 = arith.andi %eq3A_661, %eq3A_665 : i1
      %jit3A_667 = arith.constant 1.000000e+00 : f32
      %jit3A_668 = arith.constant 0.000000e+00 : f32
      %select_n3A_669 = arith.select %and3A_666, %jit3A_667, %jit3A_668 : f32
      %mul3A_670 = arith.mulf %exp3A_646, %max3A : vector<16xf32>
      %broadcast_in_dim3A_671 = vector.broadcast %select_n3A_669 : f32 to vector<16xf32>
      %mul3A_672 = arith.mulf %mul3A_670, %broadcast_in_dim3A_671 : vector<16xf32>
      %add3A_673 = arith.addf %add3A_621, %mul3A_672 : vector<16xf32>
      %scan3A_674 = arith.constant 3 : i32
      %scan3A_675 = arith.addi %scan3A_523, %scan3A_674 : i32
      %get3A_676 = arith.index_cast %scan3A_675 : i32 to index
      %get3A_677 = arith.constant 0 : index
      %get3A_678 = tpu.vector_load %arg19[%get3A_676, %get3A_677] {strides = array<i32>} : memref<80x16xf32, #tpu.memory_space<vmem>>, vector<1x16xf32>,
      %get3A_679 = vector.shape_cast %get3A_678 : vector<1x16xf32> to vector<16xf32>
      %get3A_680 = arith.index_cast %scan3A_675 : i32 to index
      %get3A_681 = arith.constant 0 : index
      %get3A_682 = tpu.vector_load %arg21[%get3A_680, %get3A_681] {strides = array<i32>} : memref<80x16xf32, #tpu.memory_space<vmem>>, vector<1x16xf32>,
      %get3A_683 = vector.shape_cast %get3A_682 : vector<1x16xf32> to vector<16xf32>
      %shift_right_logical3A_684 = arith.constant 3 : i32
      %shift_right_logical3A_685 = arith.shrui %scan3A_675, %shift_right_logical3A_684 : i32
      %and3A_686 = arith.constant 7 : i32
      %and3A_687 = arith.andi %scan3A_675, %and3A_686 : i32
      %mul3A_688 = arith.constant 16 : i32
      %mul3A_689 = arith.muli %and3A_687, %mul3A_688 : i32
      %get3A_690 = arith.index_cast %shift_right_logical3A_685 : i32 to index
      %get3A_691 = arith.index_cast %mul3A_689 : i32 to index
      %get3A_692 = tpu.vector_load %arg17[%get3A_690, %get3A_691] {strides = array<i32>} : memref<10x128xf32, #tpu.memory_space<vmem>>, vector<1x16xf32>,
      %get3A_693 = vector.shape_cast %get3A_692 : vector<1x16xf32> to vector<16xf32>
      %add3A_694 = arith.addf %get3A_679, %get3A_683 : vector<16xf32>
      %add3A_695 = arith.addf %add3A_694, %get3A_693 : vector<16xf32>
      %mul3A_696 = arith.mulf %broadcast_in_dim3A_5, %add3A_695 : vector<16xf32>
      %max3A_697 = arith.maximumf %add3A_695, %mul3A_696 : vector<16xf32>
      %exp3A_698 = math.exp %max3A_697 : vector<16xf32>
      %swap3A_699 = arith.index_cast %scan3A_675 : i32 to index
      %swap3A_700 = arith.constant 0 : index
      %swap3A_701 = tpu.vector_load %arg25[%swap3A_699, %swap3A_700] {strides = array<i32>} : memref<80x16xf32, #tpu.memory_space<vmem>>, vector<1x16xf32>,
      %swap3A_702 = vector.shape_cast %swap3A_701 : vector<1x16xf32> to vector<16xf32>
      %swap3A_703 = vector.shape_cast %exp3A_698 : vector<16xf32> to vector<1x16xf32>
      tpu.vector_store %arg25[%swap3A_699, %swap3A_700], %swap3A_703 {strides = array<i32>} : memref<80x16xf32, #tpu.memory_space<vmem>>, vector<1x16xf32>,
      %get3A_704 = arith.index_cast %scan3A_675 : i32 to index
      %get3A_705 = tpu.vector_load %arg11[%get3A_704] {strides = array<i32>} : memref<96xi32, #tpu.memory_space<vmem>>, vector<16xi32>,
      %get3A_706 = vector.shape_cast %get3A_705 : vector<16xi32> to vector<16xi32>
      %get3A_707 = arith.index_cast %scan3A_675 : i32 to index
      %get3A_708 = tpu.vector_load %arg13[%get3A_707] {strides = array<i32>} : memref<96xi32, #tpu.memory_space<vmem>>, vector<16xi32>,
      %get3A_709 = vector.shape_cast %get3A_708 : vector<16xi32> to vector<16xi32>
      %slice3A_710 = vector.extract_strided_slice %get3A_706 {offsets = [0], sizes = [1], strides = [1]} : vector<16xi32> to vector<1xi32>
      %squeeze3A_711 = vector.extract %slice3A_710[0] : i32 from vector<1xi32>
      %eq3A_712 = arith.constant 6 : i32
      %eq3A_713 = arith.cmpi eq, %squeeze3A_711, %eq3A_712 : i32
      %slice3A_714 = vector.extract_strided_slice %get3A_709 {offsets = [0], sizes = [1], strides = [1]} : vector<16xi32> to vector<1xi32>
      %squeeze3A_715 = vector.extract %slice3A_714[0] : i32 from vector<1xi32>
      %eq3A_716 = arith.constant 6 : i32
      %eq3A_717 = arith.cmpi eq, %squeeze3A_715, %eq3A_716 : i32
      %and3A_718 = arith.andi %eq3A_713, %eq3A_717 : i1
      %jit3A_719 = arith.constant 1.000000e+00 : f32
      %jit3A_720 = arith.constant 0.000000e+00 : f32
      %select_n3A_721 = arith.select %and3A_718, %jit3A_719, %jit3A_720 : f32
      %mul3A_722 = arith.mulf %exp3A_698, %max3A : vector<16xf32>
      %broadcast_in_dim3A_723 = vector.broadcast %select_n3A_721 : f32 to vector<16xf32>
      %mul3A_724 = arith.mulf %mul3A_722, %broadcast_in_dim3A_723 : vector<16xf32>
      %add3A_725 = arith.addf %add3A_673, %mul3A_724 : vector<16xf32>
      scf.yield %add3A_725 : vector<16xf32>
    }
    %scan3A_209 = arith.constant 80 : i32
    %add3A_210 = arith.constant 80 : i32
    %add3A_211 = arith.addi %mul3A_2, %add3A_210 : i32
    %jit3A_212 = arith.constant 8 : i32
    %div3A_213 = arith.divsi %add3A_211, %jit3A_212 : i32
    %sign3A_214 = arith.constant 0 : i32
    %sign3A_215 = arith.cmpi sgt, %add3A_211, %sign3A_214 : i32
    %sign3A_216 = arith.extui %sign3A_215 : i1 to i32
    %sign3A_217 = arith.constant 0 : i32
    %sign3A_218 = arith.cmpi slt, %add3A_211, %sign3A_217 : i32
    %sign3A_219 = arith.extui %sign3A_218 : i1 to i32
    %sign3A_220 = arith.subi %sign3A_216, %sign3A_219 : i32
    %sign3A_221 = arith.constant 0 : i32
    %sign3A_222 = arith.cmpi sgt, %jit3A_212, %sign3A_221 : i32
    %sign3A_223 = arith.extui %sign3A_222 : i1 to i32
    %sign3A_224 = arith.constant 0 : i32
    %sign3A_225 = arith.cmpi slt, %jit3A_212, %sign3A_224 : i32
    %sign3A_226 = arith.extui %sign3A_225 : i1 to i32
    %sign3A_227 = arith.subi %sign3A_223, %sign3A_226 : i32
    %ne3A_228 = arith.cmpi ne, %sign3A_220, %sign3A_227 : i32
    %rem3A_229 = arith.remsi %add3A_211, %jit3A_212 : i32
    %ne3A_230 = arith.constant 0 : i32
    %ne3A_231 = arith.cmpi ne, %rem3A_229, %ne3A_230 : i32
    %and3A_232 = arith.andi %ne3A_228, %ne3A_231 : i1
    %sub3A_233 = arith.constant 1 : i32
    %sub3A_234 = arith.subi %div3A_213, %sub3A_233 : i32
    %select_n3A_235 = arith.select %and3A_232, %sub3A_234, %div3A_213 : i32
    %dma_wait3A_236 = arith.constant 0 : i32
    %dma_wait3A_237 = tpu.memref_slice %arg12[%dma_wait3A_236] : memref<96xi32, #tpu.memory_space<vmem>> -> memref<80xi32, #tpu.memory_space<vmem>>
    %dma_wait3A_238 = tpu.memref_slice %arg2[%add3A_211] : memref<320000xi32, #tpu.memory_space<hbm>> -> memref<80xi32, #tpu.memory_space<hbm>>
    %dma_wait3A_239 = arith.constant 0 : i32
    %dma_wait3A_240 = tpu.memref_slice %arg12[%dma_wait3A_239] : memref<96xi32, #tpu.memory_space<vmem>> -> memref<80xi32, #tpu.memory_space<vmem>>
    %dma_wait3A_241 = tpu.memref_slice %arg2[%add3A_211] : memref<320000xi32, #tpu.memory_space<hbm>> -> memref<80xi32, #tpu.memory_space<hbm>>
    tpu.wait_dma2 semaphore(%arg30 : memref<!tpu.dma_semaphore, #tpu.memory_space<semaphore_mem>>) src(%dma_wait3A_241 : memref<80xi32, #tpu.memory_space<hbm>>) dst(%dma_wait3A_240 : memref<80xi32, #tpu.memory_space<vmem>>)
    %dma_wait3A_242 = arith.constant 0 : i32
    %dma_wait3A_243 = tpu.memref_slice %arg14[%dma_wait3A_242] : memref<96xi32, #tpu.memory_space<vmem>> -> memref<80xi32, #tpu.memory_space<vmem>>
    %dma_wait3A_244 = tpu.memref_slice %arg3[%add3A_211] : memref<320000xi32, #tpu.memory_space<hbm>> -> memref<80xi32, #tpu.memory_space<hbm>>
    %dma_wait3A_245 = arith.constant 0 : i32
    %dma_wait3A_246 = tpu.memref_slice %arg14[%dma_wait3A_245] : memref<96xi32, #tpu.memory_space<vmem>> -> memref<80xi32, #tpu.memory_space<vmem>>
    %dma_wait3A_247 = tpu.memref_slice %arg3[%add3A_211] : memref<320000xi32, #tpu.memory_space<hbm>> -> memref<80xi32, #tpu.memory_space<hbm>>
    tpu.wait_dma2 semaphore(%arg30 : memref<!tpu.dma_semaphore, #tpu.memory_space<semaphore_mem>>) src(%dma_wait3A_247 : memref<80xi32, #tpu.memory_space<hbm>>) dst(%dma_wait3A_246 : memref<80xi32, #tpu.memory_space<vmem>>)
    %dma_wait3A_248 = arith.constant 0 : i32
    %dma_wait3A_249 = tpu.memref_slice %arg4[%select_n3A_235, %dma_wait3A_248] : memref<40000x128xf32, #tpu.memory_space<hbm>> -> memref<10x128xf32, #tpu.memory_space<hbm>>
    %dma_wait3A_250 = arith.constant 0 : i32
    %dma_wait3A_251 = tpu.memref_slice %arg4[%select_n3A_235, %dma_wait3A_250] : memref<40000x128xf32, #tpu.memory_space<hbm>> -> memref<10x128xf32, #tpu.memory_space<hbm>>
    tpu.wait_dma2 semaphore(%arg30 : memref<!tpu.dma_semaphore, #tpu.memory_space<semaphore_mem>>) src(%dma_wait3A_251 : memref<10x128xf32, #tpu.memory_space<hbm>>) dst(%arg18 : memref<10x128xf32, #tpu.memory_space<vmem>>)
    %dma_start3A_252 = arith.constant 0 : i32
    %dma_start3A_253 = tpu.memref_slice %arg12[%dma_start3A_252] : memref<96xi32, #tpu.memory_space<vmem>> -> memref<80xi32, #tpu.memory_space<vmem>>
    %dma_start3A_254 = arith.constant 0 : i32
    %dma_start3A_255 = arith.constant 0 : i32
    %dma_start3A_256 = tpu.memref_slice %arg5[%dma_start3A_254, %dma_start3A_255] : memref<10000x16xf32, #tpu.memory_space<hbm>> -> memref<10000x16xf32, #tpu.memory_space<hbm>>
    tpu.enqueue_indirect_dma source(%dma_start3A_256 : memref<10000x16xf32, #tpu.memory_space<hbm>>) target(%arg20 : memref<80x16xf32, #tpu.memory_space<vmem>>) offsets(%dma_start3A_253 : memref<80xi32, #tpu.memory_space<vmem>>) semaphore(%arg32 : memref<!tpu.dma_semaphore, #tpu.memory_space<semaphore_mem>>)
    %dma_start3A_257 = arith.constant 0 : i32
    %dma_start3A_258 = tpu.memref_slice %arg14[%dma_start3A_257] : memref<96xi32, #tpu.memory_space<vmem>> -> memref<80xi32, #tpu.memory_space<vmem>>
    %dma_start3A_259 = arith.constant 0 : i32
    %dma_start3A_260 = arith.constant 0 : i32
    %dma_start3A_261 = tpu.memref_slice %arg6[%dma_start3A_259, %dma_start3A_260] : memref<10000x16xf32, #tpu.memory_space<hbm>> -> memref<10000x16xf32, #tpu.memory_space<hbm>>
    tpu.enqueue_indirect_dma source(%dma_start3A_261 : memref<10000x16xf32, #tpu.memory_space<hbm>>) target(%arg22 : memref<80x16xf32, #tpu.memory_space<vmem>>) offsets(%dma_start3A_258 : memref<80xi32, #tpu.memory_space<vmem>>) semaphore(%arg32 : memref<!tpu.dma_semaphore, #tpu.memory_space<semaphore_mem>>)
    %dma_start3A_262 = arith.constant 0 : i32
    %dma_start3A_263 = tpu.memref_slice %arg12[%dma_start3A_262] : memref<96xi32, #tpu.memory_space<vmem>> -> memref<80xi32, #tpu.memory_space<vmem>>
    %dma_start3A_264 = arith.constant 0 : i32
    %dma_start3A_265 = arith.constant 0 : i32
    %dma_start3A_266 = tpu.memref_slice %arg7[%dma_start3A_264, %dma_start3A_265] : memref<10000x128xf32, #tpu.memory_space<hbm>> -> memref<10000x128xf32, #tpu.memory_space<hbm>>
    tpu.enqueue_indirect_dma source(%dma_start3A_266 : memref<10000x128xf32, #tpu.memory_space<hbm>>) target(%arg24 : memref<80x128xf32, #tpu.memory_space<vmem>>) offsets(%dma_start3A_263 : memref<80xi32, #tpu.memory_space<vmem>>) semaphore(%arg32 : memref<!tpu.dma_semaphore, #tpu.memory_space<semaphore_mem>>)
    %scan3A_267 = arith.constant 0 : i32
    %scan3A_268 = arith.constant 0 : i32
    %scan3A_269 = arith.constant 80 : i32
    %scan3A_270 = arith.addi %scan3A_268, %scan3A_269 : i32
    %scan3A_271 = arith.constant 2 : i32
    %scan3A_272 = scf.for %scan3A_523 = %scan3A_268 to %scan3A_270 step %scan3A_271 iter_args(%scan3A_524 = %scan3A_267) -> (i32)  : i32 {
      %get3A_525 = arith.index_cast %scan3A_523 : i32 to index
      %get3A_526 = arith.constant 0 : index
      %get3A_527 = tpu.vector_load %arg25[%get3A_525, %get3A_526] {strides = array<i32>} : memref<80x16xf32, #tpu.memory_space<vmem>>, vector<1x16xf32>,
      %get3A_528 = vector.shape_cast %get3A_527 : vector<1x16xf32> to vector<16xf32>
      %broadcast_in_dim3A_529 = arith.constant 0 : i32
      %broadcast_in_dim3A_530 = vector.broadcast %broadcast_in_dim3A_529 : i32 to vector<16xi32>
      %lt3A = arith.constant 0 : i32
      %lt3A_531 = vector.broadcast %lt3A : i32 to vector<16xi32>
      %lt3A_532 = arith.cmpi slt, %broadcast_in_dim3A_530, %lt3A_531 : vector<16xi32>
      %add3A_533 = arith.constant 16 : i32
      %add3A_534 = vector.broadcast %add3A_533 : i32 to vector<16xi32>
      %add3A_535 = arith.addi %broadcast_in_dim3A_530, %add3A_534 : vector<16xi32>
      %select_n3A_536 = arith.select %lt3A_532, %add3A_535, %broadcast_in_dim3A_530 : vector<16xi1>, vector<16xi32>
      %broadcast_in_dim3A_537 = vector.shape_cast %select_n3A_536 : vector<16xi32> to vector<16x1xi32>
      %gather3A = vector.shape_cast %broadcast_in_dim3A_537 : vector<16x1xi32> to vector<16xi32>
      %gather3A_538 = tpu.dynamic_gather %get3A_528[%gather3A] in [0] : vector<16xf32>, vector<16xi32> -> vector<16xf32>
      %get3A_539 = arith.index_cast %scan3A_523 : i32 to index
      %get3A_540 = arith.constant 0 : index
      %get3A_541 = tpu.vector_load %arg23[%get3A_539, %get3A_540] {strides = array<i32>} : memref<80x128xf32, #tpu.memory_space<vmem>>, vector<1x16xf32>,
      %get3A_542 = vector.shape_cast %get3A_541 : vector<1x16xf32> to vector<16xf32>
      %mul3A_543 = arith.mulf %get3A_542, %gather3A_538 : vector<16xf32>
      %swap3A_544 = arith.index_cast %scan3A_523 : i32 to index
      %swap3A_545 = arith.constant 0 : index
      %swap3A_546 = tpu.vector_load %arg23[%swap3A_544, %swap3A_545] {strides = array<i32>} : memref<80x128xf32, #tpu.memory_space<vmem>>, vector<1x16xf32>,
      %swap3A_547 = vector.shape_cast %swap3A_546 : vector<1x16xf32> to vector<16xf32>
      %swap3A_548 = vector.shape_cast %mul3A_543 : vector<16xf32> to vector<1x16xf32>
      tpu.vector_store %arg23[%swap3A_544, %swap3A_545], %swap3A_548 {strides = array<i32>} : memref<80x128xf32, #tpu.memory_space<vmem>>, vector<1x16xf32>,
      %broadcast_in_dim3A_549 = arith.constant 1 : i32
      %broadcast_in_dim3A_550 = vector.broadcast %broadcast_in_dim3A_549 : i32 to vector<16xi32>
      %lt3A_551 = arith.constant 0 : i32
      %lt3A_552 = vector.broadcast %lt3A_551 : i32 to vector<16xi32>
      %lt3A_553 = arith.cmpi slt, %broadcast_in_dim3A_550, %lt3A_552 : vector<16xi32>
      %add3A_554 = arith.constant 16 : i32
      %add3A_555 = vector.broadcast %add3A_554 : i32 to vector<16xi32>
      %add3A_556 = arith.addi %broadcast_in_dim3A_550, %add3A_555 : vector<16xi32>
      %select_n3A_557 = arith.select %lt3A_553, %add3A_556, %broadcast_in_dim3A_550 : vector<16xi1>, vector<16xi32>
      %broadcast_in_dim3A_558 = vector.shape_cast %select_n3A_557 : vector<16xi32> to vector<16x1xi32>
      %gather3A_559 = vector.shape_cast %broadcast_in_dim3A_558 : vector<16x1xi32> to vector<16xi32>
      %gather3A_560 = tpu.dynamic_gather %get3A_528[%gather3A_559] in [0] : vector<16xf32>, vector<16xi32> -> vector<16xf32>
      %get3A_561 = arith.index_cast %scan3A_523 : i32 to index
      %get3A_562 = arith.constant 16 : index
      %get3A_563 = tpu.vector_load %arg23[%get3A_561, %get3A_562] {strides = array<i32>} : memref<80x128xf32, #tpu.memory_space<vmem>>, vector<1x16xf32>,
      %get3A_564 = vector.shape_cast %get3A_563 : vector<1x16xf32> to vector<16xf32>
      %mul3A_565 = arith.mulf %get3A_564, %gather3A_560 : vector<16xf32>
      %swap3A_566 = arith.index_cast %scan3A_523 : i32 to index
      %swap3A_567 = arith.constant 16 : index
      %swap3A_568 = tpu.vector_load %arg23[%swap3A_566, %swap3A_567] {strides = array<i32>} : memref<80x128xf32, #tpu.memory_space<vmem>>, vector<1x16xf32>,
      %swap3A_569 = vector.shape_cast %swap3A_568 : vector<1x16xf32> to vector<16xf32>
      %swap3A_570 = vector.shape_cast %mul3A_565 : vector<16xf32> to vector<1x16xf32>
      tpu.vector_store %arg23[%swap3A_566, %swap3A_567], %swap3A_570 {strides = array<i32>} : memref<80x128xf32, #tpu.memory_space<vmem>>, vector<1x16xf32>,
      %broadcast_in_dim3A_571 = arith.constant 2 : i32
      %broadcast_in_dim3A_572 = vector.broadcast %broadcast_in_dim3A_571 : i32 to vector<16xi32>
      %lt3A_573 = arith.constant 0 : i32
      %lt3A_574 = vector.broadcast %lt3A_573 : i32 to vector<16xi32>
      %lt3A_575 = arith.cmpi slt, %broadcast_in_dim3A_572, %lt3A_574 : vector<16xi32>
      %add3A_576 = arith.constant 16 : i32
      %add3A_577 = vector.broadcast %add3A_576 : i32 to vector<16xi32>
      %add3A_578 = arith.addi %broadcast_in_dim3A_572, %add3A_577 : vector<16xi32>
      %select_n3A_579 = arith.select %lt3A_575, %add3A_578, %broadcast_in_dim3A_572 : vector<16xi1>, vector<16xi32>
      %broadcast_in_dim3A_580 = vector.shape_cast %select_n3A_579 : vector<16xi32> to vector<16x1xi32>
      %gather3A_581 = vector.shape_cast %broadcast_in_dim3A_580 : vector<16x1xi32> to vector<16xi32>
      %gather3A_582 = tpu.dynamic_gather %get3A_528[%gather3A_581] in [0] : vector<16xf32>, vector<16xi32> -> vector<16xf32>
      %get3A_583 = arith.index_cast %scan3A_523 : i32 to index
      %get3A_584 = arith.constant 32 : index
      %get3A_585 = tpu.vector_load %arg23[%get3A_583, %get3A_584] {strides = array<i32>} : memref<80x128xf32, #tpu.memory_space<vmem>>, vector<1x16xf32>,
      %get3A_586 = vector.shape_cast %get3A_585 : vector<1x16xf32> to vector<16xf32>
      %mul3A_587 = arith.mulf %get3A_586, %gather3A_582 : vector<16xf32>
      %swap3A_588 = arith.index_cast %scan3A_523 : i32 to index
      %swap3A_589 = arith.constant 32 : index
      %swap3A_590 = tpu.vector_load %arg23[%swap3A_588, %swap3A_589] {strides = array<i32>} : memref<80x128xf32, #tpu.memory_space<vmem>>, vector<1x16xf32>,
      %swap3A_591 = vector.shape_cast %swap3A_590 : vector<1x16xf32> to vector<16xf32>
      %swap3A_592 = vector.shape_cast %mul3A_587 : vector<16xf32> to vector<1x16xf32>
      tpu.vector_store %arg23[%swap3A_588, %swap3A_589], %swap3A_592 {strides = array<i32>} : memref<80x128xf32, #tpu.memory_space<vmem>>, vector<1x16xf32>,
      %broadcast_in_dim3A_593 = arith.constant 3 : i32
      %broadcast_in_dim3A_594 = vector.broadcast %broadcast_in_dim3A_593 : i32 to vector<16xi32>
      %lt3A_595 = arith.constant 0 : i32
      %lt3A_596 = vector.broadcast %lt3A_595 : i32 to vector<16xi32>
      %lt3A_597 = arith.cmpi slt, %broadcast_in_dim3A_594, %lt3A_596 : vector<16xi32>
      %add3A_598 = arith.constant 16 : i32
      %add3A_599 = vector.broadcast %add3A_598 : i32 to vector<16xi32>
      %add3A_600 = arith.addi %broadcast_in_dim3A_594, %add3A_599 : vector<16xi32>
      %select_n3A_601 = arith.select %lt3A_597, %add3A_600, %broadcast_in_dim3A_594 : vector<16xi1>, vector<16xi32>
      %broadcast_in_dim3A_602 = vector.shape_cast %select_n3A_601 : vector<16xi32> to vector<16x1xi32>
      %gather3A_603 = vector.shape_cast %broadcast_in_dim3A_602 : vector<16x1xi32> to vector<16xi32>
      %gather3A_604 = tpu.dynamic_gather %get3A_528[%gather3A_603] in [0] : vector<16xf32>, vector<16xi32> -> vector<16xf32>
      %get3A_605 = arith.index_cast %scan3A_523 : i32 to index
      %get3A_606 = arith.constant 48 : index
      %get3A_607 = tpu.vector_load %arg23[%get3A_605, %get3A_606] {strides = array<i32>} : memref<80x128xf32, #tpu.memory_space<vmem>>, vector<1x16xf32>,
      %get3A_608 = vector.shape_cast %get3A_607 : vector<1x16xf32> to vector<16xf32>
      %mul3A_609 = arith.mulf %get3A_608, %gather3A_604 : vector<16xf32>
      %swap3A_610 = arith.index_cast %scan3A_523 : i32 to index
      %swap3A_611 = arith.constant 48 : index
      %swap3A_612 = tpu.vector_load %arg23[%swap3A_610, %swap3A_611] {strides = array<i32>} : memref<80x128xf32, #tpu.memory_space<vmem>>, vector<1x16xf32>,
      %swap3A_613 = vector.shape_cast %swap3A_612 : vector<1x16xf32> to vector<16xf32>
      %swap3A_614 = vector.shape_cast %mul3A_609 : vector<16xf32> to vector<1x16xf32>
      tpu.vector_store %arg23[%swap3A_610, %swap3A_611], %swap3A_614 {strides = array<i32>} : memref<80x128xf32, #tpu.memory_space<vmem>>, vector<1x16xf32>,
      %broadcast_in_dim3A_615 = arith.constant 4 : i32
      %broadcast_in_dim3A_616 = vector.broadcast %broadcast_in_dim3A_615 : i32 to vector<16xi32>
      %lt3A_617 = arith.constant 0 : i32
      %lt3A_618 = vector.broadcast %lt3A_617 : i32 to vector<16xi32>
      %lt3A_619 = arith.cmpi slt, %broadcast_in_dim3A_616, %lt3A_618 : vector<16xi32>
      %add3A_620 = arith.constant 16 : i32
      %add3A_621 = vector.broadcast %add3A_620 : i32 to vector<16xi32>
      %add3A_622 = arith.addi %broadcast_in_dim3A_616, %add3A_621 : vector<16xi32>
      %select_n3A_623 = arith.select %lt3A_619, %add3A_622, %broadcast_in_dim3A_616 : vector<16xi1>, vector<16xi32>
      %broadcast_in_dim3A_624 = vector.shape_cast %select_n3A_623 : vector<16xi32> to vector<16x1xi32>
      %gather3A_625 = vector.shape_cast %broadcast_in_dim3A_624 : vector<16x1xi32> to vector<16xi32>
      %gather3A_626 = tpu.dynamic_gather %get3A_528[%gather3A_625] in [0] : vector<16xf32>, vector<16xi32> -> vector<16xf32>
      %get3A_627 = arith.index_cast %scan3A_523 : i32 to index
      %get3A_628 = arith.constant 64 : index
      %get3A_629 = tpu.vector_load %arg23[%get3A_627, %get3A_628] {strides = array<i32>} : memref<80x128xf32, #tpu.memory_space<vmem>>, vector<1x16xf32>,
      %get3A_630 = vector.shape_cast %get3A_629 : vector<1x16xf32> to vector<16xf32>
      %mul3A_631 = arith.mulf %get3A_630, %gather3A_626 : vector<16xf32>
      %swap3A_632 = arith.index_cast %scan3A_523 : i32 to index
      %swap3A_633 = arith.constant 64 : index
      %swap3A_634 = tpu.vector_load %arg23[%swap3A_632, %swap3A_633] {strides = array<i32>} : memref<80x128xf32, #tpu.memory_space<vmem>>, vector<1x16xf32>,
      %swap3A_635 = vector.shape_cast %swap3A_634 : vector<1x16xf32> to vector<16xf32>
      %swap3A_636 = vector.shape_cast %mul3A_631 : vector<16xf32> to vector<1x16xf32>
      tpu.vector_store %arg23[%swap3A_632, %swap3A_633], %swap3A_636 {strides = array<i32>} : memref<80x128xf32, #tpu.memory_space<vmem>>, vector<1x16xf32>,
      %broadcast_in_dim3A_637 = arith.constant 5 : i32
      %broadcast_in_dim3A_638 = vector.broadcast %broadcast_in_dim3A_637 : i32 to vector<16xi32>
      %lt3A_639 = arith.constant 0 : i32
      %lt3A_640 = vector.broadcast %lt3A_639 : i32 to vector<16xi32>
      %lt3A_641 = arith.cmpi slt, %broadcast_in_dim3A_638, %lt3A_640 : vector<16xi32>
      %add3A_642 = arith.constant 16 : i32
      %add3A_643 = vector.broadcast %add3A_642 : i32 to vector<16xi32>
      %add3A_644 = arith.addi %broadcast_in_dim3A_638, %add3A_643 : vector<16xi32>
      %select_n3A_645 = arith.select %lt3A_641, %add3A_644, %broadcast_in_dim3A_638 : vector<16xi1>, vector<16xi32>
      %broadcast_in_dim3A_646 = vector.shape_cast %select_n3A_645 : vector<16xi32> to vector<16x1xi32>
      %gather3A_647 = vector.shape_cast %broadcast_in_dim3A_646 : vector<16x1xi32> to vector<16xi32>
      %gather3A_648 = tpu.dynamic_gather %get3A_528[%gather3A_647] in [0] : vector<16xf32>, vector<16xi32> -> vector<16xf32>
      %get3A_649 = arith.index_cast %scan3A_523 : i32 to index
      %get3A_650 = arith.constant 80 : index
      %get3A_651 = tpu.vector_load %arg23[%get3A_649, %get3A_650] {strides = array<i32>} : memref<80x128xf32, #tpu.memory_space<vmem>>, vector<1x16xf32>,
      %get3A_652 = vector.shape_cast %get3A_651 : vector<1x16xf32> to vector<16xf32>
      %mul3A_653 = arith.mulf %get3A_652, %gather3A_648 : vector<16xf32>
      %swap3A_654 = arith.index_cast %scan3A_523 : i32 to index
      %swap3A_655 = arith.constant 80 : index
      %swap3A_656 = tpu.vector_load %arg23[%swap3A_654, %swap3A_655] {strides = array<i32>} : memref<80x128xf32, #tpu.memory_space<vmem>>, vector<1x16xf32>,
      %swap3A_657 = vector.shape_cast %swap3A_656 : vector<1x16xf32> to vector<16xf32>
      %swap3A_658 = vector.shape_cast %mul3A_653 : vector<16xf32> to vector<1x16xf32>
      tpu.vector_store %arg23[%swap3A_654, %swap3A_655], %swap3A_658 {strides = array<i32>} : memref<80x128xf32, #tpu.memory_space<vmem>>, vector<1x16xf32>,
      %broadcast_in_dim3A_659 = arith.constant 6 : i32
      %broadcast_in_dim3A_660 = vector.broadcast %broadcast_in_dim3A_659 : i32 to vector<16xi32>
      %lt3A_661 = arith.constant 0 : i32
      %lt3A_662 = vector.broadcast %lt3A_661 : i32 to vector<16xi32>
      %lt3A_663 = arith.cmpi slt, %broadcast_in_dim3A_660, %lt3A_662 : vector<16xi32>
      %add3A_664 = arith.constant 16 : i32
      %add3A_665 = vector.broadcast %add3A_664 : i32 to vector<16xi32>
      %add3A_666 = arith.addi %broadcast_in_dim3A_660, %add3A_665 : vector<16xi32>
      %select_n3A_667 = arith.select %lt3A_663, %add3A_666, %broadcast_in_dim3A_660 : vector<16xi1>, vector<16xi32>
      %broadcast_in_dim3A_668 = vector.shape_cast %select_n3A_667 : vector<16xi32> to vector<16x1xi32>
      %gather3A_669 = vector.shape_cast %broadcast_in_dim3A_668 : vector<16x1xi32> to vector<16xi32>
      %gather3A_670 = tpu.dynamic_gather %get3A_528[%gather3A_669] in [0] : vector<16xf32>, vector<16xi32> -> vector<16xf32>
      %get3A_671 = arith.index_cast %scan3A_523 : i32 to index
      %get3A_672 = arith.constant 96 : index
      %get3A_673 = tpu.vector_load %arg23[%get3A_671, %get3A_672] {strides = array<i32>} : memref<80x128xf32, #tpu.memory_space<vmem>>, vector<1x16xf32>,
      %get3A_674 = vector.shape_cast %get3A_673 : vector<1x16xf32> to vector<16xf32>
      %mul3A_675 = arith.mulf %get3A_674, %gather3A_670 : vector<16xf32>
      %swap3A_676 = arith.index_cast %scan3A_523 : i32 to index
      %swap3A_677 = arith.constant 96 : index
      %swap3A_678 = tpu.vector_load %arg23[%swap3A_676, %swap3A_677] {strides = array<i32>} : memref<80x128xf32, #tpu.memory_space<vmem>>, vector<1x16xf32>,
      %swap3A_679 = vector.shape_cast %swap3A_678 : vector<1x16xf32> to vector<16xf32>
      %swap3A_680 = vector.shape_cast %mul3A_675 : vector<16xf32> to vector<1x16xf32>
      tpu.vector_store %arg23[%swap3A_676, %swap3A_677], %swap3A_680 {strides = array<i32>} : memref<80x128xf32, #tpu.memory_space<vmem>>, vector<1x16xf32>,
      %broadcast_in_dim3A_681 = arith.constant 7 : i32
      %broadcast_in_dim3A_682 = vector.broadcast %broadcast_in_dim3A_681 : i32 to vector<16xi32>
      %lt3A_683 = arith.constant 0 : i32
      %lt3A_684 = vector.broadcast %lt3A_683 : i32 to vector<16xi32>
      %lt3A_685 = arith.cmpi slt, %broadcast_in_dim3A_682, %lt3A_684 : vector<16xi32>
      %add3A_686 = arith.constant 16 : i32
      %add3A_687 = vector.broadcast %add3A_686 : i32 to vector<16xi32>
      %add3A_688 = arith.addi %broadcast_in_dim3A_682, %add3A_687 : vector<16xi32>
      %select_n3A_689 = arith.select %lt3A_685, %add3A_688, %broadcast_in_dim3A_682 : vector<16xi1>, vector<16xi32>
      %broadcast_in_dim3A_690 = vector.shape_cast %select_n3A_689 : vector<16xi32> to vector<16x1xi32>
      %gather3A_691 = vector.shape_cast %broadcast_in_dim3A_690 : vector<16x1xi32> to vector<16xi32>
      %gather3A_692 = tpu.dynamic_gather %get3A_528[%gather3A_691] in [0] : vector<16xf32>, vector<16xi32> -> vector<16xf32>
      %get3A_693 = arith.index_cast %scan3A_523 : i32 to index
      %get3A_694 = arith.constant 112 : index
      %get3A_695 = tpu.vector_load %arg23[%get3A_693, %get3A_694] {strides = array<i32>} : memref<80x128xf32, #tpu.memory_space<vmem>>, vector<1x16xf32>,
      %get3A_696 = vector.shape_cast %get3A_695 : vector<1x16xf32> to vector<16xf32>
      %mul3A_697 = arith.mulf %get3A_696, %gather3A_692 : vector<16xf32>
      %swap3A_698 = arith.index_cast %scan3A_523 : i32 to index
      %swap3A_699 = arith.constant 112 : index
      %swap3A_700 = tpu.vector_load %arg23[%swap3A_698, %swap3A_699] {strides = array<i32>} : memref<80x128xf32, #tpu.memory_space<vmem>>, vector<1x16xf32>,
      %swap3A_701 = vector.shape_cast %swap3A_700 : vector<1x16xf32> to vector<16xf32>
      %swap3A_702 = vector.shape_cast %mul3A_697 : vector<16xf32> to vector<1x16xf32>
      tpu.vector_store %arg23[%swap3A_698, %swap3A_699], %swap3A_702 {strides = array<i32>} : memref<80x128xf32, #tpu.memory_space<vmem>>, vector<1x16xf32>,
      %scan3A_703 = arith.constant 0 : i32
      %scan3A_704 = arith.constant 1 : i32
      %scan3A_705 = arith.addi %scan3A_523, %scan3A_704 : i32
      %get3A_706 = arith.index_cast %scan3A_705 : i32 to index
      %get3A_707 = arith.constant 0 : index
      %get3A_708 = tpu.vector_load %arg25[%get3A_706, %get3A_707] {strides = array<i32>} : memref<80x16xf32, #tpu.memory_space<vmem>>, vector<1x16xf32>,
      %get3A_709 = vector.shape_cast %get3A_708 : vector<1x16xf32> to vector<16xf32>
      %broadcast_in_dim3A_710 = arith.constant 0 : i32
      %broadcast_in_dim3A_711 = vector.broadcast %broadcast_in_dim3A_710 : i32 to vector<16xi32>
      %lt3A_712 = arith.constant 0 : i32
      %lt3A_713 = vector.broadcast %lt3A_712 : i32 to vector<16xi32>
      %lt3A_714 = arith.cmpi slt, %broadcast_in_dim3A_711, %lt3A_713 : vector<16xi32>
      %add3A_715 = arith.constant 16 : i32
      %add3A_716 = vector.broadcast %add3A_715 : i32 to vector<16xi32>
      %add3A_717 = arith.addi %broadcast_in_dim3A_711, %add3A_716 : vector<16xi32>
      %select_n3A_718 = arith.select %lt3A_714, %add3A_717, %broadcast_in_dim3A_711 : vector<16xi1>, vector<16xi32>
      %broadcast_in_dim3A_719 = vector.shape_cast %select_n3A_718 : vector<16xi32> to vector<16x1xi32>
      %gather3A_720 = vector.shape_cast %broadcast_in_dim3A_719 : vector<16x1xi32> to vector<16xi32>
      %gather3A_721 = tpu.dynamic_gather %get3A_709[%gather3A_720] in [0] : vector<16xf32>, vector<16xi32> -> vector<16xf32>
      %get3A_722 = arith.index_cast %scan3A_705 : i32 to index
      %get3A_723 = arith.constant 0 : index
      %get3A_724 = tpu.vector_load %arg23[%get3A_722, %get3A_723] {strides = array<i32>} : memref<80x128xf32, #tpu.memory_space<vmem>>, vector<1x16xf32>,
      %get3A_725 = vector.shape_cast %get3A_724 : vector<1x16xf32> to vector<16xf32>
      %mul3A_726 = arith.mulf %get3A_725, %gather3A_721 : vector<16xf32>
      %swap3A_727 = arith.index_cast %scan3A_705 : i32 to index
      %swap3A_728 = arith.constant 0 : index
      %swap3A_729 = tpu.vector_load %arg23[%swap3A_727, %swap3A_728] {strides = array<i32>} : memref<80x128xf32, #tpu.memory_space<vmem>>, vector<1x16xf32>,
      %swap3A_730 = vector.shape_cast %swap3A_729 : vector<1x16xf32> to vector<16xf32>
      %swap3A_731 = vector.shape_cast %mul3A_726 : vector<16xf32> to vector<1x16xf32>
      tpu.vector_store %arg23[%swap3A_727, %swap3A_728], %swap3A_731 {strides = array<i32>} : memref<80x128xf32, #tpu.memory_space<vmem>>, vector<1x16xf32>,
      %broadcast_in_dim3A_732 = arith.constant 1 : i32
      %broadcast_in_dim3A_733 = vector.broadcast %broadcast_in_dim3A_732 : i32 to vector<16xi32>
      %lt3A_734 = arith.constant 0 : i32
      %lt3A_735 = vector.broadcast %lt3A_734 : i32 to vector<16xi32>
      %lt3A_736 = arith.cmpi slt, %broadcast_in_dim3A_733, %lt3A_735 : vector<16xi32>
      %add3A_737 = arith.constant 16 : i32
      %add3A_738 = vector.broadcast %add3A_737 : i32 to vector<16xi32>
      %add3A_739 = arith.addi %broadcast_in_dim3A_733, %add3A_738 : vector<16xi32>
      %select_n3A_740 = arith.select %lt3A_736, %add3A_739, %broadcast_in_dim3A_733 : vector<16xi1>, vector<16xi32>
      %broadcast_in_dim3A_741 = vector.shape_cast %select_n3A_740 : vector<16xi32> to vector<16x1xi32>
      %gather3A_742 = vector.shape_cast %broadcast_in_dim3A_741 : vector<16x1xi32> to vector<16xi32>
      %gather3A_743 = tpu.dynamic_gather %get3A_709[%gather3A_742] in [0] : vector<16xf32>, vector<16xi32> -> vector<16xf32>
      %get3A_744 = arith.index_cast %scan3A_705 : i32 to index
      %get3A_745 = arith.constant 16 : index
      %get3A_746 = tpu.vector_load %arg23[%get3A_744, %get3A_745] {strides = array<i32>} : memref<80x128xf32, #tpu.memory_space<vmem>>, vector<1x16xf32>,
      %get3A_747 = vector.shape_cast %get3A_746 : vector<1x16xf32> to vector<16xf32>
      %mul3A_748 = arith.mulf %get3A_747, %gather3A_743 : vector<16xf32>
      %swap3A_749 = arith.index_cast %scan3A_705 : i32 to index
      %swap3A_750 = arith.constant 16 : index
      %swap3A_751 = tpu.vector_load %arg23[%swap3A_749, %swap3A_750] {strides = array<i32>} : memref<80x128xf32, #tpu.memory_space<vmem>>, vector<1x16xf32>,
      %swap3A_752 = vector.shape_cast %swap3A_751 : vector<1x16xf32> to vector<16xf32>
      %swap3A_753 = vector.shape_cast %mul3A_748 : vector<16xf32> to vector<1x16xf32>
      tpu.vector_store %arg23[%swap3A_749, %swap3A_750], %swap3A_753 {strides = array<i32>} : memref<80x128xf32, #tpu.memory_space<vmem>>, vector<1x16xf32>,
      %broadcast_in_dim3A_754 = arith.constant 2 : i32
      %broadcast_in_dim3A_755 = vector.broadcast %broadcast_in_dim3A_754 : i32 to vector<16xi32>
      %lt3A_756 = arith.constant 0 : i32
      %lt3A_757 = vector.broadcast %lt3A_756 : i32 to vector<16xi32>
      %lt3A_758 = arith.cmpi slt, %broadcast_in_dim3A_755, %lt3A_757 : vector<16xi32>
      %add3A_759 = arith.constant 16 : i32
      %add3A_760 = vector.broadcast %add3A_759 : i32 to vector<16xi32>
      %add3A_761 = arith.addi %broadcast_in_dim3A_755, %add3A_760 : vector<16xi32>
      %select_n3A_762 = arith.select %lt3A_758, %add3A_761, %broadcast_in_dim3A_755 : vector<16xi1>, vector<16xi32>
      %broadcast_in_dim3A_763 = vector.shape_cast %select_n3A_762 : vector<16xi32> to vector<16x1xi32>
      %gather3A_764 = vector.shape_cast %broadcast_in_dim3A_763 : vector<16x1xi32> to vector<16xi32>
      %gather3A_765 = tpu.dynamic_gather %get3A_709[%gather3A_764] in [0] : vector<16xf32>, vector<16xi32> -> vector<16xf32>
      %get3A_766 = arith.index_cast %scan3A_705 : i32 to index
      %get3A_767 = arith.constant 32 : index
      %get3A_768 = tpu.vector_load %arg23[%get3A_766, %get3A_767] {strides = array<i32>} : memref<80x128xf32, #tpu.memory_space<vmem>>, vector<1x16xf32>,
      %get3A_769 = vector.shape_cast %get3A_768 : vector<1x16xf32> to vector<16xf32>
      %mul3A_770 = arith.mulf %get3A_769, %gather3A_765 : vector<16xf32>
      %swap3A_771 = arith.index_cast %scan3A_705 : i32 to index
      %swap3A_772 = arith.constant 32 : index
      %swap3A_773 = tpu.vector_load %arg23[%swap3A_771, %swap3A_772] {strides = array<i32>} : memref<80x128xf32, #tpu.memory_space<vmem>>, vector<1x16xf32>,
      %swap3A_774 = vector.shape_cast %swap3A_773 : vector<1x16xf32> to vector<16xf32>
      %swap3A_775 = vector.shape_cast %mul3A_770 : vector<16xf32> to vector<1x16xf32>
      tpu.vector_store %arg23[%swap3A_771, %swap3A_772], %swap3A_775 {strides = array<i32>} : memref<80x128xf32, #tpu.memory_space<vmem>>, vector<1x16xf32>,
      %broadcast_in_dim3A_776 = arith.constant 3 : i32
      %broadcast_in_dim3A_777 = vector.broadcast %broadcast_in_dim3A_776 : i32 to vector<16xi32>
      %lt3A_778 = arith.constant 0 : i32
      %lt3A_779 = vector.broadcast %lt3A_778 : i32 to vector<16xi32>
      %lt3A_780 = arith.cmpi slt, %broadcast_in_dim3A_777, %lt3A_779 : vector<16xi32>
      %add3A_781 = arith.constant 16 : i32
      %add3A_782 = vector.broadcast %add3A_781 : i32 to vector<16xi32>
      %add3A_783 = arith.addi %broadcast_in_dim3A_777, %add3A_782 : vector<16xi32>
      %select_n3A_784 = arith.select %lt3A_780, %add3A_783, %broadcast_in_dim3A_777 : vector<16xi1>, vector<16xi32>
      %broadcast_in_dim3A_785 = vector.shape_cast %select_n3A_784 : vector<16xi32> to vector<16x1xi32>
      %gather3A_786 = vector.shape_cast %broadcast_in_dim3A_785 : vector<16x1xi32> to vector<16xi32>
      %gather3A_787 = tpu.dynamic_gather %get3A_709[%gather3A_786] in [0] : vector<16xf32>, vector<16xi32> -> vector<16xf32>
      %get3A_788 = arith.index_cast %scan3A_705 : i32 to index
      %get3A_789 = arith.constant 48 : index
      %get3A_790 = tpu.vector_load %arg23[%get3A_788, %get3A_789] {strides = array<i32>} : memref<80x128xf32, #tpu.memory_space<vmem>>, vector<1x16xf32>,
      %get3A_791 = vector.shape_cast %get3A_790 : vector<1x16xf32> to vector<16xf32>
      %mul3A_792 = arith.mulf %get3A_791, %gather3A_787 : vector<16xf32>
      %swap3A_793 = arith.index_cast %scan3A_705 : i32 to index
      %swap3A_794 = arith.constant 48 : index
      %swap3A_795 = tpu.vector_load %arg23[%swap3A_793, %swap3A_794] {strides = array<i32>} : memref<80x128xf32, #tpu.memory_space<vmem>>, vector<1x16xf32>,
      %swap3A_796 = vector.shape_cast %swap3A_795 : vector<1x16xf32> to vector<16xf32>
      %swap3A_797 = vector.shape_cast %mul3A_792 : vector<16xf32> to vector<1x16xf32>
      tpu.vector_store %arg23[%swap3A_793, %swap3A_794], %swap3A_797 {strides = array<i32>} : memref<80x128xf32, #tpu.memory_space<vmem>>, vector<1x16xf32>,
      %broadcast_in_dim3A_798 = arith.constant 4 : i32
      %broadcast_in_dim3A_799 = vector.broadcast %broadcast_in_dim3A_798 : i32 to vector<16xi32>
      %lt3A_800 = arith.constant 0 : i32
      %lt3A_801 = vector.broadcast %lt3A_800 : i32 to vector<16xi32>
      %lt3A_802 = arith.cmpi slt, %broadcast_in_dim3A_799, %lt3A_801 : vector<16xi32>
      %add3A_803 = arith.constant 16 : i32
      %add3A_804 = vector.broadcast %add3A_803 : i32 to vector<16xi32>
      %add3A_805 = arith.addi %broadcast_in_dim3A_799, %add3A_804 : vector<16xi32>
      %select_n3A_806 = arith.select %lt3A_802, %add3A_805, %broadcast_in_dim3A_799 : vector<16xi1>, vector<16xi32>
      %broadcast_in_dim3A_807 = vector.shape_cast %select_n3A_806 : vector<16xi32> to vector<16x1xi32>
      %gather3A_808 = vector.shape_cast %broadcast_in_dim3A_807 : vector<16x1xi32> to vector<16xi32>
      %gather3A_809 = tpu.dynamic_gather %get3A_709[%gather3A_808] in [0] : vector<16xf32>, vector<16xi32> -> vector<16xf32>
      %get3A_810 = arith.index_cast %scan3A_705 : i32 to index
      %get3A_811 = arith.constant 64 : index
      %get3A_812 = tpu.vector_load %arg23[%get3A_810, %get3A_811] {strides = array<i32>} : memref<80x128xf32, #tpu.memory_space<vmem>>, vector<1x16xf32>,
      %get3A_813 = vector.shape_cast %get3A_812 : vector<1x16xf32> to vector<16xf32>
      %mul3A_814 = arith.mulf %get3A_813, %gather3A_809 : vector<16xf32>
      %swap3A_815 = arith.index_cast %scan3A_705 : i32 to index
      %swap3A_816 = arith.constant 64 : index
      %swap3A_817 = tpu.vector_load %arg23[%swap3A_815, %swap3A_816] {strides = array<i32>} : memref<80x128xf32, #tpu.memory_space<vmem>>, vector<1x16xf32>,
      %swap3A_818 = vector.shape_cast %swap3A_817 : vector<1x16xf32> to vector<16xf32>
      %swap3A_819 = vector.shape_cast %mul3A_814 : vector<16xf32> to vector<1x16xf32>
      tpu.vector_store %arg23[%swap3A_815, %swap3A_816], %swap3A_819 {strides = array<i32>} : memref<80x128xf32, #tpu.memory_space<vmem>>, vector<1x16xf32>,
      %broadcast_in_dim3A_820 = arith.constant 5 : i32
      %broadcast_in_dim3A_821 = vector.broadcast %broadcast_in_dim3A_820 : i32 to vector<16xi32>
      %lt3A_822 = arith.constant 0 : i32
      %lt3A_823 = vector.broadcast %lt3A_822 : i32 to vector<16xi32>
      %lt3A_824 = arith.cmpi slt, %broadcast_in_dim3A_821, %lt3A_823 : vector<16xi32>
      %add3A_825 = arith.constant 16 : i32
      %add3A_826 = vector.broadcast %add3A_825 : i32 to vector<16xi32>
      %add3A_827 = arith.addi %broadcast_in_dim3A_821, %add3A_826 : vector<16xi32>
      %select_n3A_828 = arith.select %lt3A_824, %add3A_827, %broadcast_in_dim3A_821 : vector<16xi1>, vector<16xi32>
      %broadcast_in_dim3A_829 = vector.shape_cast %select_n3A_828 : vector<16xi32> to vector<16x1xi32>
      %gather3A_830 = vector.shape_cast %broadcast_in_dim3A_829 : vector<16x1xi32> to vector<16xi32>
      %gather3A_831 = tpu.dynamic_gather %get3A_709[%gather3A_830] in [0] : vector<16xf32>, vector<16xi32> -> vector<16xf32>
      %get3A_832 = arith.index_cast %scan3A_705 : i32 to index
      %get3A_833 = arith.constant 80 : index
      %get3A_834 = tpu.vector_load %arg23[%get3A_832, %get3A_833] {strides = array<i32>} : memref<80x128xf32, #tpu.memory_space<vmem>>, vector<1x16xf32>,
      %get3A_835 = vector.shape_cast %get3A_834 : vector<1x16xf32> to vector<16xf32>
      %mul3A_836 = arith.mulf %get3A_835, %gather3A_831 : vector<16xf32>
      %swap3A_837 = arith.index_cast %scan3A_705 : i32 to index
      %swap3A_838 = arith.constant 80 : index
      %swap3A_839 = tpu.vector_load %arg23[%swap3A_837, %swap3A_838] {strides = array<i32>} : memref<80x128xf32, #tpu.memory_space<vmem>>, vector<1x16xf32>,
      %swap3A_840 = vector.shape_cast %swap3A_839 : vector<1x16xf32> to vector<16xf32>
      %swap3A_841 = vector.shape_cast %mul3A_836 : vector<16xf32> to vector<1x16xf32>
      tpu.vector_store %arg23[%swap3A_837, %swap3A_838], %swap3A_841 {strides = array<i32>} : memref<80x128xf32, #tpu.memory_space<vmem>>, vector<1x16xf32>,
      %broadcast_in_dim3A_842 = arith.constant 6 : i32
      %broadcast_in_dim3A_843 = vector.broadcast %broadcast_in_dim3A_842 : i32 to vector<16xi32>
      %lt3A_844 = arith.constant 0 : i32
      %lt3A_845 = vector.broadcast %lt3A_844 : i32 to vector<16xi32>
      %lt3A_846 = arith.cmpi slt, %broadcast_in_dim3A_843, %lt3A_845 : vector<16xi32>
      %add3A_847 = arith.constant 16 : i32
      %add3A_848 = vector.broadcast %add3A_847 : i32 to vector<16xi32>
      %add3A_849 = arith.addi %broadcast_in_dim3A_843, %add3A_848 : vector<16xi32>
      %select_n3A_850 = arith.select %lt3A_846, %add3A_849, %broadcast_in_dim3A_843 : vector<16xi1>, vector<16xi32>
      %broadcast_in_dim3A_851 = vector.shape_cast %select_n3A_850 : vector<16xi32> to vector<16x1xi32>
      %gather3A_852 = vector.shape_cast %broadcast_in_dim3A_851 : vector<16x1xi32> to vector<16xi32>
      %gather3A_853 = tpu.dynamic_gather %get3A_709[%gather3A_852] in [0] : vector<16xf32>, vector<16xi32> -> vector<16xf32>
      %get3A_854 = arith.index_cast %scan3A_705 : i32 to index
      %get3A_855 = arith.constant 96 : index
      %get3A_856 = tpu.vector_load %arg23[%get3A_854, %get3A_855] {strides = array<i32>} : memref<80x128xf32, #tpu.memory_space<vmem>>, vector<1x16xf32>,
      %get3A_857 = vector.shape_cast %get3A_856 : vector<1x16xf32> to vector<16xf32>
      %mul3A_858 = arith.mulf %get3A_857, %gather3A_853 : vector<16xf32>
      %swap3A_859 = arith.index_cast %scan3A_705 : i32 to index
      %swap3A_860 = arith.constant 96 : index
      %swap3A_861 = tpu.vector_load %arg23[%swap3A_859, %swap3A_860] {strides = array<i32>} : memref<80x128xf32, #tpu.memory_space<vmem>>, vector<1x16xf32>,
      %swap3A_862 = vector.shape_cast %swap3A_861 : vector<1x16xf32> to vector<16xf32>
      %swap3A_863 = vector.shape_cast %mul3A_858 : vector<16xf32> to vector<1x16xf32>
      tpu.vector_store %arg23[%swap3A_859, %swap3A_860], %swap3A_863 {strides = array<i32>} : memref<80x128xf32, #tpu.memory_space<vmem>>, vector<1x16xf32>,
      %broadcast_in_dim3A_864 = arith.constant 7 : i32
      %broadcast_in_dim3A_865 = vector.broadcast %broadcast_in_dim3A_864 : i32 to vector<16xi32>
      %lt3A_866 = arith.constant 0 : i32
      %lt3A_867 = vector.broadcast %lt3A_866 : i32 to vector<16xi32>
      %lt3A_868 = arith.cmpi slt, %broadcast_in_dim3A_865, %lt3A_867 : vector<16xi32>
      %add3A_869 = arith.constant 16 : i32
      %add3A_870 = vector.broadcast %add3A_869 : i32 to vector<16xi32>
      %add3A_871 = arith.addi %broadcast_in_dim3A_865, %add3A_870 : vector<16xi32>
      %select_n3A_872 = arith.select %lt3A_868, %add3A_871, %broadcast_in_dim3A_865 : vector<16xi1>, vector<16xi32>
      %broadcast_in_dim3A_873 = vector.shape_cast %select_n3A_872 : vector<16xi32> to vector<16x1xi32>
      %gather3A_874 = vector.shape_cast %broadcast_in_dim3A_873 : vector<16x1xi32> to vector<16xi32>
      %gather3A_875 = tpu.dynamic_gather %get3A_709[%gather3A_874] in [0] : vector<16xf32>, vector<16xi32> -> vector<16xf32>
      %get3A_876 = arith.index_cast %scan3A_705 : i32 to index
      %get3A_877 = arith.constant 112 : index
      %get3A_878 = tpu.vector_load %arg23[%get3A_876, %get3A_877] {strides = array<i32>} : memref<80x128xf32, #tpu.memory_space<vmem>>, vector<1x16xf32>,
      %get3A_879 = vector.shape_cast %get3A_878 : vector<1x16xf32> to vector<16xf32>
      %mul3A_880 = arith.mulf %get3A_879, %gather3A_875 : vector<16xf32>
      %swap3A_881 = arith.index_cast %scan3A_705 : i32 to index
      %swap3A_882 = arith.constant 112 : index
      %swap3A_883 = tpu.vector_load %arg23[%swap3A_881, %swap3A_882] {strides = array<i32>} : memref<80x128xf32, #tpu.memory_space<vmem>>, vector<1x16xf32>,
      %swap3A_884 = vector.shape_cast %swap3A_883 : vector<1x16xf32> to vector<16xf32>
      %swap3A_885 = vector.shape_cast %mul3A_880 : vector<16xf32> to vector<1x16xf32>
      tpu.vector_store %arg23[%swap3A_881, %swap3A_882], %swap3A_885 {strides = array<i32>} : memref<80x128xf32, #tpu.memory_space<vmem>>, vector<1x16xf32>,
      %scan3A_886 = arith.constant 0 : i32
      scf.yield %scan3A_886 : i32
    }
    %scan3A_273 = arith.constant 80 : i32
    %scan3A_274 = arith.constant 0 : i32
    %scan3A_275 = arith.constant 0 : i32
    %mul3A_276 = arith.constant 16 : i32
    %mul3A_277 = arith.muli %scan3A_275, %mul3A_276 : i32
    %get3A = arith.index_cast %mul3A_277 : i32 to index
    %get3A_278 = tpu.vector_load %arg13[%get3A] {strides = array<i32>} : memref<96xi32, #tpu.memory_space<vmem>>, vector<16xi32>,
    %get3A_279 = vector.shape_cast %get3A_278 : vector<16xi32> to vector<16xi32>
    %mul3A_280 = arith.constant 16 : i32
    %mul3A_281 = arith.muli %scan3A_275, %mul3A_280 : i32
    %swap3A = arith.index_cast %mul3A_281 : i32 to index
    %swap3A_282 = tpu.vector_load %arg15[%swap3A] {strides = array<i32>} : memref<80xi32, #tpu.memory_space<vmem>>, vector<16xi32>,
    %swap3A_283 = vector.shape_cast %swap3A_282 : vector<16xi32> to vector<16xi32>
    %swap3A_284 = vector.shape_cast %get3A_279 : vector<16xi32> to vector<16xi32>
    tpu.vector_store %arg15[%swap3A], %swap3A_284 {strides = array<i32>} : memref<80xi32, #tpu.memory_space<vmem>>, vector<16xi32>,
    %scan3A_285 = arith.constant 0 : i32
    %scan3A_286 = arith.constant 1 : i32
    %mul3A_287 = arith.constant 16 : i32
    %mul3A_288 = arith.muli %scan3A_286, %mul3A_287 : i32
    %get3A_289 = arith.index_cast %mul3A_288 : i32 to index
    %get3A_290 = tpu.vector_load %arg13[%get3A_289] {strides = array<i32>} : memref<96xi32, #tpu.memory_space<vmem>>, vector<16xi32>,
    %get3A_291 = vector.shape_cast %get3A_290 : vector<16xi32> to vector<16xi32>
    %mul3A_292 = arith.constant 16 : i32
    %mul3A_293 = arith.muli %scan3A_286, %mul3A_292 : i32
    %swap3A_294 = arith.index_cast %mul3A_293 : i32 to index
    %swap3A_295 = tpu.vector_load %arg15[%swap3A_294] {strides = array<i32>} : memref<80xi32, #tpu.memory_space<vmem>>, vector<16xi32>,
    %swap3A_296 = vector.shape_cast %swap3A_295 : vector<16xi32> to vector<16xi32>
    %swap3A_297 = vector.shape_cast %get3A_291 : vector<16xi32> to vector<16xi32>
    tpu.vector_store %arg15[%swap3A_294], %swap3A_297 {strides = array<i32>} : memref<80xi32, #tpu.memory_space<vmem>>, vector<16xi32>,
    %scan3A_298 = arith.constant 0 : i32
    %scan3A_299 = arith.constant 2 : i32
    %mul3A_300 = arith.constant 16 : i32
    %mul3A_301 = arith.muli %scan3A_299, %mul3A_300 : i32
    %get3A_302 = arith.index_cast %mul3A_301 : i32 to index
    %get3A_303 = tpu.vector_load %arg13[%get3A_302] {strides = array<i32>} : memref<96xi32, #tpu.memory_space<vmem>>, vector<16xi32>,
    %get3A_304 = vector.shape_cast %get3A_303 : vector<16xi32> to vector<16xi32>
    %mul3A_305 = arith.constant 16 : i32
    %mul3A_306 = arith.muli %scan3A_299, %mul3A_305 : i32
    %swap3A_307 = arith.index_cast %mul3A_306 : i32 to index
    %swap3A_308 = tpu.vector_load %arg15[%swap3A_307] {strides = array<i32>} : memref<80xi32, #tpu.memory_space<vmem>>, vector<16xi32>,
    %swap3A_309 = vector.shape_cast %swap3A_308 : vector<16xi32> to vector<16xi32>
    %swap3A_310 = vector.shape_cast %get3A_304 : vector<16xi32> to vector<16xi32>
    tpu.vector_store %arg15[%swap3A_307], %swap3A_310 {strides = array<i32>} : memref<80xi32, #tpu.memory_space<vmem>>, vector<16xi32>,
    %scan3A_311 = arith.constant 0 : i32
    %scan3A_312 = arith.constant 3 : i32
    %mul3A_313 = arith.constant 16 : i32
    %mul3A_314 = arith.muli %scan3A_312, %mul3A_313 : i32
    %get3A_315 = arith.index_cast %mul3A_314 : i32 to index
    %get3A_316 = tpu.vector_load %arg13[%get3A_315] {strides = array<i32>} : memref<96xi32, #tpu.memory_space<vmem>>, vector<16xi32>,
    %get3A_317 = vector.shape_cast %get3A_316 : vector<16xi32> to vector<16xi32>
    %mul3A_318 = arith.constant 16 : i32
    %mul3A_319 = arith.muli %scan3A_312, %mul3A_318 : i32
    %swap3A_320 = arith.index_cast %mul3A_319 : i32 to index
    %swap3A_321 = tpu.vector_load %arg15[%swap3A_320] {strides = array<i32>} : memref<80xi32, #tpu.memory_space<vmem>>, vector<16xi32>,
    %swap3A_322 = vector.shape_cast %swap3A_321 : vector<16xi32> to vector<16xi32>
    %swap3A_323 = vector.shape_cast %get3A_317 : vector<16xi32> to vector<16xi32>
    tpu.vector_store %arg15[%swap3A_320], %swap3A_323 {strides = array<i32>} : memref<80xi32, #tpu.memory_space<vmem>>, vector<16xi32>,
    %scan3A_324 = arith.constant 0 : i32
    %scan3A_325 = arith.constant 4 : i32
    %mul3A_326 = arith.constant 16 : i32
    %mul3A_327 = arith.muli %scan3A_325, %mul3A_326 : i32
    %get3A_328 = arith.index_cast %mul3A_327 : i32 to index
    %get3A_329 = tpu.vector_load %arg13[%get3A_328] {strides = array<i32>} : memref<96xi32, #tpu.memory_space<vmem>>, vector<16xi32>,
    %get3A_330 = vector.shape_cast %get3A_329 : vector<16xi32> to vector<16xi32>
    %mul3A_331 = arith.constant 16 : i32
    %mul3A_332 = arith.muli %scan3A_325, %mul3A_331 : i32
    %swap3A_333 = arith.index_cast %mul3A_332 : i32 to index
    %swap3A_334 = tpu.vector_load %arg15[%swap3A_333] {strides = array<i32>} : memref<80xi32, #tpu.memory_space<vmem>>, vector<16xi32>,
    %swap3A_335 = vector.shape_cast %swap3A_334 : vector<16xi32> to vector<16xi32>
    %swap3A_336 = vector.shape_cast %get3A_330 : vector<16xi32> to vector<16xi32>
    tpu.vector_store %arg15[%swap3A_333], %swap3A_336 {strides = array<i32>} : memref<80xi32, #tpu.memory_space<vmem>>, vector<16xi32>,
    %scan3A_337 = arith.constant 0 : i32
    %scan3A_338 = arith.constant 5 : i32
    %dma_start3A_339 = arith.constant 0 : i32
    %dma_start3A_340 = arith.constant 0 : i32
    %dma_start3A_341 = tpu.memref_slice %arg28[%dma_start3A_339, %dma_start3A_340] : memref<10000x16xf32, #tpu.memory_space<vmem_shared>> -> memref<10000x16xf32, #tpu.memory_space<vmem_shared>>
    tpu.enqueue_indirect_dma source(%arg25 : memref<80x16xf32, #tpu.memory_space<vmem>>) target(%dma_start3A_341 : memref<10000x16xf32, #tpu.memory_space<vmem_shared>>) offsets(%arg15 : memref<80xi32, #tpu.memory_space<vmem>>) semaphore(%arg33 : memref<!tpu.dma_semaphore, #tpu.memory_space<semaphore_mem>>) {add = true}
    %dma_start3A_342 = arith.constant 0 : i32
    %dma_start3A_343 = arith.constant 0 : i32
    %dma_start3A_344 = tpu.memref_slice %arg27[%dma_start3A_342, %dma_start3A_343] : memref<10000x128xf32, #tpu.memory_space<vmem_shared>> -> memref<10000x128xf32, #tpu.memory_space<vmem_shared>>
    tpu.enqueue_indirect_dma source(%arg23 : memref<80x128xf32, #tpu.memory_space<vmem>>) target(%dma_start3A_344 : memref<10000x128xf32, #tpu.memory_space<vmem_shared>>) offsets(%arg15 : memref<80xi32, #tpu.memory_space<vmem>>) semaphore(%arg33 : memref<!tpu.dma_semaphore, #tpu.memory_space<semaphore_mem>>) {add = true}
    %add3A_345 = arith.constant 160 : i32
    %add3A_346 = arith.addi %mul3A_2, %add3A_345 : i32
    %jit3A_347 = arith.constant 8 : i32
    %div3A_348 = arith.divsi %add3A_346, %jit3A_347 : i32
    %sign3A_349 = arith.constant 0 : i32
    %sign3A_350 = arith.cmpi sgt, %add3A_346, %sign3A_349 : i32
    %sign3A_351 = arith.extui %sign3A_350 : i1 to i32
    %sign3A_352 = arith.constant 0 : i32
    %sign3A_353 = arith.cmpi slt, %add3A_346, %sign3A_352 : i32
    %sign3A_354 = arith.extui %sign3A_353 : i1 to i32
    %sign3A_355 = arith.subi %sign3A_351, %sign3A_354 : i32
    %sign3A_356 = arith.constant 0 : i32
    %sign3A_357 = arith.cmpi sgt, %jit3A_347, %sign3A_356 : i32
    %sign3A_358 = arith.extui %sign3A_357 : i1 to i32
    %sign3A_359 = arith.constant 0 : i32
    %sign3A_360 = arith.cmpi slt, %jit3A_347, %sign3A_359 : i32
    %sign3A_361 = arith.extui %sign3A_360 : i1 to i32
    %sign3A_362 = arith.subi %sign3A_358, %sign3A_361 : i32
    %ne3A_363 = arith.cmpi ne, %sign3A_355, %sign3A_362 : i32
    %rem3A_364 = arith.remsi %add3A_346, %jit3A_347 : i32
    %ne3A_365 = arith.constant 0 : i32
    %ne3A_366 = arith.cmpi ne, %rem3A_364, %ne3A_365 : i32
    %and3A_367 = arith.andi %ne3A_363, %ne3A_366 : i1
    %sub3A_368 = arith.constant 1 : i32
    %sub3A_369 = arith.subi %div3A_348, %sub3A_368 : i32
    %select_n3A_370 = arith.select %and3A_367, %sub3A_369, %div3A_348 : i32
    %dma_start3A_371 = arith.constant 0 : i32
    %dma_start3A_372 = tpu.memref_slice %arg11[%dma_start3A_371] : memref<96xi32, #tpu.memory_space<vmem>> -> memref<80xi32, #tpu.memory_space<vmem>>
    %dma_start3A_373 = tpu.memref_slice %arg2[%add3A_346] : memref<320000xi32, #tpu.memory_space<hbm>> -> memref<80xi32, #tpu.memory_space<hbm>>
    %dma_start3A_374 = arith.constant 0 : i32
    %dma_start3A_375 = tpu.memref_slice %arg11[%dma_start3A_374] : memref<96xi32, #tpu.memory_space<vmem>> -> memref<80xi32, #tpu.memory_space<vmem>>
    %dma_start3A_376 = tpu.memref_slice %arg2[%add3A_346] : memref<320000xi32, #tpu.memory_space<hbm>> -> memref<80xi32, #tpu.memory_space<hbm>>
    tpu.enqueue_dma source(%dma_start3A_376 : memref<80xi32, #tpu.memory_space<hbm>>) target(%dma_start3A_375 : memref<80xi32, #tpu.memory_space<vmem>>) target_semaphore(%arg29 : memref<!tpu.dma_semaphore, #tpu.memory_space<semaphore_mem>>)
    %dma_start3A_377 = arith.constant 0 : i32
    %dma_start3A_378 = tpu.memref_slice %arg13[%dma_start3A_377] : memref<96xi32, #tpu.memory_space<vmem>> -> memref<80xi32, #tpu.memory_space<vmem>>
    %dma_start3A_379 = tpu.memref_slice %arg3[%add3A_346] : memref<320000xi32, #tpu.memory_space<hbm>> -> memref<80xi32, #tpu.memory_space<hbm>>
    %dma_start3A_380 = arith.constant 0 : i32
    %dma_start3A_381 = tpu.memref_slice %arg13[%dma_start3A_380] : memref<96xi32, #tpu.memory_space<vmem>> -> memref<80xi32, #tpu.memory_space<vmem>>
    %dma_start3A_382 = tpu.memref_slice %arg3[%add3A_346] : memref<320000xi32, #tpu.memory_space<hbm>> -> memref<80xi32, #tpu.memory_space<hbm>>
    tpu.enqueue_dma source(%dma_start3A_382 : memref<80xi32, #tpu.memory_space<hbm>>) target(%dma_start3A_381 : memref<80xi32, #tpu.memory_space<vmem>>) target_semaphore(%arg29 : memref<!tpu.dma_semaphore, #tpu.memory_space<semaphore_mem>>)
    %dma_start3A_383 = arith.constant 0 : i32
    %dma_start3A_384 = tpu.memref_slice %arg4[%select_n3A_370, %dma_start3A_383] : memref<40000x128xf32, #tpu.memory_space<hbm>> -> memref<10x128xf32, #tpu.memory_space<hbm>>
    %dma_start3A_385 = arith.constant 0 : i32
    %dma_start3A_386 = tpu.memref_slice %arg4[%select_n3A_370, %dma_start3A_385] : memref<40000x128xf32, #tpu.memory_space<hbm>> -> memref<10x128xf32, #tpu.memory_space<hbm>>
    tpu.enqueue_dma source(%dma_start3A_386 : memref<10x128xf32, #tpu.memory_space<hbm>>) target(%arg17 : memref<10x128xf32, #tpu.memory_space<vmem>>) target_semaphore(%arg29 : memref<!tpu.dma_semaphore, #tpu.memory_space<semaphore_mem>>)
    %scan3A_387 = arith.constant 0 : i32
    %scan3A_388 = arith.constant 62 : i32
    %scan3A_389 = arith.addi %scan3A_387, %scan3A_388 : i32
    %scan3A_390 = arith.constant 1 : i32
    %scan3A_391 = scf.for %scan3A_523 = %scan3A_387 to %scan3A_389 step %scan3A_390 iter_args(%scan3A_524 = %scan3A_208) -> (vector<16xf32>)  : i32 {
      %mul3A_525 = arith.constant 2 : i32
      %mul3A_526 = arith.muli %mul3A_525, %scan3A_523 : i32
      %add3A_527 = arith.constant 1 : i32
      %add3A_528 = arith.addi %mul3A_526, %add3A_527 : i32
      %dma_wait3A_529 = arith.constant 0 : i32
      %dma_wait3A_530 = tpu.memref_slice %arg12[%dma_wait3A_529] : memref<96xi32, #tpu.memory_space<vmem>> -> memref<80xi32, #tpu.memory_space<vmem>>
      %dma_wait3A_531 = arith.constant 0 : i32
      %dma_wait3A_532 = arith.constant 0 : i32
      %dma_wait3A_533 = tpu.memref_slice %arg5[%dma_wait3A_531, %dma_wait3A_532] : memref<10000x16xf32, #tpu.memory_space<hbm>> -> memref<10000x16xf32, #tpu.memory_space<hbm>>
      tpu.wait_indirect_dma semaphore(%arg32 : memref<!tpu.dma_semaphore, #tpu.memory_space<semaphore_mem>>) src(%dma_wait3A_533 : memref<10000x16xf32, #tpu.memory_space<hbm>>) dst(%arg20 : memref<80x16xf32, #tpu.memory_space<vmem>>)
      %dma_wait3A_534 = arith.constant 0 : i32
      %dma_wait3A_535 = tpu.memref_slice %arg14[%dma_wait3A_534] : memref<96xi32, #tpu.memory_space<vmem>> -> memref<80xi32, #tpu.memory_space<vmem>>
      %dma_wait3A_536 = arith.constant 0 : i32
      %dma_wait3A_537 = arith.constant 0 : i32
      %dma_wait3A_538 = tpu.memref_slice %arg6[%dma_wait3A_536, %dma_wait3A_537] : memref<10000x16xf32, #tpu.memory_space<hbm>> -> memref<10000x16xf32, #tpu.memory_space<hbm>>
      tpu.wait_indirect_dma semaphore(%arg32 : memref<!tpu.dma_semaphore, #tpu.memory_space<semaphore_mem>>) src(%dma_wait3A_538 : memref<10000x16xf32, #tpu.memory_space<hbm>>) dst(%arg22 : memref<80x16xf32, #tpu.memory_space<vmem>>)
      %dma_wait3A_539 = arith.constant 0 : i32
      %dma_wait3A_540 = tpu.memref_slice %arg12[%dma_wait3A_539] : memref<96xi32, #tpu.memory_space<vmem>> -> memref<80xi32, #tpu.memory_space<vmem>>
      %dma_wait3A_541 = arith.constant 0 : i32
      %dma_wait3A_542 = arith.constant 0 : i32
      %dma_wait3A_543 = tpu.memref_slice %arg7[%dma_wait3A_541, %dma_wait3A_542] : memref<10000x128xf32, #tpu.memory_space<hbm>> -> memref<10000x128xf32, #tpu.memory_space<hbm>>
      tpu.wait_indirect_dma semaphore(%arg32 : memref<!tpu.dma_semaphore, #tpu.memory_space<semaphore_mem>>) src(%dma_wait3A_543 : memref<10000x128xf32, #tpu.memory_space<hbm>>) dst(%arg24 : memref<80x128xf32, #tpu.memory_space<vmem>>)
      %scan3A_544 = arith.constant 0 : i32
      %scan3A_545 = arith.constant 80 : i32
      %scan3A_546 = arith.addi %scan3A_544, %scan3A_545 : i32
      %scan3A_547 = arith.constant 4 : i32
      %scan3A_548 = scf.for %scan3A_814 = %scan3A_544 to %scan3A_546 step %scan3A_547 iter_args(%scan3A_815 = %scan3A_524) -> (vector<16xf32>)  : i32 {
        %get3A_816 = arith.index_cast %scan3A_814 : i32 to index
        %get3A_817 = arith.constant 0 : index
        %get3A_818 = tpu.vector_load %arg20[%get3A_816, %get3A_817] {strides = array<i32>} : memref<80x16xf32, #tpu.memory_space<vmem>>, vector<1x16xf32>,
        %get3A_819 = vector.shape_cast %get3A_818 : vector<1x16xf32> to vector<16xf32>
        %get3A_820 = arith.index_cast %scan3A_814 : i32 to index
        %get3A_821 = arith.constant 0 : index
        %get3A_822 = tpu.vector_load %arg22[%get3A_820, %get3A_821] {strides = array<i32>} : memref<80x16xf32, #tpu.memory_space<vmem>>, vector<1x16xf32>,
        %get3A_823 = vector.shape_cast %get3A_822 : vector<1x16xf32> to vector<16xf32>
        %shift_right_logical3A = arith.constant 3 : i32
        %shift_right_logical3A_824 = arith.shrui %scan3A_814, %shift_right_logical3A : i32
        %and3A_825 = arith.constant 7 : i32
        %and3A_826 = arith.andi %scan3A_814, %and3A_825 : i32
        %mul3A_827 = arith.constant 16 : i32
        %mul3A_828 = arith.muli %and3A_826, %mul3A_827 : i32
        %get3A_829 = arith.index_cast %shift_right_logical3A_824 : i32 to index
        %get3A_830 = arith.index_cast %mul3A_828 : i32 to index
        %get3A_831 = tpu.vector_load %arg18[%get3A_829, %get3A_830] {strides = array<i32>} : memref<10x128xf32, #tpu.memory_space<vmem>>, vector<1x16xf32>,
        %get3A_832 = vector.shape_cast %get3A_831 : vector<1x16xf32> to vector<16xf32>
        %add3A_833 = arith.addf %get3A_819, %get3A_823 : vector<16xf32>
        %add3A_834 = arith.addf %add3A_833, %get3A_832 : vector<16xf32>
        %mul3A_835 = arith.mulf %broadcast_in_dim3A_5, %add3A_834 : vector<16xf32>
        %max3A_836 = arith.maximumf %add3A_834, %mul3A_835 : vector<16xf32>
        %exp3A = math.exp %max3A_836 : vector<16xf32>
        %swap3A_837 = arith.index_cast %scan3A_814 : i32 to index
        %swap3A_838 = arith.constant 0 : index
        %swap3A_839 = tpu.vector_load %arg26[%swap3A_837, %swap3A_838] {strides = array<i32>} : memref<80x16xf32, #tpu.memory_space<vmem>>, vector<1x16xf32>,
        %swap3A_840 = vector.shape_cast %swap3A_839 : vector<1x16xf32> to vector<16xf32>
        %swap3A_841 = vector.shape_cast %exp3A : vector<16xf32> to vector<1x16xf32>
        tpu.vector_store %arg26[%swap3A_837, %swap3A_838], %swap3A_841 {strides = array<i32>} : memref<80x16xf32, #tpu.memory_space<vmem>>, vector<1x16xf32>,
        %get3A_842 = arith.index_cast %scan3A_814 : i32 to index
        %get3A_843 = tpu.vector_load %arg12[%get3A_842] {strides = array<i32>} : memref<96xi32, #tpu.memory_space<vmem>>, vector<16xi32>,
        %get3A_844 = vector.shape_cast %get3A_843 : vector<16xi32> to vector<16xi32>
        %get3A_845 = arith.index_cast %scan3A_814 : i32 to index
        %get3A_846 = tpu.vector_load %arg14[%get3A_845] {strides = array<i32>} : memref<96xi32, #tpu.memory_space<vmem>>, vector<16xi32>,
        %get3A_847 = vector.shape_cast %get3A_846 : vector<16xi32> to vector<16xi32>
        %slice3A = vector.extract_strided_slice %get3A_844 {offsets = [0], sizes = [1], strides = [1]} : vector<16xi32> to vector<1xi32>
        %squeeze3A = vector.extract %slice3A[0] : i32 from vector<1xi32>
        %eq3A = arith.constant 6 : i32
        %eq3A_848 = arith.cmpi eq, %squeeze3A, %eq3A : i32
        %slice3A_849 = vector.extract_strided_slice %get3A_847 {offsets = [0], sizes = [1], strides = [1]} : vector<16xi32> to vector<1xi32>
        %squeeze3A_850 = vector.extract %slice3A_849[0] : i32 from vector<1xi32>
        %eq3A_851 = arith.constant 6 : i32
        %eq3A_852 = arith.cmpi eq, %squeeze3A_850, %eq3A_851 : i32
        %and3A_853 = arith.andi %eq3A_848, %eq3A_852 : i1
        %jit3A_854 = arith.constant 1.000000e+00 : f32
        %jit3A_855 = arith.constant 0.000000e+00 : f32
        %select_n3A_856 = arith.select %and3A_853, %jit3A_854, %jit3A_855 : f32
        %mul3A_857 = arith.mulf %exp3A, %max3A : vector<16xf32>
        %broadcast_in_dim3A_858 = vector.broadcast %select_n3A_856 : f32 to vector<16xf32>
        %mul3A_859 = arith.mulf %mul3A_857, %broadcast_in_dim3A_858 : vector<16xf32>
        %add3A_860 = arith.addf %scan3A_815, %mul3A_859 : vector<16xf32>
        %scan3A_861 = arith.constant 1 : i32
        %scan3A_862 = arith.addi %scan3A_814, %scan3A_861 : i32
        %get3A_863 = arith.index_cast %scan3A_862 : i32 to index
        %get3A_864 = arith.constant 0 : index
        %get3A_865 = tpu.vector_load %arg20[%get3A_863, %get3A_864] {strides = array<i32>} : memref<80x16xf32, #tpu.memory_space<vmem>>, vector<1x16xf32>,
        %get3A_866 = vector.shape_cast %get3A_865 : vector<1x16xf32> to vector<16xf32>
        %get3A_867 = arith.index_cast %scan3A_862 : i32 to index
        %get3A_868 = arith.constant 0 : index
        %get3A_869 = tpu.vector_load %arg22[%get3A_867, %get3A_868] {strides = array<i32>} : memref<80x16xf32, #tpu.memory_space<vmem>>, vector<1x16xf32>,
        %get3A_870 = vector.shape_cast %get3A_869 : vector<1x16xf32> to vector<16xf32>
        %shift_right_logical3A_871 = arith.constant 3 : i32
        %shift_right_logical3A_872 = arith.shrui %scan3A_862, %shift_right_logical3A_871 : i32
        %and3A_873 = arith.constant 7 : i32
        %and3A_874 = arith.andi %scan3A_862, %and3A_873 : i32
        %mul3A_875 = arith.constant 16 : i32
        %mul3A_876 = arith.muli %and3A_874, %mul3A_875 : i32
        %get3A_877 = arith.index_cast %shift_right_logical3A_872 : i32 to index
        %get3A_878 = arith.index_cast %mul3A_876 : i32 to index
        %get3A_879 = tpu.vector_load %arg18[%get3A_877, %get3A_878] {strides = array<i32>} : memref<10x128xf32, #tpu.memory_space<vmem>>, vector<1x16xf32>,
        %get3A_880 = vector.shape_cast %get3A_879 : vector<1x16xf32> to vector<16xf32>
        %add3A_881 = arith.addf %get3A_866, %get3A_870 : vector<16xf32>
        %add3A_882 = arith.addf %add3A_881, %get3A_880 : vector<16xf32>
        %mul3A_883 = arith.mulf %broadcast_in_dim3A_5, %add3A_882 : vector<16xf32>
        %max3A_884 = arith.maximumf %add3A_882, %mul3A_883 : vector<16xf32>
        %exp3A_885 = math.exp %max3A_884 : vector<16xf32>
        %swap3A_886 = arith.index_cast %scan3A_862 : i32 to index
        %swap3A_887 = arith.constant 0 : index
        %swap3A_888 = tpu.vector_load %arg26[%swap3A_886, %swap3A_887] {strides = array<i32>} : memref<80x16xf32, #tpu.memory_space<vmem>>, vector<1x16xf32>,
        %swap3A_889 = vector.shape_cast %swap3A_888 : vector<1x16xf32> to vector<16xf32>
        %swap3A_890 = vector.shape_cast %exp3A_885 : vector<16xf32> to vector<1x16xf32>
        tpu.vector_store %arg26[%swap3A_886, %swap3A_887], %swap3A_890 {strides = array<i32>} : memref<80x16xf32, #tpu.memory_space<vmem>>, vector<1x16xf32>,
        %get3A_891 = arith.index_cast %scan3A_862 : i32 to index
        %get3A_892 = tpu.vector_load %arg12[%get3A_891] {strides = array<i32>} : memref<96xi32, #tpu.memory_space<vmem>>, vector<16xi32>,
        %get3A_893 = vector.shape_cast %get3A_892 : vector<16xi32> to vector<16xi32>
        %get3A_894 = arith.index_cast %scan3A_862 : i32 to index
        %get3A_895 = tpu.vector_load %arg14[%get3A_894] {strides = array<i32>} : memref<96xi32, #tpu.memory_space<vmem>>, vector<16xi32>,
        %get3A_896 = vector.shape_cast %get3A_895 : vector<16xi32> to vector<16xi32>
        %slice3A_897 = vector.extract_strided_slice %get3A_893 {offsets = [0], sizes = [1], strides = [1]} : vector<16xi32> to vector<1xi32>
        %squeeze3A_898 = vector.extract %slice3A_897[0] : i32 from vector<1xi32>
        %eq3A_899 = arith.constant 6 : i32
        %eq3A_900 = arith.cmpi eq, %squeeze3A_898, %eq3A_899 : i32
        %slice3A_901 = vector.extract_strided_slice %get3A_896 {offsets = [0], sizes = [1], strides = [1]} : vector<16xi32> to vector<1xi32>
        %squeeze3A_902 = vector.extract %slice3A_901[0] : i32 from vector<1xi32>
        %eq3A_903 = arith.constant 6 : i32
        %eq3A_904 = arith.cmpi eq, %squeeze3A_902, %eq3A_903 : i32
        %and3A_905 = arith.andi %eq3A_900, %eq3A_904 : i1
        %jit3A_906 = arith.constant 1.000000e+00 : f32
        %jit3A_907 = arith.constant 0.000000e+00 : f32
        %select_n3A_908 = arith.select %and3A_905, %jit3A_906, %jit3A_907 : f32
        %mul3A_909 = arith.mulf %exp3A_885, %max3A : vector<16xf32>
        %broadcast_in_dim3A_910 = vector.broadcast %select_n3A_908 : f32 to vector<16xf32>
        %mul3A_911 = arith.mulf %mul3A_909, %broadcast_in_dim3A_910 : vector<16xf32>
        %add3A_912 = arith.addf %add3A_860, %mul3A_911 : vector<16xf32>
        %scan3A_913 = arith.constant 2 : i32
        %scan3A_914 = arith.addi %scan3A_814, %scan3A_913 : i32
        %get3A_915 = arith.index_cast %scan3A_914 : i32 to index
        %get3A_916 = arith.constant 0 : index
        %get3A_917 = tpu.vector_load %arg20[%get3A_915, %get3A_916] {strides = array<i32>} : memref<80x16xf32, #tpu.memory_space<vmem>>, vector<1x16xf32>,
        %get3A_918 = vector.shape_cast %get3A_917 : vector<1x16xf32> to vector<16xf32>
        %get3A_919 = arith.index_cast %scan3A_914 : i32 to index
        %get3A_920 = arith.constant 0 : index
        %get3A_921 = tpu.vector_load %arg22[%get3A_919, %get3A_920] {strides = array<i32>} : memref<80x16xf32, #tpu.memory_space<vmem>>, vector<1x16xf32>,
        %get3A_922 = vector.shape_cast %get3A_921 : vector<1x16xf32> to vector<16xf32>
        %shift_right_logical3A_923 = arith.constant 3 : i32
        %shift_right_logical3A_924 = arith.shrui %scan3A_914, %shift_right_logical3A_923 : i32
        %and3A_925 = arith.constant 7 : i32
        %and3A_926 = arith.andi %scan3A_914, %and3A_925 : i32
        %mul3A_927 = arith.constant 16 : i32
        %mul3A_928 = arith.muli %and3A_926, %mul3A_927 : i32
        %get3A_929 = arith.index_cast %shift_right_logical3A_924 : i32 to index
        %get3A_930 = arith.index_cast %mul3A_928 : i32 to index
        %get3A_931 = tpu.vector_load %arg18[%get3A_929, %get3A_930] {strides = array<i32>} : memref<10x128xf32, #tpu.memory_space<vmem>>, vector<1x16xf32>,
        %get3A_932 = vector.shape_cast %get3A_931 : vector<1x16xf32> to vector<16xf32>
        %add3A_933 = arith.addf %get3A_918, %get3A_922 : vector<16xf32>
        %add3A_934 = arith.addf %add3A_933, %get3A_932 : vector<16xf32>
        %mul3A_935 = arith.mulf %broadcast_in_dim3A_5, %add3A_934 : vector<16xf32>
        %max3A_936 = arith.maximumf %add3A_934, %mul3A_935 : vector<16xf32>
        %exp3A_937 = math.exp %max3A_936 : vector<16xf32>
        %swap3A_938 = arith.index_cast %scan3A_914 : i32 to index
        %swap3A_939 = arith.constant 0 : index
        %swap3A_940 = tpu.vector_load %arg26[%swap3A_938, %swap3A_939] {strides = array<i32>} : memref<80x16xf32, #tpu.memory_space<vmem>>, vector<1x16xf32>,
        %swap3A_941 = vector.shape_cast %swap3A_940 : vector<1x16xf32> to vector<16xf32>
        %swap3A_942 = vector.shape_cast %exp3A_937 : vector<16xf32> to vector<1x16xf32>
        tpu.vector_store %arg26[%swap3A_938, %swap3A_939], %swap3A_942 {strides = array<i32>} : memref<80x16xf32, #tpu.memory_space<vmem>>, vector<1x16xf32>,
        %get3A_943 = arith.index_cast %scan3A_914 : i32 to index
        %get3A_944 = tpu.vector_load %arg12[%get3A_943] {strides = array<i32>} : memref<96xi32, #tpu.memory_space<vmem>>, vector<16xi32>,
        %get3A_945 = vector.shape_cast %get3A_944 : vector<16xi32> to vector<16xi32>
        %get3A_946 = arith.index_cast %scan3A_914 : i32 to index
        %get3A_947 = tpu.vector_load %arg14[%get3A_946] {strides = array<i32>} : memref<96xi32, #tpu.memory_space<vmem>>, vector<16xi32>,
        %get3A_948 = vector.shape_cast %get3A_947 : vector<16xi32> to vector<16xi32>
        %slice3A_949 = vector.extract_strided_slice %get3A_945 {offsets = [0], sizes = [1], strides = [1]} : vector<16xi32> to vector<1xi32>
        %squeeze3A_950 = vector.extract %slice3A_949[0] : i32 from vector<1xi32>
        %eq3A_951 = arith.constant 6 : i32
        %eq3A_952 = arith.cmpi eq, %squeeze3A_950, %eq3A_951 : i32
        %slice3A_953 = vector.extract_strided_slice %get3A_948 {offsets = [0], sizes = [1], strides = [1]} : vector<16xi32> to vector<1xi32>
        %squeeze3A_954 = vector.extract %slice3A_953[0] : i32 from vector<1xi32>
        %eq3A_955 = arith.constant 6 : i32
        %eq3A_956 = arith.cmpi eq, %squeeze3A_954, %eq3A_955 : i32
        %and3A_957 = arith.andi %eq3A_952, %eq3A_956 : i1
        %jit3A_958 = arith.constant 1.000000e+00 : f32
        %jit3A_959 = arith.constant 0.000000e+00 : f32
        %select_n3A_960 = arith.select %and3A_957, %jit3A_958, %jit3A_959 : f32
        %mul3A_961 = arith.mulf %exp3A_937, %max3A : vector<16xf32>
        %broadcast_in_dim3A_962 = vector.broadcast %select_n3A_960 : f32 to vector<16xf32>
        %mul3A_963 = arith.mulf %mul3A_961, %broadcast_in_dim3A_962 : vector<16xf32>
        %add3A_964 = arith.addf %add3A_912, %mul3A_963 : vector<16xf32>
        %scan3A_965 = arith.constant 3 : i32
        %scan3A_966 = arith.addi %scan3A_814, %scan3A_965 : i32
        %get3A_967 = arith.index_cast %scan3A_966 : i32 to index
        %get3A_968 = arith.constant 0 : index
        %get3A_969 = tpu.vector_load %arg20[%get3A_967, %get3A_968] {strides = array<i32>} : memref<80x16xf32, #tpu.memory_space<vmem>>, vector<1x16xf32>,
        %get3A_970 = vector.shape_cast %get3A_969 : vector<1x16xf32> to vector<16xf32>
        %get3A_971 = arith.index_cast %scan3A_966 : i32 to index
        %get3A_972 = arith.constant 0 : index
        %get3A_973 = tpu.vector_load %arg22[%get3A_971, %get3A_972] {strides = array<i32>} : memref<80x16xf32, #tpu.memory_space<vmem>>, vector<1x16xf32>,
        %get3A_974 = vector.shape_cast %get3A_973 : vector<1x16xf32> to vector<16xf32>
        %shift_right_logical3A_975 = arith.constant 3 : i32
        %shift_right_logical3A_976 = arith.shrui %scan3A_966, %shift_right_logical3A_975 : i32
        %and3A_977 = arith.constant 7 : i32
        %and3A_978 = arith.andi %scan3A_966, %and3A_977 : i32
        %mul3A_979 = arith.constant 16 : i32
        %mul3A_980 = arith.muli %and3A_978, %mul3A_979 : i32
        %get3A_981 = arith.index_cast %shift_right_logical3A_976 : i32 to index
        %get3A_982 = arith.index_cast %mul3A_980 : i32 to index
        %get3A_983 = tpu.vector_load %arg18[%get3A_981, %get3A_982] {strides = array<i32>} : memref<10x128xf32, #tpu.memory_space<vmem>>, vector<1x16xf32>,
        %get3A_984 = vector.shape_cast %get3A_983 : vector<1x16xf32> to vector<16xf32>
        %add3A_985 = arith.addf %get3A_970, %get3A_974 : vector<16xf32>
        %add3A_986 = arith.addf %add3A_985, %get3A_984 : vector<16xf32>
        %mul3A_987 = arith.mulf %broadcast_in_dim3A_5, %add3A_986 : vector<16xf32>
        %max3A_988 = arith.maximumf %add3A_986, %mul3A_987 : vector<16xf32>
        %exp3A_989 = math.exp %max3A_988 : vector<16xf32>
        %swap3A_990 = arith.index_cast %scan3A_966 : i32 to index
        %swap3A_991 = arith.constant 0 : index
        %swap3A_992 = tpu.vector_load %arg26[%swap3A_990, %swap3A_991] {strides = array<i32>} : memref<80x16xf32, #tpu.memory_space<vmem>>, vector<1x16xf32>,
        %swap3A_993 = vector.shape_cast %swap3A_992 : vector<1x16xf32> to vector<16xf32>
        %swap3A_994 = vector.shape_cast %exp3A_989 : vector<16xf32> to vector<1x16xf32>
        tpu.vector_store %arg26[%swap3A_990, %swap3A_991], %swap3A_994 {strides = array<i32>} : memref<80x16xf32, #tpu.memory_space<vmem>>, vector<1x16xf32>,
        %get3A_995 = arith.index_cast %scan3A_966 : i32 to index
        %get3A_996 = tpu.vector_load %arg12[%get3A_995] {strides = array<i32>} : memref<96xi32, #tpu.memory_space<vmem>>, vector<16xi32>,
        %get3A_997 = vector.shape_cast %get3A_996 : vector<16xi32> to vector<16xi32>
        %get3A_998 = arith.index_cast %scan3A_966 : i32 to index
        %get3A_999 = tpu.vector_load %arg14[%get3A_998] {strides = array<i32>} : memref<96xi32, #tpu.memory_space<vmem>>, vector<16xi32>,
        %get3A_1000 = vector.shape_cast %get3A_999 : vector<16xi32> to vector<16xi32>
        %slice3A_1001 = vector.extract_strided_slice %get3A_997 {offsets = [0], sizes = [1], strides = [1]} : vector<16xi32> to vector<1xi32>
        %squeeze3A_1002 = vector.extract %slice3A_1001[0] : i32 from vector<1xi32>
        %eq3A_1003 = arith.constant 6 : i32
        %eq3A_1004 = arith.cmpi eq, %squeeze3A_1002, %eq3A_1003 : i32
        %slice3A_1005 = vector.extract_strided_slice %get3A_1000 {offsets = [0], sizes = [1], strides = [1]} : vector<16xi32> to vector<1xi32>
        %squeeze3A_1006 = vector.extract %slice3A_1005[0] : i32 from vector<1xi32>
        %eq3A_1007 = arith.constant 6 : i32
        %eq3A_1008 = arith.cmpi eq, %squeeze3A_1006, %eq3A_1007 : i32
        %and3A_1009 = arith.andi %eq3A_1004, %eq3A_1008 : i1
        %jit3A_1010 = arith.constant 1.000000e+00 : f32
        %jit3A_1011 = arith.constant 0.000000e+00 : f32
        %select_n3A_1012 = arith.select %and3A_1009, %jit3A_1010, %jit3A_1011 : f32
        %mul3A_1013 = arith.mulf %exp3A_989, %max3A : vector<16xf32>
        %broadcast_in_dim3A_1014 = vector.broadcast %select_n3A_1012 : f32 to vector<16xf32>
        %mul3A_1015 = arith.mulf %mul3A_1013, %broadcast_in_dim3A_1014 : vector<16xf32>
        %add3A_1016 = arith.addf %add3A_964, %mul3A_1015 : vector<16xf32>
        scf.yield %add3A_1016 : vector<16xf32>
      }
      %scan3A_549 = arith.constant 80 : i32
      %add3A_550 = arith.constant 1 : i32
      %add3A_551 = arith.addi %add3A_528, %add3A_550 : i32
      %mul3A_552 = arith.constant 80 : i32
      %mul3A_553 = arith.muli %add3A_551, %mul3A_552 : i32
      %add3A_554 = arith.addi %mul3A_2, %mul3A_553 : i32
      %jit3A_555 = arith.constant 8 : i32
      %div3A_556 = arith.divsi %add3A_554, %jit3A_555 : i32
      %sign3A_557 = arith.constant 0 : i32
      %sign3A_558 = arith.cmpi sgt, %add3A_554, %sign3A_557 : i32
      %sign3A_559 = arith.extui %sign3A_558 : i1 to i32
      %sign3A_560 = arith.constant 0 : i32
      %sign3A_561 = arith.cmpi slt, %add3A_554, %sign3A_560 : i32
      %sign3A_562 = arith.extui %sign3A_561 : i1 to i32
      %sign3A_563 = arith.subi %sign3A_559, %sign3A_562 : i32
      %sign3A_564 = arith.constant 0 : i32
      %sign3A_565 = arith.cmpi sgt, %jit3A_555, %sign3A_564 : i32
      %sign3A_566 = arith.extui %sign3A_565 : i1 to i32
      %sign3A_567 = arith.constant 0 : i32
      %sign3A_568 = arith.cmpi slt, %jit3A_555, %sign3A_567 : i32
      %sign3A_569 = arith.extui %sign3A_568 : i1 to i32
      %sign3A_570 = arith.subi %sign3A_566, %sign3A_569 : i32
      %ne3A_571 = arith.cmpi ne, %sign3A_563, %sign3A_570 : i32
      %rem3A_572 = arith.remsi %add3A_554, %jit3A_555 : i32
      %ne3A_573 = arith.constant 0 : i32
      %ne3A_574 = arith.cmpi ne, %rem3A_572, %ne3A_573 : i32
      %and3A_575 = arith.andi %ne3A_571, %ne3A_574 : i1
      %sub3A_576 = arith.constant 1 : i32
      %sub3A_577 = arith.subi %div3A_556, %sub3A_576 : i32
      %select_n3A_578 = arith.select %and3A_575, %sub3A_577, %div3A_556 : i32
      %dma_wait3A_579 = arith.constant 0 : i32
      %dma_wait3A_580 = tpu.memref_slice %arg11[%dma_wait3A_579] : memref<96xi32, #tpu.memory_space<vmem>> -> memref<80xi32, #tpu.memory_space<vmem>>
      %dma_wait3A_581 = tpu.memref_slice %arg2[%add3A_554] : memref<320000xi32, #tpu.memory_space<hbm>> -> memref<80xi32, #tpu.memory_space<hbm>>
      %dma_wait3A_582 = arith.constant 0 : i32
      %dma_wait3A_583 = tpu.memref_slice %arg11[%dma_wait3A_582] : memref<96xi32, #tpu.memory_space<vmem>> -> memref<80xi32, #tpu.memory_space<vmem>>
      %dma_wait3A_584 = tpu.memref_slice %arg2[%add3A_554] : memref<320000xi32, #tpu.memory_space<hbm>> -> memref<80xi32, #tpu.memory_space<hbm>>
      tpu.wait_dma2 semaphore(%arg29 : memref<!tpu.dma_semaphore, #tpu.memory_space<semaphore_mem>>) src(%dma_wait3A_584 : memref<80xi32, #tpu.memory_space<hbm>>) dst(%dma_wait3A_583 : memref<80xi32, #tpu.memory_space<vmem>>)
      %dma_wait3A_585 = arith.constant 0 : i32
      %dma_wait3A_586 = tpu.memref_slice %arg13[%dma_wait3A_585] : memref<96xi32, #tpu.memory_space<vmem>> -> memref<80xi32, #tpu.memory_space<vmem>>
      %dma_wait3A_587 = tpu.memref_slice %arg3[%add3A_554] : memref<320000xi32, #tpu.memory_space<hbm>> -> memref<80xi32, #tpu.memory_space<hbm>>
      %dma_wait3A_588 = arith.constant 0 : i32
      %dma_wait3A_589 = tpu.memref_slice %arg13[%dma_wait3A_588] : memref<96xi32, #tpu.memory_space<vmem>> -> memref<80xi32, #tpu.memory_space<vmem>>
      %dma_wait3A_590 = tpu.memref_slice %arg3[%add3A_554] : memref<320000xi32, #tpu.memory_space<hbm>> -> memref<80xi32, #tpu.memory_space<hbm>>
      tpu.wait_dma2 semaphore(%arg29 : memref<!tpu.dma_semaphore, #tpu.memory_space<semaphore_mem>>) src(%dma_wait3A_590 : memref<80xi32, #tpu.memory_space<hbm>>) dst(%dma_wait3A_589 : memref<80xi32, #tpu.memory_space<vmem>>)
      %dma_wait3A_591 = arith.constant 0 : i32
      %dma_wait3A_592 = tpu.memref_slice %arg4[%select_n3A_578, %dma_wait3A_591] : memref<40000x128xf32, #tpu.memory_space<hbm>> -> memref<10x128xf32, #tpu.memory_space<hbm>>
      %dma_wait3A_593 = arith.constant 0 : i32
      %dma_wait3A_594 = tpu.memref_slice %arg4[%select_n3A_578, %dma_wait3A_593] : memref<40000x128xf32, #tpu.memory_space<hbm>> -> memref<10x128xf32, #tpu.memory_space<hbm>>
      tpu.wait_dma2 semaphore(%arg29 : memref<!tpu.dma_semaphore, #tpu.memory_space<semaphore_mem>>) src(%dma_wait3A_594 : memref<10x128xf32, #tpu.memory_space<hbm>>) dst(%arg17 : memref<10x128xf32, #tpu.memory_space<vmem>>)
      %dma_wait3A_595 = arith.constant 0 : i32
      %dma_wait3A_596 = arith.constant 0 : i32
      %dma_wait3A_597 = tpu.memref_slice %arg28[%dma_wait3A_595, %dma_wait3A_596] : memref<10000x16xf32, #tpu.memory_space<vmem_shared>> -> memref<10000x16xf32, #tpu.memory_space<vmem_shared>>
      tpu.wait_indirect_dma semaphore(%arg33 : memref<!tpu.dma_semaphore, #tpu.memory_space<semaphore_mem>>) src(%arg25 : memref<80x16xf32, #tpu.memory_space<vmem>>) dst(%dma_wait3A_597 : memref<10000x16xf32, #tpu.memory_space<vmem_shared>>)
      %dma_wait3A_598 = arith.constant 0 : i32
      %dma_wait3A_599 = arith.constant 0 : i32
      %dma_wait3A_600 = tpu.memref_slice %arg27[%dma_wait3A_598, %dma_wait3A_599] : memref<10000x128xf32, #tpu.memory_space<vmem_shared>> -> memref<10000x128xf32, #tpu.memory_space<vmem_shared>>
      tpu.wait_indirect_dma semaphore(%arg33 : memref<!tpu.dma_semaphore, #tpu.memory_space<semaphore_mem>>) src(%arg23 : memref<80x128xf32, #tpu.memory_space<vmem>>) dst(%dma_wait3A_600 : memref<10000x128xf32, #tpu.memory_space<vmem_shared>>)
      %dma_start3A_601 = arith.constant 0 : i32
      %dma_start3A_602 = tpu.memref_slice %arg11[%dma_start3A_601] : memref<96xi32, #tpu.memory_space<vmem>> -> memref<80xi32, #tpu.memory_space<vmem>>
      %dma_start3A_603 = arith.constant 0 : i32
      %dma_start3A_604 = arith.constant 0 : i32
      %dma_start3A_605 = tpu.memref_slice %arg5[%dma_start3A_603, %dma_start3A_604] : memref<10000x16xf32, #tpu.memory_space<hbm>> -> memref<10000x16xf32, #tpu.memory_space<hbm>>
      tpu.enqueue_indirect_dma source(%dma_start3A_605 : memref<10000x16xf32, #tpu.memory_space<hbm>>) target(%arg19 : memref<80x16xf32, #tpu.memory_space<vmem>>) offsets(%dma_start3A_602 : memref<80xi32, #tpu.memory_space<vmem>>) semaphore(%arg31 : memref<!tpu.dma_semaphore, #tpu.memory_space<semaphore_mem>>)
      %dma_start3A_606 = arith.constant 0 : i32
      %dma_start3A_607 = tpu.memref_slice %arg13[%dma_start3A_606] : memref<96xi32, #tpu.memory_space<vmem>> -> memref<80xi32, #tpu.memory_space<vmem>>
      %dma_start3A_608 = arith.constant 0 : i32
      %dma_start3A_609 = arith.constant 0 : i32
      %dma_start3A_610 = tpu.memref_slice %arg6[%dma_start3A_608, %dma_start3A_609] : memref<10000x16xf32, #tpu.memory_space<hbm>> -> memref<10000x16xf32, #tpu.memory_space<hbm>>
      tpu.enqueue_indirect_dma source(%dma_start3A_610 : memref<10000x16xf32, #tpu.memory_space<hbm>>) target(%arg21 : memref<80x16xf32, #tpu.memory_space<vmem>>) offsets(%dma_start3A_607 : memref<80xi32, #tpu.memory_space<vmem>>) semaphore(%arg31 : memref<!tpu.dma_semaphore, #tpu.memory_space<semaphore_mem>>)
      %dma_start3A_611 = arith.constant 0 : i32
      %dma_start3A_612 = tpu.memref_slice %arg11[%dma_start3A_611] : memref<96xi32, #tpu.memory_space<vmem>> -> memref<80xi32, #tpu.memory_space<vmem>>
      %dma_start3A_613 = arith.constant 0 : i32
      %dma_start3A_614 = arith.constant 0 : i32
      %dma_start3A_615 = tpu.memref_slice %arg7[%dma_start3A_613, %dma_start3A_614] : memref<10000x128xf32, #tpu.memory_space<hbm>> -> memref<10000x128xf32, #tpu.memory_space<hbm>>
      tpu.enqueue_indirect_dma source(%dma_start3A_615 : memref<10000x128xf32, #tpu.memory_space<hbm>>) target(%arg23 : memref<80x128xf32, #tpu.memory_space<vmem>>) offsets(%dma_start3A_612 : memref<80xi32, #tpu.memory_space<vmem>>) semaphore(%arg31 : memref<!tpu.dma_semaphore, #tpu.memory_space<semaphore_mem>>)
      %scan3A_616 = arith.constant 0 : i32
      %scan3A_617 = arith.constant 0 : i32
      %scan3A_618 = arith.constant 80 : i32
      %scan3A_619 = arith.addi %scan3A_617, %scan3A_618 : i32
      %scan3A_620 = arith.constant 2 : i32
      %scan3A_621 = scf.for %scan3A_814 = %scan3A_617 to %scan3A_619 step %scan3A_620 iter_args(%scan3A_815 = %scan3A_616) -> (i32)  : i32 {
        %get3A_816 = arith.index_cast %scan3A_814 : i32 to index
        %get3A_817 = arith.constant 0 : index
        %get3A_818 = tpu.vector_load %arg26[%get3A_816, %get3A_817] {strides = array<i32>} : memref<80x16xf32, #tpu.memory_space<vmem>>, vector<1x16xf32>,
        %get3A_819 = vector.shape_cast %get3A_818 : vector<1x16xf32> to vector<16xf32>
        %broadcast_in_dim3A_820 = arith.constant 0 : i32
        %broadcast_in_dim3A_821 = vector.broadcast %broadcast_in_dim3A_820 : i32 to vector<16xi32>
        %lt3A_822 = arith.constant 0 : i32
        %lt3A_823 = vector.broadcast %lt3A_822 : i32 to vector<16xi32>
        %lt3A_824 = arith.cmpi slt, %broadcast_in_dim3A_821, %lt3A_823 : vector<16xi32>
        %add3A_825 = arith.constant 16 : i32
        %add3A_826 = vector.broadcast %add3A_825 : i32 to vector<16xi32>
        %add3A_827 = arith.addi %broadcast_in_dim3A_821, %add3A_826 : vector<16xi32>
        %select_n3A_828 = arith.select %lt3A_824, %add3A_827, %broadcast_in_dim3A_821 : vector<16xi1>, vector<16xi32>
        %broadcast_in_dim3A_829 = vector.shape_cast %select_n3A_828 : vector<16xi32> to vector<16x1xi32>
        %gather3A = vector.shape_cast %broadcast_in_dim3A_829 : vector<16x1xi32> to vector<16xi32>
        %gather3A_830 = tpu.dynamic_gather %get3A_819[%gather3A] in [0] : vector<16xf32>, vector<16xi32> -> vector<16xf32>
        %get3A_831 = arith.index_cast %scan3A_814 : i32 to index
        %get3A_832 = arith.constant 0 : index
        %get3A_833 = tpu.vector_load %arg24[%get3A_831, %get3A_832] {strides = array<i32>} : memref<80x128xf32, #tpu.memory_space<vmem>>, vector<1x16xf32>,
        %get3A_834 = vector.shape_cast %get3A_833 : vector<1x16xf32> to vector<16xf32>
        %mul3A_835 = arith.mulf %get3A_834, %gather3A_830 : vector<16xf32>
        %swap3A_836 = arith.index_cast %scan3A_814 : i32 to index
        %swap3A_837 = arith.constant 0 : index
        %swap3A_838 = tpu.vector_load %arg24[%swap3A_836, %swap3A_837] {strides = array<i32>} : memref<80x128xf32, #tpu.memory_space<vmem>>, vector<1x16xf32>,
        %swap3A_839 = vector.shape_cast %swap3A_838 : vector<1x16xf32> to vector<16xf32>
        %swap3A_840 = vector.shape_cast %mul3A_835 : vector<16xf32> to vector<1x16xf32>
        tpu.vector_store %arg24[%swap3A_836, %swap3A_837], %swap3A_840 {strides = array<i32>} : memref<80x128xf32, #tpu.memory_space<vmem>>, vector<1x16xf32>,
        %broadcast_in_dim3A_841 = arith.constant 1 : i32
        %broadcast_in_dim3A_842 = vector.broadcast %broadcast_in_dim3A_841 : i32 to vector<16xi32>
        %lt3A_843 = arith.constant 0 : i32
        %lt3A_844 = vector.broadcast %lt3A_843 : i32 to vector<16xi32>
        %lt3A_845 = arith.cmpi slt, %broadcast_in_dim3A_842, %lt3A_844 : vector<16xi32>
        %add3A_846 = arith.constant 16 : i32
        %add3A_847 = vector.broadcast %add3A_846 : i32 to vector<16xi32>
        %add3A_848 = arith.addi %broadcast_in_dim3A_842, %add3A_847 : vector<16xi32>
        %select_n3A_849 = arith.select %lt3A_845, %add3A_848, %broadcast_in_dim3A_842 : vector<16xi1>, vector<16xi32>
        %broadcast_in_dim3A_850 = vector.shape_cast %select_n3A_849 : vector<16xi32> to vector<16x1xi32>
        %gather3A_851 = vector.shape_cast %broadcast_in_dim3A_850 : vector<16x1xi32> to vector<16xi32>
        %gather3A_852 = tpu.dynamic_gather %get3A_819[%gather3A_851] in [0] : vector<16xf32>, vector<16xi32> -> vector<16xf32>
        %get3A_853 = arith.index_cast %scan3A_814 : i32 to index
        %get3A_854 = arith.constant 16 : index
        %get3A_855 = tpu.vector_load %arg24[%get3A_853, %get3A_854] {strides = array<i32>} : memref<80x128xf32, #tpu.memory_space<vmem>>, vector<1x16xf32>,
        %get3A_856 = vector.shape_cast %get3A_855 : vector<1x16xf32> to vector<16xf32>
        %mul3A_857 = arith.mulf %get3A_856, %gather3A_852 : vector<16xf32>
        %swap3A_858 = arith.index_cast %scan3A_814 : i32 to index
        %swap3A_859 = arith.constant 16 : index
        %swap3A_860 = tpu.vector_load %arg24[%swap3A_858, %swap3A_859] {strides = array<i32>} : memref<80x128xf32, #tpu.memory_space<vmem>>, vector<1x16xf32>,
        %swap3A_861 = vector.shape_cast %swap3A_860 : vector<1x16xf32> to vector<16xf32>
        %swap3A_862 = vector.shape_cast %mul3A_857 : vector<16xf32> to vector<1x16xf32>
        tpu.vector_store %arg24[%swap3A_858, %swap3A_859], %swap3A_862 {strides = array<i32>} : memref<80x128xf32, #tpu.memory_space<vmem>>, vector<1x16xf32>,
        %broadcast_in_dim3A_863 = arith.constant 2 : i32
        %broadcast_in_dim3A_864 = vector.broadcast %broadcast_in_dim3A_863 : i32 to vector<16xi32>
        %lt3A_865 = arith.constant 0 : i32
        %lt3A_866 = vector.broadcast %lt3A_865 : i32 to vector<16xi32>
        %lt3A_867 = arith.cmpi slt, %broadcast_in_dim3A_864, %lt3A_866 : vector<16xi32>
        %add3A_868 = arith.constant 16 : i32
        %add3A_869 = vector.broadcast %add3A_868 : i32 to vector<16xi32>
        %add3A_870 = arith.addi %broadcast_in_dim3A_864, %add3A_869 : vector<16xi32>
        %select_n3A_871 = arith.select %lt3A_867, %add3A_870, %broadcast_in_dim3A_864 : vector<16xi1>, vector<16xi32>
        %broadcast_in_dim3A_872 = vector.shape_cast %select_n3A_871 : vector<16xi32> to vector<16x1xi32>
        %gather3A_873 = vector.shape_cast %broadcast_in_dim3A_872 : vector<16x1xi32> to vector<16xi32>
        %gather3A_874 = tpu.dynamic_gather %get3A_819[%gather3A_873] in [0] : vector<16xf32>, vector<16xi32> -> vector<16xf32>
        %get3A_875 = arith.index_cast %scan3A_814 : i32 to index
        %get3A_876 = arith.constant 32 : index
        %get3A_877 = tpu.vector_load %arg24[%get3A_875, %get3A_876] {strides = array<i32>} : memref<80x128xf32, #tpu.memory_space<vmem>>, vector<1x16xf32>,
        %get3A_878 = vector.shape_cast %get3A_877 : vector<1x16xf32> to vector<16xf32>
        %mul3A_879 = arith.mulf %get3A_878, %gather3A_874 : vector<16xf32>
        %swap3A_880 = arith.index_cast %scan3A_814 : i32 to index
        %swap3A_881 = arith.constant 32 : index
        %swap3A_882 = tpu.vector_load %arg24[%swap3A_880, %swap3A_881] {strides = array<i32>} : memref<80x128xf32, #tpu.memory_space<vmem>>, vector<1x16xf32>,
        %swap3A_883 = vector.shape_cast %swap3A_882 : vector<1x16xf32> to vector<16xf32>
        %swap3A_884 = vector.shape_cast %mul3A_879 : vector<16xf32> to vector<1x16xf32>
        tpu.vector_store %arg24[%swap3A_880, %swap3A_881], %swap3A_884 {strides = array<i32>} : memref<80x128xf32, #tpu.memory_space<vmem>>, vector<1x16xf32>,
        %broadcast_in_dim3A_885 = arith.constant 3 : i32
        %broadcast_in_dim3A_886 = vector.broadcast %broadcast_in_dim3A_885 : i32 to vector<16xi32>
        %lt3A_887 = arith.constant 0 : i32
        %lt3A_888 = vector.broadcast %lt3A_887 : i32 to vector<16xi32>
        %lt3A_889 = arith.cmpi slt, %broadcast_in_dim3A_886, %lt3A_888 : vector<16xi32>
        %add3A_890 = arith.constant 16 : i32
        %add3A_891 = vector.broadcast %add3A_890 : i32 to vector<16xi32>
        %add3A_892 = arith.addi %broadcast_in_dim3A_886, %add3A_891 : vector<16xi32>
        %select_n3A_893 = arith.select %lt3A_889, %add3A_892, %broadcast_in_dim3A_886 : vector<16xi1>, vector<16xi32>
        %broadcast_in_dim3A_894 = vector.shape_cast %select_n3A_893 : vector<16xi32> to vector<16x1xi32>
        %gather3A_895 = vector.shape_cast %broadcast_in_dim3A_894 : vector<16x1xi32> to vector<16xi32>
        %gather3A_896 = tpu.dynamic_gather %get3A_819[%gather3A_895] in [0] : vector<16xf32>, vector<16xi32> -> vector<16xf32>
        %get3A_897 = arith.index_cast %scan3A_814 : i32 to index
        %get3A_898 = arith.constant 48 : index
        %get3A_899 = tpu.vector_load %arg24[%get3A_897, %get3A_898] {strides = array<i32>} : memref<80x128xf32, #tpu.memory_space<vmem>>, vector<1x16xf32>,
        %get3A_900 = vector.shape_cast %get3A_899 : vector<1x16xf32> to vector<16xf32>
        %mul3A_901 = arith.mulf %get3A_900, %gather3A_896 : vector<16xf32>
        %swap3A_902 = arith.index_cast %scan3A_814 : i32 to index
        %swap3A_903 = arith.constant 48 : index
        %swap3A_904 = tpu.vector_load %arg24[%swap3A_902, %swap3A_903] {strides = array<i32>} : memref<80x128xf32, #tpu.memory_space<vmem>>, vector<1x16xf32>,
        %swap3A_905 = vector.shape_cast %swap3A_904 : vector<1x16xf32> to vector<16xf32>
        %swap3A_906 = vector.shape_cast %mul3A_901 : vector<16xf32> to vector<1x16xf32>
        tpu.vector_store %arg24[%swap3A_902, %swap3A_903], %swap3A_906 {strides = array<i32>} : memref<80x128xf32, #tpu.memory_space<vmem>>, vector<1x16xf32>,
        %broadcast_in_dim3A_907 = arith.constant 4 : i32
        %broadcast_in_dim3A_908 = vector.broadcast %broadcast_in_dim3A_907 : i32 to vector<16xi32>
        %lt3A_909 = arith.constant 0 : i32
        %lt3A_910 = vector.broadcast %lt3A_909 : i32 to vector<16xi32>
        %lt3A_911 = arith.cmpi slt, %broadcast_in_dim3A_908, %lt3A_910 : vector<16xi32>
        %add3A_912 = arith.constant 16 : i32
        %add3A_913 = vector.broadcast %add3A_912 : i32 to vector<16xi32>
        %add3A_914 = arith.addi %broadcast_in_dim3A_908, %add3A_913 : vector<16xi32>
        %select_n3A_915 = arith.select %lt3A_911, %add3A_914, %broadcast_in_dim3A_908 : vector<16xi1>, vector<16xi32>
        %broadcast_in_dim3A_916 = vector.shape_cast %select_n3A_915 : vector<16xi32> to vector<16x1xi32>
        %gather3A_917 = vector.shape_cast %broadcast_in_dim3A_916 : vector<16x1xi32> to vector<16xi32>
        %gather3A_918 = tpu.dynamic_gather %get3A_819[%gather3A_917] in [0] : vector<16xf32>, vector<16xi32> -> vector<16xf32>
        %get3A_919 = arith.index_cast %scan3A_814 : i32 to index
        %get3A_920 = arith.constant 64 : index
        %get3A_921 = tpu.vector_load %arg24[%get3A_919, %get3A_920] {strides = array<i32>} : memref<80x128xf32, #tpu.memory_space<vmem>>, vector<1x16xf32>,
        %get3A_922 = vector.shape_cast %get3A_921 : vector<1x16xf32> to vector<16xf32>
        %mul3A_923 = arith.mulf %get3A_922, %gather3A_918 : vector<16xf32>
        %swap3A_924 = arith.index_cast %scan3A_814 : i32 to index
        %swap3A_925 = arith.constant 64 : index
        %swap3A_926 = tpu.vector_load %arg24[%swap3A_924, %swap3A_925] {strides = array<i32>} : memref<80x128xf32, #tpu.memory_space<vmem>>, vector<1x16xf32>,
        %swap3A_927 = vector.shape_cast %swap3A_926 : vector<1x16xf32> to vector<16xf32>
        %swap3A_928 = vector.shape_cast %mul3A_923 : vector<16xf32> to vector<1x16xf32>
        tpu.vector_store %arg24[%swap3A_924, %swap3A_925], %swap3A_928 {strides = array<i32>} : memref<80x128xf32, #tpu.memory_space<vmem>>, vector<1x16xf32>,
        %broadcast_in_dim3A_929 = arith.constant 5 : i32
        %broadcast_in_dim3A_930 = vector.broadcast %broadcast_in_dim3A_929 : i32 to vector<16xi32>
        %lt3A_931 = arith.constant 0 : i32
        %lt3A_932 = vector.broadcast %lt3A_931 : i32 to vector<16xi32>
        %lt3A_933 = arith.cmpi slt, %broadcast_in_dim3A_930, %lt3A_932 : vector<16xi32>
        %add3A_934 = arith.constant 16 : i32
        %add3A_935 = vector.broadcast %add3A_934 : i32 to vector<16xi32>
        %add3A_936 = arith.addi %broadcast_in_dim3A_930, %add3A_935 : vector<16xi32>
        %select_n3A_937 = arith.select %lt3A_933, %add3A_936, %broadcast_in_dim3A_930 : vector<16xi1>, vector<16xi32>
        %broadcast_in_dim3A_938 = vector.shape_cast %select_n3A_937 : vector<16xi32> to vector<16x1xi32>
        %gather3A_939 = vector.shape_cast %broadcast_in_dim3A_938 : vector<16x1xi32> to vector<16xi32>
        %gather3A_940 = tpu.dynamic_gather %get3A_819[%gather3A_939] in [0] : vector<16xf32>, vector<16xi32> -> vector<16xf32>
        %get3A_941 = arith.index_cast %scan3A_814 : i32 to index
        %get3A_942 = arith.constant 80 : index
        %get3A_943 = tpu.vector_load %arg24[%get3A_941, %get3A_942] {strides = array<i32>} : memref<80x128xf32, #tpu.memory_space<vmem>>, vector<1x16xf32>,
        %get3A_944 = vector.shape_cast %get3A_943 : vector<1x16xf32> to vector<16xf32>
        %mul3A_945 = arith.mulf %get3A_944, %gather3A_940 : vector<16xf32>
        %swap3A_946 = arith.index_cast %scan3A_814 : i32 to index
        %swap3A_947 = arith.constant 80 : index
        %swap3A_948 = tpu.vector_load %arg24[%swap3A_946, %swap3A_947] {strides = array<i32>} : memref<80x128xf32, #tpu.memory_space<vmem>>, vector<1x16xf32>,
        %swap3A_949 = vector.shape_cast %swap3A_948 : vector<1x16xf32> to vector<16xf32>
        %swap3A_950 = vector.shape_cast %mul3A_945 : vector<16xf32> to vector<1x16xf32>
        tpu.vector_store %arg24[%swap3A_946, %swap3A_947], %swap3A_950 {strides = array<i32>} : memref<80x128xf32, #tpu.memory_space<vmem>>, vector<1x16xf32>,
        %broadcast_in_dim3A_951 = arith.constant 6 : i32
        %broadcast_in_dim3A_952 = vector.broadcast %broadcast_in_dim3A_951 : i32 to vector<16xi32>
        %lt3A_953 = arith.constant 0 : i32
        %lt3A_954 = vector.broadcast %lt3A_953 : i32 to vector<16xi32>
        %lt3A_955 = arith.cmpi slt, %broadcast_in_dim3A_952, %lt3A_954 : vector<16xi32>
        %add3A_956 = arith.constant 16 : i32
        %add3A_957 = vector.broadcast %add3A_956 : i32 to vector<16xi32>
        %add3A_958 = arith.addi %broadcast_in_dim3A_952, %add3A_957 : vector<16xi32>
        %select_n3A_959 = arith.select %lt3A_955, %add3A_958, %broadcast_in_dim3A_952 : vector<16xi1>, vector<16xi32>
        %broadcast_in_dim3A_960 = vector.shape_cast %select_n3A_959 : vector<16xi32> to vector<16x1xi32>
        %gather3A_961 = vector.shape_cast %broadcast_in_dim3A_960 : vector<16x1xi32> to vector<16xi32>
        %gather3A_962 = tpu.dynamic_gather %get3A_819[%gather3A_961] in [0] : vector<16xf32>, vector<16xi32> -> vector<16xf32>
        %get3A_963 = arith.index_cast %scan3A_814 : i32 to index
        %get3A_964 = arith.constant 96 : index
        %get3A_965 = tpu.vector_load %arg24[%get3A_963, %get3A_964] {strides = array<i32>} : memref<80x128xf32, #tpu.memory_space<vmem>>, vector<1x16xf32>,
        %get3A_966 = vector.shape_cast %get3A_965 : vector<1x16xf32> to vector<16xf32>
        %mul3A_967 = arith.mulf %get3A_966, %gather3A_962 : vector<16xf32>
        %swap3A_968 = arith.index_cast %scan3A_814 : i32 to index
        %swap3A_969 = arith.constant 96 : index
        %swap3A_970 = tpu.vector_load %arg24[%swap3A_968, %swap3A_969] {strides = array<i32>} : memref<80x128xf32, #tpu.memory_space<vmem>>, vector<1x16xf32>,
        %swap3A_971 = vector.shape_cast %swap3A_970 : vector<1x16xf32> to vector<16xf32>
        %swap3A_972 = vector.shape_cast %mul3A_967 : vector<16xf32> to vector<1x16xf32>
        tpu.vector_store %arg24[%swap3A_968, %swap3A_969], %swap3A_972 {strides = array<i32>} : memref<80x128xf32, #tpu.memory_space<vmem>>, vector<1x16xf32>,
        %broadcast_in_dim3A_973 = arith.constant 7 : i32
        %broadcast_in_dim3A_974 = vector.broadcast %broadcast_in_dim3A_973 : i32 to vector<16xi32>
        %lt3A_975 = arith.constant 0 : i32
        %lt3A_976 = vector.broadcast %lt3A_975 : i32 to vector<16xi32>
        %lt3A_977 = arith.cmpi slt, %broadcast_in_dim3A_974, %lt3A_976 : vector<16xi32>
        %add3A_978 = arith.constant 16 : i32
        %add3A_979 = vector.broadcast %add3A_978 : i32 to vector<16xi32>
        %add3A_980 = arith.addi %broadcast_in_dim3A_974, %add3A_979 : vector<16xi32>
        %select_n3A_981 = arith.select %lt3A_977, %add3A_980, %broadcast_in_dim3A_974 : vector<16xi1>, vector<16xi32>
        %broadcast_in_dim3A_982 = vector.shape_cast %select_n3A_981 : vector<16xi32> to vector<16x1xi32>
        %gather3A_983 = vector.shape_cast %broadcast_in_dim3A_982 : vector<16x1xi32> to vector<16xi32>
        %gather3A_984 = tpu.dynamic_gather %get3A_819[%gather3A_983] in [0] : vector<16xf32>, vector<16xi32> -> vector<16xf32>
        %get3A_985 = arith.index_cast %scan3A_814 : i32 to index
        %get3A_986 = arith.constant 112 : index
        %get3A_987 = tpu.vector_load %arg24[%get3A_985, %get3A_986] {strides = array<i32>} : memref<80x128xf32, #tpu.memory_space<vmem>>, vector<1x16xf32>,
        %get3A_988 = vector.shape_cast %get3A_987 : vector<1x16xf32> to vector<16xf32>
        %mul3A_989 = arith.mulf %get3A_988, %gather3A_984 : vector<16xf32>
        %swap3A_990 = arith.index_cast %scan3A_814 : i32 to index
        %swap3A_991 = arith.constant 112 : index
        %swap3A_992 = tpu.vector_load %arg24[%swap3A_990, %swap3A_991] {strides = array<i32>} : memref<80x128xf32, #tpu.memory_space<vmem>>, vector<1x16xf32>,
        %swap3A_993 = vector.shape_cast %swap3A_992 : vector<1x16xf32> to vector<16xf32>
        %swap3A_994 = vector.shape_cast %mul3A_989 : vector<16xf32> to vector<1x16xf32>
        tpu.vector_store %arg24[%swap3A_990, %swap3A_991], %swap3A_994 {strides = array<i32>} : memref<80x128xf32, #tpu.memory_space<vmem>>, vector<1x16xf32>,
        %scan3A_995 = arith.constant 0 : i32
        %scan3A_996 = arith.constant 1 : i32
        %scan3A_997 = arith.addi %scan3A_814, %scan3A_996 : i32
        %get3A_998 = arith.index_cast %scan3A_997 : i32 to index
        %get3A_999 = arith.constant 0 : index
        %get3A_1000 = tpu.vector_load %arg26[%get3A_998, %get3A_999] {strides = array<i32>} : memref<80x16xf32, #tpu.memory_space<vmem>>, vector<1x16xf32>,
        %get3A_1001 = vector.shape_cast %get3A_1000 : vector<1x16xf32> to vector<16xf32>
        %broadcast_in_dim3A_1002 = arith.constant 0 : i32
        %broadcast_in_dim3A_1003 = vector.broadcast %broadcast_in_dim3A_1002 : i32 to vector<16xi32>
        %lt3A_1004 = arith.constant 0 : i32
        %lt3A_1005 = vector.broadcast %lt3A_1004 : i32 to vector<16xi32>
        %lt3A_1006 = arith.cmpi slt, %broadcast_in_dim3A_1003, %lt3A_1005 : vector<16xi32>
        %add3A_1007 = arith.constant 16 : i32
        %add3A_1008 = vector.broadcast %add3A_1007 : i32 to vector<16xi32>
        %add3A_1009 = arith.addi %broadcast_in_dim3A_1003, %add3A_1008 : vector<16xi32>
        %select_n3A_1010 = arith.select %lt3A_1006, %add3A_1009, %broadcast_in_dim3A_1003 : vector<16xi1>, vector<16xi32>
        %broadcast_in_dim3A_1011 = vector.shape_cast %select_n3A_1010 : vector<16xi32> to vector<16x1xi32>
        %gather3A_1012 = vector.shape_cast %broadcast_in_dim3A_1011 : vector<16x1xi32> to vector<16xi32>
        %gather3A_1013 = tpu.dynamic_gather %get3A_1001[%gather3A_1012] in [0] : vector<16xf32>, vector<16xi32> -> vector<16xf32>
        %get3A_1014 = arith.index_cast %scan3A_997 : i32 to index
        %get3A_1015 = arith.constant 0 : index
        %get3A_1016 = tpu.vector_load %arg24[%get3A_1014, %get3A_1015] {strides = array<i32>} : memref<80x128xf32, #tpu.memory_space<vmem>>, vector<1x16xf32>,
        %get3A_1017 = vector.shape_cast %get3A_1016 : vector<1x16xf32> to vector<16xf32>
        %mul3A_1018 = arith.mulf %get3A_1017, %gather3A_1013 : vector<16xf32>
        %swap3A_1019 = arith.index_cast %scan3A_997 : i32 to index
        %swap3A_1020 = arith.constant 0 : index
        %swap3A_1021 = tpu.vector_load %arg24[%swap3A_1019, %swap3A_1020] {strides = array<i32>} : memref<80x128xf32, #tpu.memory_space<vmem>>, vector<1x16xf32>,
        %swap3A_1022 = vector.shape_cast %swap3A_1021 : vector<1x16xf32> to vector<16xf32>
        %swap3A_1023 = vector.shape_cast %mul3A_1018 : vector<16xf32> to vector<1x16xf32>
        tpu.vector_store %arg24[%swap3A_1019, %swap3A_1020], %swap3A_1023 {strides = array<i32>} : memref<80x128xf32, #tpu.memory_space<vmem>>, vector<1x16xf32>,
        %broadcast_in_dim3A_1024 = arith.constant 1 : i32
        %broadcast_in_dim3A_1025 = vector.broadcast %broadcast_in_dim3A_1024 : i32 to vector<16xi32>
        %lt3A_1026 = arith.constant 0 : i32
        %lt3A_1027 = vector.broadcast %lt3A_1026 : i32 to vector<16xi32>
        %lt3A_1028 = arith.cmpi slt, %broadcast_in_dim3A_1025, %lt3A_1027 : vector<16xi32>
        %add3A_1029 = arith.constant 16 : i32
        %add3A_1030 = vector.broadcast %add3A_1029 : i32 to vector<16xi32>
        %add3A_1031 = arith.addi %broadcast_in_dim3A_1025, %add3A_1030 : vector<16xi32>
        %select_n3A_1032 = arith.select %lt3A_1028, %add3A_1031, %broadcast_in_dim3A_1025 : vector<16xi1>, vector<16xi32>
        %broadcast_in_dim3A_1033 = vector.shape_cast %select_n3A_1032 : vector<16xi32> to vector<16x1xi32>
        %gather3A_1034 = vector.shape_cast %broadcast_in_dim3A_1033 : vector<16x1xi32> to vector<16xi32>
        %gather3A_1035 = tpu.dynamic_gather %get3A_1001[%gather3A_1034] in [0] : vector<16xf32>, vector<16xi32> -> vector<16xf32>
        %get3A_1036 = arith.index_cast %scan3A_997 : i32 to index
        %get3A_1037 = arith.constant 16 : index
        %get3A_1038 = tpu.vector_load %arg24[%get3A_1036, %get3A_1037] {strides = array<i32>} : memref<80x128xf32, #tpu.memory_space<vmem>>, vector<1x16xf32>,
        %get3A_1039 = vector.shape_cast %get3A_1038 : vector<1x16xf32> to vector<16xf32>
        %mul3A_1040 = arith.mulf %get3A_1039, %gather3A_1035 : vector<16xf32>
        %swap3A_1041 = arith.index_cast %scan3A_997 : i32 to index
        %swap3A_1042 = arith.constant 16 : index
        %swap3A_1043 = tpu.vector_load %arg24[%swap3A_1041, %swap3A_1042] {strides = array<i32>} : memref<80x128xf32, #tpu.memory_space<vmem>>, vector<1x16xf32>,
        %swap3A_1044 = vector.shape_cast %swap3A_1043 : vector<1x16xf32> to vector<16xf32>
        %swap3A_1045 = vector.shape_cast %mul3A_1040 : vector<16xf32> to vector<1x16xf32>
        tpu.vector_store %arg24[%swap3A_1041, %swap3A_1042], %swap3A_1045 {strides = array<i32>} : memref<80x128xf32, #tpu.memory_space<vmem>>, vector<1x16xf32>,
        %broadcast_in_dim3A_1046 = arith.constant 2 : i32
        %broadcast_in_dim3A_1047 = vector.broadcast %broadcast_in_dim3A_1046 : i32 to vector<16xi32>
        %lt3A_1048 = arith.constant 0 : i32
        %lt3A_1049 = vector.broadcast %lt3A_1048 : i32 to vector<16xi32>
        %lt3A_1050 = arith.cmpi slt, %broadcast_in_dim3A_1047, %lt3A_1049 : vector<16xi32>
        %add3A_1051 = arith.constant 16 : i32
        %add3A_1052 = vector.broadcast %add3A_1051 : i32 to vector<16xi32>
        %add3A_1053 = arith.addi %broadcast_in_dim3A_1047, %add3A_1052 : vector<16xi32>
        %select_n3A_1054 = arith.select %lt3A_1050, %add3A_1053, %broadcast_in_dim3A_1047 : vector<16xi1>, vector<16xi32>
        %broadcast_in_dim3A_1055 = vector.shape_cast %select_n3A_1054 : vector<16xi32> to vector<16x1xi32>
        %gather3A_1056 = vector.shape_cast %broadcast_in_dim3A_1055 : vector<16x1xi32> to vector<16xi32>
        %gather3A_1057 = tpu.dynamic_gather %get3A_1001[%gather3A_1056] in [0] : vector<16xf32>, vector<16xi32> -> vector<16xf32>
        %get3A_1058 = arith.index_cast %scan3A_997 : i32 to index
        %get3A_1059 = arith.constant 32 : index
        %get3A_1060 = tpu.vector_load %arg24[%get3A_1058, %get3A_1059] {strides = array<i32>} : memref<80x128xf32, #tpu.memory_space<vmem>>, vector<1x16xf32>,
        %get3A_1061 = vector.shape_cast %get3A_1060 : vector<1x16xf32> to vector<16xf32>
        %mul3A_1062 = arith.mulf %get3A_1061, %gather3A_1057 : vector<16xf32>
        %swap3A_1063 = arith.index_cast %scan3A_997 : i32 to index
        %swap3A_1064 = arith.constant 32 : index
        %swap3A_1065 = tpu.vector_load %arg24[%swap3A_1063, %swap3A_1064] {strides = array<i32>} : memref<80x128xf32, #tpu.memory_space<vmem>>, vector<1x16xf32>,
        %swap3A_1066 = vector.shape_cast %swap3A_1065 : vector<1x16xf32> to vector<16xf32>
        %swap3A_1067 = vector.shape_cast %mul3A_1062 : vector<16xf32> to vector<1x16xf32>
        tpu.vector_store %arg24[%swap3A_1063, %swap3A_1064], %swap3A_1067 {strides = array<i32>} : memref<80x128xf32, #tpu.memory_space<vmem>>, vector<1x16xf32>,
        %broadcast_in_dim3A_1068 = arith.constant 3 : i32
        %broadcast_in_dim3A_1069 = vector.broadcast %broadcast_in_dim3A_1068 : i32 to vector<16xi32>
        %lt3A_1070 = arith.constant 0 : i32
        %lt3A_1071 = vector.broadcast %lt3A_1070 : i32 to vector<16xi32>
        %lt3A_1072 = arith.cmpi slt, %broadcast_in_dim3A_1069, %lt3A_1071 : vector<16xi32>
        %add3A_1073 = arith.constant 16 : i32
        %add3A_1074 = vector.broadcast %add3A_1073 : i32 to vector<16xi32>
        %add3A_1075 = arith.addi %broadcast_in_dim3A_1069, %add3A_1074 : vector<16xi32>
        %select_n3A_1076 = arith.select %lt3A_1072, %add3A_1075, %broadcast_in_dim3A_1069 : vector<16xi1>, vector<16xi32>
        %broadcast_in_dim3A_1077 = vector.shape_cast %select_n3A_1076 : vector<16xi32> to vector<16x1xi32>
        %gather3A_1078 = vector.shape_cast %broadcast_in_dim3A_1077 : vector<16x1xi32> to vector<16xi32>
        %gather3A_1079 = tpu.dynamic_gather %get3A_1001[%gather3A_1078] in [0] : vector<16xf32>, vector<16xi32> -> vector<16xf32>
        %get3A_1080 = arith.index_cast %scan3A_997 : i32 to index
        %get3A_1081 = arith.constant 48 : index
        %get3A_1082 = tpu.vector_load %arg24[%get3A_1080, %get3A_1081] {strides = array<i32>} : memref<80x128xf32, #tpu.memory_space<vmem>>, vector<1x16xf32>,
        %get3A_1083 = vector.shape_cast %get3A_1082 : vector<1x16xf32> to vector<16xf32>
        %mul3A_1084 = arith.mulf %get3A_1083, %gather3A_1079 : vector<16xf32>
        %swap3A_1085 = arith.index_cast %scan3A_997 : i32 to index
        %swap3A_1086 = arith.constant 48 : index
        %swap3A_1087 = tpu.vector_load %arg24[%swap3A_1085, %swap3A_1086] {strides = array<i32>} : memref<80x128xf32, #tpu.memory_space<vmem>>, vector<1x16xf32>,
        %swap3A_1088 = vector.shape_cast %swap3A_1087 : vector<1x16xf32> to vector<16xf32>
        %swap3A_1089 = vector.shape_cast %mul3A_1084 : vector<16xf32> to vector<1x16xf32>
        tpu.vector_store %arg24[%swap3A_1085, %swap3A_1086], %swap3A_1089 {strides = array<i32>} : memref<80x128xf32, #tpu.memory_space<vmem>>, vector<1x16xf32>,
        %broadcast_in_dim3A_1090 = arith.constant 4 : i32
        %broadcast_in_dim3A_1091 = vector.broadcast %broadcast_in_dim3A_1090 : i32 to vector<16xi32>
        %lt3A_1092 = arith.constant 0 : i32
        %lt3A_1093 = vector.broadcast %lt3A_1092 : i32 to vector<16xi32>
        %lt3A_1094 = arith.cmpi slt, %broadcast_in_dim3A_1091, %lt3A_1093 : vector<16xi32>
        %add3A_1095 = arith.constant 16 : i32
        %add3A_1096 = vector.broadcast %add3A_1095 : i32 to vector<16xi32>
        %add3A_1097 = arith.addi %broadcast_in_dim3A_1091, %add3A_1096 : vector<16xi32>
        %select_n3A_1098 = arith.select %lt3A_1094, %add3A_1097, %broadcast_in_dim3A_1091 : vector<16xi1>, vector<16xi32>
        %broadcast_in_dim3A_1099 = vector.shape_cast %select_n3A_1098 : vector<16xi32> to vector<16x1xi32>
        %gather3A_1100 = vector.shape_cast %broadcast_in_dim3A_1099 : vector<16x1xi32> to vector<16xi32>
        %gather3A_1101 = tpu.dynamic_gather %get3A_1001[%gather3A_1100] in [0] : vector<16xf32>, vector<16xi32> -> vector<16xf32>
        %get3A_1102 = arith.index_cast %scan3A_997 : i32 to index
        %get3A_1103 = arith.constant 64 : index
        %get3A_1104 = tpu.vector_load %arg24[%get3A_1102, %get3A_1103] {strides = array<i32>} : memref<80x128xf32, #tpu.memory_space<vmem>>, vector<1x16xf32>,
        %get3A_1105 = vector.shape_cast %get3A_1104 : vector<1x16xf32> to vector<16xf32>
        %mul3A_1106 = arith.mulf %get3A_1105, %gather3A_1101 : vector<16xf32>
        %swap3A_1107 = arith.index_cast %scan3A_997 : i32 to index
        %swap3A_1108 = arith.constant 64 : index
        %swap3A_1109 = tpu.vector_load %arg24[%swap3A_1107, %swap3A_1108] {strides = array<i32>} : memref<80x128xf32, #tpu.memory_space<vmem>>, vector<1x16xf32>,
        %swap3A_1110 = vector.shape_cast %swap3A_1109 : vector<1x16xf32> to vector<16xf32>
        %swap3A_1111 = vector.shape_cast %mul3A_1106 : vector<16xf32> to vector<1x16xf32>
        tpu.vector_store %arg24[%swap3A_1107, %swap3A_1108], %swap3A_1111 {strides = array<i32>} : memref<80x128xf32, #tpu.memory_space<vmem>>, vector<1x16xf32>,
        %broadcast_in_dim3A_1112 = arith.constant 5 : i32
        %broadcast_in_dim3A_1113 = vector.broadcast %broadcast_in_dim3A_1112 : i32 to vector<16xi32>
        %lt3A_1114 = arith.constant 0 : i32
        %lt3A_1115 = vector.broadcast %lt3A_1114 : i32 to vector<16xi32>
        %lt3A_1116 = arith.cmpi slt, %broadcast_in_dim3A_1113, %lt3A_1115 : vector<16xi32>
        %add3A_1117 = arith.constant 16 : i32
        %add3A_1118 = vector.broadcast %add3A_1117 : i32 to vector<16xi32>
        %add3A_1119 = arith.addi %broadcast_in_dim3A_1113, %add3A_1118 : vector<16xi32>
        %select_n3A_1120 = arith.select %lt3A_1116, %add3A_1119, %broadcast_in_dim3A_1113 : vector<16xi1>, vector<16xi32>
        %broadcast_in_dim3A_1121 = vector.shape_cast %select_n3A_1120 : vector<16xi32> to vector<16x1xi32>
        %gather3A_1122 = vector.shape_cast %broadcast_in_dim3A_1121 : vector<16x1xi32> to vector<16xi32>
        %gather3A_1123 = tpu.dynamic_gather %get3A_1001[%gather3A_1122] in [0] : vector<16xf32>, vector<16xi32> -> vector<16xf32>
        %get3A_1124 = arith.index_cast %scan3A_997 : i32 to index
        %get3A_1125 = arith.constant 80 : index
        %get3A_1126 = tpu.vector_load %arg24[%get3A_1124, %get3A_1125] {strides = array<i32>} : memref<80x128xf32, #tpu.memory_space<vmem>>, vector<1x16xf32>,
        %get3A_1127 = vector.shape_cast %get3A_1126 : vector<1x16xf32> to vector<16xf32>
        %mul3A_1128 = arith.mulf %get3A_1127, %gather3A_1123 : vector<16xf32>
        %swap3A_1129 = arith.index_cast %scan3A_997 : i32 to index
        %swap3A_1130 = arith.constant 80 : index
        %swap3A_1131 = tpu.vector_load %arg24[%swap3A_1129, %swap3A_1130] {strides = array<i32>} : memref<80x128xf32, #tpu.memory_space<vmem>>, vector<1x16xf32>,
        %swap3A_1132 = vector.shape_cast %swap3A_1131 : vector<1x16xf32> to vector<16xf32>
        %swap3A_1133 = vector.shape_cast %mul3A_1128 : vector<16xf32> to vector<1x16xf32>
        tpu.vector_store %arg24[%swap3A_1129, %swap3A_1130], %swap3A_1133 {strides = array<i32>} : memref<80x128xf32, #tpu.memory_space<vmem>>, vector<1x16xf32>,
        %broadcast_in_dim3A_1134 = arith.constant 6 : i32
        %broadcast_in_dim3A_1135 = vector.broadcast %broadcast_in_dim3A_1134 : i32 to vector<16xi32>
        %lt3A_1136 = arith.constant 0 : i32
        %lt3A_1137 = vector.broadcast %lt3A_1136 : i32 to vector<16xi32>
        %lt3A_1138 = arith.cmpi slt, %broadcast_in_dim3A_1135, %lt3A_1137 : vector<16xi32>
        %add3A_1139 = arith.constant 16 : i32
        %add3A_1140 = vector.broadcast %add3A_1139 : i32 to vector<16xi32>
        %add3A_1141 = arith.addi %broadcast_in_dim3A_1135, %add3A_1140 : vector<16xi32>
        %select_n3A_1142 = arith.select %lt3A_1138, %add3A_1141, %broadcast_in_dim3A_1135 : vector<16xi1>, vector<16xi32>
        %broadcast_in_dim3A_1143 = vector.shape_cast %select_n3A_1142 : vector<16xi32> to vector<16x1xi32>
        %gather3A_1144 = vector.shape_cast %broadcast_in_dim3A_1143 : vector<16x1xi32> to vector<16xi32>
        %gather3A_1145 = tpu.dynamic_gather %get3A_1001[%gather3A_1144] in [0] : vector<16xf32>, vector<16xi32> -> vector<16xf32>
        %get3A_1146 = arith.index_cast %scan3A_997 : i32 to index
        %get3A_1147 = arith.constant 96 : index
        %get3A_1148 = tpu.vector_load %arg24[%get3A_1146, %get3A_1147] {strides = array<i32>} : memref<80x128xf32, #tpu.memory_space<vmem>>, vector<1x16xf32>,
        %get3A_1149 = vector.shape_cast %get3A_1148 : vector<1x16xf32> to vector<16xf32>
        %mul3A_1150 = arith.mulf %get3A_1149, %gather3A_1145 : vector<16xf32>
        %swap3A_1151 = arith.index_cast %scan3A_997 : i32 to index
        %swap3A_1152 = arith.constant 96 : index
        %swap3A_1153 = tpu.vector_load %arg24[%swap3A_1151, %swap3A_1152] {strides = array<i32>} : memref<80x128xf32, #tpu.memory_space<vmem>>, vector<1x16xf32>,
        %swap3A_1154 = vector.shape_cast %swap3A_1153 : vector<1x16xf32> to vector<16xf32>
        %swap3A_1155 = vector.shape_cast %mul3A_1150 : vector<16xf32> to vector<1x16xf32>
        tpu.vector_store %arg24[%swap3A_1151, %swap3A_1152], %swap3A_1155 {strides = array<i32>} : memref<80x128xf32, #tpu.memory_space<vmem>>, vector<1x16xf32>,
        %broadcast_in_dim3A_1156 = arith.constant 7 : i32
        %broadcast_in_dim3A_1157 = vector.broadcast %broadcast_in_dim3A_1156 : i32 to vector<16xi32>
        %lt3A_1158 = arith.constant 0 : i32
        %lt3A_1159 = vector.broadcast %lt3A_1158 : i32 to vector<16xi32>
        %lt3A_1160 = arith.cmpi slt, %broadcast_in_dim3A_1157, %lt3A_1159 : vector<16xi32>
        %add3A_1161 = arith.constant 16 : i32
        %add3A_1162 = vector.broadcast %add3A_1161 : i32 to vector<16xi32>
        %add3A_1163 = arith.addi %broadcast_in_dim3A_1157, %add3A_1162 : vector<16xi32>
        %select_n3A_1164 = arith.select %lt3A_1160, %add3A_1163, %broadcast_in_dim3A_1157 : vector<16xi1>, vector<16xi32>
        %broadcast_in_dim3A_1165 = vector.shape_cast %select_n3A_1164 : vector<16xi32> to vector<16x1xi32>
        %gather3A_1166 = vector.shape_cast %broadcast_in_dim3A_1165 : vector<16x1xi32> to vector<16xi32>
        %gather3A_1167 = tpu.dynamic_gather %get3A_1001[%gather3A_1166] in [0] : vector<16xf32>, vector<16xi32> -> vector<16xf32>
        %get3A_1168 = arith.index_cast %scan3A_997 : i32 to index
        %get3A_1169 = arith.constant 112 : index
        %get3A_1170 = tpu.vector_load %arg24[%get3A_1168, %get3A_1169] {strides = array<i32>} : memref<80x128xf32, #tpu.memory_space<vmem>>, vector<1x16xf32>,
        %get3A_1171 = vector.shape_cast %get3A_1170 : vector<1x16xf32> to vector<16xf32>
        %mul3A_1172 = arith.mulf %get3A_1171, %gather3A_1167 : vector<16xf32>
        %swap3A_1173 = arith.index_cast %scan3A_997 : i32 to index
        %swap3A_1174 = arith.constant 112 : index
        %swap3A_1175 = tpu.vector_load %arg24[%swap3A_1173, %swap3A_1174] {strides = array<i32>} : memref<80x128xf32, #tpu.memory_space<vmem>>, vector<1x16xf32>,
        %swap3A_1176 = vector.shape_cast %swap3A_1175 : vector<1x16xf32> to vector<16xf32>
        %swap3A_1177 = vector.shape_cast %mul3A_1172 : vector<16xf32> to vector<1x16xf32>
        tpu.vector_store %arg24[%swap3A_1173, %swap3A_1174], %swap3A_1177 {strides = array<i32>} : memref<80x128xf32, #tpu.memory_space<vmem>>, vector<1x16xf32>,
        %scan3A_1178 = arith.constant 0 : i32
        scf.yield %scan3A_1178 : i32
      }
      %scan3A_622 = arith.constant 80 : i32
      %scan3A_623 = arith.constant 0 : i32
      %scan3A_624 = arith.constant 0 : i32
      %mul3A_625 = arith.constant 16 : i32
      %mul3A_626 = arith.muli %scan3A_624, %mul3A_625 : i32
      %get3A_627 = arith.index_cast %mul3A_626 : i32 to index
      %get3A_628 = tpu.vector_load %arg14[%get3A_627] {strides = array<i32>} : memref<96xi32, #tpu.memory_space<vmem>>, vector<16xi32>,
      %get3A_629 = vector.shape_cast %get3A_628 : vector<16xi32> to vector<16xi32>
      %mul3A_630 = arith.constant 16 : i32
      %mul3A_631 = arith.muli %scan3A_624, %mul3A_630 : i32
      %swap3A_632 = arith.index_cast %mul3A_631 : i32 to index
      %swap3A_633 = tpu.vector_load %arg16[%swap3A_632] {strides = array<i32>} : memref<80xi32, #tpu.memory_space<vmem>>, vector<16xi32>,
      %swap3A_634 = vector.shape_cast %swap3A_633 : vector<16xi32> to vector<16xi32>
      %swap3A_635 = vector.shape_cast %get3A_629 : vector<16xi32> to vector<16xi32>
      tpu.vector_store %arg16[%swap3A_632], %swap3A_635 {strides = array<i32>} : memref<80xi32, #tpu.memory_space<vmem>>, vector<16xi32>,
      %scan3A_636 = arith.constant 0 : i32
      %scan3A_637 = arith.constant 1 : i32
      %mul3A_638 = arith.constant 16 : i32
      %mul3A_639 = arith.muli %scan3A_637, %mul3A_638 : i32
      %get3A_640 = arith.index_cast %mul3A_639 : i32 to index
      %get3A_641 = tpu.vector_load %arg14[%get3A_640] {strides = array<i32>} : memref<96xi32, #tpu.memory_space<vmem>>, vector<16xi32>,
      %get3A_642 = vector.shape_cast %get3A_641 : vector<16xi32> to vector<16xi32>
      %mul3A_643 = arith.constant 16 : i32
      %mul3A_644 = arith.muli %scan3A_637, %mul3A_643 : i32
      %swap3A_645 = arith.index_cast %mul3A_644 : i32 to index
      %swap3A_646 = tpu.vector_load %arg16[%swap3A_645] {strides = array<i32>} : memref<80xi32, #tpu.memory_space<vmem>>, vector<16xi32>,
      %swap3A_647 = vector.shape_cast %swap3A_646 : vector<16xi32> to vector<16xi32>
      %swap3A_648 = vector.shape_cast %get3A_642 : vector<16xi32> to vector<16xi32>
      tpu.vector_store %arg16[%swap3A_645], %swap3A_648 {strides = array<i32>} : memref<80xi32, #tpu.memory_space<vmem>>, vector<16xi32>,
      %scan3A_649 = arith.constant 0 : i32
      %scan3A_650 = arith.constant 2 : i32
      %mul3A_651 = arith.constant 16 : i32
      %mul3A_652 = arith.muli %scan3A_650, %mul3A_651 : i32
      %get3A_653 = arith.index_cast %mul3A_652 : i32 to index
      %get3A_654 = tpu.vector_load %arg14[%get3A_653] {strides = array<i32>} : memref<96xi32, #tpu.memory_space<vmem>>, vector<16xi32>,
      %get3A_655 = vector.shape_cast %get3A_654 : vector<16xi32> to vector<16xi32>
      %mul3A_656 = arith.constant 16 : i32
      %mul3A_657 = arith.muli %scan3A_650, %mul3A_656 : i32
      %swap3A_658 = arith.index_cast %mul3A_657 : i32 to index
      %swap3A_659 = tpu.vector_load %arg16[%swap3A_658] {strides = array<i32>} : memref<80xi32, #tpu.memory_space<vmem>>, vector<16xi32>,
      %swap3A_660 = vector.shape_cast %swap3A_659 : vector<16xi32> to vector<16xi32>
      %swap3A_661 = vector.shape_cast %get3A_655 : vector<16xi32> to vector<16xi32>
      tpu.vector_store %arg16[%swap3A_658], %swap3A_661 {strides = array<i32>} : memref<80xi32, #tpu.memory_space<vmem>>, vector<16xi32>,
      %scan3A_662 = arith.constant 0 : i32
      %scan3A_663 = arith.constant 3 : i32
      %mul3A_664 = arith.constant 16 : i32
      %mul3A_665 = arith.muli %scan3A_663, %mul3A_664 : i32
      %get3A_666 = arith.index_cast %mul3A_665 : i32 to index
      %get3A_667 = tpu.vector_load %arg14[%get3A_666] {strides = array<i32>} : memref<96xi32, #tpu.memory_space<vmem>>, vector<16xi32>,
      %get3A_668 = vector.shape_cast %get3A_667 : vector<16xi32> to vector<16xi32>
      %mul3A_669 = arith.constant 16 : i32
      %mul3A_670 = arith.muli %scan3A_663, %mul3A_669 : i32
      %swap3A_671 = arith.index_cast %mul3A_670 : i32 to index
      %swap3A_672 = tpu.vector_load %arg16[%swap3A_671] {strides = array<i32>} : memref<80xi32, #tpu.memory_space<vmem>>, vector<16xi32>,
      %swap3A_673 = vector.shape_cast %swap3A_672 : vector<16xi32> to vector<16xi32>
      %swap3A_674 = vector.shape_cast %get3A_668 : vector<16xi32> to vector<16xi32>
      tpu.vector_store %arg16[%swap3A_671], %swap3A_674 {strides = array<i32>} : memref<80xi32, #tpu.memory_space<vmem>>, vector<16xi32>,
      %scan3A_675 = arith.constant 0 : i32
      %scan3A_676 = arith.constant 4 : i32
      %mul3A_677 = arith.constant 16 : i32
      %mul3A_678 = arith.muli %scan3A_676, %mul3A_677 : i32
      %get3A_679 = arith.index_cast %mul3A_678 : i32 to index
      %get3A_680 = tpu.vector_load %arg14[%get3A_679] {strides = array<i32>} : memref<96xi32, #tpu.memory_space<vmem>>, vector<16xi32>,
      %get3A_681 = vector.shape_cast %get3A_680 : vector<16xi32> to vector<16xi32>
      %mul3A_682 = arith.constant 16 : i32
      %mul3A_683 = arith.muli %scan3A_676, %mul3A_682 : i32
      %swap3A_684 = arith.index_cast %mul3A_683 : i32 to index
      %swap3A_685 = tpu.vector_load %arg16[%swap3A_684] {strides = array<i32>} : memref<80xi32, #tpu.memory_space<vmem>>, vector<16xi32>,
      %swap3A_686 = vector.shape_cast %swap3A_685 : vector<16xi32> to vector<16xi32>
      %swap3A_687 = vector.shape_cast %get3A_681 : vector<16xi32> to vector<16xi32>
      tpu.vector_store %arg16[%swap3A_684], %swap3A_687 {strides = array<i32>} : memref<80xi32, #tpu.memory_space<vmem>>, vector<16xi32>,
      %scan3A_688 = arith.constant 0 : i32
      %scan3A_689 = arith.constant 5 : i32
      %dma_start3A_690 = arith.constant 0 : i32
      %dma_start3A_691 = arith.constant 0 : i32
      %dma_start3A_692 = tpu.memref_slice %arg28[%dma_start3A_690, %dma_start3A_691] : memref<10000x16xf32, #tpu.memory_space<vmem_shared>> -> memref<10000x16xf32, #tpu.memory_space<vmem_shared>>
      tpu.enqueue_indirect_dma source(%arg26 : memref<80x16xf32, #tpu.memory_space<vmem>>) target(%dma_start3A_692 : memref<10000x16xf32, #tpu.memory_space<vmem_shared>>) offsets(%arg16 : memref<80xi32, #tpu.memory_space<vmem>>) semaphore(%arg34 : memref<!tpu.dma_semaphore, #tpu.memory_space<semaphore_mem>>) {add = true}
      %dma_start3A_693 = arith.constant 0 : i32
      %dma_start3A_694 = arith.constant 0 : i32
      %dma_start3A_695 = tpu.memref_slice %arg27[%dma_start3A_693, %dma_start3A_694] : memref<10000x128xf32, #tpu.memory_space<vmem_shared>> -> memref<10000x128xf32, #tpu.memory_space<vmem_shared>>
      tpu.enqueue_indirect_dma source(%arg24 : memref<80x128xf32, #tpu.memory_space<vmem>>) target(%dma_start3A_695 : memref<10000x128xf32, #tpu.memory_space<vmem_shared>>) offsets(%arg16 : memref<80xi32, #tpu.memory_space<vmem>>) semaphore(%arg34 : memref<!tpu.dma_semaphore, #tpu.memory_space<semaphore_mem>>) {add = true}
      %lt3A = arith.constant 61 : i32
      %lt3A_696 = arith.cmpi slt, %scan3A_523, %lt3A : i32
      %convert_element_type3A_697 = arith.extui %lt3A_696 : i1 to i32
      %cond3A = arith.constant 0 : i32
      %cond3A_698 = arith.cmpi ne, %convert_element_type3A_697, %cond3A : i32
      scf.if %cond3A_698 {
        %add3A_814 = arith.constant 2 : i32
        %add3A_815 = arith.addi %add3A_528, %add3A_814 : i32
        %mul3A_816 = arith.constant 80 : i32
        %mul3A_817 = arith.muli %add3A_815, %mul3A_816 : i32
        %add3A_818 = arith.addi %mul3A_2, %mul3A_817 : i32
        %jit3A_819 = arith.constant 8 : i32
        %div3A_820 = arith.divsi %add3A_818, %jit3A_819 : i32
        %sign3A_821 = arith.constant 0 : i32
        %sign3A_822 = arith.cmpi sgt, %add3A_818, %sign3A_821 : i32
        %sign3A_823 = arith.extui %sign3A_822 : i1 to i32
        %sign3A_824 = arith.constant 0 : i32
        %sign3A_825 = arith.cmpi slt, %add3A_818, %sign3A_824 : i32
        %sign3A_826 = arith.extui %sign3A_825 : i1 to i32
        %sign3A_827 = arith.subi %sign3A_823, %sign3A_826 : i32
        %sign3A_828 = arith.constant 0 : i32
        %sign3A_829 = arith.cmpi sgt, %jit3A_819, %sign3A_828 : i32
        %sign3A_830 = arith.extui %sign3A_829 : i1 to i32
        %sign3A_831 = arith.constant 0 : i32
        %sign3A_832 = arith.cmpi slt, %jit3A_819, %sign3A_831 : i32
        %sign3A_833 = arith.extui %sign3A_832 : i1 to i32
        %sign3A_834 = arith.subi %sign3A_830, %sign3A_833 : i32
        %ne3A_835 = arith.cmpi ne, %sign3A_827, %sign3A_834 : i32
        %rem3A_836 = arith.remsi %add3A_818, %jit3A_819 : i32
        %ne3A_837 = arith.constant 0 : i32
        %ne3A_838 = arith.cmpi ne, %rem3A_836, %ne3A_837 : i32
        %and3A_839 = arith.andi %ne3A_835, %ne3A_838 : i1
        %sub3A_840 = arith.constant 1 : i32
        %sub3A_841 = arith.subi %div3A_820, %sub3A_840 : i32
        %select_n3A_842 = arith.select %and3A_839, %sub3A_841, %div3A_820 : i32
        %dma_start3A_843 = arith.constant 0 : i32
        %dma_start3A_844 = tpu.memref_slice %arg12[%dma_start3A_843] : memref<96xi32, #tpu.memory_space<vmem>> -> memref<80xi32, #tpu.memory_space<vmem>>
        %dma_start3A_845 = tpu.memref_slice %arg2[%add3A_818] : memref<320000xi32, #tpu.memory_space<hbm>> -> memref<80xi32, #tpu.memory_space<hbm>>
        %dma_start3A_846 = arith.constant 0 : i32
        %dma_start3A_847 = tpu.memref_slice %arg12[%dma_start3A_846] : memref<96xi32, #tpu.memory_space<vmem>> -> memref<80xi32, #tpu.memory_space<vmem>>
        %dma_start3A_848 = tpu.memref_slice %arg2[%add3A_818] : memref<320000xi32, #tpu.memory_space<hbm>> -> memref<80xi32, #tpu.memory_space<hbm>>
        tpu.enqueue_dma source(%dma_start3A_848 : memref<80xi32, #tpu.memory_space<hbm>>) target(%dma_start3A_847 : memref<80xi32, #tpu.memory_space<vmem>>) target_semaphore(%arg30 : memref<!tpu.dma_semaphore, #tpu.memory_space<semaphore_mem>>)
        %dma_start3A_849 = arith.constant 0 : i32
        %dma_start3A_850 = tpu.memref_slice %arg14[%dma_start3A_849] : memref<96xi32, #tpu.memory_space<vmem>> -> memref<80xi32, #tpu.memory_space<vmem>>
        %dma_start3A_851 = tpu.memref_slice %arg3[%add3A_818] : memref<320000xi32, #tpu.memory_space<hbm>> -> memref<80xi32, #tpu.memory_space<hbm>>
        %dma_start3A_852 = arith.constant 0 : i32
        %dma_start3A_853 = tpu.memref_slice %arg14[%dma_start3A_852] : memref<96xi32, #tpu.memory_space<vmem>> -> memref<80xi32, #tpu.memory_space<vmem>>
        %dma_start3A_854 = tpu.memref_slice %arg3[%add3A_818] : memref<320000xi32, #tpu.memory_space<hbm>> -> memref<80xi32, #tpu.memory_space<hbm>>
        tpu.enqueue_dma source(%dma_start3A_854 : memref<80xi32, #tpu.memory_space<hbm>>) target(%dma_start3A_853 : memref<80xi32, #tpu.memory_space<vmem>>) target_semaphore(%arg30 : memref<!tpu.dma_semaphore, #tpu.memory_space<semaphore_mem>>)
        %dma_start3A_855 = arith.constant 0 : i32
        %dma_start3A_856 = tpu.memref_slice %arg4[%select_n3A_842, %dma_start3A_855] : memref<40000x128xf32, #tpu.memory_space<hbm>> -> memref<10x128xf32, #tpu.memory_space<hbm>>
        %dma_start3A_857 = arith.constant 0 : i32
        %dma_start3A_858 = tpu.memref_slice %arg4[%select_n3A_842, %dma_start3A_857] : memref<40000x128xf32, #tpu.memory_space<hbm>> -> memref<10x128xf32, #tpu.memory_space<hbm>>
        tpu.enqueue_dma source(%dma_start3A_858 : memref<10x128xf32, #tpu.memory_space<hbm>>) target(%arg18 : memref<10x128xf32, #tpu.memory_space<vmem>>) target_semaphore(%arg30 : memref<!tpu.dma_semaphore, #tpu.memory_space<semaphore_mem>>)
      } else {
      }
      %mul3A_699 = arith.constant 2 : i32
      %mul3A_700 = arith.muli %mul3A_699, %scan3A_523 : i32
      %add3A_701 = arith.constant 2 : i32
      %add3A_702 = arith.addi %mul3A_700, %add3A_701 : i32
      %dma_wait3A_703 = arith.constant 0 : i32
      %dma_wait3A_704 = tpu.memref_slice %arg11[%dma_wait3A_703] : memref<96xi32, #tpu.memory_space<vmem>> -> memref<80xi32, #tpu.memory_space<vmem>>
      %dma_wait3A_705 = arith.constant 0 : i32
      %dma_wait3A_706 = arith.constant 0 : i32
      %dma_wait3A_707 = tpu.memref_slice %arg5[%dma_wait3A_705, %dma_wait3A_706] : memref<10000x16xf32, #tpu.memory_space<hbm>> -> memref<10000x16xf32, #tpu.memory_space<hbm>>
      tpu.wait_indirect_dma semaphore(%arg31 : memref<!tpu.dma_semaphore, #tpu.memory_space<semaphore_mem>>) src(%dma_wait3A_707 : memref<10000x16xf32, #tpu.memory_space<hbm>>) dst(%arg19 : memref<80x16xf32, #tpu.memory_space<vmem>>)
      %dma_wait3A_708 = arith.constant 0 : i32
      %dma_wait3A_709 = tpu.memref_slice %arg13[%dma_wait3A_708] : memref<96xi32, #tpu.memory_space<vmem>> -> memref<80xi32, #tpu.memory_space<vmem>>
      %dma_wait3A_710 = arith.constant 0 : i32
      %dma_wait3A_711 = arith.constant 0 : i32
      %dma_wait3A_712 = tpu.memref_slice %arg6[%dma_wait3A_710, %dma_wait3A_711] : memref<10000x16xf32, #tpu.memory_space<hbm>> -> memref<10000x16xf32, #tpu.memory_space<hbm>>
      tpu.wait_indirect_dma semaphore(%arg31 : memref<!tpu.dma_semaphore, #tpu.memory_space<semaphore_mem>>) src(%dma_wait3A_712 : memref<10000x16xf32, #tpu.memory_space<hbm>>) dst(%arg21 : memref<80x16xf32, #tpu.memory_space<vmem>>)
      %dma_wait3A_713 = arith.constant 0 : i32
      %dma_wait3A_714 = tpu.memref_slice %arg11[%dma_wait3A_713] : memref<96xi32, #tpu.memory_space<vmem>> -> memref<80xi32, #tpu.memory_space<vmem>>
      %dma_wait3A_715 = arith.constant 0 : i32
      %dma_wait3A_716 = arith.constant 0 : i32
      %dma_wait3A_717 = tpu.memref_slice %arg7[%dma_wait3A_715, %dma_wait3A_716] : memref<10000x128xf32, #tpu.memory_space<hbm>> -> memref<10000x128xf32, #tpu.memory_space<hbm>>
      tpu.wait_indirect_dma semaphore(%arg31 : memref<!tpu.dma_semaphore, #tpu.memory_space<semaphore_mem>>) src(%dma_wait3A_717 : memref<10000x128xf32, #tpu.memory_space<hbm>>) dst(%arg23 : memref<80x128xf32, #tpu.memory_space<vmem>>)
      %scan3A_718 = arith.constant 0 : i32
      %scan3A_719 = arith.constant 80 : i32
      %scan3A_720 = arith.addi %scan3A_718, %scan3A_719 : i32
      %scan3A_721 = arith.constant 4 : i32
      %scan3A_722 = scf.for %scan3A_814 = %scan3A_718 to %scan3A_720 step %scan3A_721 iter_args(%scan3A_815 = %scan3A_548) -> (vector<16xf32>)  : i32 {
        %get3A_816 = arith.index_cast %scan3A_814 : i32 to index
        %get3A_817 = arith.constant 0 : index
        %get3A_818 = tpu.vector_load %arg19[%get3A_816, %get3A_817] {strides = array<i32>} : memref<80x16xf32, #tpu.memory_space<vmem>>, vector<1x16xf32>,
        %get3A_819 = vector.shape_cast %get3A_818 : vector<1x16xf32> to vector<16xf32>
        %get3A_820 = arith.index_cast %scan3A_814 : i32 to index
        %get3A_821 = arith.constant 0 : index
        %get3A_822 = tpu.vector_load %arg21[%get3A_820, %get3A_821] {strides = array<i32>} : memref<80x16xf32, #tpu.memory_space<vmem>>, vector<1x16xf32>,
        %get3A_823 = vector.shape_cast %get3A_822 : vector<1x16xf32> to vector<16xf32>
        %shift_right_logical3A = arith.constant 3 : i32
        %shift_right_logical3A_824 = arith.shrui %scan3A_814, %shift_right_logical3A : i32
        %and3A_825 = arith.constant 7 : i32
        %and3A_826 = arith.andi %scan3A_814, %and3A_825 : i32
        %mul3A_827 = arith.constant 16 : i32
        %mul3A_828 = arith.muli %and3A_826, %mul3A_827 : i32
        %get3A_829 = arith.index_cast %shift_right_logical3A_824 : i32 to index
        %get3A_830 = arith.index_cast %mul3A_828 : i32 to index
        %get3A_831 = tpu.vector_load %arg17[%get3A_829, %get3A_830] {strides = array<i32>} : memref<10x128xf32, #tpu.memory_space<vmem>>, vector<1x16xf32>,
        %get3A_832 = vector.shape_cast %get3A_831 : vector<1x16xf32> to vector<16xf32>
        %add3A_833 = arith.addf %get3A_819, %get3A_823 : vector<16xf32>
        %add3A_834 = arith.addf %add3A_833, %get3A_832 : vector<16xf32>
        %mul3A_835 = arith.mulf %broadcast_in_dim3A_5, %add3A_834 : vector<16xf32>
        %max3A_836 = arith.maximumf %add3A_834, %mul3A_835 : vector<16xf32>
        %exp3A = math.exp %max3A_836 : vector<16xf32>
        %swap3A_837 = arith.index_cast %scan3A_814 : i32 to index
        %swap3A_838 = arith.constant 0 : index
        %swap3A_839 = tpu.vector_load %arg25[%swap3A_837, %swap3A_838] {strides = array<i32>} : memref<80x16xf32, #tpu.memory_space<vmem>>, vector<1x16xf32>,
        %swap3A_840 = vector.shape_cast %swap3A_839 : vector<1x16xf32> to vector<16xf32>
        %swap3A_841 = vector.shape_cast %exp3A : vector<16xf32> to vector<1x16xf32>
        tpu.vector_store %arg25[%swap3A_837, %swap3A_838], %swap3A_841 {strides = array<i32>} : memref<80x16xf32, #tpu.memory_space<vmem>>, vector<1x16xf32>,
        %get3A_842 = arith.index_cast %scan3A_814 : i32 to index
        %get3A_843 = tpu.vector_load %arg11[%get3A_842] {strides = array<i32>} : memref<96xi32, #tpu.memory_space<vmem>>, vector<16xi32>,
        %get3A_844 = vector.shape_cast %get3A_843 : vector<16xi32> to vector<16xi32>
        %get3A_845 = arith.index_cast %scan3A_814 : i32 to index
        %get3A_846 = tpu.vector_load %arg13[%get3A_845] {strides = array<i32>} : memref<96xi32, #tpu.memory_space<vmem>>, vector<16xi32>,
        %get3A_847 = vector.shape_cast %get3A_846 : vector<16xi32> to vector<16xi32>
        %slice3A = vector.extract_strided_slice %get3A_844 {offsets = [0], sizes = [1], strides = [1]} : vector<16xi32> to vector<1xi32>
        %squeeze3A = vector.extract %slice3A[0] : i32 from vector<1xi32>
        %eq3A = arith.constant 6 : i32
        %eq3A_848 = arith.cmpi eq, %squeeze3A, %eq3A : i32
        %slice3A_849 = vector.extract_strided_slice %get3A_847 {offsets = [0], sizes = [1], strides = [1]} : vector<16xi32> to vector<1xi32>
        %squeeze3A_850 = vector.extract %slice3A_849[0] : i32 from vector<1xi32>
        %eq3A_851 = arith.constant 6 : i32
        %eq3A_852 = arith.cmpi eq, %squeeze3A_850, %eq3A_851 : i32
        %and3A_853 = arith.andi %eq3A_848, %eq3A_852 : i1
        %jit3A_854 = arith.constant 1.000000e+00 : f32
        %jit3A_855 = arith.constant 0.000000e+00 : f32
        %select_n3A_856 = arith.select %and3A_853, %jit3A_854, %jit3A_855 : f32
        %mul3A_857 = arith.mulf %exp3A, %max3A : vector<16xf32>
        %broadcast_in_dim3A_858 = vector.broadcast %select_n3A_856 : f32 to vector<16xf32>
        %mul3A_859 = arith.mulf %mul3A_857, %broadcast_in_dim3A_858 : vector<16xf32>
        %add3A_860 = arith.addf %scan3A_815, %mul3A_859 : vector<16xf32>
        %scan3A_861 = arith.constant 1 : i32
        %scan3A_862 = arith.addi %scan3A_814, %scan3A_861 : i32
        %get3A_863 = arith.index_cast %scan3A_862 : i32 to index
        %get3A_864 = arith.constant 0 : index
        %get3A_865 = tpu.vector_load %arg19[%get3A_863, %get3A_864] {strides = array<i32>} : memref<80x16xf32, #tpu.memory_space<vmem>>, vector<1x16xf32>,
        %get3A_866 = vector.shape_cast %get3A_865 : vector<1x16xf32> to vector<16xf32>
        %get3A_867 = arith.index_cast %scan3A_862 : i32 to index
        %get3A_868 = arith.constant 0 : index
        %get3A_869 = tpu.vector_load %arg21[%get3A_867, %get3A_868] {strides = array<i32>} : memref<80x16xf32, #tpu.memory_space<vmem>>, vector<1x16xf32>,
        %get3A_870 = vector.shape_cast %get3A_869 : vector<1x16xf32> to vector<16xf32>
        %shift_right_logical3A_871 = arith.constant 3 : i32
        %shift_right_logical3A_872 = arith.shrui %scan3A_862, %shift_right_logical3A_871 : i32
        %and3A_873 = arith.constant 7 : i32
        %and3A_874 = arith.andi %scan3A_862, %and3A_873 : i32
        %mul3A_875 = arith.constant 16 : i32
        %mul3A_876 = arith.muli %and3A_874, %mul3A_875 : i32
        %get3A_877 = arith.index_cast %shift_right_logical3A_872 : i32 to index
        %get3A_878 = arith.index_cast %mul3A_876 : i32 to index
        %get3A_879 = tpu.vector_load %arg17[%get3A_877, %get3A_878] {strides = array<i32>} : memref<10x128xf32, #tpu.memory_space<vmem>>, vector<1x16xf32>,
        %get3A_880 = vector.shape_cast %get3A_879 : vector<1x16xf32> to vector<16xf32>
        %add3A_881 = arith.addf %get3A_866, %get3A_870 : vector<16xf32>
        %add3A_882 = arith.addf %add3A_881, %get3A_880 : vector<16xf32>
        %mul3A_883 = arith.mulf %broadcast_in_dim3A_5, %add3A_882 : vector<16xf32>
        %max3A_884 = arith.maximumf %add3A_882, %mul3A_883 : vector<16xf32>
        %exp3A_885 = math.exp %max3A_884 : vector<16xf32>
        %swap3A_886 = arith.index_cast %scan3A_862 : i32 to index
        %swap3A_887 = arith.constant 0 : index
        %swap3A_888 = tpu.vector_load %arg25[%swap3A_886, %swap3A_887] {strides = array<i32>} : memref<80x16xf32, #tpu.memory_space<vmem>>, vector<1x16xf32>,
        %swap3A_889 = vector.shape_cast %swap3A_888 : vector<1x16xf32> to vector<16xf32>
        %swap3A_890 = vector.shape_cast %exp3A_885 : vector<16xf32> to vector<1x16xf32>
        tpu.vector_store %arg25[%swap3A_886, %swap3A_887], %swap3A_890 {strides = array<i32>} : memref<80x16xf32, #tpu.memory_space<vmem>>, vector<1x16xf32>,
        %get3A_891 = arith.index_cast %scan3A_862 : i32 to index
        %get3A_892 = tpu.vector_load %arg11[%get3A_891] {strides = array<i32>} : memref<96xi32, #tpu.memory_space<vmem>>, vector<16xi32>,
        %get3A_893 = vector.shape_cast %get3A_892 : vector<16xi32> to vector<16xi32>
        %get3A_894 = arith.index_cast %scan3A_862 : i32 to index
        %get3A_895 = tpu.vector_load %arg13[%get3A_894] {strides = array<i32>} : memref<96xi32, #tpu.memory_space<vmem>>, vector<16xi32>,
        %get3A_896 = vector.shape_cast %get3A_895 : vector<16xi32> to vector<16xi32>
        %slice3A_897 = vector.extract_strided_slice %get3A_893 {offsets = [0], sizes = [1], strides = [1]} : vector<16xi32> to vector<1xi32>
        %squeeze3A_898 = vector.extract %slice3A_897[0] : i32 from vector<1xi32>
        %eq3A_899 = arith.constant 6 : i32
        %eq3A_900 = arith.cmpi eq, %squeeze3A_898, %eq3A_899 : i32
        %slice3A_901 = vector.extract_strided_slice %get3A_896 {offsets = [0], sizes = [1], strides = [1]} : vector<16xi32> to vector<1xi32>
        %squeeze3A_902 = vector.extract %slice3A_901[0] : i32 from vector<1xi32>
        %eq3A_903 = arith.constant 6 : i32
        %eq3A_904 = arith.cmpi eq, %squeeze3A_902, %eq3A_903 : i32
        %and3A_905 = arith.andi %eq3A_900, %eq3A_904 : i1
        %jit3A_906 = arith.constant 1.000000e+00 : f32
        %jit3A_907 = arith.constant 0.000000e+00 : f32
        %select_n3A_908 = arith.select %and3A_905, %jit3A_906, %jit3A_907 : f32
        %mul3A_909 = arith.mulf %exp3A_885, %max3A : vector<16xf32>
        %broadcast_in_dim3A_910 = vector.broadcast %select_n3A_908 : f32 to vector<16xf32>
        %mul3A_911 = arith.mulf %mul3A_909, %broadcast_in_dim3A_910 : vector<16xf32>
        %add3A_912 = arith.addf %add3A_860, %mul3A_911 : vector<16xf32>
        %scan3A_913 = arith.constant 2 : i32
        %scan3A_914 = arith.addi %scan3A_814, %scan3A_913 : i32
        %get3A_915 = arith.index_cast %scan3A_914 : i32 to index
        %get3A_916 = arith.constant 0 : index
        %get3A_917 = tpu.vector_load %arg19[%get3A_915, %get3A_916] {strides = array<i32>} : memref<80x16xf32, #tpu.memory_space<vmem>>, vector<1x16xf32>,
        %get3A_918 = vector.shape_cast %get3A_917 : vector<1x16xf32> to vector<16xf32>
        %get3A_919 = arith.index_cast %scan3A_914 : i32 to index
        %get3A_920 = arith.constant 0 : index
        %get3A_921 = tpu.vector_load %arg21[%get3A_919, %get3A_920] {strides = array<i32>} : memref<80x16xf32, #tpu.memory_space<vmem>>, vector<1x16xf32>,
        %get3A_922 = vector.shape_cast %get3A_921 : vector<1x16xf32> to vector<16xf32>
        %shift_right_logical3A_923 = arith.constant 3 : i32
        %shift_right_logical3A_924 = arith.shrui %scan3A_914, %shift_right_logical3A_923 : i32
        %and3A_925 = arith.constant 7 : i32
        %and3A_926 = arith.andi %scan3A_914, %and3A_925 : i32
        %mul3A_927 = arith.constant 16 : i32
        %mul3A_928 = arith.muli %and3A_926, %mul3A_927 : i32
        %get3A_929 = arith.index_cast %shift_right_logical3A_924 : i32 to index
        %get3A_930 = arith.index_cast %mul3A_928 : i32 to index
        %get3A_931 = tpu.vector_load %arg17[%get3A_929, %get3A_930] {strides = array<i32>} : memref<10x128xf32, #tpu.memory_space<vmem>>, vector<1x16xf32>,
        %get3A_932 = vector.shape_cast %get3A_931 : vector<1x16xf32> to vector<16xf32>
        %add3A_933 = arith.addf %get3A_918, %get3A_922 : vector<16xf32>
        %add3A_934 = arith.addf %add3A_933, %get3A_932 : vector<16xf32>
        %mul3A_935 = arith.mulf %broadcast_in_dim3A_5, %add3A_934 : vector<16xf32>
        %max3A_936 = arith.maximumf %add3A_934, %mul3A_935 : vector<16xf32>
        %exp3A_937 = math.exp %max3A_936 : vector<16xf32>
        %swap3A_938 = arith.index_cast %scan3A_914 : i32 to index
        %swap3A_939 = arith.constant 0 : index
        %swap3A_940 = tpu.vector_load %arg25[%swap3A_938, %swap3A_939] {strides = array<i32>} : memref<80x16xf32, #tpu.memory_space<vmem>>, vector<1x16xf32>,
        %swap3A_941 = vector.shape_cast %swap3A_940 : vector<1x16xf32> to vector<16xf32>
        %swap3A_942 = vector.shape_cast %exp3A_937 : vector<16xf32> to vector<1x16xf32>
        tpu.vector_store %arg25[%swap3A_938, %swap3A_939], %swap3A_942 {strides = array<i32>} : memref<80x16xf32, #tpu.memory_space<vmem>>, vector<1x16xf32>,
        %get3A_943 = arith.index_cast %scan3A_914 : i32 to index
        %get3A_944 = tpu.vector_load %arg11[%get3A_943] {strides = array<i32>} : memref<96xi32, #tpu.memory_space<vmem>>, vector<16xi32>,
        %get3A_945 = vector.shape_cast %get3A_944 : vector<16xi32> to vector<16xi32>
        %get3A_946 = arith.index_cast %scan3A_914 : i32 to index
        %get3A_947 = tpu.vector_load %arg13[%get3A_946] {strides = array<i32>} : memref<96xi32, #tpu.memory_space<vmem>>, vector<16xi32>,
        %get3A_948 = vector.shape_cast %get3A_947 : vector<16xi32> to vector<16xi32>
        %slice3A_949 = vector.extract_strided_slice %get3A_945 {offsets = [0], sizes = [1], strides = [1]} : vector<16xi32> to vector<1xi32>
        %squeeze3A_950 = vector.extract %slice3A_949[0] : i32 from vector<1xi32>
        %eq3A_951 = arith.constant 6 : i32
        %eq3A_952 = arith.cmpi eq, %squeeze3A_950, %eq3A_951 : i32
        %slice3A_953 = vector.extract_strided_slice %get3A_948 {offsets = [0], sizes = [1], strides = [1]} : vector<16xi32> to vector<1xi32>
        %squeeze3A_954 = vector.extract %slice3A_953[0] : i32 from vector<1xi32>
        %eq3A_955 = arith.constant 6 : i32
        %eq3A_956 = arith.cmpi eq, %squeeze3A_954, %eq3A_955 : i32
        %and3A_957 = arith.andi %eq3A_952, %eq3A_956 : i1
        %jit3A_958 = arith.constant 1.000000e+00 : f32
        %jit3A_959 = arith.constant 0.000000e+00 : f32
        %select_n3A_960 = arith.select %and3A_957, %jit3A_958, %jit3A_959 : f32
        %mul3A_961 = arith.mulf %exp3A_937, %max3A : vector<16xf32>
        %broadcast_in_dim3A_962 = vector.broadcast %select_n3A_960 : f32 to vector<16xf32>
        %mul3A_963 = arith.mulf %mul3A_961, %broadcast_in_dim3A_962 : vector<16xf32>
        %add3A_964 = arith.addf %add3A_912, %mul3A_963 : vector<16xf32>
        %scan3A_965 = arith.constant 3 : i32
        %scan3A_966 = arith.addi %scan3A_814, %scan3A_965 : i32
        %get3A_967 = arith.index_cast %scan3A_966 : i32 to index
        %get3A_968 = arith.constant 0 : index
        %get3A_969 = tpu.vector_load %arg19[%get3A_967, %get3A_968] {strides = array<i32>} : memref<80x16xf32, #tpu.memory_space<vmem>>, vector<1x16xf32>,
        %get3A_970 = vector.shape_cast %get3A_969 : vector<1x16xf32> to vector<16xf32>
        %get3A_971 = arith.index_cast %scan3A_966 : i32 to index
        %get3A_972 = arith.constant 0 : index
        %get3A_973 = tpu.vector_load %arg21[%get3A_971, %get3A_972] {strides = array<i32>} : memref<80x16xf32, #tpu.memory_space<vmem>>, vector<1x16xf32>,
        %get3A_974 = vector.shape_cast %get3A_973 : vector<1x16xf32> to vector<16xf32>
        %shift_right_logical3A_975 = arith.constant 3 : i32
        %shift_right_logical3A_976 = arith.shrui %scan3A_966, %shift_right_logical3A_975 : i32
        %and3A_977 = arith.constant 7 : i32
        %and3A_978 = arith.andi %scan3A_966, %and3A_977 : i32
        %mul3A_979 = arith.constant 16 : i32
        %mul3A_980 = arith.muli %and3A_978, %mul3A_979 : i32
        %get3A_981 = arith.index_cast %shift_right_logical3A_976 : i32 to index
        %get3A_982 = arith.index_cast %mul3A_980 : i32 to index
        %get3A_983 = tpu.vector_load %arg17[%get3A_981, %get3A_982] {strides = array<i32>} : memref<10x128xf32, #tpu.memory_space<vmem>>, vector<1x16xf32>,
        %get3A_984 = vector.shape_cast %get3A_983 : vector<1x16xf32> to vector<16xf32>
        %add3A_985 = arith.addf %get3A_970, %get3A_974 : vector<16xf32>
        %add3A_986 = arith.addf %add3A_985, %get3A_984 : vector<16xf32>
        %mul3A_987 = arith.mulf %broadcast_in_dim3A_5, %add3A_986 : vector<16xf32>
        %max3A_988 = arith.maximumf %add3A_986, %mul3A_987 : vector<16xf32>
        %exp3A_989 = math.exp %max3A_988 : vector<16xf32>
        %swap3A_990 = arith.index_cast %scan3A_966 : i32 to index
        %swap3A_991 = arith.constant 0 : index
        %swap3A_992 = tpu.vector_load %arg25[%swap3A_990, %swap3A_991] {strides = array<i32>} : memref<80x16xf32, #tpu.memory_space<vmem>>, vector<1x16xf32>,
        %swap3A_993 = vector.shape_cast %swap3A_992 : vector<1x16xf32> to vector<16xf32>
        %swap3A_994 = vector.shape_cast %exp3A_989 : vector<16xf32> to vector<1x16xf32>
        tpu.vector_store %arg25[%swap3A_990, %swap3A_991], %swap3A_994 {strides = array<i32>} : memref<80x16xf32, #tpu.memory_space<vmem>>, vector<1x16xf32>,
        %get3A_995 = arith.index_cast %scan3A_966 : i32 to index
        %get3A_996 = tpu.vector_load %arg11[%get3A_995] {strides = array<i32>} : memref<96xi32, #tpu.memory_space<vmem>>, vector<16xi32>,
        %get3A_997 = vector.shape_cast %get3A_996 : vector<16xi32> to vector<16xi32>
        %get3A_998 = arith.index_cast %scan3A_966 : i32 to index
        %get3A_999 = tpu.vector_load %arg13[%get3A_998] {strides = array<i32>} : memref<96xi32, #tpu.memory_space<vmem>>, vector<16xi32>,
        %get3A_1000 = vector.shape_cast %get3A_999 : vector<16xi32> to vector<16xi32>
        %slice3A_1001 = vector.extract_strided_slice %get3A_997 {offsets = [0], sizes = [1], strides = [1]} : vector<16xi32> to vector<1xi32>
        %squeeze3A_1002 = vector.extract %slice3A_1001[0] : i32 from vector<1xi32>
        %eq3A_1003 = arith.constant 6 : i32
        %eq3A_1004 = arith.cmpi eq, %squeeze3A_1002, %eq3A_1003 : i32
        %slice3A_1005 = vector.extract_strided_slice %get3A_1000 {offsets = [0], sizes = [1], strides = [1]} : vector<16xi32> to vector<1xi32>
        %squeeze3A_1006 = vector.extract %slice3A_1005[0] : i32 from vector<1xi32>
        %eq3A_1007 = arith.constant 6 : i32
        %eq3A_1008 = arith.cmpi eq, %squeeze3A_1006, %eq3A_1007 : i32
        %and3A_1009 = arith.andi %eq3A_1004, %eq3A_1008 : i1
        %jit3A_1010 = arith.constant 1.000000e+00 : f32
        %jit3A_1011 = arith.constant 0.000000e+00 : f32
        %select_n3A_1012 = arith.select %and3A_1009, %jit3A_1010, %jit3A_1011 : f32
        %mul3A_1013 = arith.mulf %exp3A_989, %max3A : vector<16xf32>
        %broadcast_in_dim3A_1014 = vector.broadcast %select_n3A_1012 : f32 to vector<16xf32>
        %mul3A_1015 = arith.mulf %mul3A_1013, %broadcast_in_dim3A_1014 : vector<16xf32>
        %add3A_1016 = arith.addf %add3A_964, %mul3A_1015 : vector<16xf32>
        scf.yield %add3A_1016 : vector<16xf32>
      }
      %scan3A_723 = arith.constant 80 : i32
      %lt3A_724 = arith.constant 61 : i32
      %lt3A_725 = arith.cmpi slt, %scan3A_523, %lt3A_724 : i32
      %convert_element_type3A_726 = arith.extui %lt3A_725 : i1 to i32
      %cond3A_727 = arith.constant 0 : i32
      %cond3A_728 = arith.cmpi ne, %convert_element_type3A_726, %cond3A_727 : i32
      scf.if %cond3A_728 {
        %add3A_814 = arith.constant 1 : i32
        %add3A_815 = arith.addi %add3A_702, %add3A_814 : i32
        %mul3A_816 = arith.constant 80 : i32
        %mul3A_817 = arith.muli %add3A_815, %mul3A_816 : i32
        %add3A_818 = arith.addi %mul3A_2, %mul3A_817 : i32
        %jit3A_819 = arith.constant 8 : i32
        %div3A_820 = arith.divsi %add3A_818, %jit3A_819 : i32
        %sign3A_821 = arith.constant 0 : i32
        %sign3A_822 = arith.cmpi sgt, %add3A_818, %sign3A_821 : i32
        %sign3A_823 = arith.extui %sign3A_822 : i1 to i32
        %sign3A_824 = arith.constant 0 : i32
        %sign3A_825 = arith.cmpi slt, %add3A_818, %sign3A_824 : i32
        %sign3A_826 = arith.extui %sign3A_825 : i1 to i32
        %sign3A_827 = arith.subi %sign3A_823, %sign3A_826 : i32
        %sign3A_828 = arith.constant 0 : i32
        %sign3A_829 = arith.cmpi sgt, %jit3A_819, %sign3A_828 : i32
        %sign3A_830 = arith.extui %sign3A_829 : i1 to i32
        %sign3A_831 = arith.constant 0 : i32
        %sign3A_832 = arith.cmpi slt, %jit3A_819, %sign3A_831 : i32
        %sign3A_833 = arith.extui %sign3A_832 : i1 to i32
        %sign3A_834 = arith.subi %sign3A_830, %sign3A_833 : i32
        %ne3A_835 = arith.cmpi ne, %sign3A_827, %sign3A_834 : i32
        %rem3A_836 = arith.remsi %add3A_818, %jit3A_819 : i32
        %ne3A_837 = arith.constant 0 : i32
        %ne3A_838 = arith.cmpi ne, %rem3A_836, %ne3A_837 : i32
        %and3A_839 = arith.andi %ne3A_835, %ne3A_838 : i1
        %sub3A_840 = arith.constant 1 : i32
        %sub3A_841 = arith.subi %div3A_820, %sub3A_840 : i32
        %select_n3A_842 = arith.select %and3A_839, %sub3A_841, %div3A_820 : i32
        %dma_wait3A_843 = arith.constant 0 : i32
        %dma_wait3A_844 = tpu.memref_slice %arg12[%dma_wait3A_843] : memref<96xi32, #tpu.memory_space<vmem>> -> memref<80xi32, #tpu.memory_space<vmem>>
        %dma_wait3A_845 = tpu.memref_slice %arg2[%add3A_818] : memref<320000xi32, #tpu.memory_space<hbm>> -> memref<80xi32, #tpu.memory_space<hbm>>
        %dma_wait3A_846 = arith.constant 0 : i32
        %dma_wait3A_847 = tpu.memref_slice %arg12[%dma_wait3A_846] : memref<96xi32, #tpu.memory_space<vmem>> -> memref<80xi32, #tpu.memory_space<vmem>>
        %dma_wait3A_848 = tpu.memref_slice %arg2[%add3A_818] : memref<320000xi32, #tpu.memory_space<hbm>> -> memref<80xi32, #tpu.memory_space<hbm>>
        tpu.wait_dma2 semaphore(%arg30 : memref<!tpu.dma_semaphore, #tpu.memory_space<semaphore_mem>>) src(%dma_wait3A_848 : memref<80xi32, #tpu.memory_space<hbm>>) dst(%dma_wait3A_847 : memref<80xi32, #tpu.memory_space<vmem>>)
        %dma_wait3A_849 = arith.constant 0 : i32
        %dma_wait3A_850 = tpu.memref_slice %arg14[%dma_wait3A_849] : memref<96xi32, #tpu.memory_space<vmem>> -> memref<80xi32, #tpu.memory_space<vmem>>
        %dma_wait3A_851 = tpu.memref_slice %arg3[%add3A_818] : memref<320000xi32, #tpu.memory_space<hbm>> -> memref<80xi32, #tpu.memory_space<hbm>>
        %dma_wait3A_852 = arith.constant 0 : i32
        %dma_wait3A_853 = tpu.memref_slice %arg14[%dma_wait3A_852] : memref<96xi32, #tpu.memory_space<vmem>> -> memref<80xi32, #tpu.memory_space<vmem>>
        %dma_wait3A_854 = tpu.memref_slice %arg3[%add3A_818] : memref<320000xi32, #tpu.memory_space<hbm>> -> memref<80xi32, #tpu.memory_space<hbm>>
        tpu.wait_dma2 semaphore(%arg30 : memref<!tpu.dma_semaphore, #tpu.memory_space<semaphore_mem>>) src(%dma_wait3A_854 : memref<80xi32, #tpu.memory_space<hbm>>) dst(%dma_wait3A_853 : memref<80xi32, #tpu.memory_space<vmem>>)
        %dma_wait3A_855 = arith.constant 0 : i32
        %dma_wait3A_856 = tpu.memref_slice %arg4[%select_n3A_842, %dma_wait3A_855] : memref<40000x128xf32, #tpu.memory_space<hbm>> -> memref<10x128xf32, #tpu.memory_space<hbm>>
        %dma_wait3A_857 = arith.constant 0 : i32
        %dma_wait3A_858 = tpu.memref_slice %arg4[%select_n3A_842, %dma_wait3A_857] : memref<40000x128xf32, #tpu.memory_space<hbm>> -> memref<10x128xf32, #tpu.memory_space<hbm>>
        tpu.wait_dma2 semaphore(%arg30 : memref<!tpu.dma_semaphore, #tpu.memory_space<semaphore_mem>>) src(%dma_wait3A_858 : memref<10x128xf32, #tpu.memory_space<hbm>>) dst(%arg18 : memref<10x128xf32, #tpu.memory_space<vmem>>)
        %dma_wait3A_859 = arith.constant 0 : i32
        %dma_wait3A_860 = arith.constant 0 : i32
        %dma_wait3A_861 = tpu.memref_slice %arg28[%dma_wait3A_859, %dma_wait3A_860] : memref<10000x16xf32, #tpu.memory_space<vmem_shared>> -> memref<10000x16xf32, #tpu.memory_space<vmem_shared>>
        tpu.wait_indirect_dma semaphore(%arg34 : memref<!tpu.dma_semaphore, #tpu.memory_space<semaphore_mem>>) src(%arg26 : memref<80x16xf32, #tpu.memory_space<vmem>>) dst(%dma_wait3A_861 : memref<10000x16xf32, #tpu.memory_space<vmem_shared>>)
        %dma_wait3A_862 = arith.constant 0 : i32
        %dma_wait3A_863 = arith.constant 0 : i32
        %dma_wait3A_864 = tpu.memref_slice %arg27[%dma_wait3A_862, %dma_wait3A_863] : memref<10000x128xf32, #tpu.memory_space<vmem_shared>> -> memref<10000x128xf32, #tpu.memory_space<vmem_shared>>
        tpu.wait_indirect_dma semaphore(%arg34 : memref<!tpu.dma_semaphore, #tpu.memory_space<semaphore_mem>>) src(%arg24 : memref<80x128xf32, #tpu.memory_space<vmem>>) dst(%dma_wait3A_864 : memref<10000x128xf32, #tpu.memory_space<vmem_shared>>)
        %dma_start3A_865 = arith.constant 0 : i32
        %dma_start3A_866 = tpu.memref_slice %arg12[%dma_start3A_865] : memref<96xi32, #tpu.memory_space<vmem>> -> memref<80xi32, #tpu.memory_space<vmem>>
        %dma_start3A_867 = arith.constant 0 : i32
        %dma_start3A_868 = arith.constant 0 : i32
        %dma_start3A_869 = tpu.memref_slice %arg5[%dma_start3A_867, %dma_start3A_868] : memref<10000x16xf32, #tpu.memory_space<hbm>> -> memref<10000x16xf32, #tpu.memory_space<hbm>>
        tpu.enqueue_indirect_dma source(%dma_start3A_869 : memref<10000x16xf32, #tpu.memory_space<hbm>>) target(%arg20 : memref<80x16xf32, #tpu.memory_space<vmem>>) offsets(%dma_start3A_866 : memref<80xi32, #tpu.memory_space<vmem>>) semaphore(%arg32 : memref<!tpu.dma_semaphore, #tpu.memory_space<semaphore_mem>>)
        %dma_start3A_870 = arith.constant 0 : i32
        %dma_start3A_871 = tpu.memref_slice %arg14[%dma_start3A_870] : memref<96xi32, #tpu.memory_space<vmem>> -> memref<80xi32, #tpu.memory_space<vmem>>
        %dma_start3A_872 = arith.constant 0 : i32
        %dma_start3A_873 = arith.constant 0 : i32
        %dma_start3A_874 = tpu.memref_slice %arg6[%dma_start3A_872, %dma_start3A_873] : memref<10000x16xf32, #tpu.memory_space<hbm>> -> memref<10000x16xf32, #tpu.memory_space<hbm>>
        tpu.enqueue_indirect_dma source(%dma_start3A_874 : memref<10000x16xf32, #tpu.memory_space<hbm>>) target(%arg22 : memref<80x16xf32, #tpu.memory_space<vmem>>) offsets(%dma_start3A_871 : memref<80xi32, #tpu.memory_space<vmem>>) semaphore(%arg32 : memref<!tpu.dma_semaphore, #tpu.memory_space<semaphore_mem>>)
        %dma_start3A_875 = arith.constant 0 : i32
        %dma_start3A_876 = tpu.memref_slice %arg12[%dma_start3A_875] : memref<96xi32, #tpu.memory_space<vmem>> -> memref<80xi32, #tpu.memory_space<vmem>>
        %dma_start3A_877 = arith.constant 0 : i32
        %dma_start3A_878 = arith.constant 0 : i32
        %dma_start3A_879 = tpu.memref_slice %arg7[%dma_start3A_877, %dma_start3A_878] : memref<10000x128xf32, #tpu.memory_space<hbm>> -> memref<10000x128xf32, #tpu.memory_space<hbm>>
        tpu.enqueue_indirect_dma source(%dma_start3A_879 : memref<10000x128xf32, #tpu.memory_space<hbm>>) target(%arg24 : memref<80x128xf32, #tpu.memory_space<vmem>>) offsets(%dma_start3A_876 : memref<80xi32, #tpu.memory_space<vmem>>) semaphore(%arg32 : memref<!tpu.dma_semaphore, #tpu.memory_space<semaphore_mem>>)
      } else {
      }
      %scan3A_729 = arith.constant 0 : i32
      %scan3A_730 = arith.constant 0 : i32
      %scan3A_731 = arith.constant 80 : i32
      %scan3A_732 = arith.addi %scan3A_730, %scan3A_731 : i32
      %scan3A_733 = arith.constant 2 : i32
      %scan3A_734 = scf.for %scan3A_814 = %scan3A_730 to %scan3A_732 step %scan3A_733 iter_args(%scan3A_815 = %scan3A_729) -> (i32)  : i32 {
        %get3A_816 = arith.index_cast %scan3A_814 : i32 to index
        %get3A_817 = arith.constant 0 : index
        %get3A_818 = tpu.vector_load %arg25[%get3A_816, %get3A_817] {strides = array<i32>} : memref<80x16xf32, #tpu.memory_space<vmem>>, vector<1x16xf32>,
        %get3A_819 = vector.shape_cast %get3A_818 : vector<1x16xf32> to vector<16xf32>
        %broadcast_in_dim3A_820 = arith.constant 0 : i32
        %broadcast_in_dim3A_821 = vector.broadcast %broadcast_in_dim3A_820 : i32 to vector<16xi32>
        %lt3A_822 = arith.constant 0 : i32
        %lt3A_823 = vector.broadcast %lt3A_822 : i32 to vector<16xi32>
        %lt3A_824 = arith.cmpi slt, %broadcast_in_dim3A_821, %lt3A_823 : vector<16xi32>
        %add3A_825 = arith.constant 16 : i32
        %add3A_826 = vector.broadcast %add3A_825 : i32 to vector<16xi32>
        %add3A_827 = arith.addi %broadcast_in_dim3A_821, %add3A_826 : vector<16xi32>
        %select_n3A_828 = arith.select %lt3A_824, %add3A_827, %broadcast_in_dim3A_821 : vector<16xi1>, vector<16xi32>
        %broadcast_in_dim3A_829 = vector.shape_cast %select_n3A_828 : vector<16xi32> to vector<16x1xi32>
        %gather3A = vector.shape_cast %broadcast_in_dim3A_829 : vector<16x1xi32> to vector<16xi32>
        %gather3A_830 = tpu.dynamic_gather %get3A_819[%gather3A] in [0] : vector<16xf32>, vector<16xi32> -> vector<16xf32>
        %get3A_831 = arith.index_cast %scan3A_814 : i32 to index
        %get3A_832 = arith.constant 0 : index
        %get3A_833 = tpu.vector_load %arg23[%get3A_831, %get3A_832] {strides = array<i32>} : memref<80x128xf32, #tpu.memory_space<vmem>>, vector<1x16xf32>,
        %get3A_834 = vector.shape_cast %get3A_833 : vector<1x16xf32> to vector<16xf32>
        %mul3A_835 = arith.mulf %get3A_834, %gather3A_830 : vector<16xf32>
        %swap3A_836 = arith.index_cast %scan3A_814 : i32 to index
        %swap3A_837 = arith.constant 0 : index
        %swap3A_838 = tpu.vector_load %arg23[%swap3A_836, %swap3A_837] {strides = array<i32>} : memref<80x128xf32, #tpu.memory_space<vmem>>, vector<1x16xf32>,
        %swap3A_839 = vector.shape_cast %swap3A_838 : vector<1x16xf32> to vector<16xf32>
        %swap3A_840 = vector.shape_cast %mul3A_835 : vector<16xf32> to vector<1x16xf32>
        tpu.vector_store %arg23[%swap3A_836, %swap3A_837], %swap3A_840 {strides = array<i32>} : memref<80x128xf32, #tpu.memory_space<vmem>>, vector<1x16xf32>,
        %broadcast_in_dim3A_841 = arith.constant 1 : i32
        %broadcast_in_dim3A_842 = vector.broadcast %broadcast_in_dim3A_841 : i32 to vector<16xi32>
        %lt3A_843 = arith.constant 0 : i32
        %lt3A_844 = vector.broadcast %lt3A_843 : i32 to vector<16xi32>
        %lt3A_845 = arith.cmpi slt, %broadcast_in_dim3A_842, %lt3A_844 : vector<16xi32>
        %add3A_846 = arith.constant 16 : i32
        %add3A_847 = vector.broadcast %add3A_846 : i32 to vector<16xi32>
        %add3A_848 = arith.addi %broadcast_in_dim3A_842, %add3A_847 : vector<16xi32>
        %select_n3A_849 = arith.select %lt3A_845, %add3A_848, %broadcast_in_dim3A_842 : vector<16xi1>, vector<16xi32>
        %broadcast_in_dim3A_850 = vector.shape_cast %select_n3A_849 : vector<16xi32> to vector<16x1xi32>
        %gather3A_851 = vector.shape_cast %broadcast_in_dim3A_850 : vector<16x1xi32> to vector<16xi32>
        %gather3A_852 = tpu.dynamic_gather %get3A_819[%gather3A_851] in [0] : vector<16xf32>, vector<16xi32> -> vector<16xf32>
        %get3A_853 = arith.index_cast %scan3A_814 : i32 to index
        %get3A_854 = arith.constant 16 : index
        %get3A_855 = tpu.vector_load %arg23[%get3A_853, %get3A_854] {strides = array<i32>} : memref<80x128xf32, #tpu.memory_space<vmem>>, vector<1x16xf32>,
        %get3A_856 = vector.shape_cast %get3A_855 : vector<1x16xf32> to vector<16xf32>
        %mul3A_857 = arith.mulf %get3A_856, %gather3A_852 : vector<16xf32>
        %swap3A_858 = arith.index_cast %scan3A_814 : i32 to index
        %swap3A_859 = arith.constant 16 : index
        %swap3A_860 = tpu.vector_load %arg23[%swap3A_858, %swap3A_859] {strides = array<i32>} : memref<80x128xf32, #tpu.memory_space<vmem>>, vector<1x16xf32>,
        %swap3A_861 = vector.shape_cast %swap3A_860 : vector<1x16xf32> to vector<16xf32>
        %swap3A_862 = vector.shape_cast %mul3A_857 : vector<16xf32> to vector<1x16xf32>
        tpu.vector_store %arg23[%swap3A_858, %swap3A_859], %swap3A_862 {strides = array<i32>} : memref<80x128xf32, #tpu.memory_space<vmem>>, vector<1x16xf32>,
        %broadcast_in_dim3A_863 = arith.constant 2 : i32
        %broadcast_in_dim3A_864 = vector.broadcast %broadcast_in_dim3A_863 : i32 to vector<16xi32>
        %lt3A_865 = arith.constant 0 : i32
        %lt3A_866 = vector.broadcast %lt3A_865 : i32 to vector<16xi32>
        %lt3A_867 = arith.cmpi slt, %broadcast_in_dim3A_864, %lt3A_866 : vector<16xi32>
        %add3A_868 = arith.constant 16 : i32
        %add3A_869 = vector.broadcast %add3A_868 : i32 to vector<16xi32>
        %add3A_870 = arith.addi %broadcast_in_dim3A_864, %add3A_869 : vector<16xi32>
        %select_n3A_871 = arith.select %lt3A_867, %add3A_870, %broadcast_in_dim3A_864 : vector<16xi1>, vector<16xi32>
        %broadcast_in_dim3A_872 = vector.shape_cast %select_n3A_871 : vector<16xi32> to vector<16x1xi32>
        %gather3A_873 = vector.shape_cast %broadcast_in_dim3A_872 : vector<16x1xi32> to vector<16xi32>
        %gather3A_874 = tpu.dynamic_gather %get3A_819[%gather3A_873] in [0] : vector<16xf32>, vector<16xi32> -> vector<16xf32>
        %get3A_875 = arith.index_cast %scan3A_814 : i32 to index
        %get3A_876 = arith.constant 32 : index
        %get3A_877 = tpu.vector_load %arg23[%get3A_875, %get3A_876] {strides = array<i32>} : memref<80x128xf32, #tpu.memory_space<vmem>>, vector<1x16xf32>,
        %get3A_878 = vector.shape_cast %get3A_877 : vector<1x16xf32> to vector<16xf32>
        %mul3A_879 = arith.mulf %get3A_878, %gather3A_874 : vector<16xf32>
        %swap3A_880 = arith.index_cast %scan3A_814 : i32 to index
        %swap3A_881 = arith.constant 32 : index
        %swap3A_882 = tpu.vector_load %arg23[%swap3A_880, %swap3A_881] {strides = array<i32>} : memref<80x128xf32, #tpu.memory_space<vmem>>, vector<1x16xf32>,
        %swap3A_883 = vector.shape_cast %swap3A_882 : vector<1x16xf32> to vector<16xf32>
        %swap3A_884 = vector.shape_cast %mul3A_879 : vector<16xf32> to vector<1x16xf32>
        tpu.vector_store %arg23[%swap3A_880, %swap3A_881], %swap3A_884 {strides = array<i32>} : memref<80x128xf32, #tpu.memory_space<vmem>>, vector<1x16xf32>,
        %broadcast_in_dim3A_885 = arith.constant 3 : i32
        %broadcast_in_dim3A_886 = vector.broadcast %broadcast_in_dim3A_885 : i32 to vector<16xi32>
        %lt3A_887 = arith.constant 0 : i32
        %lt3A_888 = vector.broadcast %lt3A_887 : i32 to vector<16xi32>
        %lt3A_889 = arith.cmpi slt, %broadcast_in_dim3A_886, %lt3A_888 : vector<16xi32>
        %add3A_890 = arith.constant 16 : i32
        %add3A_891 = vector.broadcast %add3A_890 : i32 to vector<16xi32>
        %add3A_892 = arith.addi %broadcast_in_dim3A_886, %add3A_891 : vector<16xi32>
        %select_n3A_893 = arith.select %lt3A_889, %add3A_892, %broadcast_in_dim3A_886 : vector<16xi1>, vector<16xi32>
        %broadcast_in_dim3A_894 = vector.shape_cast %select_n3A_893 : vector<16xi32> to vector<16x1xi32>
        %gather3A_895 = vector.shape_cast %broadcast_in_dim3A_894 : vector<16x1xi32> to vector<16xi32>
        %gather3A_896 = tpu.dynamic_gather %get3A_819[%gather3A_895] in [0] : vector<16xf32>, vector<16xi32> -> vector<16xf32>
        %get3A_897 = arith.index_cast %scan3A_814 : i32 to index
        %get3A_898 = arith.constant 48 : index
        %get3A_899 = tpu.vector_load %arg23[%get3A_897, %get3A_898] {strides = array<i32>} : memref<80x128xf32, #tpu.memory_space<vmem>>, vector<1x16xf32>,
        %get3A_900 = vector.shape_cast %get3A_899 : vector<1x16xf32> to vector<16xf32>
        %mul3A_901 = arith.mulf %get3A_900, %gather3A_896 : vector<16xf32>
        %swap3A_902 = arith.index_cast %scan3A_814 : i32 to index
        %swap3A_903 = arith.constant 48 : index
        %swap3A_904 = tpu.vector_load %arg23[%swap3A_902, %swap3A_903] {strides = array<i32>} : memref<80x128xf32, #tpu.memory_space<vmem>>, vector<1x16xf32>,
        %swap3A_905 = vector.shape_cast %swap3A_904 : vector<1x16xf32> to vector<16xf32>
        %swap3A_906 = vector.shape_cast %mul3A_901 : vector<16xf32> to vector<1x16xf32>
        tpu.vector_store %arg23[%swap3A_902, %swap3A_903], %swap3A_906 {strides = array<i32>} : memref<80x128xf32, #tpu.memory_space<vmem>>, vector<1x16xf32>,
        %broadcast_in_dim3A_907 = arith.constant 4 : i32
        %broadcast_in_dim3A_908 = vector.broadcast %broadcast_in_dim3A_907 : i32 to vector<16xi32>
        %lt3A_909 = arith.constant 0 : i32
        %lt3A_910 = vector.broadcast %lt3A_909 : i32 to vector<16xi32>
        %lt3A_911 = arith.cmpi slt, %broadcast_in_dim3A_908, %lt3A_910 : vector<16xi32>
        %add3A_912 = arith.constant 16 : i32
        %add3A_913 = vector.broadcast %add3A_912 : i32 to vector<16xi32>
        %add3A_914 = arith.addi %broadcast_in_dim3A_908, %add3A_913 : vector<16xi32>
        %select_n3A_915 = arith.select %lt3A_911, %add3A_914, %broadcast_in_dim3A_908 : vector<16xi1>, vector<16xi32>
        %broadcast_in_dim3A_916 = vector.shape_cast %select_n3A_915 : vector<16xi32> to vector<16x1xi32>
        %gather3A_917 = vector.shape_cast %broadcast_in_dim3A_916 : vector<16x1xi32> to vector<16xi32>
        %gather3A_918 = tpu.dynamic_gather %get3A_819[%gather3A_917] in [0] : vector<16xf32>, vector<16xi32> -> vector<16xf32>
        %get3A_919 = arith.index_cast %scan3A_814 : i32 to index
        %get3A_920 = arith.constant 64 : index
        %get3A_921 = tpu.vector_load %arg23[%get3A_919, %get3A_920] {strides = array<i32>} : memref<80x128xf32, #tpu.memory_space<vmem>>, vector<1x16xf32>,
        %get3A_922 = vector.shape_cast %get3A_921 : vector<1x16xf32> to vector<16xf32>
        %mul3A_923 = arith.mulf %get3A_922, %gather3A_918 : vector<16xf32>
        %swap3A_924 = arith.index_cast %scan3A_814 : i32 to index
        %swap3A_925 = arith.constant 64 : index
        %swap3A_926 = tpu.vector_load %arg23[%swap3A_924, %swap3A_925] {strides = array<i32>} : memref<80x128xf32, #tpu.memory_space<vmem>>, vector<1x16xf32>,
        %swap3A_927 = vector.shape_cast %swap3A_926 : vector<1x16xf32> to vector<16xf32>
        %swap3A_928 = vector.shape_cast %mul3A_923 : vector<16xf32> to vector<1x16xf32>
        tpu.vector_store %arg23[%swap3A_924, %swap3A_925], %swap3A_928 {strides = array<i32>} : memref<80x128xf32, #tpu.memory_space<vmem>>, vector<1x16xf32>,
        %broadcast_in_dim3A_929 = arith.constant 5 : i32
        %broadcast_in_dim3A_930 = vector.broadcast %broadcast_in_dim3A_929 : i32 to vector<16xi32>
        %lt3A_931 = arith.constant 0 : i32
        %lt3A_932 = vector.broadcast %lt3A_931 : i32 to vector<16xi32>
        %lt3A_933 = arith.cmpi slt, %broadcast_in_dim3A_930, %lt3A_932 : vector<16xi32>
        %add3A_934 = arith.constant 16 : i32
        %add3A_935 = vector.broadcast %add3A_934 : i32 to vector<16xi32>
        %add3A_936 = arith.addi %broadcast_in_dim3A_930, %add3A_935 : vector<16xi32>
        %select_n3A_937 = arith.select %lt3A_933, %add3A_936, %broadcast_in_dim3A_930 : vector<16xi1>, vector<16xi32>
        %broadcast_in_dim3A_938 = vector.shape_cast %select_n3A_937 : vector<16xi32> to vector<16x1xi32>
        %gather3A_939 = vector.shape_cast %broadcast_in_dim3A_938 : vector<16x1xi32> to vector<16xi32>
        %gather3A_940 = tpu.dynamic_gather %get3A_819[%gather3A_939] in [0] : vector<16xf32>, vector<16xi32> -> vector<16xf32>
        %get3A_941 = arith.index_cast %scan3A_814 : i32 to index
        %get3A_942 = arith.constant 80 : index
        %get3A_943 = tpu.vector_load %arg23[%get3A_941, %get3A_942] {strides = array<i32>} : memref<80x128xf32, #tpu.memory_space<vmem>>, vector<1x16xf32>,
        %get3A_944 = vector.shape_cast %get3A_943 : vector<1x16xf32> to vector<16xf32>
        %mul3A_945 = arith.mulf %get3A_944, %gather3A_940 : vector<16xf32>
        %swap3A_946 = arith.index_cast %scan3A_814 : i32 to index
        %swap3A_947 = arith.constant 80 : index
        %swap3A_948 = tpu.vector_load %arg23[%swap3A_946, %swap3A_947] {strides = array<i32>} : memref<80x128xf32, #tpu.memory_space<vmem>>, vector<1x16xf32>,
        %swap3A_949 = vector.shape_cast %swap3A_948 : vector<1x16xf32> to vector<16xf32>
        %swap3A_950 = vector.shape_cast %mul3A_945 : vector<16xf32> to vector<1x16xf32>
        tpu.vector_store %arg23[%swap3A_946, %swap3A_947], %swap3A_950 {strides = array<i32>} : memref<80x128xf32, #tpu.memory_space<vmem>>, vector<1x16xf32>,
        %broadcast_in_dim3A_951 = arith.constant 6 : i32
        %broadcast_in_dim3A_952 = vector.broadcast %broadcast_in_dim3A_951 : i32 to vector<16xi32>
        %lt3A_953 = arith.constant 0 : i32
        %lt3A_954 = vector.broadcast %lt3A_953 : i32 to vector<16xi32>
        %lt3A_955 = arith.cmpi slt, %broadcast_in_dim3A_952, %lt3A_954 : vector<16xi32>
        %add3A_956 = arith.constant 16 : i32
        %add3A_957 = vector.broadcast %add3A_956 : i32 to vector<16xi32>
        %add3A_958 = arith.addi %broadcast_in_dim3A_952, %add3A_957 : vector<16xi32>
        %select_n3A_959 = arith.select %lt3A_955, %add3A_958, %broadcast_in_dim3A_952 : vector<16xi1>, vector<16xi32>
        %broadcast_in_dim3A_960 = vector.shape_cast %select_n3A_959 : vector<16xi32> to vector<16x1xi32>
        %gather3A_961 = vector.shape_cast %broadcast_in_dim3A_960 : vector<16x1xi32> to vector<16xi32>
        %gather3A_962 = tpu.dynamic_gather %get3A_819[%gather3A_961] in [0] : vector<16xf32>, vector<16xi32> -> vector<16xf32>
        %get3A_963 = arith.index_cast %scan3A_814 : i32 to index
        %get3A_964 = arith.constant 96 : index
        %get3A_965 = tpu.vector_load %arg23[%get3A_963, %get3A_964] {strides = array<i32>} : memref<80x128xf32, #tpu.memory_space<vmem>>, vector<1x16xf32>,
        %get3A_966 = vector.shape_cast %get3A_965 : vector<1x16xf32> to vector<16xf32>
        %mul3A_967 = arith.mulf %get3A_966, %gather3A_962 : vector<16xf32>
        %swap3A_968 = arith.index_cast %scan3A_814 : i32 to index
        %swap3A_969 = arith.constant 96 : index
        %swap3A_970 = tpu.vector_load %arg23[%swap3A_968, %swap3A_969] {strides = array<i32>} : memref<80x128xf32, #tpu.memory_space<vmem>>, vector<1x16xf32>,
        %swap3A_971 = vector.shape_cast %swap3A_970 : vector<1x16xf32> to vector<16xf32>
        %swap3A_972 = vector.shape_cast %mul3A_967 : vector<16xf32> to vector<1x16xf32>
        tpu.vector_store %arg23[%swap3A_968, %swap3A_969], %swap3A_972 {strides = array<i32>} : memref<80x128xf32, #tpu.memory_space<vmem>>, vector<1x16xf32>,
        %broadcast_in_dim3A_973 = arith.constant 7 : i32
        %broadcast_in_dim3A_974 = vector.broadcast %broadcast_in_dim3A_973 : i32 to vector<16xi32>
        %lt3A_975 = arith.constant 0 : i32
        %lt3A_976 = vector.broadcast %lt3A_975 : i32 to vector<16xi32>
        %lt3A_977 = arith.cmpi slt, %broadcast_in_dim3A_974, %lt3A_976 : vector<16xi32>
        %add3A_978 = arith.constant 16 : i32
        %add3A_979 = vector.broadcast %add3A_978 : i32 to vector<16xi32>
        %add3A_980 = arith.addi %broadcast_in_dim3A_974, %add3A_979 : vector<16xi32>
        %select_n3A_981 = arith.select %lt3A_977, %add3A_980, %broadcast_in_dim3A_974 : vector<16xi1>, vector<16xi32>
        %broadcast_in_dim3A_982 = vector.shape_cast %select_n3A_981 : vector<16xi32> to vector<16x1xi32>
        %gather3A_983 = vector.shape_cast %broadcast_in_dim3A_982 : vector<16x1xi32> to vector<16xi32>
        %gather3A_984 = tpu.dynamic_gather %get3A_819[%gather3A_983] in [0] : vector<16xf32>, vector<16xi32> -> vector<16xf32>
        %get3A_985 = arith.index_cast %scan3A_814 : i32 to index
        %get3A_986 = arith.constant 112 : index
        %get3A_987 = tpu.vector_load %arg23[%get3A_985, %get3A_986] {strides = array<i32>} : memref<80x128xf32, #tpu.memory_space<vmem>>, vector<1x16xf32>,
        %get3A_988 = vector.shape_cast %get3A_987 : vector<1x16xf32> to vector<16xf32>
        %mul3A_989 = arith.mulf %get3A_988, %gather3A_984 : vector<16xf32>
        %swap3A_990 = arith.index_cast %scan3A_814 : i32 to index
        %swap3A_991 = arith.constant 112 : index
        %swap3A_992 = tpu.vector_load %arg23[%swap3A_990, %swap3A_991] {strides = array<i32>} : memref<80x128xf32, #tpu.memory_space<vmem>>, vector<1x16xf32>,
        %swap3A_993 = vector.shape_cast %swap3A_992 : vector<1x16xf32> to vector<16xf32>
        %swap3A_994 = vector.shape_cast %mul3A_989 : vector<16xf32> to vector<1x16xf32>
        tpu.vector_store %arg23[%swap3A_990, %swap3A_991], %swap3A_994 {strides = array<i32>} : memref<80x128xf32, #tpu.memory_space<vmem>>, vector<1x16xf32>,
        %scan3A_995 = arith.constant 0 : i32
        %scan3A_996 = arith.constant 1 : i32
        %scan3A_997 = arith.addi %scan3A_814, %scan3A_996 : i32
        %get3A_998 = arith.index_cast %scan3A_997 : i32 to index
        %get3A_999 = arith.constant 0 : index
        %get3A_1000 = tpu.vector_load %arg25[%get3A_998, %get3A_999] {strides = array<i32>} : memref<80x16xf32, #tpu.memory_space<vmem>>, vector<1x16xf32>,
        %get3A_1001 = vector.shape_cast %get3A_1000 : vector<1x16xf32> to vector<16xf32>
        %broadcast_in_dim3A_1002 = arith.constant 0 : i32
        %broadcast_in_dim3A_1003 = vector.broadcast %broadcast_in_dim3A_1002 : i32 to vector<16xi32>
        %lt3A_1004 = arith.constant 0 : i32
        %lt3A_1005 = vector.broadcast %lt3A_1004 : i32 to vector<16xi32>
        %lt3A_1006 = arith.cmpi slt, %broadcast_in_dim3A_1003, %lt3A_1005 : vector<16xi32>
        %add3A_1007 = arith.constant 16 : i32
        %add3A_1008 = vector.broadcast %add3A_1007 : i32 to vector<16xi32>
        %add3A_1009 = arith.addi %broadcast_in_dim3A_1003, %add3A_1008 : vector<16xi32>
        %select_n3A_1010 = arith.select %lt3A_1006, %add3A_1009, %broadcast_in_dim3A_1003 : vector<16xi1>, vector<16xi32>
        %broadcast_in_dim3A_1011 = vector.shape_cast %select_n3A_1010 : vector<16xi32> to vector<16x1xi32>
        %gather3A_1012 = vector.shape_cast %broadcast_in_dim3A_1011 : vector<16x1xi32> to vector<16xi32>
        %gather3A_1013 = tpu.dynamic_gather %get3A_1001[%gather3A_1012] in [0] : vector<16xf32>, vector<16xi32> -> vector<16xf32>
        %get3A_1014 = arith.index_cast %scan3A_997 : i32 to index
        %get3A_1015 = arith.constant 0 : index
        %get3A_1016 = tpu.vector_load %arg23[%get3A_1014, %get3A_1015] {strides = array<i32>} : memref<80x128xf32, #tpu.memory_space<vmem>>, vector<1x16xf32>,
        %get3A_1017 = vector.shape_cast %get3A_1016 : vector<1x16xf32> to vector<16xf32>
        %mul3A_1018 = arith.mulf %get3A_1017, %gather3A_1013 : vector<16xf32>
        %swap3A_1019 = arith.index_cast %scan3A_997 : i32 to index
        %swap3A_1020 = arith.constant 0 : index
        %swap3A_1021 = tpu.vector_load %arg23[%swap3A_1019, %swap3A_1020] {strides = array<i32>} : memref<80x128xf32, #tpu.memory_space<vmem>>, vector<1x16xf32>,
        %swap3A_1022 = vector.shape_cast %swap3A_1021 : vector<1x16xf32> to vector<16xf32>
        %swap3A_1023 = vector.shape_cast %mul3A_1018 : vector<16xf32> to vector<1x16xf32>
        tpu.vector_store %arg23[%swap3A_1019, %swap3A_1020], %swap3A_1023 {strides = array<i32>} : memref<80x128xf32, #tpu.memory_space<vmem>>, vector<1x16xf32>,
        %broadcast_in_dim3A_1024 = arith.constant 1 : i32
        %broadcast_in_dim3A_1025 = vector.broadcast %broadcast_in_dim3A_1024 : i32 to vector<16xi32>
        %lt3A_1026 = arith.constant 0 : i32
        %lt3A_1027 = vector.broadcast %lt3A_1026 : i32 to vector<16xi32>
        %lt3A_1028 = arith.cmpi slt, %broadcast_in_dim3A_1025, %lt3A_1027 : vector<16xi32>
        %add3A_1029 = arith.constant 16 : i32
        %add3A_1030 = vector.broadcast %add3A_1029 : i32 to vector<16xi32>
        %add3A_1031 = arith.addi %broadcast_in_dim3A_1025, %add3A_1030 : vector<16xi32>
        %select_n3A_1032 = arith.select %lt3A_1028, %add3A_1031, %broadcast_in_dim3A_1025 : vector<16xi1>, vector<16xi32>
        %broadcast_in_dim3A_1033 = vector.shape_cast %select_n3A_1032 : vector<16xi32> to vector<16x1xi32>
        %gather3A_1034 = vector.shape_cast %broadcast_in_dim3A_1033 : vector<16x1xi32> to vector<16xi32>
        %gather3A_1035 = tpu.dynamic_gather %get3A_1001[%gather3A_1034] in [0] : vector<16xf32>, vector<16xi32> -> vector<16xf32>
        %get3A_1036 = arith.index_cast %scan3A_997 : i32 to index
        %get3A_1037 = arith.constant 16 : index
        %get3A_1038 = tpu.vector_load %arg23[%get3A_1036, %get3A_1037] {strides = array<i32>} : memref<80x128xf32, #tpu.memory_space<vmem>>, vector<1x16xf32>,
        %get3A_1039 = vector.shape_cast %get3A_1038 : vector<1x16xf32> to vector<16xf32>
        %mul3A_1040 = arith.mulf %get3A_1039, %gather3A_1035 : vector<16xf32>
        %swap3A_1041 = arith.index_cast %scan3A_997 : i32 to index
        %swap3A_1042 = arith.constant 16 : index
        %swap3A_1043 = tpu.vector_load %arg23[%swap3A_1041, %swap3A_1042] {strides = array<i32>} : memref<80x128xf32, #tpu.memory_space<vmem>>, vector<1x16xf32>,
        %swap3A_1044 = vector.shape_cast %swap3A_1043 : vector<1x16xf32> to vector<16xf32>
        %swap3A_1045 = vector.shape_cast %mul3A_1040 : vector<16xf32> to vector<1x16xf32>
        tpu.vector_store %arg23[%swap3A_1041, %swap3A_1042], %swap3A_1045 {strides = array<i32>} : memref<80x128xf32, #tpu.memory_space<vmem>>, vector<1x16xf32>,
        %broadcast_in_dim3A_1046 = arith.constant 2 : i32
        %broadcast_in_dim3A_1047 = vector.broadcast %broadcast_in_dim3A_1046 : i32 to vector<16xi32>
        %lt3A_1048 = arith.constant 0 : i32
        %lt3A_1049 = vector.broadcast %lt3A_1048 : i32 to vector<16xi32>
        %lt3A_1050 = arith.cmpi slt, %broadcast_in_dim3A_1047, %lt3A_1049 : vector<16xi32>
        %add3A_1051 = arith.constant 16 : i32
        %add3A_1052 = vector.broadcast %add3A_1051 : i32 to vector<16xi32>
        %add3A_1053 = arith.addi %broadcast_in_dim3A_1047, %add3A_1052 : vector<16xi32>
        %select_n3A_1054 = arith.select %lt3A_1050, %add3A_1053, %broadcast_in_dim3A_1047 : vector<16xi1>, vector<16xi32>
        %broadcast_in_dim3A_1055 = vector.shape_cast %select_n3A_1054 : vector<16xi32> to vector<16x1xi32>
        %gather3A_1056 = vector.shape_cast %broadcast_in_dim3A_1055 : vector<16x1xi32> to vector<16xi32>
        %gather3A_1057 = tpu.dynamic_gather %get3A_1001[%gather3A_1056] in [0] : vector<16xf32>, vector<16xi32> -> vector<16xf32>
        %get3A_1058 = arith.index_cast %scan3A_997 : i32 to index
        %get3A_1059 = arith.constant 32 : index
        %get3A_1060 = tpu.vector_load %arg23[%get3A_1058, %get3A_1059] {strides = array<i32>} : memref<80x128xf32, #tpu.memory_space<vmem>>, vector<1x16xf32>,
        %get3A_1061 = vector.shape_cast %get3A_1060 : vector<1x16xf32> to vector<16xf32>
        %mul3A_1062 = arith.mulf %get3A_1061, %gather3A_1057 : vector<16xf32>
        %swap3A_1063 = arith.index_cast %scan3A_997 : i32 to index
        %swap3A_1064 = arith.constant 32 : index
        %swap3A_1065 = tpu.vector_load %arg23[%swap3A_1063, %swap3A_1064] {strides = array<i32>} : memref<80x128xf32, #tpu.memory_space<vmem>>, vector<1x16xf32>,
        %swap3A_1066 = vector.shape_cast %swap3A_1065 : vector<1x16xf32> to vector<16xf32>
        %swap3A_1067 = vector.shape_cast %mul3A_1062 : vector<16xf32> to vector<1x16xf32>
        tpu.vector_store %arg23[%swap3A_1063, %swap3A_1064], %swap3A_1067 {strides = array<i32>} : memref<80x128xf32, #tpu.memory_space<vmem>>, vector<1x16xf32>,
        %broadcast_in_dim3A_1068 = arith.constant 3 : i32
        %broadcast_in_dim3A_1069 = vector.broadcast %broadcast_in_dim3A_1068 : i32 to vector<16xi32>
        %lt3A_1070 = arith.constant 0 : i32
        %lt3A_1071 = vector.broadcast %lt3A_1070 : i32 to vector<16xi32>
        %lt3A_1072 = arith.cmpi slt, %broadcast_in_dim3A_1069, %lt3A_1071 : vector<16xi32>
        %add3A_1073 = arith.constant 16 : i32
        %add3A_1074 = vector.broadcast %add3A_1073 : i32 to vector<16xi32>
        %add3A_1075 = arith.addi %broadcast_in_dim3A_1069, %add3A_1074 : vector<16xi32>
        %select_n3A_1076 = arith.select %lt3A_1072, %add3A_1075, %broadcast_in_dim3A_1069 : vector<16xi1>, vector<16xi32>
        %broadcast_in_dim3A_1077 = vector.shape_cast %select_n3A_1076 : vector<16xi32> to vector<16x1xi32>
        %gather3A_1078 = vector.shape_cast %broadcast_in_dim3A_1077 : vector<16x1xi32> to vector<16xi32>
        %gather3A_1079 = tpu.dynamic_gather %get3A_1001[%gather3A_1078] in [0] : vector<16xf32>, vector<16xi32> -> vector<16xf32>
        %get3A_1080 = arith.index_cast %scan3A_997 : i32 to index
        %get3A_1081 = arith.constant 48 : index
        %get3A_1082 = tpu.vector_load %arg23[%get3A_1080, %get3A_1081] {strides = array<i32>} : memref<80x128xf32, #tpu.memory_space<vmem>>, vector<1x16xf32>,
        %get3A_1083 = vector.shape_cast %get3A_1082 : vector<1x16xf32> to vector<16xf32>
        %mul3A_1084 = arith.mulf %get3A_1083, %gather3A_1079 : vector<16xf32>
        %swap3A_1085 = arith.index_cast %scan3A_997 : i32 to index
        %swap3A_1086 = arith.constant 48 : index
        %swap3A_1087 = tpu.vector_load %arg23[%swap3A_1085, %swap3A_1086] {strides = array<i32>} : memref<80x128xf32, #tpu.memory_space<vmem>>, vector<1x16xf32>,
        %swap3A_1088 = vector.shape_cast %swap3A_1087 : vector<1x16xf32> to vector<16xf32>
        %swap3A_1089 = vector.shape_cast %mul3A_1084 : vector<16xf32> to vector<1x16xf32>
        tpu.vector_store %arg23[%swap3A_1085, %swap3A_1086], %swap3A_1089 {strides = array<i32>} : memref<80x128xf32, #tpu.memory_space<vmem>>, vector<1x16xf32>,
        %broadcast_in_dim3A_1090 = arith.constant 4 : i32
        %broadcast_in_dim3A_1091 = vector.broadcast %broadcast_in_dim3A_1090 : i32 to vector<16xi32>
        %lt3A_1092 = arith.constant 0 : i32
        %lt3A_1093 = vector.broadcast %lt3A_1092 : i32 to vector<16xi32>
        %lt3A_1094 = arith.cmpi slt, %broadcast_in_dim3A_1091, %lt3A_1093 : vector<16xi32>
        %add3A_1095 = arith.constant 16 : i32
        %add3A_1096 = vector.broadcast %add3A_1095 : i32 to vector<16xi32>
        %add3A_1097 = arith.addi %broadcast_in_dim3A_1091, %add3A_1096 : vector<16xi32>
        %select_n3A_1098 = arith.select %lt3A_1094, %add3A_1097, %broadcast_in_dim3A_1091 : vector<16xi1>, vector<16xi32>
        %broadcast_in_dim3A_1099 = vector.shape_cast %select_n3A_1098 : vector<16xi32> to vector<16x1xi32>
        %gather3A_1100 = vector.shape_cast %broadcast_in_dim3A_1099 : vector<16x1xi32> to vector<16xi32>
        %gather3A_1101 = tpu.dynamic_gather %get3A_1001[%gather3A_1100] in [0] : vector<16xf32>, vector<16xi32> -> vector<16xf32>
        %get3A_1102 = arith.index_cast %scan3A_997 : i32 to index
        %get3A_1103 = arith.constant 64 : index
        %get3A_1104 = tpu.vector_load %arg23[%get3A_1102, %get3A_1103] {strides = array<i32>} : memref<80x128xf32, #tpu.memory_space<vmem>>, vector<1x16xf32>,
        %get3A_1105 = vector.shape_cast %get3A_1104 : vector<1x16xf32> to vector<16xf32>
        %mul3A_1106 = arith.mulf %get3A_1105, %gather3A_1101 : vector<16xf32>
        %swap3A_1107 = arith.index_cast %scan3A_997 : i32 to index
        %swap3A_1108 = arith.constant 64 : index
        %swap3A_1109 = tpu.vector_load %arg23[%swap3A_1107, %swap3A_1108] {strides = array<i32>} : memref<80x128xf32, #tpu.memory_space<vmem>>, vector<1x16xf32>,
        %swap3A_1110 = vector.shape_cast %swap3A_1109 : vector<1x16xf32> to vector<16xf32>
        %swap3A_1111 = vector.shape_cast %mul3A_1106 : vector<16xf32> to vector<1x16xf32>
        tpu.vector_store %arg23[%swap3A_1107, %swap3A_1108], %swap3A_1111 {strides = array<i32>} : memref<80x128xf32, #tpu.memory_space<vmem>>, vector<1x16xf32>,
        %broadcast_in_dim3A_1112 = arith.constant 5 : i32
        %broadcast_in_dim3A_1113 = vector.broadcast %broadcast_in_dim3A_1112 : i32 to vector<16xi32>
        %lt3A_1114 = arith.constant 0 : i32
        %lt3A_1115 = vector.broadcast %lt3A_1114 : i32 to vector<16xi32>
        %lt3A_1116 = arith.cmpi slt, %broadcast_in_dim3A_1113, %lt3A_1115 : vector<16xi32>
        %add3A_1117 = arith.constant 16 : i32
        %add3A_1118 = vector.broadcast %add3A_1117 : i32 to vector<16xi32>
        %add3A_1119 = arith.addi %broadcast_in_dim3A_1113, %add3A_1118 : vector<16xi32>
        %select_n3A_1120 = arith.select %lt3A_1116, %add3A_1119, %broadcast_in_dim3A_1113 : vector<16xi1>, vector<16xi32>
        %broadcast_in_dim3A_1121 = vector.shape_cast %select_n3A_1120 : vector<16xi32> to vector<16x1xi32>
        %gather3A_1122 = vector.shape_cast %broadcast_in_dim3A_1121 : vector<16x1xi32> to vector<16xi32>
        %gather3A_1123 = tpu.dynamic_gather %get3A_1001[%gather3A_1122] in [0] : vector<16xf32>, vector<16xi32> -> vector<16xf32>
        %get3A_1124 = arith.index_cast %scan3A_997 : i32 to index
        %get3A_1125 = arith.constant 80 : index
        %get3A_1126 = tpu.vector_load %arg23[%get3A_1124, %get3A_1125] {strides = array<i32>} : memref<80x128xf32, #tpu.memory_space<vmem>>, vector<1x16xf32>,
        %get3A_1127 = vector.shape_cast %get3A_1126 : vector<1x16xf32> to vector<16xf32>
        %mul3A_1128 = arith.mulf %get3A_1127, %gather3A_1123 : vector<16xf32>
        %swap3A_1129 = arith.index_cast %scan3A_997 : i32 to index
        %swap3A_1130 = arith.constant 80 : index
        %swap3A_1131 = tpu.vector_load %arg23[%swap3A_1129, %swap3A_1130] {strides = array<i32>} : memref<80x128xf32, #tpu.memory_space<vmem>>, vector<1x16xf32>,
        %swap3A_1132 = vector.shape_cast %swap3A_1131 : vector<1x16xf32> to vector<16xf32>
        %swap3A_1133 = vector.shape_cast %mul3A_1128 : vector<16xf32> to vector<1x16xf32>
        tpu.vector_store %arg23[%swap3A_1129, %swap3A_1130], %swap3A_1133 {strides = array<i32>} : memref<80x128xf32, #tpu.memory_space<vmem>>, vector<1x16xf32>,
        %broadcast_in_dim3A_1134 = arith.constant 6 : i32
        %broadcast_in_dim3A_1135 = vector.broadcast %broadcast_in_dim3A_1134 : i32 to vector<16xi32>
        %lt3A_1136 = arith.constant 0 : i32
        %lt3A_1137 = vector.broadcast %lt3A_1136 : i32 to vector<16xi32>
        %lt3A_1138 = arith.cmpi slt, %broadcast_in_dim3A_1135, %lt3A_1137 : vector<16xi32>
        %add3A_1139 = arith.constant 16 : i32
        %add3A_1140 = vector.broadcast %add3A_1139 : i32 to vector<16xi32>
        %add3A_1141 = arith.addi %broadcast_in_dim3A_1135, %add3A_1140 : vector<16xi32>
        %select_n3A_1142 = arith.select %lt3A_1138, %add3A_1141, %broadcast_in_dim3A_1135 : vector<16xi1>, vector<16xi32>
        %broadcast_in_dim3A_1143 = vector.shape_cast %select_n3A_1142 : vector<16xi32> to vector<16x1xi32>
        %gather3A_1144 = vector.shape_cast %broadcast_in_dim3A_1143 : vector<16x1xi32> to vector<16xi32>
        %gather3A_1145 = tpu.dynamic_gather %get3A_1001[%gather3A_1144] in [0] : vector<16xf32>, vector<16xi32> -> vector<16xf32>
        %get3A_1146 = arith.index_cast %scan3A_997 : i32 to index
        %get3A_1147 = arith.constant 96 : index
        %get3A_1148 = tpu.vector_load %arg23[%get3A_1146, %get3A_1147] {strides = array<i32>} : memref<80x128xf32, #tpu.memory_space<vmem>>, vector<1x16xf32>,
        %get3A_1149 = vector.shape_cast %get3A_1148 : vector<1x16xf32> to vector<16xf32>
        %mul3A_1150 = arith.mulf %get3A_1149, %gather3A_1145 : vector<16xf32>
        %swap3A_1151 = arith.index_cast %scan3A_997 : i32 to index
        %swap3A_1152 = arith.constant 96 : index
        %swap3A_1153 = tpu.vector_load %arg23[%swap3A_1151, %swap3A_1152] {strides = array<i32>} : memref<80x128xf32, #tpu.memory_space<vmem>>, vector<1x16xf32>,
        %swap3A_1154 = vector.shape_cast %swap3A_1153 : vector<1x16xf32> to vector<16xf32>
        %swap3A_1155 = vector.shape_cast %mul3A_1150 : vector<16xf32> to vector<1x16xf32>
        tpu.vector_store %arg23[%swap3A_1151, %swap3A_1152], %swap3A_1155 {strides = array<i32>} : memref<80x128xf32, #tpu.memory_space<vmem>>, vector<1x16xf32>,
        %broadcast_in_dim3A_1156 = arith.constant 7 : i32
        %broadcast_in_dim3A_1157 = vector.broadcast %broadcast_in_dim3A_1156 : i32 to vector<16xi32>
        %lt3A_1158 = arith.constant 0 : i32
        %lt3A_1159 = vector.broadcast %lt3A_1158 : i32 to vector<16xi32>
        %lt3A_1160 = arith.cmpi slt, %broadcast_in_dim3A_1157, %lt3A_1159 : vector<16xi32>
        %add3A_1161 = arith.constant 16 : i32
        %add3A_1162 = vector.broadcast %add3A_1161 : i32 to vector<16xi32>
        %add3A_1163 = arith.addi %broadcast_in_dim3A_1157, %add3A_1162 : vector<16xi32>
        %select_n3A_1164 = arith.select %lt3A_1160, %add3A_1163, %broadcast_in_dim3A_1157 : vector<16xi1>, vector<16xi32>
        %broadcast_in_dim3A_1165 = vector.shape_cast %select_n3A_1164 : vector<16xi32> to vector<16x1xi32>
        %gather3A_1166 = vector.shape_cast %broadcast_in_dim3A_1165 : vector<16x1xi32> to vector<16xi32>
        %gather3A_1167 = tpu.dynamic_gather %get3A_1001[%gather3A_1166] in [0] : vector<16xf32>, vector<16xi32> -> vector<16xf32>
        %get3A_1168 = arith.index_cast %scan3A_997 : i32 to index
        %get3A_1169 = arith.constant 112 : index
        %get3A_1170 = tpu.vector_load %arg23[%get3A_1168, %get3A_1169] {strides = array<i32>} : memref<80x128xf32, #tpu.memory_space<vmem>>, vector<1x16xf32>,
        %get3A_1171 = vector.shape_cast %get3A_1170 : vector<1x16xf32> to vector<16xf32>
        %mul3A_1172 = arith.mulf %get3A_1171, %gather3A_1167 : vector<16xf32>
        %swap3A_1173 = arith.index_cast %scan3A_997 : i32 to index
        %swap3A_1174 = arith.constant 112 : index
        %swap3A_1175 = tpu.vector_load %arg23[%swap3A_1173, %swap3A_1174] {strides = array<i32>} : memref<80x128xf32, #tpu.memory_space<vmem>>, vector<1x16xf32>,
        %swap3A_1176 = vector.shape_cast %swap3A_1175 : vector<1x16xf32> to vector<16xf32>
        %swap3A_1177 = vector.shape_cast %mul3A_1172 : vector<16xf32> to vector<1x16xf32>
        tpu.vector_store %arg23[%swap3A_1173, %swap3A_1174], %swap3A_1177 {strides = array<i32>} : memref<80x128xf32, #tpu.memory_space<vmem>>, vector<1x16xf32>,
        %scan3A_1178 = arith.constant 0 : i32
        scf.yield %scan3A_1178 : i32
      }
      %scan3A_735 = arith.constant 80 : i32
      %scan3A_736 = arith.constant 0 : i32
      %scan3A_737 = arith.constant 0 : i32
      %mul3A_738 = arith.constant 16 : i32
      %mul3A_739 = arith.muli %scan3A_737, %mul3A_738 : i32
      %get3A_740 = arith.index_cast %mul3A_739 : i32 to index
      %get3A_741 = tpu.vector_load %arg13[%get3A_740] {strides = array<i32>} : memref<96xi32, #tpu.memory_space<vmem>>, vector<16xi32>,
      %get3A_742 = vector.shape_cast %get3A_741 : vector<16xi32> to vector<16xi32>
      %mul3A_743 = arith.constant 16 : i32
      %mul3A_744 = arith.muli %scan3A_737, %mul3A_743 : i32
      %swap3A_745 = arith.index_cast %mul3A_744 : i32 to index
      %swap3A_746 = tpu.vector_load %arg15[%swap3A_745] {strides = array<i32>} : memref<80xi32, #tpu.memory_space<vmem>>, vector<16xi32>,
      %swap3A_747 = vector.shape_cast %swap3A_746 : vector<16xi32> to vector<16xi32>
      %swap3A_748 = vector.shape_cast %get3A_742 : vector<16xi32> to vector<16xi32>
      tpu.vector_store %arg15[%swap3A_745], %swap3A_748 {strides = array<i32>} : memref<80xi32, #tpu.memory_space<vmem>>, vector<16xi32>,
      %scan3A_749 = arith.constant 0 : i32
      %scan3A_750 = arith.constant 1 : i32
      %mul3A_751 = arith.constant 16 : i32
      %mul3A_752 = arith.muli %scan3A_750, %mul3A_751 : i32
      %get3A_753 = arith.index_cast %mul3A_752 : i32 to index
      %get3A_754 = tpu.vector_load %arg13[%get3A_753] {strides = array<i32>} : memref<96xi32, #tpu.memory_space<vmem>>, vector<16xi32>,
      %get3A_755 = vector.shape_cast %get3A_754 : vector<16xi32> to vector<16xi32>
      %mul3A_756 = arith.constant 16 : i32
      %mul3A_757 = arith.muli %scan3A_750, %mul3A_756 : i32
      %swap3A_758 = arith.index_cast %mul3A_757 : i32 to index
      %swap3A_759 = tpu.vector_load %arg15[%swap3A_758] {strides = array<i32>} : memref<80xi32, #tpu.memory_space<vmem>>, vector<16xi32>,
      %swap3A_760 = vector.shape_cast %swap3A_759 : vector<16xi32> to vector<16xi32>
      %swap3A_761 = vector.shape_cast %get3A_755 : vector<16xi32> to vector<16xi32>
      tpu.vector_store %arg15[%swap3A_758], %swap3A_761 {strides = array<i32>} : memref<80xi32, #tpu.memory_space<vmem>>, vector<16xi32>,
      %scan3A_762 = arith.constant 0 : i32
      %scan3A_763 = arith.constant 2 : i32
      %mul3A_764 = arith.constant 16 : i32
      %mul3A_765 = arith.muli %scan3A_763, %mul3A_764 : i32
      %get3A_766 = arith.index_cast %mul3A_765 : i32 to index
      %get3A_767 = tpu.vector_load %arg13[%get3A_766] {strides = array<i32>} : memref<96xi32, #tpu.memory_space<vmem>>, vector<16xi32>,
      %get3A_768 = vector.shape_cast %get3A_767 : vector<16xi32> to vector<16xi32>
      %mul3A_769 = arith.constant 16 : i32
      %mul3A_770 = arith.muli %scan3A_763, %mul3A_769 : i32
      %swap3A_771 = arith.index_cast %mul3A_770 : i32 to index
      %swap3A_772 = tpu.vector_load %arg15[%swap3A_771] {strides = array<i32>} : memref<80xi32, #tpu.memory_space<vmem>>, vector<16xi32>,
      %swap3A_773 = vector.shape_cast %swap3A_772 : vector<16xi32> to vector<16xi32>
      %swap3A_774 = vector.shape_cast %get3A_768 : vector<16xi32> to vector<16xi32>
      tpu.vector_store %arg15[%swap3A_771], %swap3A_774 {strides = array<i32>} : memref<80xi32, #tpu.memory_space<vmem>>, vector<16xi32>,
      %scan3A_775 = arith.constant 0 : i32
      %scan3A_776 = arith.constant 3 : i32
      %mul3A_777 = arith.constant 16 : i32
      %mul3A_778 = arith.muli %scan3A_776, %mul3A_777 : i32
      %get3A_779 = arith.index_cast %mul3A_778 : i32 to index
      %get3A_780 = tpu.vector_load %arg13[%get3A_779] {strides = array<i32>} : memref<96xi32, #tpu.memory_space<vmem>>, vector<16xi32>,
      %get3A_781 = vector.shape_cast %get3A_780 : vector<16xi32> to vector<16xi32>
      %mul3A_782 = arith.constant 16 : i32
      %mul3A_783 = arith.muli %scan3A_776, %mul3A_782 : i32
      %swap3A_784 = arith.index_cast %mul3A_783 : i32 to index
      %swap3A_785 = tpu.vector_load %arg15[%swap3A_784] {strides = array<i32>} : memref<80xi32, #tpu.memory_space<vmem>>, vector<16xi32>,
      %swap3A_786 = vector.shape_cast %swap3A_785 : vector<16xi32> to vector<16xi32>
      %swap3A_787 = vector.shape_cast %get3A_781 : vector<16xi32> to vector<16xi32>
      tpu.vector_store %arg15[%swap3A_784], %swap3A_787 {strides = array<i32>} : memref<80xi32, #tpu.memory_space<vmem>>, vector<16xi32>,
      %scan3A_788 = arith.constant 0 : i32
      %scan3A_789 = arith.constant 4 : i32
      %mul3A_790 = arith.constant 16 : i32
      %mul3A_791 = arith.muli %scan3A_789, %mul3A_790 : i32
      %get3A_792 = arith.index_cast %mul3A_791 : i32 to index
      %get3A_793 = tpu.vector_load %arg13[%get3A_792] {strides = array<i32>} : memref<96xi32, #tpu.memory_space<vmem>>, vector<16xi32>,
      %get3A_794 = vector.shape_cast %get3A_793 : vector<16xi32> to vector<16xi32>
      %mul3A_795 = arith.constant 16 : i32
      %mul3A_796 = arith.muli %scan3A_789, %mul3A_795 : i32
      %swap3A_797 = arith.index_cast %mul3A_796 : i32 to index
      %swap3A_798 = tpu.vector_load %arg15[%swap3A_797] {strides = array<i32>} : memref<80xi32, #tpu.memory_space<vmem>>, vector<16xi32>,
      %swap3A_799 = vector.shape_cast %swap3A_798 : vector<16xi32> to vector<16xi32>
      %swap3A_800 = vector.shape_cast %get3A_794 : vector<16xi32> to vector<16xi32>
      tpu.vector_store %arg15[%swap3A_797], %swap3A_800 {strides = array<i32>} : memref<80xi32, #tpu.memory_space<vmem>>, vector<16xi32>,
      %scan3A_801 = arith.constant 0 : i32
      %scan3A_802 = arith.constant 5 : i32
      %dma_start3A_803 = arith.constant 0 : i32
      %dma_start3A_804 = arith.constant 0 : i32
      %dma_start3A_805 = tpu.memref_slice %arg28[%dma_start3A_803, %dma_start3A_804] : memref<10000x16xf32, #tpu.memory_space<vmem_shared>> -> memref<10000x16xf32, #tpu.memory_space<vmem_shared>>
      tpu.enqueue_indirect_dma source(%arg25 : memref<80x16xf32, #tpu.memory_space<vmem>>) target(%dma_start3A_805 : memref<10000x16xf32, #tpu.memory_space<vmem_shared>>) offsets(%arg15 : memref<80xi32, #tpu.memory_space<vmem>>) semaphore(%arg33 : memref<!tpu.dma_semaphore, #tpu.memory_space<semaphore_mem>>) {add = true}
      %dma_start3A_806 = arith.constant 0 : i32
      %dma_start3A_807 = arith.constant 0 : i32
      %dma_start3A_808 = tpu.memref_slice %arg27[%dma_start3A_806, %dma_start3A_807] : memref<10000x128xf32, #tpu.memory_space<vmem_shared>> -> memref<10000x128xf32, #tpu.memory_space<vmem_shared>>
      tpu.enqueue_indirect_dma source(%arg23 : memref<80x128xf32, #tpu.memory_space<vmem>>) target(%dma_start3A_808 : memref<10000x128xf32, #tpu.memory_space<vmem_shared>>) offsets(%arg15 : memref<80xi32, #tpu.memory_space<vmem>>) semaphore(%arg33 : memref<!tpu.dma_semaphore, #tpu.memory_space<semaphore_mem>>) {add = true}
      %lt3A_809 = arith.constant 61 : i32
      %lt3A_810 = arith.cmpi slt, %scan3A_523, %lt3A_809 : i32
      %convert_element_type3A_811 = arith.extui %lt3A_810 : i1 to i32
      %cond3A_812 = arith.constant 0 : i32
      %cond3A_813 = arith.cmpi ne, %convert_element_type3A_811, %cond3A_812 : i32
      scf.if %cond3A_813 {
        %add3A_814 = arith.constant 2 : i32
        %add3A_815 = arith.addi %add3A_702, %add3A_814 : i32
        %mul3A_816 = arith.constant 80 : i32
        %mul3A_817 = arith.muli %add3A_815, %mul3A_816 : i32
        %add3A_818 = arith.addi %mul3A_2, %mul3A_817 : i32
        %jit3A_819 = arith.constant 8 : i32
        %div3A_820 = arith.divsi %add3A_818, %jit3A_819 : i32
        %sign3A_821 = arith.constant 0 : i32
        %sign3A_822 = arith.cmpi sgt, %add3A_818, %sign3A_821 : i32
        %sign3A_823 = arith.extui %sign3A_822 : i1 to i32
        %sign3A_824 = arith.constant 0 : i32
        %sign3A_825 = arith.cmpi slt, %add3A_818, %sign3A_824 : i32
        %sign3A_826 = arith.extui %sign3A_825 : i1 to i32
        %sign3A_827 = arith.subi %sign3A_823, %sign3A_826 : i32
        %sign3A_828 = arith.constant 0 : i32
        %sign3A_829 = arith.cmpi sgt, %jit3A_819, %sign3A_828 : i32
        %sign3A_830 = arith.extui %sign3A_829 : i1 to i32
        %sign3A_831 = arith.constant 0 : i32
        %sign3A_832 = arith.cmpi slt, %jit3A_819, %sign3A_831 : i32
        %sign3A_833 = arith.extui %sign3A_832 : i1 to i32
        %sign3A_834 = arith.subi %sign3A_830, %sign3A_833 : i32
        %ne3A_835 = arith.cmpi ne, %sign3A_827, %sign3A_834 : i32
        %rem3A_836 = arith.remsi %add3A_818, %jit3A_819 : i32
        %ne3A_837 = arith.constant 0 : i32
        %ne3A_838 = arith.cmpi ne, %rem3A_836, %ne3A_837 : i32
        %and3A_839 = arith.andi %ne3A_835, %ne3A_838 : i1
        %sub3A_840 = arith.constant 1 : i32
        %sub3A_841 = arith.subi %div3A_820, %sub3A_840 : i32
        %select_n3A_842 = arith.select %and3A_839, %sub3A_841, %div3A_820 : i32
        %dma_start3A_843 = arith.constant 0 : i32
        %dma_start3A_844 = tpu.memref_slice %arg11[%dma_start3A_843] : memref<96xi32, #tpu.memory_space<vmem>> -> memref<80xi32, #tpu.memory_space<vmem>>
        %dma_start3A_845 = tpu.memref_slice %arg2[%add3A_818] : memref<320000xi32, #tpu.memory_space<hbm>> -> memref<80xi32, #tpu.memory_space<hbm>>
        %dma_start3A_846 = arith.constant 0 : i32
        %dma_start3A_847 = tpu.memref_slice %arg11[%dma_start3A_846] : memref<96xi32, #tpu.memory_space<vmem>> -> memref<80xi32, #tpu.memory_space<vmem>>
        %dma_start3A_848 = tpu.memref_slice %arg2[%add3A_818] : memref<320000xi32, #tpu.memory_space<hbm>> -> memref<80xi32, #tpu.memory_space<hbm>>
        tpu.enqueue_dma source(%dma_start3A_848 : memref<80xi32, #tpu.memory_space<hbm>>) target(%dma_start3A_847 : memref<80xi32, #tpu.memory_space<vmem>>) target_semaphore(%arg29 : memref<!tpu.dma_semaphore, #tpu.memory_space<semaphore_mem>>)
        %dma_start3A_849 = arith.constant 0 : i32
        %dma_start3A_850 = tpu.memref_slice %arg13[%dma_start3A_849] : memref<96xi32, #tpu.memory_space<vmem>> -> memref<80xi32, #tpu.memory_space<vmem>>
        %dma_start3A_851 = tpu.memref_slice %arg3[%add3A_818] : memref<320000xi32, #tpu.memory_space<hbm>> -> memref<80xi32, #tpu.memory_space<hbm>>
        %dma_start3A_852 = arith.constant 0 : i32
        %dma_start3A_853 = tpu.memref_slice %arg13[%dma_start3A_852] : memref<96xi32, #tpu.memory_space<vmem>> -> memref<80xi32, #tpu.memory_space<vmem>>
        %dma_start3A_854 = tpu.memref_slice %arg3[%add3A_818] : memref<320000xi32, #tpu.memory_space<hbm>> -> memref<80xi32, #tpu.memory_space<hbm>>
        tpu.enqueue_dma source(%dma_start3A_854 : memref<80xi32, #tpu.memory_space<hbm>>) target(%dma_start3A_853 : memref<80xi32, #tpu.memory_space<vmem>>) target_semaphore(%arg29 : memref<!tpu.dma_semaphore, #tpu.memory_space<semaphore_mem>>)
        %dma_start3A_855 = arith.constant 0 : i32
        %dma_start3A_856 = tpu.memref_slice %arg4[%select_n3A_842, %dma_start3A_855] : memref<40000x128xf32, #tpu.memory_space<hbm>> -> memref<10x128xf32, #tpu.memory_space<hbm>>
        %dma_start3A_857 = arith.constant 0 : i32
        %dma_start3A_858 = tpu.memref_slice %arg4[%select_n3A_842, %dma_start3A_857] : memref<40000x128xf32, #tpu.memory_space<hbm>> -> memref<10x128xf32, #tpu.memory_space<hbm>>
        tpu.enqueue_dma source(%dma_start3A_858 : memref<10x128xf32, #tpu.memory_space<hbm>>) target(%arg17 : memref<10x128xf32, #tpu.memory_space<vmem>>) target_semaphore(%arg29 : memref<!tpu.dma_semaphore, #tpu.memory_space<semaphore_mem>>)
      } else {
      }
      scf.yield %scan3A_722 : vector<16xf32>
    }
    %scan3A_392 = arith.constant 62 : i32
    %dma_wait3A_393 = arith.constant 0 : i32
    %dma_wait3A_394 = arith.constant 0 : i32
    %dma_wait3A_395 = tpu.memref_slice %arg28[%dma_wait3A_393, %dma_wait3A_394] : memref<10000x16xf32, #tpu.memory_space<vmem_shared>> -> memref<10000x16xf32, #tpu.memory_space<vmem_shared>>
    tpu.wait_indirect_dma semaphore(%arg34 : memref<!tpu.dma_semaphore, #tpu.memory_space<semaphore_mem>>) src(%arg26 : memref<80x16xf32, #tpu.memory_space<vmem>>) dst(%dma_wait3A_395 : memref<10000x16xf32, #tpu.memory_space<vmem_shared>>)
    %dma_wait3A_396 = arith.constant 0 : i32
    %dma_wait3A_397 = arith.constant 0 : i32
    %dma_wait3A_398 = tpu.memref_slice %arg27[%dma_wait3A_396, %dma_wait3A_397] : memref<10000x128xf32, #tpu.memory_space<vmem_shared>> -> memref<10000x128xf32, #tpu.memory_space<vmem_shared>>
    tpu.wait_indirect_dma semaphore(%arg34 : memref<!tpu.dma_semaphore, #tpu.memory_space<semaphore_mem>>) src(%arg24 : memref<80x128xf32, #tpu.memory_space<vmem>>) dst(%dma_wait3A_398 : memref<10000x128xf32, #tpu.memory_space<vmem_shared>>)
    %dma_wait3A_399 = arith.constant 0 : i32
    %dma_wait3A_400 = arith.constant 0 : i32
    %dma_wait3A_401 = tpu.memref_slice %arg28[%dma_wait3A_399, %dma_wait3A_400] : memref<10000x16xf32, #tpu.memory_space<vmem_shared>> -> memref<10000x16xf32, #tpu.memory_space<vmem_shared>>
    tpu.wait_indirect_dma semaphore(%arg33 : memref<!tpu.dma_semaphore, #tpu.memory_space<semaphore_mem>>) src(%arg25 : memref<80x16xf32, #tpu.memory_space<vmem>>) dst(%dma_wait3A_401 : memref<10000x16xf32, #tpu.memory_space<vmem_shared>>)
    %dma_wait3A_402 = arith.constant 0 : i32
    %dma_wait3A_403 = arith.constant 0 : i32
    %dma_wait3A_404 = tpu.memref_slice %arg27[%dma_wait3A_402, %dma_wait3A_403] : memref<10000x128xf32, #tpu.memory_space<vmem_shared>> -> memref<10000x128xf32, #tpu.memory_space<vmem_shared>>
    tpu.wait_indirect_dma semaphore(%arg33 : memref<!tpu.dma_semaphore, #tpu.memory_space<semaphore_mem>>) src(%arg23 : memref<80x128xf32, #tpu.memory_space<vmem>>) dst(%dma_wait3A_404 : memref<10000x128xf32, #tpu.memory_space<vmem_shared>>)
    %barrier3A_405 = arith.constant 0 : index
    tpu.barrier barrier_id(%barrier3A_405)
    %mul3A_406 = arith.constant 10000 : i32
    %mul3A_407 = arith.muli %arg0, %mul3A_406 : i32
    %add3A_408 = arith.addi %mul3A_407, %mul3A_24 : i32
    %add3A_409 = arith.constant 0 : i32
    %add3A_410 = arith.addi %mul3A_24, %add3A_409 : i32
    "tpu.region"() ({
      %run_scoped3A = tpu.sem_alloc : memref<!tpu.dma_semaphore, #tpu.memory_space<semaphore_mem>>
      %dma_start3A_523 = arith.constant 0 : i32
      %dma_start3A_524 = tpu.memref_slice %arg27[%add3A_410, %dma_start3A_523] : memref<10000x128xf32, #tpu.memory_space<vmem_shared>> -> memref<80x128xf32, #tpu.memory_space<vmem_shared>>
      %dma_start3A_525 = arith.constant 0 : i32
      %dma_start3A_526 = tpu.memref_slice %arg27[%add3A_410, %dma_start3A_525] : memref<10000x128xf32, #tpu.memory_space<vmem_shared>> -> memref<80x128xf32, #tpu.memory_space<vmem_shared>>
      tpu.enqueue_dma source(%dma_start3A_526 : memref<80x128xf32, #tpu.memory_space<vmem_shared>>) target(%arg23 : memref<80x128xf32, #tpu.memory_space<vmem>>) target_semaphore(%run_scoped3A : memref<!tpu.dma_semaphore, #tpu.memory_space<semaphore_mem>>)
      %dma_wait3A_527 = arith.constant 0 : i32
      %dma_wait3A_528 = tpu.memref_slice %arg27[%add3A_410, %dma_wait3A_527] : memref<10000x128xf32, #tpu.memory_space<vmem_shared>> -> memref<80x128xf32, #tpu.memory_space<vmem_shared>>
      %dma_wait3A_529 = arith.constant 0 : i32
      %dma_wait3A_530 = tpu.memref_slice %arg27[%add3A_410, %dma_wait3A_529] : memref<10000x128xf32, #tpu.memory_space<vmem_shared>> -> memref<80x128xf32, #tpu.memory_space<vmem_shared>>
      tpu.wait_dma2 semaphore(%run_scoped3A : memref<!tpu.dma_semaphore, #tpu.memory_space<semaphore_mem>>) src(%dma_wait3A_530 : memref<80x128xf32, #tpu.memory_space<vmem_shared>>) dst(%arg23 : memref<80x128xf32, #tpu.memory_space<vmem>>)
      tpu.yield
    }) : () -> ()
    %add3A_411 = arith.constant 0 : i32
    %add3A_412 = arith.addi %add3A_408, %add3A_411 : i32
    "tpu.region"() ({
      %run_scoped3A = tpu.sem_alloc : memref<!tpu.dma_semaphore, #tpu.memory_space<semaphore_mem>>
      %dma_start3A_523 = arith.constant 0 : i32
      %dma_start3A_524 = tpu.memref_slice %arg8[%add3A_412, %dma_start3A_523] : memref<20000x128xf32, #tpu.memory_space<hbm>> -> memref<80x128xf32, #tpu.memory_space<hbm>>
      %dma_start3A_525 = arith.constant 0 : i32
      %dma_start3A_526 = tpu.memref_slice %arg8[%add3A_412, %dma_start3A_525] : memref<20000x128xf32, #tpu.memory_space<hbm>> -> memref<80x128xf32, #tpu.memory_space<hbm>>
      tpu.enqueue_dma source(%arg23 : memref<80x128xf32, #tpu.memory_space<vmem>>) target(%dma_start3A_526 : memref<80x128xf32, #tpu.memory_space<hbm>>) target_semaphore(%run_scoped3A : memref<!tpu.dma_semaphore, #tpu.memory_space<semaphore_mem>>)
      %dma_wait3A_527 = arith.constant 0 : i32
      %dma_wait3A_528 = tpu.memref_slice %arg8[%add3A_412, %dma_wait3A_527] : memref<20000x128xf32, #tpu.memory_space<hbm>> -> memref<80x128xf32, #tpu.memory_space<hbm>>
      %dma_wait3A_529 = arith.constant 0 : i32
      %dma_wait3A_530 = tpu.memref_slice %arg8[%add3A_412, %dma_wait3A_529] : memref<20000x128xf32, #tpu.memory_space<hbm>> -> memref<80x128xf32, #tpu.memory_space<hbm>>
      tpu.wait_dma2 semaphore(%run_scoped3A : memref<!tpu.dma_semaphore, #tpu.memory_space<semaphore_mem>>) src(%arg23 : memref<80x128xf32, #tpu.memory_space<vmem>>) dst(%dma_wait3A_530 : memref<80x128xf32, #tpu.memory_space<hbm>>)
      tpu.yield
    }) : () -> ()
    %add3A_413 = arith.constant 0 : i32
    %add3A_414 = arith.addi %mul3A_24, %add3A_413 : i32
    "tpu.region"() ({
      %run_scoped3A = tpu.sem_alloc : memref<!tpu.dma_semaphore, #tpu.memory_space<semaphore_mem>>
      %dma_start3A_523 = arith.constant 0 : i32
      %dma_start3A_524 = tpu.memref_slice %arg28[%add3A_414, %dma_start3A_523] : memref<10000x16xf32, #tpu.memory_space<vmem_shared>> -> memref<80x16xf32, #tpu.memory_space<vmem_shared>>
      %dma_start3A_525 = arith.constant 0 : i32
      %dma_start3A_526 = tpu.memref_slice %arg28[%add3A_414, %dma_start3A_525] : memref<10000x16xf32, #tpu.memory_space<vmem_shared>> -> memref<80x16xf32, #tpu.memory_space<vmem_shared>>
      tpu.enqueue_dma source(%dma_start3A_526 : memref<80x16xf32, #tpu.memory_space<vmem_shared>>) target(%arg25 : memref<80x16xf32, #tpu.memory_space<vmem>>) target_semaphore(%run_scoped3A : memref<!tpu.dma_semaphore, #tpu.memory_space<semaphore_mem>>)
      %dma_wait3A_527 = arith.constant 0 : i32
      %dma_wait3A_528 = tpu.memref_slice %arg28[%add3A_414, %dma_wait3A_527] : memref<10000x16xf32, #tpu.memory_space<vmem_shared>> -> memref<80x16xf32, #tpu.memory_space<vmem_shared>>
      %dma_wait3A_529 = arith.constant 0 : i32
      %dma_wait3A_530 = tpu.memref_slice %arg28[%add3A_414, %dma_wait3A_529] : memref<10000x16xf32, #tpu.memory_space<vmem_shared>> -> memref<80x16xf32, #tpu.memory_space<vmem_shared>>
      tpu.wait_dma2 semaphore(%run_scoped3A : memref<!tpu.dma_semaphore, #tpu.memory_space<semaphore_mem>>) src(%dma_wait3A_530 : memref<80x16xf32, #tpu.memory_space<vmem_shared>>) dst(%arg25 : memref<80x16xf32, #tpu.memory_space<vmem>>)
      tpu.yield
    }) : () -> ()
    %add3A_415 = arith.constant 0 : i32
    %add3A_416 = arith.addi %add3A_408, %add3A_415 : i32
    "tpu.region"() ({
      %run_scoped3A = tpu.sem_alloc : memref<!tpu.dma_semaphore, #tpu.memory_space<semaphore_mem>>
      %dma_start3A_523 = arith.constant 0 : i32
      %dma_start3A_524 = tpu.memref_slice %arg9[%add3A_416, %dma_start3A_523] : memref<20000x16xf32, #tpu.memory_space<hbm>> -> memref<80x16xf32, #tpu.memory_space<hbm>>
      %dma_start3A_525 = arith.constant 0 : i32
      %dma_start3A_526 = tpu.memref_slice %arg9[%add3A_416, %dma_start3A_525] : memref<20000x16xf32, #tpu.memory_space<hbm>> -> memref<80x16xf32, #tpu.memory_space<hbm>>
      tpu.enqueue_dma source(%arg25 : memref<80x16xf32, #tpu.memory_space<vmem>>) target(%dma_start3A_526 : memref<80x16xf32, #tpu.memory_space<hbm>>) target_semaphore(%run_scoped3A : memref<!tpu.dma_semaphore, #tpu.memory_space<semaphore_mem>>)
      %dma_wait3A_527 = arith.constant 0 : i32
      %dma_wait3A_528 = tpu.memref_slice %arg9[%add3A_416, %dma_wait3A_527] : memref<20000x16xf32, #tpu.memory_space<hbm>> -> memref<80x16xf32, #tpu.memory_space<hbm>>
      %dma_wait3A_529 = arith.constant 0 : i32
      %dma_wait3A_530 = tpu.memref_slice %arg9[%add3A_416, %dma_wait3A_529] : memref<20000x16xf32, #tpu.memory_space<hbm>> -> memref<80x16xf32, #tpu.memory_space<hbm>>
      tpu.wait_dma2 semaphore(%run_scoped3A : memref<!tpu.dma_semaphore, #tpu.memory_space<semaphore_mem>>) src(%arg25 : memref<80x16xf32, #tpu.memory_space<vmem>>) dst(%dma_wait3A_530 : memref<80x16xf32, #tpu.memory_space<hbm>>)
      tpu.yield
    }) : () -> ()
    %add3A_417 = arith.constant 80 : i32
    %add3A_418 = arith.addi %mul3A_24, %add3A_417 : i32
    "tpu.region"() ({
      %run_scoped3A = tpu.sem_alloc : memref<!tpu.dma_semaphore, #tpu.memory_space<semaphore_mem>>
      %dma_start3A_523 = arith.constant 0 : i32
      %dma_start3A_524 = tpu.memref_slice %arg27[%add3A_418, %dma_start3A_523] : memref<10000x128xf32, #tpu.memory_space<vmem_shared>> -> memref<80x128xf32, #tpu.memory_space<vmem_shared>>
      %dma_start3A_525 = arith.constant 0 : i32
      %dma_start3A_526 = tpu.memref_slice %arg27[%add3A_418, %dma_start3A_525] : memref<10000x128xf32, #tpu.memory_space<vmem_shared>> -> memref<80x128xf32, #tpu.memory_space<vmem_shared>>
      tpu.enqueue_dma source(%dma_start3A_526 : memref<80x128xf32, #tpu.memory_space<vmem_shared>>) target(%arg23 : memref<80x128xf32, #tpu.memory_space<vmem>>) target_semaphore(%run_scoped3A : memref<!tpu.dma_semaphore, #tpu.memory_space<semaphore_mem>>)
      %dma_wait3A_527 = arith.constant 0 : i32
      %dma_wait3A_528 = tpu.memref_slice %arg27[%add3A_418, %dma_wait3A_527] : memref<10000x128xf32, #tpu.memory_space<vmem_shared>> -> memref<80x128xf32, #tpu.memory_space<vmem_shared>>
      %dma_wait3A_529 = arith.constant 0 : i32
      %dma_wait3A_530 = tpu.memref_slice %arg27[%add3A_418, %dma_wait3A_529] : memref<10000x128xf32, #tpu.memory_space<vmem_shared>> -> memref<80x128xf32, #tpu.memory_space<vmem_shared>>
      tpu.wait_dma2 semaphore(%run_scoped3A : memref<!tpu.dma_semaphore, #tpu.memory_space<semaphore_mem>>) src(%dma_wait3A_530 : memref<80x128xf32, #tpu.memory_space<vmem_shared>>) dst(%arg23 : memref<80x128xf32, #tpu.memory_space<vmem>>)
      tpu.yield
    }) : () -> ()
    %add3A_419 = arith.constant 80 : i32
    %add3A_420 = arith.addi %add3A_408, %add3A_419 : i32
    "tpu.region"() ({
      %run_scoped3A = tpu.sem_alloc : memref<!tpu.dma_semaphore, #tpu.memory_space<semaphore_mem>>
      %dma_start3A_523 = arith.constant 0 : i32
      %dma_start3A_524 = tpu.memref_slice %arg8[%add3A_420, %dma_start3A_523] : memref<20000x128xf32, #tpu.memory_space<hbm>> -> memref<80x128xf32, #tpu.memory_space<hbm>>
      %dma_start3A_525 = arith.constant 0 : i32
      %dma_start3A_526 = tpu.memref_slice %arg8[%add3A_420, %dma_start3A_525] : memref<20000x128xf32, #tpu.memory_space<hbm>> -> memref<80x128xf32, #tpu.memory_space<hbm>>
      tpu.enqueue_dma source(%arg23 : memref<80x128xf32, #tpu.memory_space<vmem>>) target(%dma_start3A_526 : memref<80x128xf32, #tpu.memory_space<hbm>>) target_semaphore(%run_scoped3A : memref<!tpu.dma_semaphore, #tpu.memory_space<semaphore_mem>>)
      %dma_wait3A_527 = arith.constant 0 : i32
      %dma_wait3A_528 = tpu.memref_slice %arg8[%add3A_420, %dma_wait3A_527] : memref<20000x128xf32, #tpu.memory_space<hbm>> -> memref<80x128xf32, #tpu.memory_space<hbm>>
      %dma_wait3A_529 = arith.constant 0 : i32
      %dma_wait3A_530 = tpu.memref_slice %arg8[%add3A_420, %dma_wait3A_529] : memref<20000x128xf32, #tpu.memory_space<hbm>> -> memref<80x128xf32, #tpu.memory_space<hbm>>
      tpu.wait_dma2 semaphore(%run_scoped3A : memref<!tpu.dma_semaphore, #tpu.memory_space<semaphore_mem>>) src(%arg23 : memref<80x128xf32, #tpu.memory_space<vmem>>) dst(%dma_wait3A_530 : memref<80x128xf32, #tpu.memory_space<hbm>>)
      tpu.yield
    }) : () -> ()
    %add3A_421 = arith.constant 80 : i32
    %add3A_422 = arith.addi %mul3A_24, %add3A_421 : i32
    "tpu.region"() ({
      %run_scoped3A = tpu.sem_alloc : memref<!tpu.dma_semaphore, #tpu.memory_space<semaphore_mem>>
      %dma_start3A_523 = arith.constant 0 : i32
      %dma_start3A_524 = tpu.memref_slice %arg28[%add3A_422, %dma_start3A_523] : memref<10000x16xf32, #tpu.memory_space<vmem_shared>> -> memref<80x16xf32, #tpu.memory_space<vmem_shared>>
      %dma_start3A_525 = arith.constant 0 : i32
      %dma_start3A_526 = tpu.memref_slice %arg28[%add3A_422, %dma_start3A_525] : memref<10000x16xf32, #tpu.memory_space<vmem_shared>> -> memref<80x16xf32, #tpu.memory_space<vmem_shared>>
      tpu.enqueue_dma source(%dma_start3A_526 : memref<80x16xf32, #tpu.memory_space<vmem_shared>>) target(%arg25 : memref<80x16xf32, #tpu.memory_space<vmem>>) target_semaphore(%run_scoped3A : memref<!tpu.dma_semaphore, #tpu.memory_space<semaphore_mem>>)
      %dma_wait3A_527 = arith.constant 0 : i32
      %dma_wait3A_528 = tpu.memref_slice %arg28[%add3A_422, %dma_wait3A_527] : memref<10000x16xf32, #tpu.memory_space<vmem_shared>> -> memref<80x16xf32, #tpu.memory_space<vmem_shared>>
      %dma_wait3A_529 = arith.constant 0 : i32
      %dma_wait3A_530 = tpu.memref_slice %arg28[%add3A_422, %dma_wait3A_529] : memref<10000x16xf32, #tpu.memory_space<vmem_shared>> -> memref<80x16xf32, #tpu.memory_space<vmem_shared>>
      tpu.wait_dma2 semaphore(%run_scoped3A : memref<!tpu.dma_semaphore, #tpu.memory_space<semaphore_mem>>) src(%dma_wait3A_530 : memref<80x16xf32, #tpu.memory_space<vmem_shared>>) dst(%arg25 : memref<80x16xf32, #tpu.memory_space<vmem>>)
      tpu.yield
    }) : () -> ()
    %add3A_423 = arith.constant 80 : i32
    %add3A_424 = arith.addi %add3A_408, %add3A_423 : i32
    "tpu.region"() ({
      %run_scoped3A = tpu.sem_alloc : memref<!tpu.dma_semaphore, #tpu.memory_space<semaphore_mem>>
      %dma_start3A_523 = arith.constant 0 : i32
      %dma_start3A_524 = tpu.memref_slice %arg9[%add3A_424, %dma_start3A_523] : memref<20000x16xf32, #tpu.memory_space<hbm>> -> memref<80x16xf32, #tpu.memory_space<hbm>>
      %dma_start3A_525 = arith.constant 0 : i32
      %dma_start3A_526 = tpu.memref_slice %arg9[%add3A_424, %dma_start3A_525] : memref<20000x16xf32, #tpu.memory_space<hbm>> -> memref<80x16xf32, #tpu.memory_space<hbm>>
      tpu.enqueue_dma source(%arg25 : memref<80x16xf32, #tpu.memory_space<vmem>>) target(%dma_start3A_526 : memref<80x16xf32, #tpu.memory_space<hbm>>) target_semaphore(%run_scoped3A : memref<!tpu.dma_semaphore, #tpu.memory_space<semaphore_mem>>)
      %dma_wait3A_527 = arith.constant 0 : i32
      %dma_wait3A_528 = tpu.memref_slice %arg9[%add3A_424, %dma_wait3A_527] : memref<20000x16xf32, #tpu.memory_space<hbm>> -> memref<80x16xf32, #tpu.memory_space<hbm>>
      %dma_wait3A_529 = arith.constant 0 : i32
      %dma_wait3A_530 = tpu.memref_slice %arg9[%add3A_424, %dma_wait3A_529] : memref<20000x16xf32, #tpu.memory_space<hbm>> -> memref<80x16xf32, #tpu.memory_space<hbm>>
      tpu.wait_dma2 semaphore(%run_scoped3A : memref<!tpu.dma_semaphore, #tpu.memory_space<semaphore_mem>>) src(%arg25 : memref<80x16xf32, #tpu.memory_space<vmem>>) dst(%dma_wait3A_530 : memref<80x16xf32, #tpu.memory_space<hbm>>)
      tpu.yield
    }) : () -> ()
    %add3A_425 = arith.constant 160 : i32
    %add3A_426 = arith.addi %mul3A_24, %add3A_425 : i32
    "tpu.region"() ({
      %run_scoped3A = tpu.sem_alloc : memref<!tpu.dma_semaphore, #tpu.memory_space<semaphore_mem>>
      %dma_start3A_523 = arith.constant 0 : i32
      %dma_start3A_524 = tpu.memref_slice %arg27[%add3A_426, %dma_start3A_523] : memref<10000x128xf32, #tpu.memory_space<vmem_shared>> -> memref<80x128xf32, #tpu.memory_space<vmem_shared>>
      %dma_start3A_525 = arith.constant 0 : i32
      %dma_start3A_526 = tpu.memref_slice %arg27[%add3A_426, %dma_start3A_525] : memref<10000x128xf32, #tpu.memory_space<vmem_shared>> -> memref<80x128xf32, #tpu.memory_space<vmem_shared>>
      tpu.enqueue_dma source(%dma_start3A_526 : memref<80x128xf32, #tpu.memory_space<vmem_shared>>) target(%arg23 : memref<80x128xf32, #tpu.memory_space<vmem>>) target_semaphore(%run_scoped3A : memref<!tpu.dma_semaphore, #tpu.memory_space<semaphore_mem>>)
      %dma_wait3A_527 = arith.constant 0 : i32
      %dma_wait3A_528 = tpu.memref_slice %arg27[%add3A_426, %dma_wait3A_527] : memref<10000x128xf32, #tpu.memory_space<vmem_shared>> -> memref<80x128xf32, #tpu.memory_space<vmem_shared>>
      %dma_wait3A_529 = arith.constant 0 : i32
      %dma_wait3A_530 = tpu.memref_slice %arg27[%add3A_426, %dma_wait3A_529] : memref<10000x128xf32, #tpu.memory_space<vmem_shared>> -> memref<80x128xf32, #tpu.memory_space<vmem_shared>>
      tpu.wait_dma2 semaphore(%run_scoped3A : memref<!tpu.dma_semaphore, #tpu.memory_space<semaphore_mem>>) src(%dma_wait3A_530 : memref<80x128xf32, #tpu.memory_space<vmem_shared>>) dst(%arg23 : memref<80x128xf32, #tpu.memory_space<vmem>>)
      tpu.yield
    }) : () -> ()
    %add3A_427 = arith.constant 160 : i32
    %add3A_428 = arith.addi %add3A_408, %add3A_427 : i32
    "tpu.region"() ({
      %run_scoped3A = tpu.sem_alloc : memref<!tpu.dma_semaphore, #tpu.memory_space<semaphore_mem>>
      %dma_start3A_523 = arith.constant 0 : i32
      %dma_start3A_524 = tpu.memref_slice %arg8[%add3A_428, %dma_start3A_523] : memref<20000x128xf32, #tpu.memory_space<hbm>> -> memref<80x128xf32, #tpu.memory_space<hbm>>
      %dma_start3A_525 = arith.constant 0 : i32
      %dma_start3A_526 = tpu.memref_slice %arg8[%add3A_428, %dma_start3A_525] : memref<20000x128xf32, #tpu.memory_space<hbm>> -> memref<80x128xf32, #tpu.memory_space<hbm>>
      tpu.enqueue_dma source(%arg23 : memref<80x128xf32, #tpu.memory_space<vmem>>) target(%dma_start3A_526 : memref<80x128xf32, #tpu.memory_space<hbm>>) target_semaphore(%run_scoped3A : memref<!tpu.dma_semaphore, #tpu.memory_space<semaphore_mem>>)
      %dma_wait3A_527 = arith.constant 0 : i32
      %dma_wait3A_528 = tpu.memref_slice %arg8[%add3A_428, %dma_wait3A_527] : memref<20000x128xf32, #tpu.memory_space<hbm>> -> memref<80x128xf32, #tpu.memory_space<hbm>>
      %dma_wait3A_529 = arith.constant 0 : i32
      %dma_wait3A_530 = tpu.memref_slice %arg8[%add3A_428, %dma_wait3A_529] : memref<20000x128xf32, #tpu.memory_space<hbm>> -> memref<80x128xf32, #tpu.memory_space<hbm>>
      tpu.wait_dma2 semaphore(%run_scoped3A : memref<!tpu.dma_semaphore, #tpu.memory_space<semaphore_mem>>) src(%arg23 : memref<80x128xf32, #tpu.memory_space<vmem>>) dst(%dma_wait3A_530 : memref<80x128xf32, #tpu.memory_space<hbm>>)
      tpu.yield
    }) : () -> ()
    %add3A_429 = arith.constant 160 : i32
    %add3A_430 = arith.addi %mul3A_24, %add3A_429 : i32
    "tpu.region"() ({
      %run_scoped3A = tpu.sem_alloc : memref<!tpu.dma_semaphore, #tpu.memory_space<semaphore_mem>>
      %dma_start3A_523 = arith.constant 0 : i32
      %dma_start3A_524 = tpu.memref_slice %arg28[%add3A_430, %dma_start3A_523] : memref<10000x16xf32, #tpu.memory_space<vmem_shared>> -> memref<80x16xf32, #tpu.memory_space<vmem_shared>>
      %dma_start3A_525 = arith.constant 0 : i32
      %dma_start3A_526 = tpu.memref_slice %arg28[%add3A_430, %dma_start3A_525] : memref<10000x16xf32, #tpu.memory_space<vmem_shared>> -> memref<80x16xf32, #tpu.memory_space<vmem_shared>>
      tpu.enqueue_dma source(%dma_start3A_526 : memref<80x16xf32, #tpu.memory_space<vmem_shared>>) target(%arg25 : memref<80x16xf32, #tpu.memory_space<vmem>>) target_semaphore(%run_scoped3A : memref<!tpu.dma_semaphore, #tpu.memory_space<semaphore_mem>>)
      %dma_wait3A_527 = arith.constant 0 : i32
      %dma_wait3A_528 = tpu.memref_slice %arg28[%add3A_430, %dma_wait3A_527] : memref<10000x16xf32, #tpu.memory_space<vmem_shared>> -> memref<80x16xf32, #tpu.memory_space<vmem_shared>>
      %dma_wait3A_529 = arith.constant 0 : i32
      %dma_wait3A_530 = tpu.memref_slice %arg28[%add3A_430, %dma_wait3A_529] : memref<10000x16xf32, #tpu.memory_space<vmem_shared>> -> memref<80x16xf32, #tpu.memory_space<vmem_shared>>
      tpu.wait_dma2 semaphore(%run_scoped3A : memref<!tpu.dma_semaphore, #tpu.memory_space<semaphore_mem>>) src(%dma_wait3A_530 : memref<80x16xf32, #tpu.memory_space<vmem_shared>>) dst(%arg25 : memref<80x16xf32, #tpu.memory_space<vmem>>)
      tpu.yield
    }) : () -> ()
    %add3A_431 = arith.constant 160 : i32
    %add3A_432 = arith.addi %add3A_408, %add3A_431 : i32
    "tpu.region"() ({
      %run_scoped3A = tpu.sem_alloc : memref<!tpu.dma_semaphore, #tpu.memory_space<semaphore_mem>>
      %dma_start3A_523 = arith.constant 0 : i32
      %dma_start3A_524 = tpu.memref_slice %arg9[%add3A_432, %dma_start3A_523] : memref<20000x16xf32, #tpu.memory_space<hbm>> -> memref<80x16xf32, #tpu.memory_space<hbm>>
      %dma_start3A_525 = arith.constant 0 : i32
      %dma_start3A_526 = tpu.memref_slice %arg9[%add3A_432, %dma_start3A_525] : memref<20000x16xf32, #tpu.memory_space<hbm>> -> memref<80x16xf32, #tpu.memory_space<hbm>>
      tpu.enqueue_dma source(%arg25 : memref<80x16xf32, #tpu.memory_space<vmem>>) target(%dma_start3A_526 : memref<80x16xf32, #tpu.memory_space<hbm>>) target_semaphore(%run_scoped3A : memref<!tpu.dma_semaphore, #tpu.memory_space<semaphore_mem>>)
      %dma_wait3A_527 = arith.constant 0 : i32
      %dma_wait3A_528 = tpu.memref_slice %arg9[%add3A_432, %dma_wait3A_527] : memref<20000x16xf32, #tpu.memory_space<hbm>> -> memref<80x16xf32, #tpu.memory_space<hbm>>
      %dma_wait3A_529 = arith.constant 0 : i32
      %dma_wait3A_530 = tpu.memref_slice %arg9[%add3A_432, %dma_wait3A_529] : memref<20000x16xf32, #tpu.memory_space<hbm>> -> memref<80x16xf32, #tpu.memory_space<hbm>>
      tpu.wait_dma2 semaphore(%run_scoped3A : memref<!tpu.dma_semaphore, #tpu.memory_space<semaphore_mem>>) src(%arg25 : memref<80x16xf32, #tpu.memory_space<vmem>>) dst(%dma_wait3A_530 : memref<80x16xf32, #tpu.memory_space<hbm>>)
      tpu.yield
    }) : () -> ()
    %add3A_433 = arith.constant 240 : i32
    %add3A_434 = arith.addi %mul3A_24, %add3A_433 : i32
    "tpu.region"() ({
      %run_scoped3A = tpu.sem_alloc : memref<!tpu.dma_semaphore, #tpu.memory_space<semaphore_mem>>
      %dma_start3A_523 = arith.constant 0 : i32
      %dma_start3A_524 = tpu.memref_slice %arg27[%add3A_434, %dma_start3A_523] : memref<10000x128xf32, #tpu.memory_space<vmem_shared>> -> memref<80x128xf32, #tpu.memory_space<vmem_shared>>
      %dma_start3A_525 = arith.constant 0 : i32
      %dma_start3A_526 = tpu.memref_slice %arg27[%add3A_434, %dma_start3A_525] : memref<10000x128xf32, #tpu.memory_space<vmem_shared>> -> memref<80x128xf32, #tpu.memory_space<vmem_shared>>
      tpu.enqueue_dma source(%dma_start3A_526 : memref<80x128xf32, #tpu.memory_space<vmem_shared>>) target(%arg23 : memref<80x128xf32, #tpu.memory_space<vmem>>) target_semaphore(%run_scoped3A : memref<!tpu.dma_semaphore, #tpu.memory_space<semaphore_mem>>)
      %dma_wait3A_527 = arith.constant 0 : i32
      %dma_wait3A_528 = tpu.memref_slice %arg27[%add3A_434, %dma_wait3A_527] : memref<10000x128xf32, #tpu.memory_space<vmem_shared>> -> memref<80x128xf32, #tpu.memory_space<vmem_shared>>
      %dma_wait3A_529 = arith.constant 0 : i32
      %dma_wait3A_530 = tpu.memref_slice %arg27[%add3A_434, %dma_wait3A_529] : memref<10000x128xf32, #tpu.memory_space<vmem_shared>> -> memref<80x128xf32, #tpu.memory_space<vmem_shared>>
      tpu.wait_dma2 semaphore(%run_scoped3A : memref<!tpu.dma_semaphore, #tpu.memory_space<semaphore_mem>>) src(%dma_wait3A_530 : memref<80x128xf32, #tpu.memory_space<vmem_shared>>) dst(%arg23 : memref<80x128xf32, #tpu.memory_space<vmem>>)
      tpu.yield
    }) : () -> ()
    %add3A_435 = arith.constant 240 : i32
    %add3A_436 = arith.addi %add3A_408, %add3A_435 : i32
    "tpu.region"() ({
      %run_scoped3A = tpu.sem_alloc : memref<!tpu.dma_semaphore, #tpu.memory_space<semaphore_mem>>
      %dma_start3A_523 = arith.constant 0 : i32
      %dma_start3A_524 = tpu.memref_slice %arg8[%add3A_436, %dma_start3A_523] : memref<20000x128xf32, #tpu.memory_space<hbm>> -> memref<80x128xf32, #tpu.memory_space<hbm>>
      %dma_start3A_525 = arith.constant 0 : i32
      %dma_start3A_526 = tpu.memref_slice %arg8[%add3A_436, %dma_start3A_525] : memref<20000x128xf32, #tpu.memory_space<hbm>> -> memref<80x128xf32, #tpu.memory_space<hbm>>
      tpu.enqueue_dma source(%arg23 : memref<80x128xf32, #tpu.memory_space<vmem>>) target(%dma_start3A_526 : memref<80x128xf32, #tpu.memory_space<hbm>>) target_semaphore(%run_scoped3A : memref<!tpu.dma_semaphore, #tpu.memory_space<semaphore_mem>>)
      %dma_wait3A_527 = arith.constant 0 : i32
      %dma_wait3A_528 = tpu.memref_slice %arg8[%add3A_436, %dma_wait3A_527] : memref<20000x128xf32, #tpu.memory_space<hbm>> -> memref<80x128xf32, #tpu.memory_space<hbm>>
      %dma_wait3A_529 = arith.constant 0 : i32
      %dma_wait3A_530 = tpu.memref_slice %arg8[%add3A_436, %dma_wait3A_529] : memref<20000x128xf32, #tpu.memory_space<hbm>> -> memref<80x128xf32, #tpu.memory_space<hbm>>
      tpu.wait_dma2 semaphore(%run_scoped3A : memref<!tpu.dma_semaphore, #tpu.memory_space<semaphore_mem>>) src(%arg23 : memref<80x128xf32, #tpu.memory_space<vmem>>) dst(%dma_wait3A_530 : memref<80x128xf32, #tpu.memory_space<hbm>>)
      tpu.yield
    }) : () -> ()
    %add3A_437 = arith.constant 240 : i32
    %add3A_438 = arith.addi %mul3A_24, %add3A_437 : i32
    "tpu.region"() ({
      %run_scoped3A = tpu.sem_alloc : memref<!tpu.dma_semaphore, #tpu.memory_space<semaphore_mem>>
      %dma_start3A_523 = arith.constant 0 : i32
      %dma_start3A_524 = tpu.memref_slice %arg28[%add3A_438, %dma_start3A_523] : memref<10000x16xf32, #tpu.memory_space<vmem_shared>> -> memref<80x16xf32, #tpu.memory_space<vmem_shared>>
      %dma_start3A_525 = arith.constant 0 : i32
      %dma_start3A_526 = tpu.memref_slice %arg28[%add3A_438, %dma_start3A_525] : memref<10000x16xf32, #tpu.memory_space<vmem_shared>> -> memref<80x16xf32, #tpu.memory_space<vmem_shared>>
      tpu.enqueue_dma source(%dma_start3A_526 : memref<80x16xf32, #tpu.memory_space<vmem_shared>>) target(%arg25 : memref<80x16xf32, #tpu.memory_space<vmem>>) target_semaphore(%run_scoped3A : memref<!tpu.dma_semaphore, #tpu.memory_space<semaphore_mem>>)
      %dma_wait3A_527 = arith.constant 0 : i32
      %dma_wait3A_528 = tpu.memref_slice %arg28[%add3A_438, %dma_wait3A_527] : memref<10000x16xf32, #tpu.memory_space<vmem_shared>> -> memref<80x16xf32, #tpu.memory_space<vmem_shared>>
      %dma_wait3A_529 = arith.constant 0 : i32
      %dma_wait3A_530 = tpu.memref_slice %arg28[%add3A_438, %dma_wait3A_529] : memref<10000x16xf32, #tpu.memory_space<vmem_shared>> -> memref<80x16xf32, #tpu.memory_space<vmem_shared>>
      tpu.wait_dma2 semaphore(%run_scoped3A : memref<!tpu.dma_semaphore, #tpu.memory_space<semaphore_mem>>) src(%dma_wait3A_530 : memref<80x16xf32, #tpu.memory_space<vmem_shared>>) dst(%arg25 : memref<80x16xf32, #tpu.memory_space<vmem>>)
      tpu.yield
    }) : () -> ()
    %add3A_439 = arith.constant 240 : i32
    %add3A_440 = arith.addi %add3A_408, %add3A_439 : i32
    "tpu.region"() ({
      %run_scoped3A = tpu.sem_alloc : memref<!tpu.dma_semaphore, #tpu.memory_space<semaphore_mem>>
      %dma_start3A_523 = arith.constant 0 : i32
      %dma_start3A_524 = tpu.memref_slice %arg9[%add3A_440, %dma_start3A_523] : memref<20000x16xf32, #tpu.memory_space<hbm>> -> memref<80x16xf32, #tpu.memory_space<hbm>>
      %dma_start3A_525 = arith.constant 0 : i32
      %dma_start3A_526 = tpu.memref_slice %arg9[%add3A_440, %dma_start3A_525] : memref<20000x16xf32, #tpu.memory_space<hbm>> -> memref<80x16xf32, #tpu.memory_space<hbm>>
      tpu.enqueue_dma source(%arg25 : memref<80x16xf32, #tpu.memory_space<vmem>>) target(%dma_start3A_526 : memref<80x16xf32, #tpu.memory_space<hbm>>) target_semaphore(%run_scoped3A : memref<!tpu.dma_semaphore, #tpu.memory_space<semaphore_mem>>)
      %dma_wait3A_527 = arith.constant 0 : i32
      %dma_wait3A_528 = tpu.memref_slice %arg9[%add3A_440, %dma_wait3A_527] : memref<20000x16xf32, #tpu.memory_space<hbm>> -> memref<80x16xf32, #tpu.memory_space<hbm>>
      %dma_wait3A_529 = arith.constant 0 : i32
      %dma_wait3A_530 = tpu.memref_slice %arg9[%add3A_440, %dma_wait3A_529] : memref<20000x16xf32, #tpu.memory_space<hbm>> -> memref<80x16xf32, #tpu.memory_space<hbm>>
      tpu.wait_dma2 semaphore(%run_scoped3A : memref<!tpu.dma_semaphore, #tpu.memory_space<semaphore_mem>>) src(%arg25 : memref<80x16xf32, #tpu.memory_space<vmem>>) dst(%dma_wait3A_530 : memref<80x16xf32, #tpu.memory_space<hbm>>)
      tpu.yield
    }) : () -> ()
    %add3A_441 = arith.constant 320 : i32
    %add3A_442 = arith.addi %mul3A_24, %add3A_441 : i32
    "tpu.region"() ({
      %run_scoped3A = tpu.sem_alloc : memref<!tpu.dma_semaphore, #tpu.memory_space<semaphore_mem>>
      %dma_start3A_523 = arith.constant 0 : i32
      %dma_start3A_524 = tpu.memref_slice %arg27[%add3A_442, %dma_start3A_523] : memref<10000x128xf32, #tpu.memory_space<vmem_shared>> -> memref<80x128xf32, #tpu.memory_space<vmem_shared>>
      %dma_start3A_525 = arith.constant 0 : i32
      %dma_start3A_526 = tpu.memref_slice %arg27[%add3A_442, %dma_start3A_525] : memref<10000x128xf32, #tpu.memory_space<vmem_shared>> -> memref<80x128xf32, #tpu.memory_space<vmem_shared>>
      tpu.enqueue_dma source(%dma_start3A_526 : memref<80x128xf32, #tpu.memory_space<vmem_shared>>) target(%arg23 : memref<80x128xf32, #tpu.memory_space<vmem>>) target_semaphore(%run_scoped3A : memref<!tpu.dma_semaphore, #tpu.memory_space<semaphore_mem>>)
      %dma_wait3A_527 = arith.constant 0 : i32
      %dma_wait3A_528 = tpu.memref_slice %arg27[%add3A_442, %dma_wait3A_527] : memref<10000x128xf32, #tpu.memory_space<vmem_shared>> -> memref<80x128xf32, #tpu.memory_space<vmem_shared>>
      %dma_wait3A_529 = arith.constant 0 : i32
      %dma_wait3A_530 = tpu.memref_slice %arg27[%add3A_442, %dma_wait3A_529] : memref<10000x128xf32, #tpu.memory_space<vmem_shared>> -> memref<80x128xf32, #tpu.memory_space<vmem_shared>>
      tpu.wait_dma2 semaphore(%run_scoped3A : memref<!tpu.dma_semaphore, #tpu.memory_space<semaphore_mem>>) src(%dma_wait3A_530 : memref<80x128xf32, #tpu.memory_space<vmem_shared>>) dst(%arg23 : memref<80x128xf32, #tpu.memory_space<vmem>>)
      tpu.yield
    }) : () -> ()
    %add3A_443 = arith.constant 320 : i32
    %add3A_444 = arith.addi %add3A_408, %add3A_443 : i32
    "tpu.region"() ({
      %run_scoped3A = tpu.sem_alloc : memref<!tpu.dma_semaphore, #tpu.memory_space<semaphore_mem>>
      %dma_start3A_523 = arith.constant 0 : i32
      %dma_start3A_524 = tpu.memref_slice %arg8[%add3A_444, %dma_start3A_523] : memref<20000x128xf32, #tpu.memory_space<hbm>> -> memref<80x128xf32, #tpu.memory_space<hbm>>
      %dma_start3A_525 = arith.constant 0 : i32
      %dma_start3A_526 = tpu.memref_slice %arg8[%add3A_444, %dma_start3A_525] : memref<20000x128xf32, #tpu.memory_space<hbm>> -> memref<80x128xf32, #tpu.memory_space<hbm>>
      tpu.enqueue_dma source(%arg23 : memref<80x128xf32, #tpu.memory_space<vmem>>) target(%dma_start3A_526 : memref<80x128xf32, #tpu.memory_space<hbm>>) target_semaphore(%run_scoped3A : memref<!tpu.dma_semaphore, #tpu.memory_space<semaphore_mem>>)
      %dma_wait3A_527 = arith.constant 0 : i32
      %dma_wait3A_528 = tpu.memref_slice %arg8[%add3A_444, %dma_wait3A_527] : memref<20000x128xf32, #tpu.memory_space<hbm>> -> memref<80x128xf32, #tpu.memory_space<hbm>>
      %dma_wait3A_529 = arith.constant 0 : i32
      %dma_wait3A_530 = tpu.memref_slice %arg8[%add3A_444, %dma_wait3A_529] : memref<20000x128xf32, #tpu.memory_space<hbm>> -> memref<80x128xf32, #tpu.memory_space<hbm>>
      tpu.wait_dma2 semaphore(%run_scoped3A : memref<!tpu.dma_semaphore, #tpu.memory_space<semaphore_mem>>) src(%arg23 : memref<80x128xf32, #tpu.memory_space<vmem>>) dst(%dma_wait3A_530 : memref<80x128xf32, #tpu.memory_space<hbm>>)
      tpu.yield
    }) : () -> ()
    %add3A_445 = arith.constant 320 : i32
    %add3A_446 = arith.addi %mul3A_24, %add3A_445 : i32
    "tpu.region"() ({
      %run_scoped3A = tpu.sem_alloc : memref<!tpu.dma_semaphore, #tpu.memory_space<semaphore_mem>>
      %dma_start3A_523 = arith.constant 0 : i32
      %dma_start3A_524 = tpu.memref_slice %arg28[%add3A_446, %dma_start3A_523] : memref<10000x16xf32, #tpu.memory_space<vmem_shared>> -> memref<80x16xf32, #tpu.memory_space<vmem_shared>>
      %dma_start3A_525 = arith.constant 0 : i32
      %dma_start3A_526 = tpu.memref_slice %arg28[%add3A_446, %dma_start3A_525] : memref<10000x16xf32, #tpu.memory_space<vmem_shared>> -> memref<80x16xf32, #tpu.memory_space<vmem_shared>>
      tpu.enqueue_dma source(%dma_start3A_526 : memref<80x16xf32, #tpu.memory_space<vmem_shared>>) target(%arg25 : memref<80x16xf32, #tpu.memory_space<vmem>>) target_semaphore(%run_scoped3A : memref<!tpu.dma_semaphore, #tpu.memory_space<semaphore_mem>>)
      %dma_wait3A_527 = arith.constant 0 : i32
      %dma_wait3A_528 = tpu.memref_slice %arg28[%add3A_446, %dma_wait3A_527] : memref<10000x16xf32, #tpu.memory_space<vmem_shared>> -> memref<80x16xf32, #tpu.memory_space<vmem_shared>>
      %dma_wait3A_529 = arith.constant 0 : i32
      %dma_wait3A_530 = tpu.memref_slice %arg28[%add3A_446, %dma_wait3A_529] : memref<10000x16xf32, #tpu.memory_space<vmem_shared>> -> memref<80x16xf32, #tpu.memory_space<vmem_shared>>
      tpu.wait_dma2 semaphore(%run_scoped3A : memref<!tpu.dma_semaphore, #tpu.memory_space<semaphore_mem>>) src(%dma_wait3A_530 : memref<80x16xf32, #tpu.memory_space<vmem_shared>>) dst(%arg25 : memref<80x16xf32, #tpu.memory_space<vmem>>)
      tpu.yield
    }) : () -> ()
    %add3A_447 = arith.constant 320 : i32
    %add3A_448 = arith.addi %add3A_408, %add3A_447 : i32
    "tpu.region"() ({
      %run_scoped3A = tpu.sem_alloc : memref<!tpu.dma_semaphore, #tpu.memory_space<semaphore_mem>>
      %dma_start3A_523 = arith.constant 0 : i32
      %dma_start3A_524 = tpu.memref_slice %arg9[%add3A_448, %dma_start3A_523] : memref<20000x16xf32, #tpu.memory_space<hbm>> -> memref<80x16xf32, #tpu.memory_space<hbm>>
      %dma_start3A_525 = arith.constant 0 : i32
      %dma_start3A_526 = tpu.memref_slice %arg9[%add3A_448, %dma_start3A_525] : memref<20000x16xf32, #tpu.memory_space<hbm>> -> memref<80x16xf32, #tpu.memory_space<hbm>>
      tpu.enqueue_dma source(%arg25 : memref<80x16xf32, #tpu.memory_space<vmem>>) target(%dma_start3A_526 : memref<80x16xf32, #tpu.memory_space<hbm>>) target_semaphore(%run_scoped3A : memref<!tpu.dma_semaphore, #tpu.memory_space<semaphore_mem>>)
      %dma_wait3A_527 = arith.constant 0 : i32
      %dma_wait3A_528 = tpu.memref_slice %arg9[%add3A_448, %dma_wait3A_527] : memref<20000x16xf32, #tpu.memory_space<hbm>> -> memref<80x16xf32, #tpu.memory_space<hbm>>
      %dma_wait3A_529 = arith.constant 0 : i32
      %dma_wait3A_530 = tpu.memref_slice %arg9[%add3A_448, %dma_wait3A_529] : memref<20000x16xf32, #tpu.memory_space<hbm>> -> memref<80x16xf32, #tpu.memory_space<hbm>>
      tpu.wait_dma2 semaphore(%run_scoped3A : memref<!tpu.dma_semaphore, #tpu.memory_space<semaphore_mem>>) src(%arg25 : memref<80x16xf32, #tpu.memory_space<vmem>>) dst(%dma_wait3A_530 : memref<80x16xf32, #tpu.memory_space<hbm>>)
      tpu.yield
    }) : () -> ()
    %add3A_449 = arith.constant 400 : i32
    %add3A_450 = arith.addi %mul3A_24, %add3A_449 : i32
    "tpu.region"() ({
      %run_scoped3A = tpu.sem_alloc : memref<!tpu.dma_semaphore, #tpu.memory_space<semaphore_mem>>
      %dma_start3A_523 = arith.constant 0 : i32
      %dma_start3A_524 = tpu.memref_slice %arg27[%add3A_450, %dma_start3A_523] : memref<10000x128xf32, #tpu.memory_space<vmem_shared>> -> memref<80x128xf32, #tpu.memory_space<vmem_shared>>
      %dma_start3A_525 = arith.constant 0 : i32
      %dma_start3A_526 = tpu.memref_slice %arg27[%add3A_450, %dma_start3A_525] : memref<10000x128xf32, #tpu.memory_space<vmem_shared>> -> memref<80x128xf32, #tpu.memory_space<vmem_shared>>
      tpu.enqueue_dma source(%dma_start3A_526 : memref<80x128xf32, #tpu.memory_space<vmem_shared>>) target(%arg23 : memref<80x128xf32, #tpu.memory_space<vmem>>) target_semaphore(%run_scoped3A : memref<!tpu.dma_semaphore, #tpu.memory_space<semaphore_mem>>)
      %dma_wait3A_527 = arith.constant 0 : i32
      %dma_wait3A_528 = tpu.memref_slice %arg27[%add3A_450, %dma_wait3A_527] : memref<10000x128xf32, #tpu.memory_space<vmem_shared>> -> memref<80x128xf32, #tpu.memory_space<vmem_shared>>
      %dma_wait3A_529 = arith.constant 0 : i32
      %dma_wait3A_530 = tpu.memref_slice %arg27[%add3A_450, %dma_wait3A_529] : memref<10000x128xf32, #tpu.memory_space<vmem_shared>> -> memref<80x128xf32, #tpu.memory_space<vmem_shared>>
      tpu.wait_dma2 semaphore(%run_scoped3A : memref<!tpu.dma_semaphore, #tpu.memory_space<semaphore_mem>>) src(%dma_wait3A_530 : memref<80x128xf32, #tpu.memory_space<vmem_shared>>) dst(%arg23 : memref<80x128xf32, #tpu.memory_space<vmem>>)
      tpu.yield
    }) : () -> ()
    %add3A_451 = arith.constant 400 : i32
    %add3A_452 = arith.addi %add3A_408, %add3A_451 : i32
    "tpu.region"() ({
      %run_scoped3A = tpu.sem_alloc : memref<!tpu.dma_semaphore, #tpu.memory_space<semaphore_mem>>
      %dma_start3A_523 = arith.constant 0 : i32
      %dma_start3A_524 = tpu.memref_slice %arg8[%add3A_452, %dma_start3A_523] : memref<20000x128xf32, #tpu.memory_space<hbm>> -> memref<80x128xf32, #tpu.memory_space<hbm>>
      %dma_start3A_525 = arith.constant 0 : i32
      %dma_start3A_526 = tpu.memref_slice %arg8[%add3A_452, %dma_start3A_525] : memref<20000x128xf32, #tpu.memory_space<hbm>> -> memref<80x128xf32, #tpu.memory_space<hbm>>
      tpu.enqueue_dma source(%arg23 : memref<80x128xf32, #tpu.memory_space<vmem>>) target(%dma_start3A_526 : memref<80x128xf32, #tpu.memory_space<hbm>>) target_semaphore(%run_scoped3A : memref<!tpu.dma_semaphore, #tpu.memory_space<semaphore_mem>>)
      %dma_wait3A_527 = arith.constant 0 : i32
      %dma_wait3A_528 = tpu.memref_slice %arg8[%add3A_452, %dma_wait3A_527] : memref<20000x128xf32, #tpu.memory_space<hbm>> -> memref<80x128xf32, #tpu.memory_space<hbm>>
      %dma_wait3A_529 = arith.constant 0 : i32
      %dma_wait3A_530 = tpu.memref_slice %arg8[%add3A_452, %dma_wait3A_529] : memref<20000x128xf32, #tpu.memory_space<hbm>> -> memref<80x128xf32, #tpu.memory_space<hbm>>
      tpu.wait_dma2 semaphore(%run_scoped3A : memref<!tpu.dma_semaphore, #tpu.memory_space<semaphore_mem>>) src(%arg23 : memref<80x128xf32, #tpu.memory_space<vmem>>) dst(%dma_wait3A_530 : memref<80x128xf32, #tpu.memory_space<hbm>>)
      tpu.yield
    }) : () -> ()
    %add3A_453 = arith.constant 400 : i32
    %add3A_454 = arith.addi %mul3A_24, %add3A_453 : i32
    "tpu.region"() ({
      %run_scoped3A = tpu.sem_alloc : memref<!tpu.dma_semaphore, #tpu.memory_space<semaphore_mem>>
      %dma_start3A_523 = arith.constant 0 : i32
      %dma_start3A_524 = tpu.memref_slice %arg28[%add3A_454, %dma_start3A_523] : memref<10000x16xf32, #tpu.memory_space<vmem_shared>> -> memref<80x16xf32, #tpu.memory_space<vmem_shared>>
      %dma_start3A_525 = arith.constant 0 : i32
      %dma_start3A_526 = tpu.memref_slice %arg28[%add3A_454, %dma_start3A_525] : memref<10000x16xf32, #tpu.memory_space<vmem_shared>> -> memref<80x16xf32, #tpu.memory_space<vmem_shared>>
      tpu.enqueue_dma source(%dma_start3A_526 : memref<80x16xf32, #tpu.memory_space<vmem_shared>>) target(%arg25 : memref<80x16xf32, #tpu.memory_space<vmem>>) target_semaphore(%run_scoped3A : memref<!tpu.dma_semaphore, #tpu.memory_space<semaphore_mem>>)
      %dma_wait3A_527 = arith.constant 0 : i32
      %dma_wait3A_528 = tpu.memref_slice %arg28[%add3A_454, %dma_wait3A_527] : memref<10000x16xf32, #tpu.memory_space<vmem_shared>> -> memref<80x16xf32, #tpu.memory_space<vmem_shared>>
      %dma_wait3A_529 = arith.constant 0 : i32
      %dma_wait3A_530 = tpu.memref_slice %arg28[%add3A_454, %dma_wait3A_529] : memref<10000x16xf32, #tpu.memory_space<vmem_shared>> -> memref<80x16xf32, #tpu.memory_space<vmem_shared>>
      tpu.wait_dma2 semaphore(%run_scoped3A : memref<!tpu.dma_semaphore, #tpu.memory_space<semaphore_mem>>) src(%dma_wait3A_530 : memref<80x16xf32, #tpu.memory_space<vmem_shared>>) dst(%arg25 : memref<80x16xf32, #tpu.memory_space<vmem>>)
      tpu.yield
    }) : () -> ()
    %add3A_455 = arith.constant 400 : i32
    %add3A_456 = arith.addi %add3A_408, %add3A_455 : i32
    "tpu.region"() ({
      %run_scoped3A = tpu.sem_alloc : memref<!tpu.dma_semaphore, #tpu.memory_space<semaphore_mem>>
      %dma_start3A_523 = arith.constant 0 : i32
      %dma_start3A_524 = tpu.memref_slice %arg9[%add3A_456, %dma_start3A_523] : memref<20000x16xf32, #tpu.memory_space<hbm>> -> memref<80x16xf32, #tpu.memory_space<hbm>>
      %dma_start3A_525 = arith.constant 0 : i32
      %dma_start3A_526 = tpu.memref_slice %arg9[%add3A_456, %dma_start3A_525] : memref<20000x16xf32, #tpu.memory_space<hbm>> -> memref<80x16xf32, #tpu.memory_space<hbm>>
      tpu.enqueue_dma source(%arg25 : memref<80x16xf32, #tpu.memory_space<vmem>>) target(%dma_start3A_526 : memref<80x16xf32, #tpu.memory_space<hbm>>) target_semaphore(%run_scoped3A : memref<!tpu.dma_semaphore, #tpu.memory_space<semaphore_mem>>)
      %dma_wait3A_527 = arith.constant 0 : i32
      %dma_wait3A_528 = tpu.memref_slice %arg9[%add3A_456, %dma_wait3A_527] : memref<20000x16xf32, #tpu.memory_space<hbm>> -> memref<80x16xf32, #tpu.memory_space<hbm>>
      %dma_wait3A_529 = arith.constant 0 : i32
      %dma_wait3A_530 = tpu.memref_slice %arg9[%add3A_456, %dma_wait3A_529] : memref<20000x16xf32, #tpu.memory_space<hbm>> -> memref<80x16xf32, #tpu.memory_space<hbm>>
      tpu.wait_dma2 semaphore(%run_scoped3A : memref<!tpu.dma_semaphore, #tpu.memory_space<semaphore_mem>>) src(%arg25 : memref<80x16xf32, #tpu.memory_space<vmem>>) dst(%dma_wait3A_530 : memref<80x16xf32, #tpu.memory_space<hbm>>)
      tpu.yield
    }) : () -> ()
    %add3A_457 = arith.constant 480 : i32
    %add3A_458 = arith.addi %mul3A_24, %add3A_457 : i32
    "tpu.region"() ({
      %run_scoped3A = tpu.sem_alloc : memref<!tpu.dma_semaphore, #tpu.memory_space<semaphore_mem>>
      %dma_start3A_523 = arith.constant 0 : i32
      %dma_start3A_524 = tpu.memref_slice %arg27[%add3A_458, %dma_start3A_523] : memref<10000x128xf32, #tpu.memory_space<vmem_shared>> -> memref<80x128xf32, #tpu.memory_space<vmem_shared>>
      %dma_start3A_525 = arith.constant 0 : i32
      %dma_start3A_526 = tpu.memref_slice %arg27[%add3A_458, %dma_start3A_525] : memref<10000x128xf32, #tpu.memory_space<vmem_shared>> -> memref<80x128xf32, #tpu.memory_space<vmem_shared>>
      tpu.enqueue_dma source(%dma_start3A_526 : memref<80x128xf32, #tpu.memory_space<vmem_shared>>) target(%arg23 : memref<80x128xf32, #tpu.memory_space<vmem>>) target_semaphore(%run_scoped3A : memref<!tpu.dma_semaphore, #tpu.memory_space<semaphore_mem>>)
      %dma_wait3A_527 = arith.constant 0 : i32
      %dma_wait3A_528 = tpu.memref_slice %arg27[%add3A_458, %dma_wait3A_527] : memref<10000x128xf32, #tpu.memory_space<vmem_shared>> -> memref<80x128xf32, #tpu.memory_space<vmem_shared>>
      %dma_wait3A_529 = arith.constant 0 : i32
      %dma_wait3A_530 = tpu.memref_slice %arg27[%add3A_458, %dma_wait3A_529] : memref<10000x128xf32, #tpu.memory_space<vmem_shared>> -> memref<80x128xf32, #tpu.memory_space<vmem_shared>>
      tpu.wait_dma2 semaphore(%run_scoped3A : memref<!tpu.dma_semaphore, #tpu.memory_space<semaphore_mem>>) src(%dma_wait3A_530 : memref<80x128xf32, #tpu.memory_space<vmem_shared>>) dst(%arg23 : memref<80x128xf32, #tpu.memory_space<vmem>>)
      tpu.yield
    }) : () -> ()
    %add3A_459 = arith.constant 480 : i32
    %add3A_460 = arith.addi %add3A_408, %add3A_459 : i32
    "tpu.region"() ({
      %run_scoped3A = tpu.sem_alloc : memref<!tpu.dma_semaphore, #tpu.memory_space<semaphore_mem>>
      %dma_start3A_523 = arith.constant 0 : i32
      %dma_start3A_524 = tpu.memref_slice %arg8[%add3A_460, %dma_start3A_523] : memref<20000x128xf32, #tpu.memory_space<hbm>> -> memref<80x128xf32, #tpu.memory_space<hbm>>
      %dma_start3A_525 = arith.constant 0 : i32
      %dma_start3A_526 = tpu.memref_slice %arg8[%add3A_460, %dma_start3A_525] : memref<20000x128xf32, #tpu.memory_space<hbm>> -> memref<80x128xf32, #tpu.memory_space<hbm>>
      tpu.enqueue_dma source(%arg23 : memref<80x128xf32, #tpu.memory_space<vmem>>) target(%dma_start3A_526 : memref<80x128xf32, #tpu.memory_space<hbm>>) target_semaphore(%run_scoped3A : memref<!tpu.dma_semaphore, #tpu.memory_space<semaphore_mem>>)
      %dma_wait3A_527 = arith.constant 0 : i32
      %dma_wait3A_528 = tpu.memref_slice %arg8[%add3A_460, %dma_wait3A_527] : memref<20000x128xf32, #tpu.memory_space<hbm>> -> memref<80x128xf32, #tpu.memory_space<hbm>>
      %dma_wait3A_529 = arith.constant 0 : i32
      %dma_wait3A_530 = tpu.memref_slice %arg8[%add3A_460, %dma_wait3A_529] : memref<20000x128xf32, #tpu.memory_space<hbm>> -> memref<80x128xf32, #tpu.memory_space<hbm>>
      tpu.wait_dma2 semaphore(%run_scoped3A : memref<!tpu.dma_semaphore, #tpu.memory_space<semaphore_mem>>) src(%arg23 : memref<80x128xf32, #tpu.memory_space<vmem>>) dst(%dma_wait3A_530 : memref<80x128xf32, #tpu.memory_space<hbm>>)
      tpu.yield
    }) : () -> ()
    %add3A_461 = arith.constant 480 : i32
    %add3A_462 = arith.addi %mul3A_24, %add3A_461 : i32
    "tpu.region"() ({
      %run_scoped3A = tpu.sem_alloc : memref<!tpu.dma_semaphore, #tpu.memory_space<semaphore_mem>>
      %dma_start3A_523 = arith.constant 0 : i32
      %dma_start3A_524 = tpu.memref_slice %arg28[%add3A_462, %dma_start3A_523] : memref<10000x16xf32, #tpu.memory_space<vmem_shared>> -> memref<80x16xf32, #tpu.memory_space<vmem_shared>>
      %dma_start3A_525 = arith.constant 0 : i32
      %dma_start3A_526 = tpu.memref_slice %arg28[%add3A_462, %dma_start3A_525] : memref<10000x16xf32, #tpu.memory_space<vmem_shared>> -> memref<80x16xf32, #tpu.memory_space<vmem_shared>>
      tpu.enqueue_dma source(%dma_start3A_526 : memref<80x16xf32, #tpu.memory_space<vmem_shared>>) target(%arg25 : memref<80x16xf32, #tpu.memory_space<vmem>>) target_semaphore(%run_scoped3A : memref<!tpu.dma_semaphore, #tpu.memory_space<semaphore_mem>>)
      %dma_wait3A_527 = arith.constant 0 : i32
      %dma_wait3A_528 = tpu.memref_slice %arg28[%add3A_462, %dma_wait3A_527] : memref<10000x16xf32, #tpu.memory_space<vmem_shared>> -> memref<80x16xf32, #tpu.memory_space<vmem_shared>>
      %dma_wait3A_529 = arith.constant 0 : i32
      %dma_wait3A_530 = tpu.memref_slice %arg28[%add3A_462, %dma_wait3A_529] : memref<10000x16xf32, #tpu.memory_space<vmem_shared>> -> memref<80x16xf32, #tpu.memory_space<vmem_shared>>
      tpu.wait_dma2 semaphore(%run_scoped3A : memref<!tpu.dma_semaphore, #tpu.memory_space<semaphore_mem>>) src(%dma_wait3A_530 : memref<80x16xf32, #tpu.memory_space<vmem_shared>>) dst(%arg25 : memref<80x16xf32, #tpu.memory_space<vmem>>)
      tpu.yield
    }) : () -> ()
    %add3A_463 = arith.constant 480 : i32
    %add3A_464 = arith.addi %add3A_408, %add3A_463 : i32
    "tpu.region"() ({
      %run_scoped3A = tpu.sem_alloc : memref<!tpu.dma_semaphore, #tpu.memory_space<semaphore_mem>>
      %dma_start3A_523 = arith.constant 0 : i32
      %dma_start3A_524 = tpu.memref_slice %arg9[%add3A_464, %dma_start3A_523] : memref<20000x16xf32, #tpu.memory_space<hbm>> -> memref<80x16xf32, #tpu.memory_space<hbm>>
      %dma_start3A_525 = arith.constant 0 : i32
      %dma_start3A_526 = tpu.memref_slice %arg9[%add3A_464, %dma_start3A_525] : memref<20000x16xf32, #tpu.memory_space<hbm>> -> memref<80x16xf32, #tpu.memory_space<hbm>>
      tpu.enqueue_dma source(%arg25 : memref<80x16xf32, #tpu.memory_space<vmem>>) target(%dma_start3A_526 : memref<80x16xf32, #tpu.memory_space<hbm>>) target_semaphore(%run_scoped3A : memref<!tpu.dma_semaphore, #tpu.memory_space<semaphore_mem>>)
      %dma_wait3A_527 = arith.constant 0 : i32
      %dma_wait3A_528 = tpu.memref_slice %arg9[%add3A_464, %dma_wait3A_527] : memref<20000x16xf32, #tpu.memory_space<hbm>> -> memref<80x16xf32, #tpu.memory_space<hbm>>
      %dma_wait3A_529 = arith.constant 0 : i32
      %dma_wait3A_530 = tpu.memref_slice %arg9[%add3A_464, %dma_wait3A_529] : memref<20000x16xf32, #tpu.memory_space<hbm>> -> memref<80x16xf32, #tpu.memory_space<hbm>>
      tpu.wait_dma2 semaphore(%run_scoped3A : memref<!tpu.dma_semaphore, #tpu.memory_space<semaphore_mem>>) src(%arg25 : memref<80x16xf32, #tpu.memory_space<vmem>>) dst(%dma_wait3A_530 : memref<80x16xf32, #tpu.memory_space<hbm>>)
      tpu.yield
    }) : () -> ()
    %add3A_465 = arith.constant 560 : i32
    %add3A_466 = arith.addi %mul3A_24, %add3A_465 : i32
    "tpu.region"() ({
      %run_scoped3A = tpu.sem_alloc : memref<!tpu.dma_semaphore, #tpu.memory_space<semaphore_mem>>
      %dma_start3A_523 = arith.constant 0 : i32
      %dma_start3A_524 = tpu.memref_slice %arg27[%add3A_466, %dma_start3A_523] : memref<10000x128xf32, #tpu.memory_space<vmem_shared>> -> memref<80x128xf32, #tpu.memory_space<vmem_shared>>
      %dma_start3A_525 = arith.constant 0 : i32
      %dma_start3A_526 = tpu.memref_slice %arg27[%add3A_466, %dma_start3A_525] : memref<10000x128xf32, #tpu.memory_space<vmem_shared>> -> memref<80x128xf32, #tpu.memory_space<vmem_shared>>
      tpu.enqueue_dma source(%dma_start3A_526 : memref<80x128xf32, #tpu.memory_space<vmem_shared>>) target(%arg23 : memref<80x128xf32, #tpu.memory_space<vmem>>) target_semaphore(%run_scoped3A : memref<!tpu.dma_semaphore, #tpu.memory_space<semaphore_mem>>)
      %dma_wait3A_527 = arith.constant 0 : i32
      %dma_wait3A_528 = tpu.memref_slice %arg27[%add3A_466, %dma_wait3A_527] : memref<10000x128xf32, #tpu.memory_space<vmem_shared>> -> memref<80x128xf32, #tpu.memory_space<vmem_shared>>
      %dma_wait3A_529 = arith.constant 0 : i32
      %dma_wait3A_530 = tpu.memref_slice %arg27[%add3A_466, %dma_wait3A_529] : memref<10000x128xf32, #tpu.memory_space<vmem_shared>> -> memref<80x128xf32, #tpu.memory_space<vmem_shared>>
      tpu.wait_dma2 semaphore(%run_scoped3A : memref<!tpu.dma_semaphore, #tpu.memory_space<semaphore_mem>>) src(%dma_wait3A_530 : memref<80x128xf32, #tpu.memory_space<vmem_shared>>) dst(%arg23 : memref<80x128xf32, #tpu.memory_space<vmem>>)
      tpu.yield
    }) : () -> ()
    %add3A_467 = arith.constant 560 : i32
    %add3A_468 = arith.addi %add3A_408, %add3A_467 : i32
    "tpu.region"() ({
      %run_scoped3A = tpu.sem_alloc : memref<!tpu.dma_semaphore, #tpu.memory_space<semaphore_mem>>
      %dma_start3A_523 = arith.constant 0 : i32
      %dma_start3A_524 = tpu.memref_slice %arg8[%add3A_468, %dma_start3A_523] : memref<20000x128xf32, #tpu.memory_space<hbm>> -> memref<80x128xf32, #tpu.memory_space<hbm>>
      %dma_start3A_525 = arith.constant 0 : i32
      %dma_start3A_526 = tpu.memref_slice %arg8[%add3A_468, %dma_start3A_525] : memref<20000x128xf32, #tpu.memory_space<hbm>> -> memref<80x128xf32, #tpu.memory_space<hbm>>
      tpu.enqueue_dma source(%arg23 : memref<80x128xf32, #tpu.memory_space<vmem>>) target(%dma_start3A_526 : memref<80x128xf32, #tpu.memory_space<hbm>>) target_semaphore(%run_scoped3A : memref<!tpu.dma_semaphore, #tpu.memory_space<semaphore_mem>>)
      %dma_wait3A_527 = arith.constant 0 : i32
      %dma_wait3A_528 = tpu.memref_slice %arg8[%add3A_468, %dma_wait3A_527] : memref<20000x128xf32, #tpu.memory_space<hbm>> -> memref<80x128xf32, #tpu.memory_space<hbm>>
      %dma_wait3A_529 = arith.constant 0 : i32
      %dma_wait3A_530 = tpu.memref_slice %arg8[%add3A_468, %dma_wait3A_529] : memref<20000x128xf32, #tpu.memory_space<hbm>> -> memref<80x128xf32, #tpu.memory_space<hbm>>
      tpu.wait_dma2 semaphore(%run_scoped3A : memref<!tpu.dma_semaphore, #tpu.memory_space<semaphore_mem>>) src(%arg23 : memref<80x128xf32, #tpu.memory_space<vmem>>) dst(%dma_wait3A_530 : memref<80x128xf32, #tpu.memory_space<hbm>>)
      tpu.yield
    }) : () -> ()
    %add3A_469 = arith.constant 560 : i32
    %add3A_470 = arith.addi %mul3A_24, %add3A_469 : i32
    "tpu.region"() ({
      %run_scoped3A = tpu.sem_alloc : memref<!tpu.dma_semaphore, #tpu.memory_space<semaphore_mem>>
      %dma_start3A_523 = arith.constant 0 : i32
      %dma_start3A_524 = tpu.memref_slice %arg28[%add3A_470, %dma_start3A_523] : memref<10000x16xf32, #tpu.memory_space<vmem_shared>> -> memref<80x16xf32, #tpu.memory_space<vmem_shared>>
      %dma_start3A_525 = arith.constant 0 : i32
      %dma_start3A_526 = tpu.memref_slice %arg28[%add3A_470, %dma_start3A_525] : memref<10000x16xf32, #tpu.memory_space<vmem_shared>> -> memref<80x16xf32, #tpu.memory_space<vmem_shared>>
      tpu.enqueue_dma source(%dma_start3A_526 : memref<80x16xf32, #tpu.memory_space<vmem_shared>>) target(%arg25 : memref<80x16xf32, #tpu.memory_space<vmem>>) target_semaphore(%run_scoped3A : memref<!tpu.dma_semaphore, #tpu.memory_space<semaphore_mem>>)
      %dma_wait3A_527 = arith.constant 0 : i32
      %dma_wait3A_528 = tpu.memref_slice %arg28[%add3A_470, %dma_wait3A_527] : memref<10000x16xf32, #tpu.memory_space<vmem_shared>> -> memref<80x16xf32, #tpu.memory_space<vmem_shared>>
      %dma_wait3A_529 = arith.constant 0 : i32
      %dma_wait3A_530 = tpu.memref_slice %arg28[%add3A_470, %dma_wait3A_529] : memref<10000x16xf32, #tpu.memory_space<vmem_shared>> -> memref<80x16xf32, #tpu.memory_space<vmem_shared>>
      tpu.wait_dma2 semaphore(%run_scoped3A : memref<!tpu.dma_semaphore, #tpu.memory_space<semaphore_mem>>) src(%dma_wait3A_530 : memref<80x16xf32, #tpu.memory_space<vmem_shared>>) dst(%arg25 : memref<80x16xf32, #tpu.memory_space<vmem>>)
      tpu.yield
    }) : () -> ()
    %add3A_471 = arith.constant 560 : i32
    %add3A_472 = arith.addi %add3A_408, %add3A_471 : i32
    "tpu.region"() ({
      %run_scoped3A = tpu.sem_alloc : memref<!tpu.dma_semaphore, #tpu.memory_space<semaphore_mem>>
      %dma_start3A_523 = arith.constant 0 : i32
      %dma_start3A_524 = tpu.memref_slice %arg9[%add3A_472, %dma_start3A_523] : memref<20000x16xf32, #tpu.memory_space<hbm>> -> memref<80x16xf32, #tpu.memory_space<hbm>>
      %dma_start3A_525 = arith.constant 0 : i32
      %dma_start3A_526 = tpu.memref_slice %arg9[%add3A_472, %dma_start3A_525] : memref<20000x16xf32, #tpu.memory_space<hbm>> -> memref<80x16xf32, #tpu.memory_space<hbm>>
      tpu.enqueue_dma source(%arg25 : memref<80x16xf32, #tpu.memory_space<vmem>>) target(%dma_start3A_526 : memref<80x16xf32, #tpu.memory_space<hbm>>) target_semaphore(%run_scoped3A : memref<!tpu.dma_semaphore, #tpu.memory_space<semaphore_mem>>)
      %dma_wait3A_527 = arith.constant 0 : i32
      %dma_wait3A_528 = tpu.memref_slice %arg9[%add3A_472, %dma_wait3A_527] : memref<20000x16xf32, #tpu.memory_space<hbm>> -> memref<80x16xf32, #tpu.memory_space<hbm>>
      %dma_wait3A_529 = arith.constant 0 : i32
      %dma_wait3A_530 = tpu.memref_slice %arg9[%add3A_472, %dma_wait3A_529] : memref<20000x16xf32, #tpu.memory_space<hbm>> -> memref<80x16xf32, #tpu.memory_space<hbm>>
      tpu.wait_dma2 semaphore(%run_scoped3A : memref<!tpu.dma_semaphore, #tpu.memory_space<semaphore_mem>>) src(%arg25 : memref<80x16xf32, #tpu.memory_space<vmem>>) dst(%dma_wait3A_530 : memref<80x16xf32, #tpu.memory_space<hbm>>)
      tpu.yield
    }) : () -> ()
    %swap3A_473 = arith.constant 0 : i32
    %swap3A_474 = arith.index_cast %swap3A_473 : i32 to index
    %swap3A_475 = arith.constant 0 : index
    %swap3A_476 = tpu.vector_load %arg25[%swap3A_474, %swap3A_475] {strides = array<i32>} : memref<80x16xf32, #tpu.memory_space<vmem>>, vector<1x16xf32>,
    %swap3A_477 = vector.shape_cast %swap3A_476 : vector<1x16xf32> to vector<16xf32>
    %swap3A_478 = vector.shape_cast %scan3A_391 : vector<16xf32> to vector<1x16xf32>
    tpu.vector_store %arg25[%swap3A_474, %swap3A_475], %swap3A_478 {strides = array<i32>} : memref<80x16xf32, #tpu.memory_space<vmem>>, vector<1x16xf32>,
    %swap3A_479 = arith.constant 1 : i32
    %swap3A_480 = arith.index_cast %swap3A_479 : i32 to index
    %swap3A_481 = arith.constant 0 : index
    %swap3A_482 = tpu.vector_load %arg25[%swap3A_480, %swap3A_481] {strides = array<i32>} : memref<80x16xf32, #tpu.memory_space<vmem>>, vector<1x16xf32>,
    %swap3A_483 = vector.shape_cast %swap3A_482 : vector<1x16xf32> to vector<16xf32>
    %swap3A_484 = vector.shape_cast %broadcast_in_dim3A_3 : vector<16xf32> to vector<1x16xf32>
    tpu.vector_store %arg25[%swap3A_480, %swap3A_481], %swap3A_484 {strides = array<i32>} : memref<80x16xf32, #tpu.memory_space<vmem>>, vector<1x16xf32>,
    %swap3A_485 = arith.constant 2 : i32
    %swap3A_486 = arith.index_cast %swap3A_485 : i32 to index
    %swap3A_487 = arith.constant 0 : index
    %swap3A_488 = tpu.vector_load %arg25[%swap3A_486, %swap3A_487] {strides = array<i32>} : memref<80x16xf32, #tpu.memory_space<vmem>>, vector<1x16xf32>,
    %swap3A_489 = vector.shape_cast %swap3A_488 : vector<1x16xf32> to vector<16xf32>
    %swap3A_490 = vector.shape_cast %broadcast_in_dim3A_3 : vector<16xf32> to vector<1x16xf32>
    tpu.vector_store %arg25[%swap3A_486, %swap3A_487], %swap3A_490 {strides = array<i32>} : memref<80x16xf32, #tpu.memory_space<vmem>>, vector<1x16xf32>,
    %swap3A_491 = arith.constant 3 : i32
    %swap3A_492 = arith.index_cast %swap3A_491 : i32 to index
    %swap3A_493 = arith.constant 0 : index
    %swap3A_494 = tpu.vector_load %arg25[%swap3A_492, %swap3A_493] {strides = array<i32>} : memref<80x16xf32, #tpu.memory_space<vmem>>, vector<1x16xf32>,
    %swap3A_495 = vector.shape_cast %swap3A_494 : vector<1x16xf32> to vector<16xf32>
    %swap3A_496 = vector.shape_cast %broadcast_in_dim3A_3 : vector<16xf32> to vector<1x16xf32>
    tpu.vector_store %arg25[%swap3A_492, %swap3A_493], %swap3A_496 {strides = array<i32>} : memref<80x16xf32, #tpu.memory_space<vmem>>, vector<1x16xf32>,
    %swap3A_497 = arith.constant 4 : i32
    %swap3A_498 = arith.index_cast %swap3A_497 : i32 to index
    %swap3A_499 = arith.constant 0 : index
    %swap3A_500 = tpu.vector_load %arg25[%swap3A_498, %swap3A_499] {strides = array<i32>} : memref<80x16xf32, #tpu.memory_space<vmem>>, vector<1x16xf32>,
    %swap3A_501 = vector.shape_cast %swap3A_500 : vector<1x16xf32> to vector<16xf32>
    %swap3A_502 = vector.shape_cast %broadcast_in_dim3A_3 : vector<16xf32> to vector<1x16xf32>
    tpu.vector_store %arg25[%swap3A_498, %swap3A_499], %swap3A_502 {strides = array<i32>} : memref<80x16xf32, #tpu.memory_space<vmem>>, vector<1x16xf32>,
    %swap3A_503 = arith.constant 5 : i32
    %swap3A_504 = arith.index_cast %swap3A_503 : i32 to index
    %swap3A_505 = arith.constant 0 : index
    %swap3A_506 = tpu.vector_load %arg25[%swap3A_504, %swap3A_505] {strides = array<i32>} : memref<80x16xf32, #tpu.memory_space<vmem>>, vector<1x16xf32>,
    %swap3A_507 = vector.shape_cast %swap3A_506 : vector<1x16xf32> to vector<16xf32>
    %swap3A_508 = vector.shape_cast %broadcast_in_dim3A_3 : vector<16xf32> to vector<1x16xf32>
    tpu.vector_store %arg25[%swap3A_504, %swap3A_505], %swap3A_508 {strides = array<i32>} : memref<80x16xf32, #tpu.memory_space<vmem>>, vector<1x16xf32>,
    %swap3A_509 = arith.constant 6 : i32
    %swap3A_510 = arith.index_cast %swap3A_509 : i32 to index
    %swap3A_511 = arith.constant 0 : index
    %swap3A_512 = tpu.vector_load %arg25[%swap3A_510, %swap3A_511] {strides = array<i32>} : memref<80x16xf32, #tpu.memory_space<vmem>>, vector<1x16xf32>,
    %swap3A_513 = vector.shape_cast %swap3A_512 : vector<1x16xf32> to vector<16xf32>
    %swap3A_514 = vector.shape_cast %broadcast_in_dim3A_3 : vector<16xf32> to vector<1x16xf32>
    tpu.vector_store %arg25[%swap3A_510, %swap3A_511], %swap3A_514 {strides = array<i32>} : memref<80x16xf32, #tpu.memory_space<vmem>>, vector<1x16xf32>,
    %swap3A_515 = arith.constant 7 : i32
    %swap3A_516 = arith.index_cast %swap3A_515 : i32 to index
    %swap3A_517 = arith.constant 0 : index
    %swap3A_518 = tpu.vector_load %arg25[%swap3A_516, %swap3A_517] {strides = array<i32>} : memref<80x16xf32, #tpu.memory_space<vmem>>, vector<1x16xf32>,
    %swap3A_519 = vector.shape_cast %swap3A_518 : vector<1x16xf32> to vector<16xf32>
    %swap3A_520 = vector.shape_cast %broadcast_in_dim3A_3 : vector<16xf32> to vector<1x16xf32>
    tpu.vector_store %arg25[%swap3A_516, %swap3A_517], %swap3A_520 {strides = array<i32>} : memref<80x16xf32, #tpu.memory_space<vmem>>, vector<1x16xf32>,
    %mul3A_521 = arith.constant 8 : i32
    %mul3A_522 = arith.muli %add3A, %mul3A_521 : i32
    "tpu.region"() ({
      %run_scoped3A = tpu.sem_alloc : memref<!tpu.dma_semaphore, #tpu.memory_space<semaphore_mem>>
      %dma_start3A_523 = arith.constant 0 : i32
      %dma_start3A_524 = arith.constant 0 : i32
      %dma_start3A_525 = tpu.memref_slice %arg25[%dma_start3A_523, %dma_start3A_524] : memref<80x16xf32, #tpu.memory_space<vmem>> -> memref<8x16xf32, #tpu.memory_space<vmem>>
      %dma_start3A_526 = arith.constant 0 : i32
      %dma_start3A_527 = tpu.memref_slice %arg10[%mul3A_522, %dma_start3A_526] : memref<256x16xf32, #tpu.memory_space<hbm>> -> memref<8x16xf32, #tpu.memory_space<hbm>>
      %dma_start3A_528 = arith.constant 0 : i32
      %dma_start3A_529 = tpu.memref_slice %arg10[%mul3A_522, %dma_start3A_528] : memref<256x16xf32, #tpu.memory_space<hbm>> -> memref<8x16xf32, #tpu.memory_space<hbm>>
      %dma_start3A_530 = arith.constant 0 : i32
      %dma_start3A_531 = arith.constant 0 : i32
      %dma_start3A_532 = tpu.memref_slice %arg25[%dma_start3A_530, %dma_start3A_531] : memref<80x16xf32, #tpu.memory_space<vmem>> -> memref<8x16xf32, #tpu.memory_space<vmem>>
      tpu.enqueue_dma source(%dma_start3A_532 : memref<8x16xf32, #tpu.memory_space<vmem>>) target(%dma_start3A_529 : memref<8x16xf32, #tpu.memory_space<hbm>>) target_semaphore(%run_scoped3A : memref<!tpu.dma_semaphore, #tpu.memory_space<semaphore_mem>>)
      %dma_wait3A_533 = arith.constant 0 : i32
      %dma_wait3A_534 = arith.constant 0 : i32
      %dma_wait3A_535 = tpu.memref_slice %arg25[%dma_wait3A_533, %dma_wait3A_534] : memref<80x16xf32, #tpu.memory_space<vmem>> -> memref<8x16xf32, #tpu.memory_space<vmem>>
      %dma_wait3A_536 = arith.constant 0 : i32
      %dma_wait3A_537 = tpu.memref_slice %arg10[%mul3A_522, %dma_wait3A_536] : memref<256x16xf32, #tpu.memory_space<hbm>> -> memref<8x16xf32, #tpu.memory_space<hbm>>
      %dma_wait3A_538 = arith.constant 0 : i32
      %dma_wait3A_539 = tpu.memref_slice %arg10[%mul3A_522, %dma_wait3A_538] : memref<256x16xf32, #tpu.memory_space<hbm>> -> memref<8x16xf32, #tpu.memory_space<hbm>>
      %dma_wait3A_540 = arith.constant 0 : i32
      %dma_wait3A_541 = arith.constant 0 : i32
      %dma_wait3A_542 = tpu.memref_slice %arg25[%dma_wait3A_540, %dma_wait3A_541] : memref<80x16xf32, #tpu.memory_space<vmem>> -> memref<8x16xf32, #tpu.memory_space<vmem>>
      tpu.wait_dma2 semaphore(%run_scoped3A : memref<!tpu.dma_semaphore, #tpu.memory_space<semaphore_mem>>) src(%dma_wait3A_542 : memref<8x16xf32, #tpu.memory_space<vmem>>) dst(%dma_wait3A_539 : memref<8x16xf32, #tpu.memory_space<hbm>>)
      tpu.yield
    }) : () -> ()
    return
  }
}

module attributes {stable_mosaic.version = 14 : i64} {
  func.func @_prep_nodes_body(%arg0: memref<10000x128xf32, #tpu.memory_space<vmem>>, %arg1: memref<128x16xf32, #tpu.memory_space<vmem>>, %arg2: memref<1x16xf32, #tpu.memory_space<vmem>>, %arg3: memref<16x128xf32, #tpu.memory_space<vmem>>, %arg4: memref<128x16xf32, #tpu.memory_space<vmem>>, %arg5: memref<128x16xf32, #tpu.memory_space<vmem>>, %arg6: memref<10000x128xf32, #tpu.memory_space<vmem>>, %arg7: memref<10000x16xf32, #tpu.memory_space<vmem>>, %arg8: memref<10000x16xf32, #tpu.memory_space<vmem>>) attributes {dimension_semantics = [], scalar_prefetch = 0 : i64, scratch_operands = 0 : i64, tpu.core_type = #tpu.core_type<tc>} {
    %get3A = arith.constant 0 : index
    %get3A_0 = arith.constant 0 : index
    %get3A_1 = vector.load %arg0[%get3A, %get3A_0] : memref<10000x128xf32, #tpu.memory_space<vmem>>, vector<10000x128xf32>
    %get3A_2 = arith.constant 0 : index
    %get3A_3 = arith.constant 0 : index
    %get3A_4 = vector.load %arg1[%get3A_2, %get3A_3] : memref<128x16xf32, #tpu.memory_space<vmem>>, vector<128x16xf32>
    %dot_general3A = arith.constant dense<0.000000e+00> : vector<10000x16xf32>
    %dot_general3A_5 = tpu.matmul %get3A_1, %get3A_4, %dot_general3A {dimension_numbers = #tpu.dot_dimension_numbers<[1], [0], [0], [1], [0, 0, 1, 1], [], []>, transpose_lhs_hint = false} : vector<10000x128xf32>, vector<128x16xf32>, vector<10000x16xf32> -> vector<10000x16xf32>
    %get3A_6 = arith.constant 0 : index
    %get3A_7 = arith.constant 0 : index
    %get3A_8 = vector.load %arg2[%get3A_6, %get3A_7] : memref<1x16xf32, #tpu.memory_space<vmem>>, vector<1x16xf32>
    %add3A = vector.broadcast %get3A_8 : vector<1x16xf32> to vector<10000x16xf32>
    %add3A_9 = arith.addf %dot_general3A_5, %add3A : vector<10000x16xf32>
    %get3A_10 = arith.constant 0 : index
    %get3A_11 = arith.constant 0 : index
    %get3A_12 = vector.load %arg3[%get3A_10, %get3A_11] : memref<16x128xf32, #tpu.memory_space<vmem>>, vector<16x128xf32>
    %dot_general3A_13 = arith.constant dense<0.000000e+00> : vector<10000x128xf32>
    %dot_general3A_14 = tpu.matmul %add3A_9, %get3A_12, %dot_general3A_13 {dimension_numbers = #tpu.dot_dimension_numbers<[1], [0], [0], [1], [0, 0, 1, 1], [], []>, transpose_lhs_hint = false} : vector<10000x16xf32>, vector<16x128xf32>, vector<10000x128xf32> -> vector<10000x128xf32>
    %swap3A = arith.constant 0 : index
    %swap3A_15 = arith.constant 0 : index
    %swap3A_16 = vector.load %arg6[%swap3A, %swap3A_15] : memref<10000x128xf32, #tpu.memory_space<vmem>>, vector<10000x128xf32>
    tpu.vector_store %arg6[%swap3A, %swap3A_15], %dot_general3A_14 {strides = array<i32>} : memref<10000x128xf32, #tpu.memory_space<vmem>>, vector<10000x128xf32>,
    %get3A_17 = arith.constant 0 : index
    %get3A_18 = arith.constant 0 : index
    %get3A_19 = vector.load %arg4[%get3A_17, %get3A_18] : memref<128x16xf32, #tpu.memory_space<vmem>>, vector<128x16xf32>
    %dot_general3A_20 = arith.constant dense<0.000000e+00> : vector<10000x16xf32>
    %dot_general3A_21 = tpu.matmul %dot_general3A_14, %get3A_19, %dot_general3A_20 {dimension_numbers = #tpu.dot_dimension_numbers<[1], [0], [0], [1], [0, 0, 1, 1], [], []>, transpose_lhs_hint = false} : vector<10000x128xf32>, vector<128x16xf32>, vector<10000x16xf32> -> vector<10000x16xf32>
    %swap3A_22 = arith.constant 0 : index
    %swap3A_23 = arith.constant 0 : index
    %swap3A_24 = vector.load %arg7[%swap3A_22, %swap3A_23] : memref<10000x16xf32, #tpu.memory_space<vmem>>, vector<10000x16xf32>
    tpu.vector_store %arg7[%swap3A_22, %swap3A_23], %dot_general3A_21 {strides = array<i32>} : memref<10000x16xf32, #tpu.memory_space<vmem>>, vector<10000x16xf32>,
    %get3A_25 = arith.constant 0 : index
    %get3A_26 = arith.constant 0 : index
    %get3A_27 = vector.load %arg5[%get3A_25, %get3A_26] : memref<128x16xf32, #tpu.memory_space<vmem>>, vector<128x16xf32>
    %dot_general3A_28 = arith.constant dense<0.000000e+00> : vector<10000x16xf32>
    %dot_general3A_29 = tpu.matmul %dot_general3A_14, %get3A_27, %dot_general3A_28 {dimension_numbers = #tpu.dot_dimension_numbers<[1], [0], [0], [1], [0, 0, 1, 1], [], []>, transpose_lhs_hint = false} : vector<10000x128xf32>, vector<128x16xf32>, vector<10000x16xf32> -> vector<10000x16xf32>
    %swap3A_30 = arith.constant 0 : index
    %swap3A_31 = arith.constant 0 : index
    %swap3A_32 = vector.load %arg8[%swap3A_30, %swap3A_31] : memref<10000x16xf32, #tpu.memory_space<vmem>>, vector<10000x16xf32>
    tpu.vector_store %arg8[%swap3A_30, %swap3A_31], %dot_general3A_29 {strides = array<i32>} : memref<10000x16xf32, #tpu.memory_space<vmem>>, vector<10000x16xf32>,
    return
  }
}

module attributes {stable_mosaic.version = 14 : i64} {
  func.func @_prep_edges_body(%arg0: i32, %arg1: memref<2000x128xf32, #tpu.memory_space<vmem>>, %arg2: memref<128x128xf32, #tpu.memory_space<vmem>>, %arg3: memref<2000x128xf32, #tpu.memory_space<vmem>>) attributes {dimension_semantics = [#tpu.dimension_semantics<arbitrary>], iteration_bounds = array<i64: 20>, scalar_prefetch = 0 : i64, scratch_operands = 0 : i64, tpu.core_type = #tpu.core_type<tc>, window_params = [{transform_indices = @transform_0, window_bounds = array<i64: 2000, 128>}, {pipeline_mode = #tpu.pipeline_mode<synchronous>, transform_indices = @transform_1, window_bounds = array<i64: 128, 128>}, {transform_indices = @transform_2, window_bounds = array<i64: 2000, 128>}]} {
    %get3A = arith.constant 0 : index
    %get3A_0 = arith.constant 0 : index
    %get3A_1 = vector.load %arg1[%get3A, %get3A_0] : memref<2000x128xf32, #tpu.memory_space<vmem>>, vector<2000x128xf32>
    %get3A_2 = arith.constant 0 : index
    %get3A_3 = arith.constant 0 : index
    %get3A_4 = vector.load %arg2[%get3A_2, %get3A_3] : memref<128x128xf32, #tpu.memory_space<vmem>>, vector<128x128xf32>
    %dot_general3A = arith.constant dense<0.000000e+00> : vector<2000x128xf32>
    %dot_general3A_5 = tpu.matmul %get3A_1, %get3A_4, %dot_general3A {dimension_numbers = #tpu.dot_dimension_numbers<[1], [0], [0], [1], [0, 0, 1, 1], [], []>, transpose_lhs_hint = false} : vector<2000x128xf32>, vector<128x128xf32>, vector<2000x128xf32> -> vector<2000x128xf32>
    %swap3A = arith.constant 0 : index
    %swap3A_6 = arith.constant 0 : index
    %swap3A_7 = vector.load %arg3[%swap3A, %swap3A_6] : memref<2000x128xf32, #tpu.memory_space<vmem>>, vector<2000x128xf32>
    tpu.vector_store %arg3[%swap3A, %swap3A_6], %dot_general3A_5 {strides = array<i32>} : memref<2000x128xf32, #tpu.memory_space<vmem>>, vector<2000x128xf32>,
    return
  }
  func.func @transform_0(%arg0: i32) -> (i32, i32) {
    %c0_i32 = arith.constant 0 : i32
    %c0_i32_0 = arith.constant 0 : i32
    return %arg0, %c0_i32 : i32, i32
  }
  func.func @transform_1(%arg0: i32) -> (i32, i32) {
    %c0_i32 = arith.constant 0 : i32
    %c0_i32_0 = arith.constant 0 : i32
    %c0_i32_1 = arith.constant 0 : i32
    return %c0_i32, %c0_i32_0 : i32, i32
  }
  func.func @transform_2(%arg0: i32) -> (i32, i32) {
    %c0_i32 = arith.constant 0 : i32
    %c0_i32_0 = arith.constant 0 : i32
    return %arg0, %c0_i32 : i32, i32
  }
}

module attributes {stable_mosaic.version = 14 : i64} {
  func.func @_fin1a_body(%arg0: i32, %arg1: memref<2000x128xf32, #tpu.memory_space<vmem>>, %arg2: memref<2000x128xf32, #tpu.memory_space<vmem>>, %arg3: memref<2000x16xf32, #tpu.memory_space<vmem>>, %arg4: memref<2000x16xf32, #tpu.memory_space<vmem>>, %arg5: memref<256x16xf32, #tpu.memory_space<vmem>>, %arg6: memref<1x16xf32, #tpu.memory_space<vmem>>, %arg7: memref<16x1xf32, #tpu.memory_space<vmem>>, %arg8: memref<1x1xf32, #tpu.memory_space<vmem>>, %arg9: memref<2000x16xf32, #tpu.memory_space<vmem>>, %arg10: memref<2000x1xf32, #tpu.memory_space<vmem>>, %arg11: memref<1x1xf32, #tpu.memory_space<vmem>>) attributes {dimension_semantics = [#tpu.dimension_semantics<arbitrary>], iteration_bounds = array<i64: 5>, scalar_prefetch = 0 : i64, scratch_operands = 0 : i64, tpu.core_type = #tpu.core_type<tc>, window_params = [{transform_indices = @transform_0, window_bounds = array<i64: 2000, 128>}, {transform_indices = @transform_1, window_bounds = array<i64: 2000, 128>}, {transform_indices = @transform_2, window_bounds = array<i64: 2000, 16>}, {transform_indices = @transform_3, window_bounds = array<i64: 2000, 16>}, {pipeline_mode = #tpu.pipeline_mode<synchronous>, transform_indices = @transform_4, window_bounds = array<i64: 256, 16>}, {pipeline_mode = #tpu.pipeline_mode<synchronous>, transform_indices = @transform_5, window_bounds = array<i64: 1, 16>}, {pipeline_mode = #tpu.pipeline_mode<synchronous>, transform_indices = @transform_6, window_bounds = array<i64: 16, 1>}, {pipeline_mode = #tpu.pipeline_mode<synchronous>, transform_indices = @transform_7, window_bounds = array<i64: 1, 1>}, {transform_indices = @transform_8, window_bounds = array<i64: 2000, 16>}, {transform_indices = @transform_9, window_bounds = array<i64: 2000, 1>}, {pipeline_mode = #tpu.pipeline_mode<synchronous>, transform_indices = @transform_10, window_bounds = array<i64: 1, 1>}]} {
    %get3A = arith.constant 0 : index
    %get3A_0 = arith.constant 0 : index
    %get3A_1 = vector.load %arg3[%get3A, %get3A_0] : memref<2000x16xf32, #tpu.memory_space<vmem>>, vector<2000x16xf32>
    %get3A_2 = arith.constant 0 : index
    %get3A_3 = arith.constant 0 : index
    %get3A_4 = vector.load %arg4[%get3A_2, %get3A_3] : memref<2000x16xf32, #tpu.memory_space<vmem>>, vector<2000x16xf32>
    %add3A = arith.addf %get3A_1, %get3A_4 : vector<2000x16xf32>
    %add3A_5 = arith.constant 1.000000e-16 : f32
    %add3A_6 = vector.broadcast %add3A_5 : f32 to vector<2000x16xf32>
    %add3A_7 = arith.addf %add3A, %add3A_6 : vector<2000x16xf32>
    %get3A_8 = arith.constant 0 : index
    %get3A_9 = arith.constant 0 : index
    %get3A_10 = vector.load %arg1[%get3A_8, %get3A_9] : memref<2000x128xf32, #tpu.memory_space<vmem>>, vector<2000x128xf32>
    %get3A_11 = arith.constant 0 : index
    %get3A_12 = arith.constant 0 : index
    %get3A_13 = vector.load %arg2[%get3A_11, %get3A_12] : memref<2000x128xf32, #tpu.memory_space<vmem>>, vector<2000x128xf32>
    %add3A_14 = arith.addf %get3A_10, %get3A_13 : vector<2000x128xf32>
    %div3A = arith.constant 1.000000e+00 : f32
    %div3A_15 = vector.broadcast %div3A : f32 to vector<2000x16xf32>
    %div3A_16 = arith.divf %div3A_15, %add3A_7 : vector<2000x16xf32>
    %slice3A = vector.extract_strided_slice %add3A_14 {offsets = [0, 0], sizes = [2000, 16], strides = [1, 1]} : vector<2000x128xf32> to vector<2000x16xf32>
    %slice3A_17 = vector.extract_strided_slice %div3A_16 {offsets = [0, 0], sizes = [2000, 1], strides = [1, 1]} : vector<2000x16xf32> to vector<2000x1xf32>
    %mul3A = vector.broadcast %slice3A_17 : vector<2000x1xf32> to vector<2000x16xf32>
    %mul3A_18 = arith.mulf %slice3A, %mul3A : vector<2000x16xf32>
    %slice3A_19 = vector.extract_strided_slice %add3A_14 {offsets = [0, 16], sizes = [2000, 16], strides = [1, 1]} : vector<2000x128xf32> to vector<2000x16xf32>
    %slice3A_20 = vector.extract_strided_slice %div3A_16 {offsets = [0, 1], sizes = [2000, 1], strides = [1, 1]} : vector<2000x16xf32> to vector<2000x1xf32>
    %mul3A_21 = vector.broadcast %slice3A_20 : vector<2000x1xf32> to vector<2000x16xf32>
    %mul3A_22 = arith.mulf %slice3A_19, %mul3A_21 : vector<2000x16xf32>
    %add3A_23 = arith.addf %mul3A_18, %mul3A_22 : vector<2000x16xf32>
    %slice3A_24 = vector.extract_strided_slice %add3A_14 {offsets = [0, 32], sizes = [2000, 16], strides = [1, 1]} : vector<2000x128xf32> to vector<2000x16xf32>
    %slice3A_25 = vector.extract_strided_slice %div3A_16 {offsets = [0, 2], sizes = [2000, 1], strides = [1, 1]} : vector<2000x16xf32> to vector<2000x1xf32>
    %mul3A_26 = vector.broadcast %slice3A_25 : vector<2000x1xf32> to vector<2000x16xf32>
    %mul3A_27 = arith.mulf %slice3A_24, %mul3A_26 : vector<2000x16xf32>
    %add3A_28 = arith.addf %add3A_23, %mul3A_27 : vector<2000x16xf32>
    %slice3A_29 = vector.extract_strided_slice %add3A_14 {offsets = [0, 48], sizes = [2000, 16], strides = [1, 1]} : vector<2000x128xf32> to vector<2000x16xf32>
    %slice3A_30 = vector.extract_strided_slice %div3A_16 {offsets = [0, 3], sizes = [2000, 1], strides = [1, 1]} : vector<2000x16xf32> to vector<2000x1xf32>
    %mul3A_31 = vector.broadcast %slice3A_30 : vector<2000x1xf32> to vector<2000x16xf32>
    %mul3A_32 = arith.mulf %slice3A_29, %mul3A_31 : vector<2000x16xf32>
    %add3A_33 = arith.addf %add3A_28, %mul3A_32 : vector<2000x16xf32>
    %slice3A_34 = vector.extract_strided_slice %add3A_14 {offsets = [0, 64], sizes = [2000, 16], strides = [1, 1]} : vector<2000x128xf32> to vector<2000x16xf32>
    %slice3A_35 = vector.extract_strided_slice %div3A_16 {offsets = [0, 4], sizes = [2000, 1], strides = [1, 1]} : vector<2000x16xf32> to vector<2000x1xf32>
    %mul3A_36 = vector.broadcast %slice3A_35 : vector<2000x1xf32> to vector<2000x16xf32>
    %mul3A_37 = arith.mulf %slice3A_34, %mul3A_36 : vector<2000x16xf32>
    %add3A_38 = arith.addf %add3A_33, %mul3A_37 : vector<2000x16xf32>
    %slice3A_39 = vector.extract_strided_slice %add3A_14 {offsets = [0, 80], sizes = [2000, 16], strides = [1, 1]} : vector<2000x128xf32> to vector<2000x16xf32>
    %slice3A_40 = vector.extract_strided_slice %div3A_16 {offsets = [0, 5], sizes = [2000, 1], strides = [1, 1]} : vector<2000x16xf32> to vector<2000x1xf32>
    %mul3A_41 = vector.broadcast %slice3A_40 : vector<2000x1xf32> to vector<2000x16xf32>
    %mul3A_42 = arith.mulf %slice3A_39, %mul3A_41 : vector<2000x16xf32>
    %add3A_43 = arith.addf %add3A_38, %mul3A_42 : vector<2000x16xf32>
    %slice3A_44 = vector.extract_strided_slice %add3A_14 {offsets = [0, 96], sizes = [2000, 16], strides = [1, 1]} : vector<2000x128xf32> to vector<2000x16xf32>
    %slice3A_45 = vector.extract_strided_slice %div3A_16 {offsets = [0, 6], sizes = [2000, 1], strides = [1, 1]} : vector<2000x16xf32> to vector<2000x1xf32>
    %mul3A_46 = vector.broadcast %slice3A_45 : vector<2000x1xf32> to vector<2000x16xf32>
    %mul3A_47 = arith.mulf %slice3A_44, %mul3A_46 : vector<2000x16xf32>
    %add3A_48 = arith.addf %add3A_43, %mul3A_47 : vector<2000x16xf32>
    %slice3A_49 = vector.extract_strided_slice %add3A_14 {offsets = [0, 112], sizes = [2000, 16], strides = [1, 1]} : vector<2000x128xf32> to vector<2000x16xf32>
    %slice3A_50 = vector.extract_strided_slice %div3A_16 {offsets = [0, 7], sizes = [2000, 1], strides = [1, 1]} : vector<2000x16xf32> to vector<2000x1xf32>
    %mul3A_51 = vector.broadcast %slice3A_50 : vector<2000x1xf32> to vector<2000x16xf32>
    %mul3A_52 = arith.mulf %slice3A_49, %mul3A_51 : vector<2000x16xf32>
    %add3A_53 = arith.addf %add3A_48, %mul3A_52 : vector<2000x16xf32>
    %mul3A_54 = arith.constant 1.250000e-01 : f32
    %mul3A_55 = vector.broadcast %mul3A_54 : f32 to vector<2000x16xf32>
    %mul3A_56 = arith.mulf %add3A_53, %mul3A_55 : vector<2000x16xf32>
    %get3A_57 = arith.constant 0 : index
    %get3A_58 = arith.constant 0 : index
    %get3A_59 = vector.load %arg6[%get3A_57, %get3A_58] : memref<1x16xf32, #tpu.memory_space<vmem>>, vector<1x16xf32>
    %add3A_60 = vector.broadcast %get3A_59 : vector<1x16xf32> to vector<2000x16xf32>
    %add3A_61 = arith.addf %mul3A_56, %add3A_60 : vector<2000x16xf32>
    %gt3A = arith.constant 0.000000e+00 : f32
    %gt3A_62 = vector.broadcast %gt3A : f32 to vector<2000x16xf32>
    %gt3A_63 = arith.cmpf ogt, %add3A_61, %gt3A_62 : vector<2000x16xf32>
    %exp3A = math.exp %add3A_61 : vector<2000x16xf32>
    %sub3A = arith.constant 1.000000e+00 : f32
    %sub3A_64 = vector.broadcast %sub3A : f32 to vector<2000x16xf32>
    %sub3A_65 = arith.subf %exp3A, %sub3A_64 : vector<2000x16xf32>
    %select_n3A = arith.select %gt3A_63, %add3A_61, %sub3A_65 : vector<2000x16xi1>, vector<2000x16xf32>
    %swap3A = arith.constant 0 : index
    %swap3A_66 = arith.constant 0 : index
    %swap3A_67 = vector.load %arg9[%swap3A, %swap3A_66] : memref<2000x16xf32, #tpu.memory_space<vmem>>, vector<2000x16xf32>
    tpu.vector_store %arg9[%swap3A, %swap3A_66], %select_n3A {strides = array<i32>} : memref<2000x16xf32, #tpu.memory_space<vmem>>, vector<2000x16xf32>,
    %get3A_68 = arith.constant 0 : index
    %get3A_69 = arith.constant 0 : index
    %get3A_70 = vector.load %arg7[%get3A_68, %get3A_69] : memref<16x1xf32, #tpu.memory_space<vmem>>, vector<16x1xf32>
    %dot_general3A = arith.constant dense<0.000000e+00> : vector<2000x1xf32>
    %dot_general3A_71 = tpu.matmul %select_n3A, %get3A_70, %dot_general3A {dimension_numbers = #tpu.dot_dimension_numbers<[1], [0], [0], [1], [0, 0, 1, 1], [], []>, transpose_lhs_hint = false} : vector<2000x16xf32>, vector<16x1xf32>, vector<2000x1xf32> -> vector<2000x1xf32>
    %get3A_72 = arith.constant 0 : index
    %get3A_73 = arith.constant 0 : index
    %get3A_74 = vector.load %arg8[%get3A_72, %get3A_73] : memref<1x1xf32, #tpu.memory_space<vmem>>, vector<1x1xf32>
    %add3A_75 = vector.broadcast %get3A_74 : vector<1x1xf32> to vector<2000x1xf32>
    %add3A_76 = arith.addf %dot_general3A_71, %add3A_75 : vector<2000x1xf32>
    %swap3A_77 = arith.constant 0 : index
    %swap3A_78 = arith.constant 0 : index
    %swap3A_79 = vector.load %arg10[%swap3A_77, %swap3A_78] : memref<2000x1xf32, #tpu.memory_space<vmem>>, vector<2000x1xf32>
    tpu.vector_store %arg10[%swap3A_77, %swap3A_78], %add3A_76 {strides = array<i32>} : memref<2000x1xf32, #tpu.memory_space<vmem>>, vector<2000x1xf32>,
    %eq3A = arith.constant 0 : i32
    %eq3A_80 = arith.cmpi eq, %arg0, %eq3A : i32
    %convert_element_type3A = arith.extui %eq3A_80 : i1 to i32
    %cond3A = arith.constant 0 : i32
    %cond3A_81 = arith.cmpi ne, %convert_element_type3A, %cond3A : i32
    scf.if %cond3A_81 {
      %get3A_82 = arith.constant 0 : index
      %get3A_83 = arith.constant 0 : index
      %get3A_84 = vector.load %arg5[%get3A_82, %get3A_83] : memref<256x16xf32, #tpu.memory_space<vmem>>, vector<256x16xf32>
      %reduce_sum3A = vector.shape_cast %get3A_84 : vector<256x16xf32> to vector<1x256x16xf32>
      %reduce_sum3A_85 = arith.constant dense<0.000000e+00> : vector<1xf32>
      %reduce_sum3A_86 = vector.multi_reduction <add>, %reduce_sum3A, %reduce_sum3A_85 [1, 2] : vector<1x256x16xf32> to vector<1xf32>
      %reduce_sum3A_87 = vector.shape_cast %reduce_sum3A_86 : vector<1xf32> to vector<1x1x1xf32>
      %reduce_sum3A_88 = vector.extract %reduce_sum3A_87[0, 0, 0] : f32 from vector<1x1x1xf32>
      %get3A_89 = arith.constant 6 : index
      %get3A_90 = arith.constant 0 : index
      %get3A_91 = vector.load %arg3[%get3A_89, %get3A_90] : memref<2000x16xf32, #tpu.memory_space<vmem>>, vector<1x1xf32>
      %get3A_92 = arith.constant 6 : index
      %get3A_93 = arith.constant 0 : index
      %get3A_94 = vector.load %arg4[%get3A_92, %get3A_93] : memref<2000x16xf32, #tpu.memory_space<vmem>>, vector<1x1xf32>
      %add3A_95 = arith.addf %get3A_91, %get3A_94 : vector<1x1xf32>
      %add3A_96 = arith.constant 1.000000e-16 : f32
      %add3A_97 = vector.broadcast %add3A_96 : f32 to vector<1x1xf32>
      %add3A_98 = arith.addf %add3A_95, %add3A_97 : vector<1x1xf32>
      %div3A_99 = vector.broadcast %reduce_sum3A_88 : f32 to vector<1x1xf32>
      %div3A_100 = arith.divf %div3A_99, %add3A_98 : vector<1x1xf32>
      %swap3A_101 = arith.constant 0 : index
      %swap3A_102 = arith.constant 0 : index
      %swap3A_103 = vector.load %arg11[%swap3A_101, %swap3A_102] : memref<1x1xf32, #tpu.memory_space<vmem>>, vector<1x1xf32>
      tpu.vector_store %arg11[%swap3A_101, %swap3A_102], %div3A_100 {strides = array<i32>} : memref<1x1xf32, #tpu.memory_space<vmem>>, vector<1x1xf32>,
    } else {
    }
    return
  }
  func.func @transform_0(%arg0: i32) -> (i32, i32) {
    %c0_i32 = arith.constant 0 : i32
    %c0_i32_0 = arith.constant 0 : i32
    return %arg0, %c0_i32 : i32, i32
  }
  func.func @transform_1(%arg0: i32) -> (i32, i32) {
    %c0_i32 = arith.constant 0 : i32
    %c0_i32_0 = arith.constant 0 : i32
    return %arg0, %c0_i32 : i32, i32
  }
  func.func @transform_2(%arg0: i32) -> (i32, i32) {
    %c0_i32 = arith.constant 0 : i32
    %c0_i32_0 = arith.constant 0 : i32
    return %arg0, %c0_i32 : i32, i32
  }
  func.func @transform_3(%arg0: i32) -> (i32, i32) {
    %c0_i32 = arith.constant 0 : i32
    %c0_i32_0 = arith.constant 0 : i32
    return %arg0, %c0_i32 : i32, i32
  }
  func.func @transform_4(%arg0: i32) -> (i32, i32) {
    %c0_i32 = arith.constant 0 : i32
    %c0_i32_0 = arith.constant 0 : i32
    %c0_i32_1 = arith.constant 0 : i32
    return %c0_i32, %c0_i32_0 : i32, i32
  }
  func.func @transform_5(%arg0: i32) -> (i32, i32) {
    %c0_i32 = arith.constant 0 : i32
    %c0_i32_0 = arith.constant 0 : i32
    %c0_i32_1 = arith.constant 0 : i32
    return %c0_i32, %c0_i32_0 : i32, i32
  }
  func.func @transform_6(%arg0: i32) -> (i32, i32) {
    %c0_i32 = arith.constant 0 : i32
    %c0_i32_0 = arith.constant 0 : i32
    %c0_i32_1 = arith.constant 0 : i32
    return %c0_i32, %c0_i32_0 : i32, i32
  }
  func.func @transform_7(%arg0: i32) -> (i32, i32) {
    %c0_i32 = arith.constant 0 : i32
    %c0_i32_0 = arith.constant 0 : i32
    %c0_i32_1 = arith.constant 0 : i32
    return %c0_i32, %c0_i32_0 : i32, i32
  }
  func.func @transform_8(%arg0: i32) -> (i32, i32) {
    %c0_i32 = arith.constant 0 : i32
    %c0_i32_0 = arith.constant 0 : i32
    return %arg0, %c0_i32 : i32, i32
  }
  func.func @transform_9(%arg0: i32) -> (i32, i32) {
    %c0_i32 = arith.constant 0 : i32
    %c0_i32_0 = arith.constant 0 : i32
    return %arg0, %c0_i32 : i32, i32
  }
  func.func @transform_10(%arg0: i32) -> (i32, i32) {
    %c0_i32 = arith.constant 0 : i32
    %c0_i32_0 = arith.constant 0 : i32
    %c0_i32_1 = arith.constant 0 : i32
    return %c0_i32, %c0_i32_0 : i32, i32
  }
}

module attributes {stable_mosaic.version = 14 : i64} {
  func.func @_fin1b_body(%arg0: memref<10000x16xf32, #tpu.memory_space<vmem>>, %arg1: memref<10000x1xf32, #tpu.memory_space<vmem>>, %arg2: memref<10000x16xf32, #tpu.memory_space<vmem>>) attributes {dimension_semantics = [], scalar_prefetch = 0 : i64, scratch_operands = 0 : i64, tpu.core_type = #tpu.core_type<tc>} {
    %get3A = arith.constant 0 : index
    %get3A_0 = arith.constant 0 : index
    %get3A_1 = vector.load %arg1[%get3A, %get3A_0] : memref<10000x1xf32, #tpu.memory_space<vmem>>, vector<10000x1xf32>
    %reduce_max3A = vector.shape_cast %get3A_1 : vector<10000x1xf32> to vector<1x10000x1xf32>
    %reduce_max3A_2 = arith.constant dense<0xFF800000> : vector<1xf32>
    %reduce_max3A_3 = vector.multi_reduction <maximumf>, %reduce_max3A, %reduce_max3A_2 [1, 2] : vector<1x10000x1xf32> to vector<1xf32>
    %reduce_max3A_4 = vector.shape_cast %reduce_max3A_3 : vector<1xf32> to vector<1x1x1xf32>
    %reduce_max3A_5 = vector.extract %reduce_max3A_4[0, 0, 0] : f32 from vector<1x1x1xf32>
    %sub3A = vector.broadcast %reduce_max3A_5 : f32 to vector<10000x1xf32>
    %sub3A_6 = arith.subf %get3A_1, %sub3A : vector<10000x1xf32>
    %exp3A = math.exp %sub3A_6 : vector<10000x1xf32>
    %reduce_sum3A = vector.shape_cast %exp3A : vector<10000x1xf32> to vector<1x10000x1xf32>
    %reduce_sum3A_7 = arith.constant dense<0.000000e+00> : vector<1xf32>
    %reduce_sum3A_8 = vector.multi_reduction <add>, %reduce_sum3A, %reduce_sum3A_7 [1, 2] : vector<1x10000x1xf32> to vector<1xf32>
    %reduce_sum3A_9 = vector.shape_cast %reduce_sum3A_8 : vector<1xf32> to vector<1x1x1xf32>
    %reduce_sum3A_10 = vector.extract %reduce_sum3A_9[0, 0, 0] : f32 from vector<1x1x1xf32>
    %div3A = vector.broadcast %reduce_sum3A_10 : f32 to vector<10000x1xf32>
    %div3A_11 = arith.divf %exp3A, %div3A : vector<10000x1xf32>
    %get3A_12 = arith.constant 0 : index
    %get3A_13 = arith.constant 0 : index
    %get3A_14 = vector.load %arg0[%get3A_12, %get3A_13] : memref<10000x16xf32, #tpu.memory_space<vmem>>, vector<10000x16xf32>
    %mul3A = vector.broadcast %div3A_11 : vector<10000x1xf32> to vector<10000x16xf32>
    %mul3A_15 = arith.mulf %get3A_14, %mul3A : vector<10000x16xf32>
    %swap3A = arith.constant 0 : index
    %swap3A_16 = arith.constant 0 : index
    %swap3A_17 = vector.load %arg2[%swap3A, %swap3A_16] : memref<10000x16xf32, #tpu.memory_space<vmem>>, vector<10000x16xf32>
    tpu.vector_store %arg2[%swap3A, %swap3A_16], %mul3A_15 {strides = array<i32>} : memref<10000x16xf32, #tpu.memory_space<vmem>>, vector<10000x16xf32>,
    return
  }
}

module attributes {stable_mosaic.version = 14 : i64} {
  func.func @_fin2_body(%arg0: i32, %arg1: memref<128x6400xf32, #tpu.memory_space<vmem>>, %arg2: memref<6400x1xf32, #tpu.memory_space<vmem>>, %arg3: memref<128x1xf32, #tpu.memory_space<vmem>>, %arg4: memref<128x1xf32, #tpu.memory_space<vmem>>, %arg5: memref<128x1xf32, #tpu.memory_space<vmem>>) attributes {dimension_semantics = [#tpu.dimension_semantics<arbitrary>], iteration_bounds = array<i64: 25>, scalar_prefetch = 0 : i64, scratch_operands = 1 : i64, tpu.core_type = #tpu.core_type<tc>, window_params = [{transform_indices = @transform_0, window_bounds = array<i64: 128, 6400>}, {transform_indices = @transform_1, window_bounds = array<i64: 6400, 1>}, {pipeline_mode = #tpu.pipeline_mode<synchronous>, transform_indices = @transform_2, window_bounds = array<i64: 128, 1>}, {pipeline_mode = #tpu.pipeline_mode<synchronous>, transform_indices = @transform_3, window_bounds = array<i64: 128, 1>}]} {
    %eq3A = arith.constant 0 : i32
    %eq3A_0 = arith.cmpi eq, %arg0, %eq3A : i32
    %convert_element_type3A = arith.extui %eq3A_0 : i1 to i32
    %cond3A = arith.constant 0 : i32
    %cond3A_1 = arith.cmpi ne, %convert_element_type3A, %cond3A : i32
    scf.if %cond3A_1 {
      %broadcast_in_dim3A = arith.constant 0.000000e+00 : f32
      %broadcast_in_dim3A_18 = vector.broadcast %broadcast_in_dim3A : f32 to vector<128x1xf32>
      %swap3A_19 = arith.constant 0 : index
      %swap3A_20 = arith.constant 0 : index
      %swap3A_21 = vector.load %arg5[%swap3A_19, %swap3A_20] : memref<128x1xf32, #tpu.memory_space<vmem>>, vector<128x1xf32>
      tpu.vector_store %arg5[%swap3A_19, %swap3A_20], %broadcast_in_dim3A_18 {strides = array<i32>} : memref<128x1xf32, #tpu.memory_space<vmem>>, vector<128x1xf32>,
    } else {
    }
    %get3A = arith.constant 0 : index
    %get3A_2 = arith.constant 0 : index
    %get3A_3 = vector.load %arg5[%get3A, %get3A_2] : memref<128x1xf32, #tpu.memory_space<vmem>>, vector<128x1xf32>
    %get3A_4 = arith.constant 0 : index
    %get3A_5 = arith.constant 0 : index
    %get3A_6 = vector.load %arg1[%get3A_4, %get3A_5] : memref<128x6400xf32, #tpu.memory_space<vmem>>, vector<128x6400xf32>
    %get3A_7 = arith.constant 0 : index
    %get3A_8 = arith.constant 0 : index
    %get3A_9 = vector.load %arg2[%get3A_7, %get3A_8] : memref<6400x1xf32, #tpu.memory_space<vmem>>, vector<6400x1xf32>
    %dot_general3A = arith.constant dense<0.000000e+00> : vector<128x1xf32>
    %dot_general3A_10 = tpu.matmul %get3A_6, %get3A_9, %dot_general3A {dimension_numbers = #tpu.dot_dimension_numbers<[1], [0], [0], [1], [0, 0, 1, 1], [], []>, transpose_lhs_hint = false} : vector<128x6400xf32>, vector<6400x1xf32>, vector<128x1xf32> -> vector<128x1xf32>
    %add3A = arith.addf %get3A_3, %dot_general3A_10 : vector<128x1xf32>
    %swap3A = arith.constant 0 : index
    %swap3A_11 = arith.constant 0 : index
    %swap3A_12 = vector.load %arg5[%swap3A, %swap3A_11] : memref<128x1xf32, #tpu.memory_space<vmem>>, vector<128x1xf32>
    tpu.vector_store %arg5[%swap3A, %swap3A_11], %add3A {strides = array<i32>} : memref<128x1xf32, #tpu.memory_space<vmem>>, vector<128x1xf32>,
    %eq3A_13 = arith.constant 24 : i32
    %eq3A_14 = arith.cmpi eq, %arg0, %eq3A_13 : i32
    %convert_element_type3A_15 = arith.extui %eq3A_14 : i1 to i32
    %cond3A_16 = arith.constant 0 : i32
    %cond3A_17 = arith.cmpi ne, %convert_element_type3A_15, %cond3A_16 : i32
    scf.if %cond3A_17 {
      %get3A_18 = arith.constant 0 : index
      %get3A_19 = arith.constant 0 : index
      %get3A_20 = vector.load %arg5[%get3A_18, %get3A_19] : memref<128x1xf32, #tpu.memory_space<vmem>>, vector<128x1xf32>
      %get3A_21 = arith.constant 0 : index
      %get3A_22 = arith.constant 0 : index
      %get3A_23 = vector.load %arg3[%get3A_21, %get3A_22] : memref<128x1xf32, #tpu.memory_space<vmem>>, vector<128x1xf32>
      %add3A_24 = arith.addf %get3A_20, %get3A_23 : vector<128x1xf32>
      %swap3A_25 = arith.constant 0 : index
      %swap3A_26 = arith.constant 0 : index
      %swap3A_27 = vector.load %arg4[%swap3A_25, %swap3A_26] : memref<128x1xf32, #tpu.memory_space<vmem>>, vector<128x1xf32>
      tpu.vector_store %arg4[%swap3A_25, %swap3A_26], %add3A_24 {strides = array<i32>} : memref<128x1xf32, #tpu.memory_space<vmem>>, vector<128x1xf32>,
    } else {
    }
    return
  }
  func.func @transform_0(%arg0: i32) -> (i32, i32) {
    %c0_i32 = arith.constant 0 : i32
    %c0_i32_0 = arith.constant 0 : i32
    return %c0_i32, %arg0 : i32, i32
  }
  func.func @transform_1(%arg0: i32) -> (i32, i32) {
    %c0_i32 = arith.constant 0 : i32
    %c0_i32_0 = arith.constant 0 : i32
    return %arg0, %c0_i32 : i32, i32
  }
  func.func @transform_2(%arg0: i32) -> (i32, i32) {
    %c0_i32 = arith.constant 0 : i32
    %c0_i32_0 = arith.constant 0 : i32
    %c0_i32_1 = arith.constant 0 : i32
    return %c0_i32, %c0_i32_0 : i32, i32
  }
  func.func @transform_3(%arg0: i32) -> (i32, i32) {
    %c0_i32 = arith.constant 0 : i32
    %c0_i32_0 = arith.constant 0 : i32
    %c0_i32_1 = arith.constant 0 : i32
    return %c0_i32, %c0_i32_0 : i32, i32
  }
}

</mosaic_0001>

<sc_bundles>
// kernel: kernel.8.cloned.1.call-start
scs
__scs_entry_jumppad:
0x0: {  	(pc) =	sbr.rel $0x88, $3  }
0x1: {  	(tag) =	ssettag $0x0;
	lr =	simm.s32 $0x1  }
0x2: {  	[smem:$0x3F92] =	sst lr;
	_ =	strace $0xD0000000  }
0x3: {  	_ = 	snop  }
0x4: {  	_ = 	snop  }
0x5: {  	_ = 	snop  }
0x6: {  	_ = 	snop  }
0x7: {  	_ = 	snop  }
__scs_overlays_trampoline_lowered:
0x8: {  	[smem:$0x3FA1] =	sst s0  }
0x9: {  	[smem:$0x3FA2] =	sst s1  }
0xa: {  	[smem:$0x3FA3] =	sst s2  }
0xb: {  	[smem:$0x3FA4] =	sst s3  }
0xc: {  	[smem:$0x3FA5] =	sst s4  }
0xd: {  	[smem:$0x3FA6] =	sst s5  }
0xe: {  	[smem:$0x3FA7] =	sst s6  }
0xf: {  	[smem:$0x3FA8] =	sst s7  }
0x10: {  	[smem:$0x3FA9] =	sst s8  }
0x11: {  	[smem:$0x3FAA] =	sst s9;
	s0 =	simm.s32 @!p0 $0x0  }
0x12: {  	s1 =	sld [smem:$0x3F90];
	s0 =	simm.s32 @p0 $0x1  }
0x13: {  	[smem:$0x3FAB] =	sst s0;
	s0 =	simm.s32 @!p1 $0x0  }
0x14: {  	s2 =	sld [smem:$0x3F8F];
	s0 =	simm.s32 @p1 $0x1  }
0x15: {  	[smem:$0x3FAC] =	sst s0;
	s0 =	simm.s32 @!p2 $0x0  }
0x16: {  	s3 =	sld [smem:$0x3FDB];
	s0 =	simm.s32 @p2 $0x1  }
0x17: {  	s4 =	simm.s32 $0x1BF5;
	[smem:$0x3FAE] =	sst s0  }
0x18: {  	s0 =	sld [smem:$0x3F91];
	_ =	swait.ge [sflag:s4], $0x0  }
0x19: {  	s7 =	sld [smem:$0x3F92]  }
0x1a: {  	s8 =	sadd.s32 $0xFFFFE003, lr  }
0x1b: {  	s9 =	sadd.s32 $0xFFFFFEF7, lr;
	s5 =	simm.s32 $0xFFFFFFFF;
	p2 =	slt.u32 s8, $0xFFFFF086  }
0x1c: {  	p1 =	slt.u32 s9, $0xF7A;
	s5 =	simm.s32 @!p2 $0x0  }
0x1d: {  	s5 =	simm.s32 @p1 $0x1;
	p0 =	seq.s32 s7, s2  }
0x1e: {  	s7 =	smul.u32 @!p0 $0xF7A, s2;
	p2 =	seq.s32 @!p0 s5, $0x0  }
0x1f: {  	s9 =	smul.u32 $0xF7A, s1;
	s8 =	simm.s32 @!p0 $0x1BF5;
	p2 =	por !p2, p0  }
0x20: {  	[sflag:s8] =	ssyncset.s32 @!p0 $0xFFFFF086;
	s6 =	sadd.s32 @!p0 s3, s7;
	s7 =	simm.s32 @!p0 $0x108  }
0x21: {  	s3 =	sadd.s32 s3, s9;
	s6 =	sadd.s32 @!p0 $0x88, s6;
	s7 =	simm.s32 @p2 $0x1082  }
0x22: {  	[simem:s7], [sflag:s8] =	dma.local @!p0 [hbm:s6], $0xF7A  }
0x23: {  	s9 =	sor.u32 $0xD0000000, s2;
	s6 =	simm.s32 $0x108;
	_ =	swait.ge @!p0 [sflag:s8], $0x0  }
0x24: {  	s3 =	sadd.s32 $0x88, s3;
	s6 =	simm.s32 @!p1 $0x1082;
	[sflag:s4] =	ssyncset.s32 $0xFFFFF086  }
0x25: {  	[simem:s6], [sflag:s4] =	dma.local [hbm:s3], $0xF7A  }
0x26: {  	[smem:$0x3F92] =	sst s1;
	(tag) =	ssettag s2;
	_ =	strace s9  }
0x27: {  	s1 =	sld [smem:$0x3FA2]  }
0x28: {  	s2 =	sld [smem:$0x3FA3]  }
0x29: {  	s4 =	sld [smem:$0x3FA5]  }
0x2a: {  	p0 =	seq.s32 s5, $0x0;
	s5 =	sld [smem:$0x3FA6]  }
0x2b: {  	s6 =	sld [smem:$0x3FA7]  }
0x2c: {  	s7 =	sld [smem:$0x3FA8]  }
0x2d: {  	s3 =	simm.s32 $0x108;
	s8 =	sld [smem:$0x3FA9]  }
0x2e: {  	s3 =	simm.s32 @!p0 $0x1082;
	s9 =	sld [smem:$0x3FAA]  }
0x2f: {  	lr =	sadd.s32 s0, s3;
	s0 =	sld [smem:$0x3FA1]  }
0x30: {  	s3 =	sld [smem:$0x3FA4]  }
0x31: {  	[smem:$0x3FAD] =	sst s10  }
0x32: {  	s10 =	sld [smem:$0x3FAB];
	_ =	sdelay $0x3  }
0x33: {  	p0 =	seq.s32 s10, $0x1;
	s10 =	sld [smem:$0x3FAD];
	_ =	sdelay $0x3  }
0x34: {  	[smem:$0x3FAD] =	sst s10  }
0x35: {  	s10 =	sld [smem:$0x3FAC];
	_ =	sdelay $0x3  }
0x36: {  	p1 =	seq.s32 s10, $0x1;
	s10 =	sld [smem:$0x3FAD];
	_ =	sdelay $0x3  }
0x37: {  	[smem:$0x3FAD] =	sst s10  }
0x38: {  	s10 =	sld [smem:$0x3FAE]  }
0x39: {  	_ = 	snop;
	(pc) =	sbr.ind lr, $3  }
0x3a: {  	_ = 	snop  }
0x3b: {  	_ = 	snop  }
0x3c: {  	p2 =	seq.s32 s10, $0x1;
	s10 =	sld [smem:$0x3FAD]  }
0x3d: {  	_ =	shalt  }
0x3e: {  	_ =	shalt  }
0x3f: {  	_ =	shalt  }
0x40: {  	_ =	shalt  }
0x41: {  	_ =	shalt  }
0x42: {  	_ =	shalt  }
0x43: {  	_ =	shalt  }
0x44: {  	_ =	shalt  }
0x45: {  	_ =	shalt  }
0x46: {  	_ =	shalt  }
0x47: {  	_ =	shalt  }
0x48: {  	_ =	shalt  }
0x49: {  	_ =	shalt  }
0x4a: {  	_ =	shalt  }
0x4b: {  	_ =	shalt  }
0x4c: {  	_ =	shalt  }
0x4d: {  	_ =	shalt  }
0x4e: {  	_ =	shalt  }
0x4f: {  	_ =	shalt  }
0x50: {  	_ =	shalt  }
0x51: {  	_ =	shalt  }
0x52: {  	_ =	shalt  }
0x53: {  	_ =	shalt  }
0x54: {  	_ =	shalt  }
0x55: {  	_ =	shalt  }
0x56: {  	_ =	shalt  }
0x57: {  	_ =	shalt  }
0x58: {  	_ =	shalt  }
0x59: {  	_ =	shalt  }
0x5a: {  	_ =	shalt  }
0x5b: {  	_ =	shalt  }
0x5c: {  	_ =	shalt  }
0x5d: {  	_ =	shalt  }
0x5e: {  	_ =	shalt  }
0x5f: {  	_ =	shalt  }
0x60: {  	_ =	shalt  }
0x61: {  	_ =	shalt  }
0x62: {  	_ =	shalt  }
0x63: {  	_ =	shalt  }
0x64: {  	_ =	shalt  }
0x65: {  	_ =	shalt  }
0x66: {  	_ =	shalt  }
0x67: {  	_ =	shalt  }
0x68: {  	_ =	shalt  }
0x69: {  	_ =	shalt  }
0x6a: {  	_ =	shalt  }
0x6b: {  	_ =	shalt  }
0x6c: {  	_ =	shalt  }
0x6d: {  	_ =	shalt  }
0x6e: {  	_ =	shalt  }
0x6f: {  	_ =	shalt  }
0x70: {  	_ =	shalt  }
0x71: {  	_ =	shalt  }
0x72: {  	_ =	shalt  }
0x73: {  	_ =	shalt  }
0x74: {  	_ =	shalt  }
0x75: {  	_ =	shalt  }
0x76: {  	_ =	shalt  }
0x77: {  	_ =	shalt  }
0x78: {  	_ =	shalt  }
0x79: {  	_ =	shalt  }
0x7a: {  	_ =	shalt  }
0x7b: {  	_ =	shalt  }
0x7c: {  	_ =	shalt  }
0x7d: {  	_ =	shalt  }
0x7e: {  	_ =	shalt  }
0x7f: {  	_ =	shalt  }
0x80: {  	_ =	shalt  }
0x81: {  	_ =	shalt  }
0x82: {  	_ =	shalt  }
0x83: {  	_ =	shalt  }
0x84: {  	_ =	shalt  }
0x85: {  	_ =	shalt  }
0x86: {  	_ =	shalt  }
0x87: {  	_ =	shalt  }
.Lfunc_end0:
.L_simem_size_0:
called_computation_lowered:
.L_overlay_start_0:
0x88: {  	s2 =	sld [smem:$0x3FD9]  }
0x89: {  	s3 =	sld [smem:$0x3FFE];
	_ =	sdelay $0x1  }
0x8a: {  	s1 =	srdreg.scid  }
0x8b: {  	s0 =	sand.u32 $0x1, s1  }
0x8c: {  	s16 =	sshll.u32 s0, $0xA;
	s2 =	sadd.s32 s3, s2  }
0x8d: {  	s2 =	sadd.s32 s2, s16  }
0x8e: {  	[smem:$0x3FB9] =	sst s2  }
0x8f: {  	_ = 	snop  }
0x90: {  	(tm) =	ssettm $0x1  }
0x91: {  	s17 =	sld [smem:$0x3FFB];
	_ =	sdelay $0x3  }
0x92: {  	_ =	strace s17  }
0x93: {  	s2 =	sld [smem:$0x3FFC];
	_ =	sdelay $0x3  }
0x94: {  	_ =	strace s2  }
0x95: {  	s2 =	sld [smem:$0x3FFD];
	_ =	sdelay $0x3  }
0x96: {  	_ =	strace s2  }
0x97: {  	_ =	strace $0x8FFFFFFF  }
0x98: {  	s18 =	sld [smem:$0x3FDB];
	_ =	sdelay $0x1  }
0x99: {  	s19 =	simm.s32 $_scs_section_size  }
0x9a: {  	s4 =	simm.s32 $_size__tile_overlayer_lowered;
	s5 =	simm.s32 $_tile_overlayer_lowered  }
0x9b: {  	s22 =	simm.s32 $0x1BFF;
	s21 =	sshll.u32 s5, $0x1;
	s2 =	sadd.s32 s19, s18  }
0x9c: {  	s6 =	simm.s32 $0x0;
	s20 =	sshll.u32 s4, $0x1;
	s4 =	sadd.s32 s21, s2  }
0x9d: {  	[timem:s6], [sflag:s22] =	dma.local [hbm:s4], s20  }
0x9e: {  	_ =	swait.ge [sflag:s22], s20  }
0x9f: {  	s3 =	ssub.s32 $0x0, s20;
	[sflag:s22] =	ssyncset.done $0x0  }
0xa0: {  	[sflag:s22] =	ssyncadd.s32 s3;
	_ =	sdelay $0x1  }
0xa1: {  	s23 =	simm.s32 $0x1B8B  }
0xa2: {  	_ =	swait.ge [sflag:s23], $0x1  }
0xa3: {  	[sflag:s23] =	ssyncset.done $0x0  }
0xa4: {  	s25 =	simm.s32 $0x1B8E;
	s24 =	sld [smem:$0x3FFE];
	[sflag:s23] =	ssyncadd.s32 $0xFFFFFFFF  }
0xa5: {  	s26 =	simm.s32 $execute0_lowered;
	[smem:$0x3FD2] =	sst s25  }
0xa6: {  	s4 =	sshll.u32 s26, $0x1;
	_ =	strace $0x80000046;
	[dreg:$0x1] =	wrdreg $0xFFFFFFFF  }
0xa7: {  	s28 =	simm.s32 $_size_execute0_lowered;
	s2 =	sadd.s32 s2, s4;
	[dreg:$0x0] =	wrdreg $0x0  }
0xa8: {  	s4 =	sshll.u32 s28, $0x1;
	[dreg:$0x2] =	wrdreg s2  }
0xa9: {  	[dreg:$0x3] =	wrdreg s4  }
0xaa: {  	[dreg:$0x4] =	wrdreg $0xC0  }
0xab: {  	_ =	task [dreg:s6], $0x5FFFF  }
0xac: {  	[dreg:$0x1] =	wrdreg $0xFFFFFFFF  }
0xad: {  	[dreg:$0x0] =	wrdreg $0x60  }
0xae: {  	[dreg:$0x2] =	wrdreg s24  }
0xaf: {  	[dreg:$0x3] =	wrdreg $0x7A200  }
0xb0: {  	[dreg:$0x4] =	wrdreg $0x1B2A00  }
0xb1: {  	[dreg:$0x5] =	wrdreg $0x9  }
0xb2: {  	_ =	task.clear_ibuf [dreg:s6], $0x6FFFF;
	_ =	strace $0x90000046  }
0xb3: {  	s29 =	simm.s32 $0x9;
	_ =	strace $0x80000048  }
0xb4: {  	_ =	swait.ge [sflag:s29], $0x1  }
0xb5: {  	[sflag:s29] =	ssyncadd.s32 $0xFFFFFFFF  }
0xb6: {  	_ =	strace $0x90000048  }
0xb7: {  	_ =	sfence  }
0xb8: {  	s30 =	sld [smem:$0x0];
	_ =	sdelay $0x2  }
0xb9: {  	s31 =	sshll.u32 s1, $0xD;
	s1 =	sshrl.u32 s1, $0x2  }
0xba: {  	s3 =	sand.u32 $0x4000, s31;
	s1 =	sadd.s32 s1, s30  }
0xbb: {  	s0 =	sor.u32 s3, s0;
	s1 =	sshll.u32 s1, $0x11  }
0xbc: {  	s0 =	sor.u32 s1, s0  }
0xbd: {  	s0 =	sadd.s32 $0x8F2B, s0  }
0xbe: {  	[sflag:s0] =	ssyncadd.remote.s32 $0x1  }
0xbf: {  	_ =	sfence.sel $0xFFFF  }
0xc0: {  	[dreg:$0x0] =	wrdreg $0xFFFFFFFF;
	(pc) =	sbr.abs _section_cstart, $3  }
0xc1: {  	[dreg:$0x1] =	wrdreg $0xFFFFFFFF  }
0xc2: {  	_ =	task.clear_ibuf [dreg:s6], $0x2FFFF;
	_ =	strace $0x9FFFFFFF  }
0xc3: {  	(tm) =	ssettm $0x7FFFFFFF  }
tec
execute0_lowered:
.L_overlay_start_1:
0x0: {  	(tag) =	ssettag $0x1  }
0x1: {  	s5 =	rddreg [dreg:$0x0]  }
0x2: {  	s0 =	srdreg.scid;
	s2 =	stileid.u32  }
0x3: {  	s19 =	rddreg [dreg:$0x1];
	s0 =	sand.u32 $0x1, s0;
	s1 =	smul.u32 $0x270, s2  }
0x4: {  	s20 =	rddreg [dreg:$0x2];
	s4 =	simm.s32 $0x0;
	s6 =	smul.u32 $0x2710, s0  }
0x5: {  	s29 =	simm.s32 $0x1;
	[smem:$0x7FF] =	sst s4  }
0x6: {  	s8 =	sadd.s32 s1, s6;
	s6 =	sshll.u32 s0, $0x4;
	s0 =	ssub.s32 $0x2, s0  }
0x7: {  	s7 =	sadd.s32 $0xE3400, s5;
	s9 =	sadd.s32 $0x50, s8;
	s10 =	sshrl.u32 s0, $0x1  }
0x8: {  	s11 =	sshll.u32 s8, $0x4;
	s21 =	sadd.s32 $0xA0, s8;
	s6 =	sor.u32 s2, s6  }
0x9: {  	s12 =	sshll.u32 s9, $0x4;
	s0 =	ssub.s32 s0, s10;
	s3 =	sadd.s32 s7, s11  }
0xa: {  	s11 =	sadd.s32 $0xF0, s8;
	s13 =	sshll.u32 s21, $0x4;
	[dreg:$0x4] =	wrdreg s3  }
0xb: {  	s18 =	sadd.s32 s7, s12;
	s12 =	sadd.s32 $0x140, s8;
	s14 =	sshll.u32 s11, $0x4  }
0xc: {  	s22 =	sadd.s32 s7, s13;
	s13 =	sadd.s32 $0x190, s8;
	[dreg:$0x5] =	wrdreg s18  }
0xd: {  	s0 =	smax.u32 s0, $0x1;
	s15 =	sshll.u32 s12, $0x4;
	[dreg:$0x6] =	wrdreg s22  }
0xe: {  	s23 =	sadd.s32 s7, s14;
	s14 =	sadd.s32 $0x1E0, s8;
	s16 =	sshll.u32 s13, $0x4  }
0xf: {  	s22 =	sshll.u32 s11, $0x1;
	[dreg:$0x7] =	wrdreg s23;
	s24 =	sadd.s32 s7, s15  }
0x10: {  	s15 =	sadd.s32 $0x230, s8;
	s17 =	sshll.u32 s14, $0x4;
	s25 =	sadd.s32 s7, s16  }
0x11: {  	s8 =	sshll.u32 s8, $0x1;
	s16 =	sshll.u32 s9, $0x1;
	s9 =	sshll.u32 s14, $0x1  }
0x12: {  	s14 =	smul.u32 $0x4E000, s2;
	[dreg:$0x8] =	wrdreg s24;
	s18 =	sshll.u32 s15, $0x4  }
0x13: {  	[dreg:$0x9] =	wrdreg s25;
	s26 =	sadd.s32 s7, s17;
	s17 =	sshll.u32 s21, $0x1  }
0x14: {  	s24 =	sshll.u32 s12, $0x1;
	s25 =	sshll.u32 s13, $0x1;
	s7 =	sadd.s32 s7, s18  }
0x15: {  	s11 =	sshll.u32 s15, $0x1;
	[dreg:$0xb] =	wrdreg s7;
	s7 =	sadd.s32 $0x131600, s5  }
0x16: {  	s12 =	sshll.u32 s6, $0x4;
	[dreg:$0xa] =	wrdreg s26;
	s8 =	sadd.s32 s7, s8  }
0x17: {  	s15 =	smul.u32 $0x9C00, s2;
	s18 =	sadd.s32 s7, s16;
	[dreg:$0xc] =	wrdreg s8  }
0x18: {  	s21 =	sadd.s32 s7, s17;
	s23 =	sadd.s32 s7, s22;
	[dreg:$0xd] =	wrdreg s18  }
0x19: {  	s26 =	sadd.s32 s7, s24;
	s10 =	sadd.s32 s7, s9;
	[dreg:$0xe] =	wrdreg s21  }
0x1a: {  	s13 =	sadd.s32 s7, s11;
	s22 =	sadd.s32 $0x2200, s5;
	[dreg:$0xf] =	wrdreg s23  }
0x1b: {  	s24 =	sadd.s32 $0x3D000, s5;
	s16 =	sshrl.u32 s14, $0x2;
	[dreg:$0x10] =	wrdreg s26  }
0x1c: {  	s17 =	sshrl.u32 s15, $0x2;
	s8 =	sadd.s32 s7, s25;
	[dreg:$0x12] =	wrdreg s10  }
0x1d: {  	[dreg:$0x13] =	wrdreg s13;
	s7 =	sadd.s32 s12, s5;
	s21 =	sadd.s32 $0xC000, s5  }
0x1e: {  	s23 =	sadd.s32 $0x47000, s5;
	s25 =	sadd.s32 $0x42000, s5;
	s26 =	sadd.s32 $0x15E00, s5  }
0x1f: {  	s2 =	sadd.s32 s16, s19;
	s18 =	sadd.s32 $0x50, s1;
	s11 =	sadd.s32 s17, s20  }
0x20: {  	s10 =	sadd.s32 $0xF0, s1;
	s17 =	sadd.s32 $0x140, s1;
	[dreg:$0x11] =	wrdreg s8  }
0x21: {  	s3 =	sshll.u32 s18, $0x7;
	s8 =	sshll.u32 s18, $0x4;
	s15 =	sshll.u32 s10, $0x7  }
0x22: {  	s16 =	sshll.u32 s10, $0x4;
	_ =	strace $0x80000047;
	[smem:$0x7FC] =	sst s0  }
0x23: {  	s12 =	sadd.s32 s3, s19;
	s13 =	sadd.s32 s8, s20;
	[dreg:$0x14] =	wrdreg s2  }
0x24: {  	s8 =	sadd.s32 $0xA0, s1;
	s18 =	sadd.s32 s16, s20;
	[dreg:$0x15] =	wrdreg s11  }
0x25: {  	s31 =	sadd.s32 s15, s19;
	s3 =	sshll.u32 s17, $0x7;
	[dreg:$0x1b] =	wrdreg s18  }
0x26: {  	s15 =	sadd.s32 $0x190, s1;
	s9 =	sshll.u32 s8, $0x7;
	[dreg:$0x16] =	wrdreg s12  }
0x27: {  	s5 =	sshll.u32 s8, $0x4;
	s8 =	sshll.u32 s17, $0x4;
	[dreg:$0x17] =	wrdreg s13  }
0x28: {  	[dreg:$0x1a] =	wrdreg s31;
	s14 =	sadd.s32 s9, s19;
	s9 =	sadd.s32 s3, s19  }
0x29: {  	s16 =	sshll.u32 s15, $0x7;
	s10 =	sadd.s32 s8, s20;
	[dreg:$0x1c] =	wrdreg s9  }
0x2a: {  	s17 =	sadd.s32 $0x1E0, s1;
	s18 =	sadd.s32 s16, s19;
	[dreg:$0x1d] =	wrdreg s10  }
0x2b: {  	s1 =	sadd.s32 $0x230, s1;
	s28 =	sadd.s32 s5, s20;
	[dreg:$0x1e] =	wrdreg s18  }
0x2c: {  	s5 =	sshll.u32 s15, $0x4;
	s16 =	sshll.u32 s17, $0x4;
	[dreg:$0x18] =	wrdreg s14  }
0x2d: {  	s3 =	smov.u32 s19;
	s8 =	sadd.s32 s5, s20;
	[dreg:$0x19] =	wrdreg s28  }
0x2e: {  	s10 =	sshll.u32 s17, $0x7;
	s18 =	sadd.s32 s16, s20;
	[dreg:$0x1f] =	wrdreg s8  }
0x2f: {  	s17 =	sshll.u32 s1, $0x7;
	s15 =	sadd.s32 s10, s19;
	[smem:$0x7EE] =	sst s18  }
0x30: {  	s9 =	smul.u32 $0x2710, s6;
	s19 =	sadd.s32 s17, s19;
	[smem:$0x7ED] =	sst s15  }
0x31: {  	s1 =	sshll.u32 s1, $0x4;
	s18 =	smov.u32 s20;
	[smem:$0x7EF] =	sst s19  }
0x32: {  	s19 =	sadd.s32 s1, s20;
	s20 =	smul.u32 $0x4E20, s6;
	s6 =	sshrl.u32 s9, $0x3  }
0x33: {  	s30 =	simm.s32 $0x50;
	s15 =	sadd.s32 s21, s6;
	[smem:$0x7FD] =	sst s19  }
0x34: {  	s10 =	sadd.s32 $0x50, s9;
	s5 =	sadd.s32 s22, s6;
	[smem:$0x7F0] =	sst s15  }
0x35: {  	s16 =	sshrl.u32 s10, $0x3;
	[smem:$0x7F1] =	sst s5;
	s1 =	sadd.s32 s23, s20  }
0x36: {  	s0 =	simm.s32 $0x3;
	s17 =	sadd.s32 s21, s16;
	[smem:$0x7F2] =	sst s1  }
0x37: {  	s6 =	sshll.u32 s10, $0x1;
	s5 =	sadd.s32 s22, s16;
	[smem:$0x7F3] =	sst s17  }
0x38: {  	s20 =	sadd.s32 $0xA0, s9;
	s16 =	sadd.s32 $0xF0, s9;
	[smem:$0x7F4] =	sst s5  }
0x39: {  	s8 =	sshrl.u32 s20, $0x3;
	s5 =	sadd.s32 s23, s6;
	s1 =	sshll.u32 s20, $0x1  }
0x3a: {  	[smem:$0x7F9] =	sst s16;
	s17 =	sadd.s32 $0x140, s9;
	s20 =	sadd.s32 $0x13B400, s7  }
0x3b: {  	s16 =	simm.s32 $0x2020;
	s7 =	simm.s32 $0x180;
	[smem:$0x7F5] =	sst s5  }
.Ltmp0:
0x3c: {  	s9 =	simm.s32 $0x5;
	[smem:$0x7FA] =	sst s17;
	(pc) =	sbr.rel .LBB2_1-.Ltmp0, $4  }
0x3d: {  	v0 =	vimm.f32 $0.0e+00;
	vm0 =	vcmask $0x300;
	s10 =	sadd.s32 s21, s8;
	s15 =	sadd.s32 s22, s8;
	[smem:$0x7FB] =	sst s20  }
0x3e: {  	v2 =	vimm.s32 $0x0;
	v3 =	vimm.s32 $0x1;
	v4 =	vimm.s32 $0x2;
	s1 =	sadd.s32 s23, s1;
	s17 =	simm.s32 $0x7;
	[smem:$0x7F6] =	sst s10  }
0x3f: {  	v5 =	vimm.s32 $0x3;
	v6 =	vimm.s32 $0x4;
	v7 =	vimm.s32 $0x5;
	s8 =	simm.s32 $0x4;
	s5 =	simm.s32 $0x0;
	[smem:$0x7F7] =	sst s15  }
0x40: {  	v8 =	vimm.s32 $0x6;
	v9 =	vimm.s32 $0x7;
	v1 =	vsel vm0, $0x3F800000, v0;
	[smem:$0x7F8] =	sst s1;
	s15 =	simm.s32 $0xC0;
	s10 =	simm.s32 $0x1D0  }
.LBB2_18:
0x41: {  	s1 =	simm.s32 $0x6  }
0x42: {  	_ =	swait.ge [sflag:s1], $0x500  }
0x43: {  	[sflag:s1] =	ssyncset.done $0x0  }
0x44: {  	[sflag:s1] =	ssyncadd.s32 $0xFFFFFB00  }
0x45: {  	_ =	swait.ge [sflag:s1], $0x2800  }
0x46: {  	[sflag:s1] =	ssyncset.done $0x0  }
0x47: {  	[sflag:s1] =	ssyncadd.s32 $0xFFFFD800  }
0x48: {  	_ =	swait.ge [sflag:s9], $0x500  }
0x49: {  	[sflag:s9] =	ssyncset.done $0x0  }
0x4a: {  	[sflag:s9] =	ssyncadd.s32 $0xFFFFFB00  }
0x4b: {  	_ =	swait.ge [sflag:s9], $0x2800  }
0x4c: {  	[sflag:s9] =	ssyncset.done $0x0  }
0x4d: {  	[sflag:s9] =	ssyncadd.s32 $0xFFFFD800  }
0x4e: {  	[bflag:$0x0] =	sbarrier.arrive $0xFFFF  }
0x4f: {  	s2 =	rddreg [dreg:$0x14]  }
0x50: {  	[tilespmem:s16], [sflag:$0x7] =	stream.linear.gather [spmem:s2], $0x2800, $0x38;
	[tilespmem:$0x1D9B0] =	vst v63  }
0x51: {  	_ =	swait.ge [sflag:s17], $0x2800  }
0x52: {  	[sflag:s17] =	ssyncset.done $0x0  }
0x53: {  	s12 =	rddreg [dreg:$0x4];
	[sflag:s17] =	ssyncadd.s32 $0xFFFFD800  }
0x54: {  	[hbm4b:s12+s4] =	stream.linear.scatter [tilespmem:s16], [sflag:$0x7], $0x2800, $0x38;
	[tilespmem:$0x1D9B0] =	vst v63  }
0x55: {  	_ =	swait.ge [sflag:s17], $0x2800  }
0x56: {  	[sflag:s17] =	ssyncset.done $0x0  }
0x57: {  	s5 =	simm.s32 $0x7020;
	s11 =	rddreg [dreg:$0x15];
	[sflag:s17] =	ssyncadd.s32 $0xFFFFD800  }
0x58: {  	[tilespmem:s5], [sflag:$0x7] =	stream.linear.gather [spmem:s11], $0x500, $0x38;
	[tilespmem:$0x1D9B0] =	vst v63  }
0x59: {  	_ =	swait.ge [sflag:s17], $0x500  }
0x5a: {  	[sflag:s17] =	ssyncset.done $0x0  }
0x5b: {  	s13 =	rddreg [dreg:$0xc];
	[sflag:s17] =	ssyncadd.s32 $0xFFFFFB00  }
0x5c: {  	[hbm4b:s13+s4] =	stream.linear.scatter [tilespmem:s5], [sflag:$0x7], $0x500, $0x38;
	[tilespmem:$0x1D9B0] =	vst v63  }
0x5d: {  	_ =	swait.ge [sflag:s17], $0x500  }
0x5e: {  	[sflag:s17] =	ssyncset.done $0x0  }
0x5f: {  	s12 =	rddreg [dreg:$0x16];
	[sflag:s17] =	ssyncadd.s32 $0xFFFFFB00  }
0x60: {  	[tilespmem:s16], [sflag:$0x7] =	stream.linear.gather [spmem:s12], $0x2800, $0x38;
	[tilespmem:$0x1D9B0] =	vst v63  }
0x61: {  	_ =	swait.ge [sflag:s17], $0x2800  }
0x62: {  	[sflag:s17] =	ssyncset.done $0x0  }
0x63: {  	s14 =	rddreg [dreg:$0x5];
	[sflag:s17] =	ssyncadd.s32 $0xFFFFD800  }
0x64: {  	[hbm4b:s14+s4] =	stream.linear.scatter [tilespmem:s16], [sflag:$0x7], $0x2800, $0x38;
	[tilespmem:$0x1D9B0] =	vst v63  }
0x65: {  	_ =	swait.ge [sflag:s17], $0x2800  }
0x66: {  	[sflag:s17] =	ssyncset.done $0x0  }
0x67: {  	s13 =	rddreg [dreg:$0x17];
	[sflag:s17] =	ssyncadd.s32 $0xFFFFD800  }
0x68: {  	[tilespmem:s5], [sflag:$0x7] =	stream.linear.gather [spmem:s13], $0x500, $0x38;
	[tilespmem:$0x1D9B0] =	vst v63  }
0x69: {  	_ =	swait.ge [sflag:s17], $0x500  }
0x6a: {  	[sflag:s17] =	ssyncset.done $0x0  }
0x6b: {  	s19 =	rddreg [dreg:$0xd];
	[sflag:s17] =	ssyncadd.s32 $0xFFFFFB00  }
0x6c: {  	[hbm4b:s19+s4] =	stream.linear.scatter [tilespmem:s5], [sflag:$0x7], $0x500, $0x38;
	[tilespmem:$0x1D9B0] =	vst v63  }
0x6d: {  	_ =	swait.ge [sflag:s17], $0x500  }
0x6e: {  	[sflag:s17] =	ssyncset.done $0x0  }
0x6f: {  	s14 =	rddreg [dreg:$0x18];
	[sflag:s17] =	ssyncadd.s32 $0xFFFFFB00  }
0x70: {  	[tilespmem:s16], [sflag:$0x7] =	stream.linear.gather [spmem:s14], $0x2800, $0x38;
	[tilespmem:$0x1D9B0] =	vst v63  }
0x71: {  	_ =	swait.ge [sflag:s17], $0x2800  }
0x72: {  	[sflag:s17] =	ssyncset.done $0x0  }
0x73: {  	s20 =	rddreg [dreg:$0x6];
	[sflag:s17] =	ssyncadd.s32 $0xFFFFD800  }
0x74: {  	[hbm4b:s20+s4] =	stream.linear.scatter [tilespmem:s16], [sflag:$0x7], $0x2800, $0x38;
	[tilespmem:$0x1D9B0] =	vst v63  }
0x75: {  	_ =	swait.ge [sflag:s17], $0x2800  }
0x76: {  	[sflag:s17] =	ssyncset.done $0x0  }
0x77: {  	s28 =	rddreg [dreg:$0x19];
	[sflag:s17] =	ssyncadd.s32 $0xFFFFD800  }
0x78: {  	[tilespmem:s5], [sflag:$0x7] =	stream.linear.gather [spmem:s28], $0x500, $0x38;
	[tilespmem:$0x1D9B0] =	vst v63  }
0x79: {  	_ =	swait.ge [sflag:s17], $0x500  }
0x7a: {  	[sflag:s17] =	ssyncset.done $0x0  }
0x7b: {  	s6 =	rddreg [dreg:$0xe];
	[sflag:s17] =	ssyncadd.s32 $0xFFFFFB00  }
0x7c: {  	[hbm4b:s6+s4] =	stream.linear.scatter [tilespmem:s5], [sflag:$0x7], $0x500, $0x38;
	[tilespmem:$0x1D9B0] =	vst v63  }
0x7d: {  	_ =	swait.ge [sflag:s17], $0x500  }
0x7e: {  	[sflag:s17] =	ssyncset.done $0x0  }
0x7f: {  	s31 =	rddreg [dreg:$0x1a];
	[sflag:s17] =	ssyncadd.s32 $0xFFFFFB00  }
0x80: {  	[tilespmem:s16], [sflag:$0x7] =	stream.linear.gather [spmem:s31], $0x2800, $0x38;
	[tilespmem:$0x1D9B0] =	vst v63  }
0x81: {  	_ =	swait.ge [sflag:s17], $0x2800  }
0x82: {  	[sflag:s17] =	ssyncset.done $0x0  }
0x83: {  	s19 =	rddreg [dreg:$0x7];
	[sflag:s17] =	ssyncadd.s32 $0xFFFFD800  }
0x84: {  	[hbm4b:s19+s4] =	stream.linear.scatter [tilespmem:s16], [sflag:$0x7], $0x2800, $0x38;
	[tilespmem:$0x1D9B0] =	vst v63  }
0x85: {  	_ =	swait.ge [sflag:s17], $0x2800  }
0x86: {  	[sflag:s17] =	ssyncset.done $0x0  }
0x87: {  	s20 =	rddreg [dreg:$0x1b];
	[sflag:s17] =	ssyncadd.s32 $0xFFFFD800  }
0x88: {  	[tilespmem:s5], [sflag:$0x7] =	stream.linear.gather [spmem:s20], $0x500, $0x38;
	[tilespmem:$0x1D9B0] =	vst v63  }
0x89: {  	_ =	swait.ge [sflag:s17], $0x500  }
0x8a: {  	[sflag:s17] =	ssyncset.done $0x0  }
0x8b: {  	s6 =	rddreg [dreg:$0xf];
	[sflag:s17] =	ssyncadd.s32 $0xFFFFFB00  }
0x8c: {  	[hbm4b:s6+s4] =	stream.linear.scatter [tilespmem:s5], [sflag:$0x7], $0x500, $0x38;
	[tilespmem:$0x1D9B0] =	vst v63  }
0x8d: {  	_ =	swait.ge [sflag:s17], $0x500  }
0x8e: {  	[sflag:s17] =	ssyncset.done $0x0  }
0x8f: {  	s19 =	rddreg [dreg:$0x1c];
	[sflag:s17] =	ssyncadd.s32 $0xFFFFFB00  }
0x90: {  	[tilespmem:s16], [sflag:$0x7] =	stream.linear.gather [spmem:s19], $0x2800, $0x38;
	[tilespmem:$0x1D9B0] =	vst v63  }
0x91: {  	_ =	swait.ge [sflag:s17], $0x2800  }
0x92: {  	[sflag:s17] =	ssyncset.done $0x0  }
0x93: {  	s20 =	rddreg [dreg:$0x8];
	[sflag:s17] =	ssyncadd.s32 $0xFFFFD800  }
0x94: {  	[hbm4b:s20+s4] =	stream.linear.scatter [tilespmem:s16], [sflag:$0x7], $0x2800, $0x38;
	[tilespmem:$0x1D9B0] =	vst v63  }
0x95: {  	_ =	swait.ge [sflag:s17], $0x2800  }
0x96: {  	[sflag:s17] =	ssyncset.done $0x0  }
0x97: {  	s6 =	rddreg [dreg:$0x1d];
	[sflag:s17] =	ssyncadd.s32 $0xFFFFD800  }
0x98: {  	[tilespmem:s5], [sflag:$0x7] =	stream.linear.gather [spmem:s6], $0x500, $0x38;
	[tilespmem:$0x1D9B0] =	vst v63  }
0x99: {  	_ =	swait.ge [sflag:s17], $0x500  }
0x9a: {  	[sflag:s17] =	ssyncset.done $0x0  }
0x9b: {  	s19 =	rddreg [dreg:$0x10];
	[sflag:s17] =	ssyncadd.s32 $0xFFFFFB00  }
0x9c: {  	[hbm4b:s19+s4] =	stream.linear.scatter [tilespmem:s5], [sflag:$0x7], $0x500, $0x38;
	[tilespmem:$0x1D9B0] =	vst v63  }
0x9d: {  	_ =	swait.ge [sflag:s17], $0x500  }
0x9e: {  	[sflag:s17] =	ssyncset.done $0x0  }
0x9f: {  	s20 =	rddreg [dreg:$0x1e];
	[sflag:s17] =	ssyncadd.s32 $0xFFFFFB00  }
0xa0: {  	[tilespmem:s16], [sflag:$0x7] =	stream.linear.gather [spmem:s20], $0x2800, $0x38;
	[tilespmem:$0x1D9B0] =	vst v63  }
0xa1: {  	_ =	swait.ge [sflag:s17], $0x2800  }
0xa2: {  	[sflag:s17] =	ssyncset.done $0x0  }
0xa3: {  	s6 =	rddreg [dreg:$0x9];
	[sflag:s17] =	ssyncadd.s32 $0xFFFFD800  }
0xa4: {  	[hbm4b:s6+s4] =	stream.linear.scatter [tilespmem:s16], [sflag:$0x7], $0x2800, $0x38;
	[tilespmem:$0x1D9B0] =	vst v63  }
0xa5: {  	_ =	swait.ge [sflag:s17], $0x2800  }
0xa6: {  	[sflag:s17] =	ssyncset.done $0x0  }
0xa7: {  	s19 =	rddreg [dreg:$0x1f];
	[sflag:s17] =	ssyncadd.s32 $0xFFFFD800  }
0xa8: {  	[tilespmem:s5], [sflag:$0x7] =	stream.linear.gather [spmem:s19], $0x500, $0x38;
	[tilespmem:$0x1D9B0] =	vst v63  }
0xa9: {  	_ =	swait.ge [sflag:s17], $0x500  }
0xaa: {  	[sflag:s17] =	ssyncset.done $0x0  }
0xab: {  	s20 =	rddreg [dreg:$0x11];
	[sflag:s17] =	ssyncadd.s32 $0xFFFFFB00  }
0xac: {  	[hbm4b:s20+s4] =	stream.linear.scatter [tilespmem:s5], [sflag:$0x7], $0x500, $0x38;
	[tilespmem:$0x1D9B0] =	vst v63  }
0xad: {  	_ =	swait.ge [sflag:s17], $0x500  }
0xae: {  	s6 =	sld [smem:$0x7ED]  }
0xaf: {  	[sflag:s17] =	ssyncset.done $0x0  }
0xb0: {  	[sflag:s17] =	ssyncadd.s32 $0xFFFFFB00  }
0xb1: {  	[tilespmem:s16], [sflag:$0x7] =	stream.linear.gather [spmem:s6], $0x2800, $0x38;
	[tilespmem:$0x1D9B0] =	vst v63  }
0xb2: {  	_ =	swait.ge [sflag:s17], $0x2800  }
0xb3: {  	[sflag:s17] =	ssyncset.done $0x0  }
0xb4: {  	s19 =	rddreg [dreg:$0xa];
	[sflag:s17] =	ssyncadd.s32 $0xFFFFD800  }
0xb5: {  	[hbm4b:s19+s4] =	stream.linear.scatter [tilespmem:s16], [sflag:$0x7], $0x2800, $0x38;
	[tilespmem:$0x1D9B0] =	vst v63  }
0xb6: {  	_ =	swait.ge [sflag:s17], $0x2800  }
0xb7: {  	s20 =	sld [smem:$0x7EE]  }
0xb8: {  	[sflag:s17] =	ssyncset.done $0x0  }
0xb9: {  	[sflag:s17] =	ssyncadd.s32 $0xFFFFD800  }
0xba: {  	[tilespmem:s5], [sflag:$0x7] =	stream.linear.gather [spmem:s20], $0x500, $0x38;
	[tilespmem:$0x1D9B0] =	vst v63  }
0xbb: {  	_ =	swait.ge [sflag:s17], $0x500  }
0xbc: {  	[sflag:s17] =	ssyncset.done $0x0  }
0xbd: {  	s6 =	rddreg [dreg:$0x12];
	[sflag:s17] =	ssyncadd.s32 $0xFFFFFB00  }
0xbe: {  	[hbm4b:s6+s4] =	stream.linear.scatter [tilespmem:s5], [sflag:$0x7], $0x500, $0x38;
	[tilespmem:$0x1D9B0] =	vst v63  }
0xbf: {  	_ =	swait.ge [sflag:s17], $0x500  }
0xc0: {  	s19 =	sld [smem:$0x7EF]  }
0xc1: {  	[sflag:s17] =	ssyncset.done $0x0  }
0xc2: {  	[sflag:s17] =	ssyncadd.s32 $0xFFFFFB00  }
0xc3: {  	[tilespmem:s16], [sflag:$0x7] =	stream.linear.gather [spmem:s19], $0x2800, $0x38;
	[tilespmem:$0x1D9B0] =	vst v63  }
0xc4: {  	_ =	swait.ge [sflag:s17], $0x2800  }
0xc5: {  	[sflag:s17] =	ssyncset.done $0x0  }
0xc6: {  	s20 =	rddreg [dreg:$0xb];
	[sflag:s17] =	ssyncadd.s32 $0xFFFFD800  }
0xc7: {  	[hbm4b:s20+s4] =	stream.linear.scatter [tilespmem:s16], [sflag:$0x7], $0x2800, $0x38;
	[tilespmem:$0x1D9B0] =	vst v63  }
0xc8: {  	_ =	swait.ge [sflag:s17], $0x2800  }
0xc9: {  	s19 =	sld [smem:$0x7FD]  }
0xca: {  	[sflag:s17] =	ssyncset.done $0x0  }
0xcb: {  	[sflag:s17] =	ssyncadd.s32 $0xFFFFD800  }
0xcc: {  	[tilespmem:s5], [sflag:$0x7] =	stream.linear.gather [spmem:s19], $0x500, $0x38;
	[tilespmem:$0x1D9B0] =	vst v63  }
0xcd: {  	_ =	swait.ge [sflag:s17], $0x500  }
0xce: {  	[sflag:s17] =	ssyncset.done $0x0  }
0xcf: {  	s6 =	rddreg [dreg:$0x13];
	[sflag:s17] =	ssyncadd.s32 $0xFFFFFB00  }
0xd0: {  	[hbm4b:s6+s4] =	stream.linear.scatter [tilespmem:s5], [sflag:$0x7], $0x500, $0x38;
	[tilespmem:$0x1D9B0] =	vst v63  }
0xd1: {  	_ =	swait.ge [sflag:s17], $0x500  }
0xd2: {  	[sflag:s17] =	ssyncset.done $0x0  }
0xd3: {  	[sflag:s17] =	ssyncadd.s32 $0xFFFFFB00  }
0xd4: {  	[tilespmem:$0x7020] =	vst v10  }
0xd5: {  	[tilespmem:$0x7030] =	vst v0  }
0xd6: {  	[tilespmem:$0x7040] =	vst v0  }
0xd7: {  	[tilespmem:$0x7050] =	vst v0  }
0xd8: {  	[tilespmem:$0x7060] =	vst v0  }
0xd9: {  	s20 =	sld [smem:$0x7FB];
	[tilespmem:$0x7070] =	vst v0  }
0xda: {  	[tilespmem:$0x7080] =	vst v0  }
0xdb: {  	[tilespmem:$0x7090] =	vst v0  }
0xdc: {  	[hbm4b:s20+s4] =	stream.linear.scatter [tilespmem:s5], [sflag:$0x7], $0x80, $0x38;
	[tilespmem:$0x1D9B0] =	vst v63  }
0xdd: {  	_ =	swait.ge [sflag:s17], $0x80  }
0xde: {  	s6 =	sld [smem:$0x7EC]  }
0xdf: {  	s20 =	sld [smem:$0x7FC];
	_ =	sdelay $0x1  }
0xe0: {  	s5 =	sadd.s32 $0x1, s6  }
0xe1: {  	p0 =	sne.s32 s5, s20  }
.Ltmp1:
0xe2: {  	_ = 	snop;
	(pc) =	sbr.rel @!p0 .LBB2_19-.Ltmp1, $3  }
0xe3: {  	_ =	sdelay $0x1  }
0xe4: {  	[sflag:s17] =	ssyncset.done $0x0  }
0xe5: {  	[sflag:s17] =	ssyncadd.s32 $0xFFFFFF80  }
.LBB2_1:
0xe6: {  	s1 =	simm.s32 $0x2060  }
0xe7: {  	[tilespmem:s1+$0xFFFFFFC0] =	vst v0  }
0xe8: {  	[tilespmem:s1+$0x30] =	vst v0  }
0xe9: {  	[tilespmem:s1+$0x20] =	vst v0  }
0xea: {  	[tilespmem:s1+$0x10] =	vst v0  }
0xeb: {  	[tilespmem:s1+$0x0] =	vst v0  }
0xec: {  	[tilespmem:s1+$0xFFFFFFF0] =	vst v0  }
0xed: {  	[smem:$0x7EC] =	sst s5;
	s5 =	simm.s32 $0x0;
	[tilespmem:s1+$0xFFFFFFE0] =	vst v0  }
.LBB2_2:
0xee: {  	s5 =	sadd.s32 $0x8, s5;
	[tilespmem:s1+$0xFFFFFFD0] =	vst v0;
	s1 =	sadd.s32 $0x80, s1  }
0xef: {  	[tilespmem:s1+$0xFFFFFFC0] =	vst v0;
	p0 =	slt.u32 s5, $0x278  }
0xf0: {  	[tilespmem:s1+$0x30] =	vst v0  }
.Ltmp2:
0xf1: {  	[tilespmem:s1+$0x20] =	vst v0;
	(pc) =	sbr.rel @p0 .LBB2_2-.Ltmp2, $4  }
0xf2: {  	[tilespmem:s1+$0x10] =	vst v0  }
0xf3: {  	[tilespmem:s1+$0x0] =	vst v0  }
0xf4: {  	[tilespmem:s1+$0xFFFFFFF0] =	vst v0  }
0xf5: {  	[tilespmem:s1+$0xFFFFFFE0] =	vst v0  }
0xf6: {  	[tilespmem:s1+$0xFFFFFFD0] =	vst v0;
	v10 =	vimm.f32 $0.0e+00  }
0xf7: {  	[tilespmem:$0x7020] =	vst v10  }
0xf8: {  	[tilespmem:$0x7030] =	vst v10  }
0xf9: {  	[tilespmem:$0x7040] =	vst v10  }
0xfa: {  	[tilespmem:$0x7050] =	vst v10  }
0xfb: {  	[tilespmem:$0x7060] =	vst v10  }
0xfc: {  	[tilespmem:$0x7070] =	vst v10  }
0xfd: {  	[tilespmem:$0x7080] =	vst v10  }
0xfe: {  	[tilespmem:$0x7090] =	vst v10  }
0xff: {  	[tilespmem:$0x70A0] =	vst v10  }
0x100: {  	[tilespmem:$0x70B0] =	vst v10  }
0x101: {  	[tilespmem:$0x70C0] =	vst v10  }
0x102: {  	[tilespmem:$0x70D0] =	vst v10  }
0x103: {  	[tilespmem:$0x70E0] =	vst v10  }
0x104: {  	[tilespmem:$0x70F0] =	vst v10  }
0x105: {  	[tilespmem:$0x7100] =	vst v10  }
0x106: {  	[tilespmem:$0x7110] =	vst v10  }
0x107: {  	[tilespmem:$0x7120] =	vst v10  }
0x108: {  	[tilespmem:$0x7130] =	vst v10  }
0x109: {  	[tilespmem:$0x7140] =	vst v10  }
0x10a: {  	[tilespmem:$0x7150] =	vst v10  }
0x10b: {  	[tilespmem:$0x7160] =	vst v10  }
0x10c: {  	[tilespmem:$0x7170] =	vst v10  }
0x10d: {  	[tilespmem:$0x7180] =	vst v10  }
0x10e: {  	[tilespmem:$0x7190] =	vst v10  }
0x10f: {  	[tilespmem:$0x71A0] =	vst v10  }
0x110: {  	[tilespmem:$0x71B0] =	vst v10  }
0x111: {  	[tilespmem:$0x71C0] =	vst v10  }
0x112: {  	[tilespmem:$0x71D0] =	vst v10  }
0x113: {  	[tilespmem:$0x71E0] =	vst v10  }
0x114: {  	[tilespmem:$0x71F0] =	vst v10  }
0x115: {  	[tilespmem:$0x7200] =	vst v10  }
0x116: {  	[tilespmem:$0x7210] =	vst v10  }
0x117: {  	[tilespmem:$0x7220] =	vst v10  }
0x118: {  	[tilespmem:$0x7230] =	vst v10  }
0x119: {  	[tilespmem:$0x7240] =	vst v10  }
0x11a: {  	[tilespmem:$0x7250] =	vst v10  }
0x11b: {  	[tilespmem:$0x7260] =	vst v10  }
0x11c: {  	[tilespmem:$0x7270] =	vst v10  }
0x11d: {  	[tilespmem:$0x7280] =	vst v10  }
0x11e: {  	[tilespmem:$0x7290] =	vst v10  }
0x11f: {  	[tilespmem:$0x72A0] =	vst v10  }
0x120: {  	[tilespmem:$0x72B0] =	vst v10  }
0x121: {  	[tilespmem:$0x72C0] =	vst v10  }
0x122: {  	[tilespmem:$0x72D0] =	vst v10  }
0x123: {  	[tilespmem:$0x72E0] =	vst v10  }
0x124: {  	[tilespmem:$0x72F0] =	vst v10  }
0x125: {  	[tilespmem:$0x7300] =	vst v10  }
0x126: {  	[tilespmem:$0x7310] =	vst v10  }
0x127: {  	[tilespmem:$0x7320] =	vst v10  }
0x128: {  	[tilespmem:$0x7330] =	vst v10  }
0x129: {  	[tilespmem:$0x7340] =	vst v10  }
0x12a: {  	[tilespmem:$0x7350] =	vst v10  }
0x12b: {  	[tilespmem:$0x7360] =	vst v10  }
0x12c: {  	[tilespmem:$0x7370] =	vst v10  }
0x12d: {  	[tilespmem:$0x7380] =	vst v10  }
0x12e: {  	[tilespmem:$0x7390] =	vst v10  }
0x12f: {  	[tilespmem:$0x73A0] =	vst v10  }
0x130: {  	[tilespmem:$0x73B0] =	vst v10  }
0x131: {  	[tilespmem:$0x73C0] =	vst v10  }
0x132: {  	[tilespmem:$0x73D0] =	vst v10  }
0x133: {  	[tilespmem:$0x73E0] =	vst v10  }
0x134: {  	[tilespmem:$0x73F0] =	vst v10  }
0x135: {  	[tilespmem:$0x7400] =	vst v10  }
0x136: {  	[tilespmem:$0x7410] =	vst v10  }
0x137: {  	[tilespmem:$0x7420] =	vst v10  }
0x138: {  	[tilespmem:$0x7430] =	vst v10  }
0x139: {  	[tilespmem:$0x7440] =	vst v10  }
0x13a: {  	[tilespmem:$0x7450] =	vst v10  }
0x13b: {  	[tilespmem:$0x7460] =	vst v10  }
0x13c: {  	[tilespmem:$0x7470] =	vst v10  }
0x13d: {  	[tilespmem:$0x7480] =	vst v10  }
0x13e: {  	[tilespmem:$0x7490] =	vst v10  }
0x13f: {  	[tilespmem:$0x74A0] =	vst v10  }
0x140: {  	[tilespmem:$0x74B0] =	vst v10  }
0x141: {  	[tilespmem:$0x74C0] =	vst v10  }
0x142: {  	[tilespmem:$0x74D0] =	vst v10  }
0x143: {  	[tilespmem:$0x74E0] =	vst v10  }
0x144: {  	[tilespmem:$0x74F0] =	vst v10  }
0x145: {  	[tilespmem:$0x7500] =	vst v10  }
0x146: {  	[tilespmem:$0x7510] =	vst v10  }
0x147: {  	[spmem:s2] =	stream.linear.scatter [tilespmem:s16], [sflag:$0x7], $0x2800, $0x38;
	[tilespmem:$0x1D9B0] =	vst v63  }
0x148: {  	_ =	swait.ge [sflag:s17], $0x2800  }
0x149: {  	[sflag:s17] =	ssyncset.done $0x0  }
0x14a: {  	s5 =	simm.s32 $0x7020;
	[sflag:s17] =	ssyncadd.s32 $0xFFFFD800  }
0x14b: {  	[spmem:s11] =	stream.linear.scatter [tilespmem:s5], [sflag:$0x7], $0x500, $0x38;
	[tilespmem:$0x1D9B0] =	vst v63  }
0x14c: {  	_ =	swait.ge [sflag:s17], $0x500  }
0x14d: {  	[sflag:s17] =	ssyncset.done $0x0  }
0x14e: {  	[sflag:s17] =	ssyncadd.s32 $0xFFFFFB00  }
0x14f: {  	[spmem:s12] =	stream.linear.scatter [tilespmem:s16], [sflag:$0x7], $0x2800, $0x38;
	[tilespmem:$0x1D9B0] =	vst v63  }
0x150: {  	_ =	swait.ge [sflag:s17], $0x2800  }
0x151: {  	[sflag:s17] =	ssyncset.done $0x0  }
0x152: {  	[sflag:s17] =	ssyncadd.s32 $0xFFFFD800  }
0x153: {  	[spmem:s13] =	stream.linear.scatter [tilespmem:s5], [sflag:$0x7], $0x500, $0x38;
	[tilespmem:$0x1D9B0] =	vst v63  }
0x154: {  	_ =	swait.ge [sflag:s17], $0x500  }
0x155: {  	[sflag:s17] =	ssyncset.done $0x0  }
0x156: {  	[sflag:s17] =	ssyncadd.s32 $0xFFFFFB00  }
0x157: {  	[spmem:s14] =	stream.linear.scatter [tilespmem:s16], [sflag:$0x7], $0x2800, $0x38;
	[tilespmem:$0x1D9B0] =	vst v63  }
0x158: {  	_ =	swait.ge [sflag:s17], $0x2800  }
0x159: {  	[sflag:s17] =	ssyncset.done $0x0  }
0x15a: {  	[sflag:s17] =	ssyncadd.s32 $0xFFFFD800  }
0x15b: {  	[spmem:s28] =	stream.linear.scatter [tilespmem:s5], [sflag:$0x7], $0x500, $0x38;
	[tilespmem:$0x1D9B0] =	vst v63  }
0x15c: {  	_ =	swait.ge [sflag:s17], $0x500  }
0x15d: {  	[sflag:s17] =	ssyncset.done $0x0  }
0x15e: {  	[sflag:s17] =	ssyncadd.s32 $0xFFFFFB00  }
0x15f: {  	[spmem:s31] =	stream.linear.scatter [tilespmem:s16], [sflag:$0x7], $0x2800, $0x38;
	[tilespmem:$0x1D9B0] =	vst v63  }
0x160: {  	_ =	swait.ge [sflag:s17], $0x2800  }
0x161: {  	[sflag:s17] =	ssyncset.done $0x0  }
0x162: {  	s12 =	rddreg [dreg:$0x1b];
	[sflag:s17] =	ssyncadd.s32 $0xFFFFD800  }
0x163: {  	[spmem:s12] =	stream.linear.scatter [tilespmem:s5], [sflag:$0x7], $0x500, $0x38;
	[tilespmem:$0x1D9B0] =	vst v63  }
0x164: {  	_ =	swait.ge [sflag:s17], $0x500  }
0x165: {  	[sflag:s17] =	ssyncset.done $0x0  }
0x166: {  	s13 =	rddreg [dreg:$0x1c];
	[sflag:s17] =	ssyncadd.s32 $0xFFFFFB00  }
0x167: {  	[spmem:s13] =	stream.linear.scatter [tilespmem:s16], [sflag:$0x7], $0x2800, $0x38;
	[tilespmem:$0x1D9B0] =	vst v63  }
0x168: {  	_ =	swait.ge [sflag:s17], $0x2800  }
0x169: {  	[sflag:s17] =	ssyncset.done $0x0  }
0x16a: {  	s14 =	rddreg [dreg:$0x1d];
	[sflag:s17] =	ssyncadd.s32 $0xFFFFD800  }
0x16b: {  	[spmem:s14] =	stream.linear.scatter [tilespmem:s5], [sflag:$0x7], $0x500, $0x38;
	[tilespmem:$0x1D9B0] =	vst v63  }
0x16c: {  	_ =	swait.ge [sflag:s17], $0x500  }
0x16d: {  	[sflag:s17] =	ssyncset.done $0x0  }
0x16e: {  	s20 =	rddreg [dreg:$0x1e];
	[sflag:s17] =	ssyncadd.s32 $0xFFFFFB00  }
0x16f: {  	[spmem:s20] =	stream.linear.scatter [tilespmem:s16], [sflag:$0x7], $0x2800, $0x38;
	[tilespmem:$0x1D9B0] =	vst v63  }
0x170: {  	_ =	swait.ge [sflag:s17], $0x2800  }
0x171: {  	[sflag:s17] =	ssyncset.done $0x0  }
0x172: {  	s31 =	rddreg [dreg:$0x1f];
	[sflag:s17] =	ssyncadd.s32 $0xFFFFD800  }
0x173: {  	[spmem:s31] =	stream.linear.scatter [tilespmem:s5], [sflag:$0x7], $0x500, $0x38;
	[tilespmem:$0x1D9B0] =	vst v63  }
0x174: {  	_ =	swait.ge [sflag:s17], $0x500  }
0x175: {  	s2 =	sld [smem:$0x7ED]  }
0x176: {  	[sflag:s17] =	ssyncset.done $0x0  }
0x177: {  	[sflag:s17] =	ssyncadd.s32 $0xFFFFFB00  }
0x178: {  	[spmem:s2] =	stream.linear.scatter [tilespmem:s16], [sflag:$0x7], $0x2800, $0x38;
	[tilespmem:$0x1D9B0] =	vst v63  }
0x179: {  	_ =	swait.ge [sflag:s17], $0x2800  }
0x17a: {  	s6 =	sld [smem:$0x7EE]  }
0x17b: {  	[sflag:s17] =	ssyncset.done $0x0  }
0x17c: {  	[sflag:s17] =	ssyncadd.s32 $0xFFFFD800  }
0x17d: {  	[spmem:s6] =	stream.linear.scatter [tilespmem:s5], [sflag:$0x7], $0x500, $0x38;
	[tilespmem:$0x1D9B0] =	vst v63  }
0x17e: {  	_ =	swait.ge [sflag:s17], $0x500  }
0x17f: {  	s11 =	sld [smem:$0x7EF]  }
0x180: {  	[sflag:s17] =	ssyncset.done $0x0  }
0x181: {  	[sflag:s17] =	ssyncadd.s32 $0xFFFFFB00  }
0x182: {  	[spmem:s11] =	stream.linear.scatter [tilespmem:s16], [sflag:$0x7], $0x2800, $0x38;
	[tilespmem:$0x1D9B0] =	vst v63  }
0x183: {  	_ =	swait.ge [sflag:s17], $0x2800  }
0x184: {  	[sflag:s17] =	ssyncset.done $0x0  }
0x185: {  	[sflag:s17] =	ssyncadd.s32 $0xFFFFD800  }
0x186: {  	[spmem:s19] =	stream.linear.scatter [tilespmem:s5], [sflag:$0x7], $0x500, $0x38;
	[tilespmem:$0x1D9B0] =	vst v63  }
0x187: {  	_ =	swait.ge [sflag:s17], $0x500  }
0x188: {  	[sflag:s17] =	ssyncset.done $0x0  }
0x189: {  	[sflag:s17] =	ssyncadd.s32 $0xFFFFFB00  }
0x18a: {  	[bflag:$0x0] =	sbarrier.arrive $0xFFFF  }
0x18b: {  	s12 =	sld [smem:$0x7F0];
	_ =	sdelay $0x1  }
0x18c: {  	s1 =	simm.s32 $0x0;
	s13 =	sld [smem:$0x7F1]  }
0x18d: {  	[tilespmem:s1], [sflag:$0x1] =	stream.linear.gather [hbm4b:s12+s1], $0x50, $0x38;
	[tilespmem:$0x1D9B0] =	vst v63  }
0x18e: {  	s14 =	sld [smem:$0x7F2]  }
0x18f: {  	[tilespmem:s15], [sflag:$0x1] =	stream.linear.gather [hbm4b:s13+s1], $0x50, $0x38;
	[tilespmem:$0x1D9B0] =	vst v63  }
0x190: {  	s6 =	simm.s32 $0x220  }
0x191: {  	[tilespmem:s6], [sflag:$0x1] =	stream.linear.gather [hbm4b:s14+s1], $0x500, $0x38;
	[tilespmem:$0x1D9B0] =	vst v63  }
0x192: {  	_ =	swait.ge [sflag:s29], $0x50  }
0x193: {  	[sflag:s29] =	ssyncset.done $0x0  }
0x194: {  	[sflag:s29] =	ssyncadd.s32 $0xFFFFFFB0  }
0x195: {  	_ =	swait.ge [sflag:s29], $0x50  }
0x196: {  	[sflag:s29] =	ssyncset.done $0x0  }
0x197: {  	[sflag:s29] =	ssyncadd.s32 $0xFFFFFFB0  }
0x198: {  	_ =	swait.ge [sflag:s29], $0x500  }
0x199: {  	s19 =	sld [smem:$0x7F3]  }
0x19a: {  	[sflag:s29] =	ssyncset.done $0x0  }
0x19b: {  	s20 =	simm.s32 $0x60;
	s31 =	sld [smem:$0x7F4];
	[sflag:s29] =	ssyncadd.s32 $0xFFFFFB00  }
0x19c: {  	[tilespmem:s20], [sflag:$0x2] =	stream.linear.gather [hbm4b:s19+s1], $0x50, $0x38;
	[tilespmem:$0x1D9B0] =	vst v63  }
0x19d: {  	s2 =	simm.s32 $0x120;
	s6 =	sld [smem:$0x7F5]  }
0x19e: {  	[tilespmem:s2], [sflag:$0x2] =	stream.linear.gather [hbm4b:s31+s1], $0x50, $0x38;
	[tilespmem:$0x1D9B0] =	vst v63  }
0x19f: {  	s11 =	simm.s32 $0x720  }
0x1a0: {  	[tilespmem:s11], [sflag:$0x2] =	stream.linear.gather [hbm4b:s6+s1], $0x500, $0x38;
	[tilespmem:$0x1D9B0] =	vst v63  }
0x1a1: {  	s12 =	simm.s32 $0xC20  }
0x1a2: {  	[tilespmem:s12], [sflag:$0x3] =	stream.indirect.gather [hbm4b:s24+s30], $0x10, s1, s30, $0xb8;
	[tilespmem:$0x1D9B0] =	vst v63  }
0x1a3: {  	s13 =	simm.s32 $0x1620  }
0x1a4: {  	[tilespmem:s13], [sflag:$0x3] =	stream.indirect.gather [hbm4b:s25+s30], $0x10, s15, s30, $0xb8;
	[tilespmem:$0x1D9B0] =	vst v63  }
0x1a5: {  	_ = 	snop  }
0x1a6: {  	[tilespmem:s16], [sflag:$0x3] =	stream.indirect.gather [hbm4b:s26+s30], $0x80, s1, s30, $0xb8;
	[tilespmem:$0x1D9B0] =	vst v63  }
0x1a7: {  	_ =	swait.ge [sflag:s0], $0x500  }
0x1a8: {  	[sflag:s0] =	ssyncset.done $0x0  }
0x1a9: {  	[sflag:s0] =	ssyncadd.s32 $0xFFFFFB00  }
0x1aa: {  	_ =	swait.ge [sflag:s0], $0x500  }
0x1ab: {  	[sflag:s0] =	ssyncset.done $0x0  }
0x1ac: {  	[sflag:s0] =	ssyncadd.s32 $0xFFFFFB00  }
0x1ad: {  	_ =	swait.ge [sflag:s0], $0x2800  }
0x1ae: {  	[sflag:s0] =	ssyncset.done $0x0  }
0x1af: {  	s6 =	simm.s32 $0x1640;
	[sflag:s0] =	ssyncadd.s32 $0xFFFFD800  }
0x1b0: {  	s14 =	sand.u32 $0x780, s1;
	s12 =	simm.s32 $0xC40;
	v11 =	vld [tilespmem:s6+$0xFFFFFFE0]  }
0x1b1: {  	s19 =	sadd.s32 $0x220, s14;
	s1 =	sand.u32 $0x40, s1;
	v12 =	vld [tilespmem:s12+$0xFFFFFFE0]  }
0x1b2: {  	s1 =	sor.u32 s1, s19  }
0x1b3: {  	v13 =	vld [tilespmem:s1+$0x0];
	_ =	sdelay $0x2  }
0x1b4: {  	v11 =	vadd.f32 v11, v12;
	_ =	sdelay $0x1  }
0x1b5: {  	v11 =	vadd.f32 v13, v11;
	_ =	sdelay $0x1  }
0x1b6: {  	v12 =	vmul.f32 $2.000000030e-01, v11;
	_ =	sdelay $0x1  }
0x1b7: {  	v11 =	vmax.f32 v11, v12  }
0x1b8: {  	v11 =	vmul.f32 $1.442695020e+00, v11;
	_ =	sdelay $0x1  }
0x1b9: {  	(erf) = vpow2.f32 v11;
	_ =	sdelay $0x8  }
0x1ba: {  	s5 =	simm.s32 $0x7040;
	v11 =	vpop (erf)  }
0x1bb: {  	[tilespmem:s5+$0xFFFFFFE0] =	vst v11  }
0x1bc: {  	s20 =	simm.s32 $0x10;
	v12 =	vld [tilespmem:s12+$0xFFFFFFF0]  }
0x1bd: {  	s1 =	sand.u32 $0x50, s20;
	v13 =	vld [tilespmem:s6+$0xFFFFFFF0]  }
0x1be: {  	s1 =	sor.u32 s1, s19  }
0x1bf: {  	v14 =	vld [tilespmem:s1+$0x0];
	_ =	sdelay $0x2  }
0x1c0: {  	v12 =	vadd.f32 v13, v12;
	_ =	sdelay $0x1  }
0x1c1: {  	v12 =	vadd.f32 v14, v12;
	_ =	sdelay $0x1  }
0x1c2: {  	v13 =	vmul.f32 $2.000000030e-01, v12;
	_ =	sdelay $0x1  }
0x1c3: {  	v12 =	vmax.f32 v12, v13  }
0x1c4: {  	v12 =	vmul.f32 $1.442695020e+00, v12;
	_ =	sdelay $0x1  }
0x1c5: {  	(erf) = vpow2.f32 v12;
	_ =	sdelay $0x7  }
0x1c6: {  	s11 =	simm.s32 $0xC2  }
0x1c7: {  	s13 =	simm.s32 $0x2;
	v14 =	vld [tilespmem:s11+$0xFFFFFFFE];
	v13 =	vpop (erf)  }
0x1c8: {  	v12 =	vld [tilespmem:s13+$0xFFFFFFFE];
	[tilespmem:s5+$0xFFFFFFF0] =	vst v13  }
0x1c9: {  	s31 =	simm.s32 $0x20;
	v15 =	vld [tilespmem:s12+$0x0]  }
0x1ca: {  	s1 =	sand.u32 $0x60, s31;
	v16 =	vld [tilespmem:s6+$0x0]  }
0x1cb: {  	s1 =	sadd.s32 s1, s19  }
0x1cc: {  	v17 =	vld [tilespmem:s1+$0x0];
	_ =	sdelay $0x2  }
0x1cd: {  	v15 =	vadd.f32 v16, v15;
	_ =	sdelay $0x1  }
0x1ce: {  	v15 =	vadd.f32 v17, v15;
	_ =	sdelay $0x1  }
0x1cf: {  	v61 =	vmul.f32 $2.000000030e-01, v15;
	_ =	sdelay $0x1  }
0x1d0: {  	v15 =	vmax.f32 v15, v61  }
0x1d1: {  	v15 =	vmul.f32 $1.442695020e+00, v15;
	_ =	sdelay $0x1  }
0x1d2: {  	(erf) = vpow2.f32 v15;
	_ =	sdelay $0x8  }
0x1d3: {  	v15 =	vld [tilespmem:s13+$0xFFFFFFFF];
	v62 =	vpop (erf)  }
0x1d4: {  	v63 =	vld [tilespmem:s11+$0xFFFFFFFF];
	[tilespmem:s5+$0x0] =	vst v62  }
0x1d5: {  	s2 =	simm.s32 $0x30;
	v18 =	vld [tilespmem:s12+$0x10]  }
0x1d6: {  	(v2sf) =	vpush v12, $0x0;
	s1 =	sand.u32 $0x70, s2;
	v12 =	vld [tilespmem:s6+$0x10]  }
0x1d7: {  	(v2sf) =	vpush v14, $0x0;
	s1 =	sadd.s32 s1, s19  }
0x1d8: {  	(v2sf) =	vpush v15, $0x0;
	v14 =	vld [tilespmem:s1+$0x0]  }
0x1d9: {  	(v2sf) =	vpush v63, $0x0;
	_ =	sdelay $0x1  }
0x1da: {  	v12 =	vadd.f32 v12, v18;
	_ =	sdelay $0x1  }
0x1db: {  	v12 =	vadd.f32 v14, v12;
	_ =	sdelay $0x1  }
0x1dc: {  	v14 =	vmul.f32 $2.000000030e-01, v12;
	_ =	sdelay $0x1  }
0x1dd: {  	v12 =	vmax.f32 v12, v14  }
0x1de: {  	v12 =	vmul.f32 $1.442695020e+00, v12;
	_ =	sdelay $0x1  }
0x1df: {  	(erf) = vpow2.f32 v12  }
0x1e0: {  	s14 =	spop (v2sf)  }
0x1e1: {  	s19 =	spop (v2sf)  }
0x1e2: {  	p0 =	seq.s32 s19, $0x6;
	s6 =	simm.f32 $1.000000000e+00;
	s20 =	spop (v2sf)  }
0x1e3: {  	v11 =	vmul.f32 v1, v11;
	p1 =	seq.s32 s14, $0x6;
	s6 =	simm.s32 @!p0 $0x0;
	s31 =	spop (v2sf)  }
0x1e4: {  	s1 =	simm.f32 $1.000000000e+00;
	s6 =	simm.s32 @!p1 $0x0;
	p0 =	seq.s32 s31, $0x6  }
0x1e5: {  	v11 =	vmul.f32 s6, v11;
	p1 =	seq.s32 s20, $0x6;
	s1 =	simm.s32 @!p0 $0x0;
	v12 =	vmul.f32 v1, v13  }
0x1e6: {  	s1 =	simm.s32 @!p1 $0x0  }
0x1e7: {  	v11 =	vadd.f32 v11, v10;
	v12 =	vmul.f32 s1, v12  }
0x1e8: {  	v13 =	vld [tilespmem:s13+$0x0];
	v15 =	vpop (erf)  }
0x1e9: {  	s28 =	simm.s32 $0x40;
	s14 =	simm.s32 $0x0;
	v10 =	vmul.f32 v1, v62;
	v14 =	vld [tilespmem:s11+$0x0];
	s1 =	simm.s32 $0x1680;
	v12 =	vadd.f32 v12, v11;
	[tilespmem:s5+$0x10] =	vst v15;
	v11 =	vmul.f32 v1, v15  }
.LBB2_4:
0x1ea: {  	v15 =	vld [tilespmem:s1+$0xFFFFFFE0];
	s6 =	sand.u32 $0x780, s28;
	s12 =	sadd.s32 $0x40, s12  }
0x1eb: {  	s20 =	sand.u32 $0x40, s28;
	v16 =	vld [tilespmem:s12+$0xFFFFFFE0];
	s6 =	sadd.s32 $0x220, s6  }
0x1ec: {  	s20 =	sor.u32 s20, s6;
	v17 =	vld [tilespmem:s11+$0x1]  }
0x1ed: {  	s14 =	sadd.s32 $0x4, s14;
	v18 =	vld [tilespmem:s20+$0x0];
	(v2sf) =	vpush v13, $0x0  }
0x1ee: {  	p0 =	slt.u32 s14, $0x4C;
	v13 =	vld [tilespmem:s13+$0x1];
	(v2sf) =	vpush v14, $0x0;
	_ =	sdelay $0x1  }
0x1ef: {  	v14 =	vadd.f32 v15, v16  }
0x1f0: {  	(v2sf) =	vpush v17, $0x0  }
0x1f1: {  	v14 =	vadd.f32 v18, v14  }
0x1f2: {  	(v2sf) =	vpush v13, $0x0  }
0x1f3: {  	v13 =	vmul.f32 $2.000000030e-01, v14;
	_ =	sdelay $0x1  }
0x1f4: {  	v13 =	vmax.f32 v14, v13  }
0x1f5: {  	v13 =	vmul.f32 $1.442695020e+00, v13;
	_ =	sdelay $0x1  }
0x1f6: {  	(erf) = vpow2.f32 v13;
	_ =	sdelay $0x2  }
0x1f7: {  	s20 =	spop (v2sf)  }
0x1f8: {  	p1 =	seq.s32 s20, $0x6;
	s20 =	spop (v2sf)  }
0x1f9: {  	p2 =	seq.s32 s20, $0x6;
	s20 =	simm.f32 $1.000000000e+00  }
0x1fa: {  	s20 =	simm.s32 @!p2 $0x0  }
0x1fb: {  	s20 =	simm.s32 @!p1 $0x0;
	s31 =	spop (v2sf)  }
0x1fc: {  	v10 =	vmul.f32 s20, v10;
	p1 =	seq.s32 s31, $0x6;
	s20 =	simm.f32 $1.000000000e+00  }
0x1fd: {  	s5 =	sadd.s32 $0x40, s5;
	v13 =	vpop (erf);
	s20 =	simm.s32 @!p1 $0x0;
	s31 =	spop (v2sf)  }
0x1fe: {  	[tilespmem:s5+$0xFFFFFFE0] =	vst v13;
	v13 =	vmul.f32 v1, v13;
	v10 =	vadd.f32 v10, v12;
	p1 =	seq.s32 s31, $0x6  }
0x1ff: {  	s31 =	sadd.s32 $0x10, s28;
	v12 =	vld [tilespmem:s12+$0xFFFFFFF0];
	s20 =	simm.s32 @!p1 $0x0  }
0x200: {  	s31 =	sand.u32 $0x50, s31;
	v14 =	vld [tilespmem:s1+$0xFFFFFFF0];
	v11 =	vmul.f32 s20, v11  }
0x201: {  	s20 =	sor.u32 s31, s6  }
0x202: {  	v15 =	vld [tilespmem:s20+$0x0];
	v10 =	vadd.f32 v11, v10;
	_ =	sdelay $0x2  }
0x203: {  	v11 =	vadd.f32 v14, v12;
	_ =	sdelay $0x1  }
0x204: {  	v11 =	vadd.f32 v15, v11;
	_ =	sdelay $0x1  }
0x205: {  	v12 =	vmul.f32 $2.000000030e-01, v11;
	_ =	sdelay $0x1  }
0x206: {  	v11 =	vmax.f32 v11, v12  }
0x207: {  	v11 =	vmul.f32 $1.442695020e+00, v11;
	_ =	sdelay $0x1  }
0x208: {  	(erf) = vpow2.f32 v11;
	_ =	sdelay $0x7  }
0x209: {  	s13 =	sadd.s32 $0x4, s13  }
0x20a: {  	s11 =	sadd.s32 $0x4, s11;
	v11 =	vld [tilespmem:s13+$0xFFFFFFFE];
	v12 =	vpop (erf)  }
0x20b: {  	v14 =	vld [tilespmem:s11+$0xFFFFFFFE];
	[tilespmem:s5+$0xFFFFFFF0] =	vst v12;
	v12 =	vmul.f32 v1, v12  }
0x20c: {  	s20 =	sadd.s32 $0x20, s28;
	v15 =	vld [tilespmem:s12+$0x0]  }
0x20d: {  	s20 =	sand.u32 $0x60, s20;
	v16 =	vld [tilespmem:s1+$0x0]  }
0x20e: {  	s20 =	sadd.s32 s20, s6  }
0x20f: {  	v17 =	vld [tilespmem:s20+$0x0];
	(v2sf) =	vpush v11, $0x0  }
0x210: {  	(v2sf) =	vpush v14, $0x0;
	_ =	sdelay $0x1  }
0x211: {  	v11 =	vadd.f32 v16, v15;
	_ =	sdelay $0x1  }
0x212: {  	v11 =	vadd.f32 v17, v11;
	_ =	sdelay $0x1  }
0x213: {  	v14 =	vmul.f32 $2.000000030e-01, v11;
	_ =	sdelay $0x1  }
0x214: {  	v11 =	vmax.f32 v11, v14  }
0x215: {  	v11 =	vmul.f32 $1.442695020e+00, v11;
	_ =	sdelay $0x1  }
0x216: {  	(erf) = vpow2.f32 v11;
	_ =	sdelay $0x2  }
0x217: {  	s20 =	spop (v2sf)  }
0x218: {  	p1 =	seq.s32 s20, $0x6;
	s20 =	spop (v2sf)  }
0x219: {  	p2 =	seq.s32 s20, $0x6;
	s20 =	simm.f32 $1.000000000e+00  }
0x21a: {  	s20 =	simm.s32 @!p2 $0x0  }
0x21b: {  	s20 =	simm.s32 @!p1 $0x0  }
0x21c: {  	v11 =	vmul.f32 s20, v13  }
0x21d: {  	v13 =	vld [tilespmem:s13+$0xFFFFFFFF];
	v14 =	vpop (erf)  }
0x21e: {  	v11 =	vadd.f32 v11, v10;
	v15 =	vld [tilespmem:s11+$0xFFFFFFFF];
	[tilespmem:s5+$0x0] =	vst v14;
	v10 =	vmul.f32 v1, v14  }
0x21f: {  	s20 =	sadd.s32 $0x30, s28;
	v14 =	vld [tilespmem:s12+$0x10]  }
0x220: {  	s20 =	sand.u32 $0x70, s20;
	v16 =	vld [tilespmem:s1+$0x10]  }
0x221: {  	s6 =	sadd.s32 s20, s6  }
0x222: {  	v17 =	vld [tilespmem:s6+$0x0];
	(v2sf) =	vpush v13, $0x0  }
0x223: {  	(v2sf) =	vpush v15, $0x0;
	_ =	sdelay $0x1  }
0x224: {  	v13 =	vadd.f32 v16, v14;
	_ =	sdelay $0x1  }
0x225: {  	v13 =	vadd.f32 v17, v13;
	_ =	sdelay $0x1  }
0x226: {  	v14 =	vmul.f32 $2.000000030e-01, v13;
	_ =	sdelay $0x1  }
0x227: {  	v13 =	vmax.f32 v13, v14  }
0x228: {  	v13 =	vmul.f32 $1.442695020e+00, v13;
	_ =	sdelay $0x1  }
0x229: {  	(erf) = vpow2.f32 v13;
	_ =	sdelay $0x2  }
0x22a: {  	s6 =	spop (v2sf)  }
0x22b: {  	p1 =	seq.s32 s6, $0x6;
	s6 =	spop (v2sf)  }
0x22c: {  	p2 =	seq.s32 s6, $0x6;
	s6 =	simm.f32 $1.000000000e+00  }
.Ltmp3:
0x22d: {  	s6 =	simm.s32 @!p2 $0x0;
	(pc) =	sbr.rel @p0 .LBB2_4-.Ltmp3, $4  }
0x22e: {  	s6 =	simm.s32 @!p1 $0x0  }
0x22f: {  	v12 =	vmul.f32 s6, v12  }
0x230: {  	v13 =	vld [tilespmem:s13+$0x0];
	v15 =	vpop (erf)  }
0x231: {  	s28 =	sadd.s32 $0x40, s28;
	s1 =	sadd.s32 $0x40, s1;
	v12 =	vadd.f32 v12, v11;
	v14 =	vld [tilespmem:s11+$0x0];
	[tilespmem:s5+$0x10] =	vst v15;
	v11 =	vmul.f32 v1, v15  }
0x232: {  	v15 =	vld [tilespmem:s11+$0x1]  }
0x233: {  	v16 =	vld [tilespmem:s13+$0x1];
	_ =	sdelay $0x1  }
0x234: {  	(v2sf) =	vpush v13, $0x0  }
0x235: {  	(v2sf) =	vpush v14, $0x0  }
0x236: {  	(v2sf) =	vpush v15, $0x0  }
0x237: {  	(v2sf) =	vpush v16, $0x0;
	_ =	sdelay $0xb  }
0x238: {  	s1 =	spop (v2sf)  }
0x239: {  	s5 =	spop (v2sf)  }
0x23a: {  	s6 =	spop (v2sf)  }
0x23b: {  	s2 =	simm.s32 $0x2;
	s13 =	spop (v2sf)  }
0x23c: {  	_ =	swait.ge [sflag:s2], $0x50  }
0x23d: {  	[sflag:s2] =	ssyncset.done $0x0  }
0x23e: {  	[sflag:s2] =	ssyncadd.s32 $0xFFFFFFB0  }
0x23f: {  	_ =	swait.ge [sflag:s2], $0x50  }
0x240: {  	s14 =	simm.s32 $0x60;
	s19 =	simm.s32 $0x1120;
	[sflag:s2] =	ssyncset.done $0x0  }
0x241: {  	s20 =	simm.s32 $0x120;
	s28 =	simm.s32 $0x1B20;
	[sflag:s2] =	ssyncadd.s32 $0xFFFFFFB0  }
0x242: {  	p1 =	seq.s32 s1, $0x6;
	s1 =	simm.f32 $1.000000000e+00;
	_ =	swait.ge [sflag:s2], $0x500  }
0x243: {  	p0 =	seq.s32 s5, $0x6;
	s5 =	simm.f32 $1.000000000e+00;
	[sflag:s2] =	ssyncset.done $0x0  }
0x244: {  	s5 =	simm.s32 @!p0 $0x0;
	p0 =	seq.s32 s6, $0x6;
	[sflag:s2] =	ssyncadd.s32 $0xFFFFFB00  }
0x245: {  	[tilespmem:s19], [sflag:$0x4] =	stream.indirect.gather [hbm4b:s24+s30], $0x10, s14, s30, $0xb8;
	[tilespmem:$0x1D9B0] =	vst v63  }
0x246: {  	s5 =	simm.s32 @!p1 $0x0;
	s1 =	simm.s32 @!p0 $0x0;
	p0 =	seq.s32 s13, $0x6  }
0x247: {  	v10 =	vmul.f32 s5, v10;
	[tilespmem:s28], [sflag:$0x4] =	stream.indirect.gather [hbm4b:s25+s30], $0x10, s20, s30, $0xb8;
	[tilespmem:$0x1D9B0] =	vst v63  }
0x248: {  	s31 =	simm.s32 $0x4820;
	s6 =	simm.s32 $0x20A0;
	s1 =	simm.s32 @!p0 $0x0  }
0x249: {  	v10 =	vadd.f32 v10, v12;
	v12 =	vmul.f32 s1, v11;
	[tilespmem:s31], [sflag:$0x4] =	stream.indirect.gather [hbm4b:s26+s30], $0x80, s14, s30, $0xb8;
	[tilespmem:$0x1D9B0] =	vst v63  }
0x24a: {  	s11 =	simm.s32 $0x7030;
	s12 =	simm.s32 $0x2;
	s13 =	simm.s32 $0x7050;
	v11 =	vld [tilespmem:s6+$0xFFFFFFB0]  }
0x24b: {  	s5 =	simm.s32 $0x21A0;
	s1 =	simm.s32 $0x7050;
	v10 =	vadd.f32 v12, v10;
	s14 =	simm.s32 $0x21A0;
	v12 =	vld [tilespmem:s11+$0xFFFFFFF0]  }
.LBB2_6:
0x24c: {  	_ = 	snop  }
0x24d: {  	s12 =	sadd.s32 $0x2, s12;
	s13 =	sadd.s32 $0x20, s13;
	s14 =	sadd.s32 $0x100, s14;
	v13 =	vld [tilespmem:s6+$0xFFFFFFF0]  }
0x24e: {  	p0 =	slt.u32 s12, $0x4E;
	v14 =	vld [tilespmem:s6+$0xFFFFFFA0]  }
0x24f: {  	v15 =	vld [tilespmem:s6+$0xFFFFFFE0]  }
0x250: {  	v18 =	vld [tilespmem:s6+$0xFFFFFFC0];
	v16 =	vperm.xlane v12, v5;
	v17 =	vperm.xlane v12, v6  }
0x251: {  	v20 =	vperm.xlane v12, v4;
	v21 =	vperm.xlane v12, v9;
	v19 =	vld [tilespmem:s6+$0xFFFFFF90]  }
0x252: {  	v22 =	vperm.xlane v12, v8;
	v11 =	vmul.f32 v11, v16;
	v16 =	vld [tilespmem:s6+$0xFFFFFFD0]  }
0x253: {  	v14 =	vmul.f32 v14, v20;
	v13 =	vmul.f32 v13, v21;
	v23 =	vld [tilespmem:s6+$0xFFFFFF80]  }
0x254: {  	v20 =	vperm.xlane v12, v3;
	[tilespmem:s6+$0xFFFFFFB0] =	vst v11;
	v11 =	vmul.f32 v15, v22  }
0x255: {  	v15 =	vmul.f32 v18, v17;
	v17 =	vperm.xlane v12, v7;
	[tilespmem:s6+$0xFFFFFFF0] =	vst v13  }
0x256: {  	v12 =	vperm.xlane v12, v2;
	v13 =	vmul.f32 v19, v20;
	[tilespmem:s6+$0xFFFFFFE0] =	vst v11  }
0x257: {  	[tilespmem:s6+$0xFFFFFFC0] =	vst v15;
	v11 =	vmul.f32 v16, v17  }
0x258: {  	v12 =	vmul.f32 v23, v12;
	[tilespmem:s6+$0xFFFFFFA0] =	vst v14  }
0x259: {  	[tilespmem:s6+$0xFFFFFFD0] =	vst v11  }
0x25a: {  	[tilespmem:s6+$0xFFFFFF80] =	vst v12  }
0x25b: {  	[tilespmem:s6+$0xFFFFFF90] =	vst v13;
	v12 =	vld [tilespmem:s6+$0x20]  }
0x25c: {  	v13 =	vld [tilespmem:s11+$0x0];
	s11 =	smov.u32 s1;
	s1 =	smov.u32 s13  }
0x25d: {  	v11 =	vld [tilespmem:s5+$0xFFFFFFB0]  }
0x25e: {  	v14 =	vld [tilespmem:s6+$0x10]  }
0x25f: {  	v15 =	vld [tilespmem:s6+$0x30]  }
0x260: {  	v16 =	vld [tilespmem:s6+$0x40]  }
0x261: {  	v17 =	vperm.xlane v13, v3;
	v18 =	vperm.xlane v13, v7;
	v19 =	vld [tilespmem:s6+$0x50]  }
0x262: {  	v20 =	vperm.xlane v13, v4;
	v21 =	vperm.xlane v13, v5;
	v22 =	vld [tilespmem:s6+$0x60]  }
0x263: {  	v23 =	vld [tilespmem:s6+$0x0];
	v14 =	vmul.f32 v14, v17;
	v17 =	vperm.xlane v13, v6  }
0x264: {  	v12 =	vmul.f32 v12, v20;
	v15 =	vmul.f32 v15, v21;
	v20 =	vld [tilespmem:s6+$0x70]  }
0x265: {  	[tilespmem:s6+$0x10] =	vst v14;
	v14 =	vmul.f32 v16, v17;
	v16 =	vperm.xlane v13, v8  }
0x266: {  	v17 =	vperm.xlane v13, v2;
	[tilespmem:s6+$0x20] =	vst v12;
	v12 =	vmul.f32 v19, v18  }
0x267: {  	v13 =	vperm.xlane v13, v9;
	[tilespmem:s6+$0x40] =	vst v14;
	v14 =	vmul.f32 v22, v16  }
0x268: {  	v16 =	vmul.f32 v23, v17;
	[tilespmem:s6+$0x50] =	vst v12  }
.Ltmp4:
0x269: {  	[tilespmem:s6+$0x60] =	vst v14;
	v12 =	vmul.f32 v20, v13;
	(pc) =	sbr.rel @p0 .LBB2_6-.Ltmp4, $4  }
0x26a: {  	[tilespmem:s6+$0x30] =	vst v15  }
0x26b: {  	[tilespmem:s6+$0x70] =	vst v12  }
0x26c: {  	[tilespmem:s6+$0x0] =	vst v16;
	s6 =	smov.u32 s5;
	s5 =	smov.u32 s14  }
0x26d: {  	v12 =	vld [tilespmem:s11+$0xFFFFFFF0]  }
0x26e: {  	_ =	sdelay $0x1  }
0x26f: {  	v13 =	vld [tilespmem:s6+$0xFFFFFFF0]  }
0x270: {  	v17 =	vld [tilespmem:s6+$0xFFFFFFC0]  }
0x271: {  	v15 =	vld [tilespmem:s6+$0xFFFFFFE0];
	v16 =	vperm.xlane v12, v5  }
0x272: {  	v14 =	vld [tilespmem:s6+$0xFFFFFFA0];
	v19 =	vperm.xlane v12, v9  }
0x273: {  	v42 =	vld [tilespmem:s6+$0xFFFFFFD0];
	v21 =	vperm.xlane v12, v6;
	v11 =	vmul.f32 v11, v16  }
0x274: {  	v22 =	vld [tilespmem:s6+$0xFFFFFF80];
	v20 =	vperm.xlane v12, v8;
	v13 =	vmul.f32 v13, v19  }
0x275: {  	v18 =	vld [tilespmem:s6+$0xFFFFFF90];
	v43 =	vperm.xlane v12, v4;
	v44 =	vmul.f32 v17, v21;
	[tilespmem:s6+$0xFFFFFFB0] =	vst v11  }
0x276: {  	v45 =	vperm.xlane v12, v7;
	v11 =	vmul.f32 v15, v20;
	[tilespmem:s6+$0xFFFFFFF0] =	vst v13  }
0x277: {  	v47 =	vperm.xlane v12, v2;
	v46 =	vmul.f32 v14, v43;
	[tilespmem:s6+$0xFFFFFFC0] =	vst v44  }
0x278: {  	v48 =	vmul.f32 v42, v45;
	[tilespmem:s6+$0xFFFFFFE0] =	vst v11;
	v11 =	vperm.xlane v12, v3  }
0x279: {  	v14 =	vmul.f32 v22, v47;
	[tilespmem:s6+$0xFFFFFFA0] =	vst v46  }
0x27a: {  	[tilespmem:s6+$0xFFFFFFD0] =	vst v48;
	v11 =	vmul.f32 v18, v11  }
0x27b: {  	[tilespmem:s6+$0xFFFFFF80] =	vst v14  }
0x27c: {  	[tilespmem:s6+$0xFFFFFF90] =	vst v11  }
0x27d: {  	v11 =	vld [tilespmem:s11+$0x0];
	_ =	sdelay $0x1  }
0x27e: {  	v50 =	vld [tilespmem:s6+$0x10]  }
0x27f: {  	v49 =	vld [tilespmem:s6+$0x20]  }
0x280: {  	v52 =	vld [tilespmem:s6+$0x40]  }
0x281: {  	v54 =	vld [tilespmem:s6+$0x50];
	v53 =	vperm.xlane v11, v3  }
0x282: {  	v56 =	vld [tilespmem:s6+$0x60];
	v55 =	vperm.xlane v11, v4  }
0x283: {  	v51 =	vld [tilespmem:s6+$0x30];
	v58 =	vperm.xlane v11, v6;
	v13 =	vmul.f32 v50, v53  }
0x284: {  	v60 =	vld [tilespmem:s6+$0x70];
	v59 =	vperm.xlane v11, v7;
	v12 =	vmul.f32 v49, v55  }
0x285: {  	v57 =	vld [tilespmem:s6+$0x0];
	v62 =	vperm.xlane v11, v8;
	v61 =	vmul.f32 v52, v58;
	[tilespmem:s6+$0x10] =	vst v13  }
0x286: {  	v63 =	vperm.xlane v11, v5;
	v21 =	vmul.f32 v54, v59;
	[tilespmem:s6+$0x20] =	vst v12  }
0x287: {  	v23 =	vperm.xlane v11, v9;
	v22 =	vmul.f32 v56, v62;
	[tilespmem:s6+$0x40] =	vst v61  }
0x288: {  	v11 =	vperm.xlane v11, v2;
	v14 =	vmul.f32 v51, v63;
	[tilespmem:s6+$0x50] =	vst v21  }
0x289: {  	v24 =	vmul.f32 v60, v23;
	[tilespmem:s6+$0x60] =	vst v22  }
0x28a: {  	v11 =	vmul.f32 v57, v11;
	[tilespmem:s6+$0x30] =	vst v14  }
0x28b: {  	[tilespmem:s6+$0x70] =	vst v24  }
0x28c: {  	[tilespmem:s6+$0x0] =	vst v11  }
0x28d: {  	v11 =	vld [tilespmem:s1+$0xFFFFFFF0];
	_ =	sdelay $0x1  }
0x28e: {  	v25 =	vld [tilespmem:s5+$0xFFFFFFB0]  }
0x28f: {  	v26 =	vld [tilespmem:s5+$0xFFFFFFF0]  }
0x290: {  	v28 =	vld [tilespmem:s5+$0xFFFFFFE0]  }
0x291: {  	v30 =	vld [tilespmem:s5+$0xFFFFFFC0];
	v29 =	vperm.xlane v11, v5  }
0x292: {  	v27 =	vld [tilespmem:s5+$0xFFFFFFA0];
	v32 =	vperm.xlane v11, v9  }
0x293: {  	v33 =	vld [tilespmem:s5+$0xFFFFFFD0];
	v34 =	vperm.xlane v11, v8;
	v12 =	vmul.f32 v25, v29  }
0x294: {  	v36 =	vld [tilespmem:s5+$0xFFFFFF80];
	v35 =	vperm.xlane v11, v6;
	v13 =	vmul.f32 v26, v32  }
0x295: {  	v31 =	vld [tilespmem:s5+$0xFFFFFF90];
	v37 =	vperm.xlane v11, v4;
	v38 =	vmul.f32 v28, v34;
	[tilespmem:s5+$0xFFFFFFB0] =	vst v12  }
0x296: {  	v40 =	vperm.xlane v11, v7;
	v39 =	vmul.f32 v30, v35;
	[tilespmem:s5+$0xFFFFFFF0] =	vst v13  }
0x297: {  	v42 =	vperm.xlane v11, v2;
	v41 =	vmul.f32 v27, v37;
	[tilespmem:s5+$0xFFFFFFE0] =	vst v38  }
0x298: {  	v11 =	vperm.xlane v11, v3;
	v43 =	vmul.f32 v33, v40;
	[tilespmem:s5+$0xFFFFFFC0] =	vst v39  }
0x299: {  	v14 =	vmul.f32 v36, v42;
	[tilespmem:s5+$0xFFFFFFA0] =	vst v41  }
0x29a: {  	v11 =	vmul.f32 v31, v11;
	[tilespmem:s5+$0xFFFFFFD0] =	vst v43  }
0x29b: {  	[tilespmem:s5+$0xFFFFFF80] =	vst v14  }
0x29c: {  	[tilespmem:s5+$0xFFFFFF90] =	vst v11  }
0x29d: {  	v11 =	vld [tilespmem:s1+$0x0];
	_ =	sdelay $0x1  }
0x29e: {  	v45 =	vld [tilespmem:s5+$0x10]  }
0x29f: {  	v44 =	vld [tilespmem:s5+$0x20]  }
0x2a0: {  	v47 =	vld [tilespmem:s5+$0x40]  }
0x2a1: {  	v49 =	vld [tilespmem:s5+$0x50];
	v48 =	vperm.xlane v11, v3  }
0x2a2: {  	v51 =	vld [tilespmem:s5+$0x60];
	v50 =	vperm.xlane v11, v4  }
0x2a3: {  	v46 =	vld [tilespmem:s5+$0x30];
	v53 =	vperm.xlane v11, v6;
	v13 =	vmul.f32 v45, v48  }
0x2a4: {  	v55 =	vld [tilespmem:s5+$0x70];
	v54 =	vperm.xlane v11, v7;
	v12 =	vmul.f32 v44, v50  }
0x2a5: {  	v52 =	vld [tilespmem:s5+$0x0];
	v57 =	vperm.xlane v11, v8;
	v56 =	vmul.f32 v47, v53;
	[tilespmem:s5+$0x10] =	vst v13  }
0x2a6: {  	v58 =	vperm.xlane v11, v5;
	v59 =	vmul.f32 v49, v54;
	[tilespmem:s5+$0x20] =	vst v12  }
0x2a7: {  	v61 =	vperm.xlane v11, v9;
	v60 =	vmul.f32 v51, v57;
	[tilespmem:s5+$0x40] =	vst v56  }
0x2a8: {  	v11 =	vperm.xlane v11, v2;
	v14 =	vmul.f32 v46, v58;
	[tilespmem:s5+$0x50] =	vst v59  }
0x2a9: {  	v62 =	vmul.f32 v55, v61;
	[tilespmem:s5+$0x60] =	vst v60  }
0x2aa: {  	v11 =	vmul.f32 v52, v11;
	[tilespmem:s5+$0x30] =	vst v14  }
0x2ab: {  	[tilespmem:s5+$0x70] =	vst v62  }
0x2ac: {  	[tilespmem:s5+$0x0] =	vst v11  }
0x2ad: {  	v11 =	vld [tilespmem:$0xC0]  }
0x2ae: {  	v12 =	vld [tilespmem:$0xD0]  }
0x2af: {  	v13 =	vld [tilespmem:$0xE0]  }
0x2b0: {  	v14 =	vld [tilespmem:$0xF0]  }
0x2b1: {  	v63 =	vld [tilespmem:$0x100]  }
0x2b2: {  	[tilespmem:$0x180] =	vst v11  }
0x2b3: {  	[tilespmem:$0x190] =	vst v12  }
0x2b4: {  	[tilespmem:$0x1A0] =	vst v13  }
0x2b5: {  	[tilespmem:$0x1B0] =	vst v14  }
0x2b6: {  	s19 =	simm.s32 $0x7020;
	[tilespmem:$0x1C0] =	vst v63  }
0x2b7: {  	[spmem:s18] =	stream.indirect.scatter.add.f32 [tilespmem:s19], [sflag:$0x5], $0x10, s7, s30, $0xb8;
	[tilespmem:$0x1D9B0] =	vst v63  }
0x2b8: {  	s20 =	sld [smem:$0x7F6]  }
0x2b9: {  	[spmem:s3] =	stream.indirect.scatter.add.f32 [tilespmem:s16], [sflag:$0x5], $0x80, s7, s30, $0xb8;
	[tilespmem:$0x1D9B0] =	vst v63  }
0x2ba: {  	s14 =	simm.s32 $0x0;
	s28 =	sld [smem:$0x7F7]  }
0x2bb: {  	[tilespmem:s14], [sflag:$0x1] =	stream.linear.gather [hbm4b:s20+s14], $0x50, $0x38;
	[tilespmem:$0x1D9B0] =	vst v63  }
0x2bc: {  	s31 =	sld [smem:$0x7F8]  }
0x2bd: {  	[tilespmem:s15], [sflag:$0x1] =	stream.linear.gather [hbm4b:s28+s14], $0x50, $0x38;
	[tilespmem:$0x1D9B0] =	vst v63  }
0x2be: {  	s2 =	simm.s32 $0x220;
	s12 =	simm.s32 $0x0  }
0x2bf: {  	[tilespmem:s2], [sflag:$0x1] =	stream.linear.gather [hbm4b:s31+s14], $0x500, $0x38;
	[tilespmem:$0x1D9B0] =	vst v63  }
.LBB2_8:
0x2c0: {  	_ =	swait.ge [sflag:s8], $0x500  }
0x2c1: {  	[sflag:s8] =	ssyncset.done $0x0  }
0x2c2: {  	[sflag:s8] =	ssyncadd.s32 $0xFFFFFB00  }
0x2c3: {  	_ =	swait.ge [sflag:s8], $0x500  }
0x2c4: {  	[sflag:s8] =	ssyncset.done $0x0  }
0x2c5: {  	[sflag:s8] =	ssyncadd.s32 $0xFFFFFB00  }
0x2c6: {  	_ =	swait.ge [sflag:s8], $0x2800  }
0x2c7: {  	[sflag:s8] =	ssyncset.done $0x0  }
0x2c8: {  	s1 =	simm.s32 $0x1B40;
	[sflag:s8] =	ssyncadd.s32 $0xFFFFD800  }
0x2c9: {  	s5 =	simm.s32 $0x1140;
	s6 =	sand.u32 $0x780, s14;
	v11 =	vld [tilespmem:s1+$0xFFFFFFE0]  }
0x2ca: {  	s11 =	sand.u32 $0x40, s14;
	s6 =	sadd.s32 $0x720, s6;
	v12 =	vld [tilespmem:s5+$0xFFFFFFE0]  }
0x2cb: {  	s11 =	sor.u32 s11, s6  }
0x2cc: {  	v13 =	vld [tilespmem:s11+$0x0];
	_ =	sdelay $0x2  }
0x2cd: {  	v11 =	vadd.f32 v11, v12;
	_ =	sdelay $0x1  }
0x2ce: {  	v11 =	vadd.f32 v13, v11;
	_ =	sdelay $0x1  }
0x2cf: {  	v12 =	vmul.f32 $2.000000030e-01, v11;
	_ =	sdelay $0x1  }
0x2d0: {  	v11 =	vmax.f32 v11, v12  }
0x2d1: {  	v11 =	vmul.f32 $1.442695020e+00, v11;
	_ =	sdelay $0x1  }
0x2d2: {  	(erf) = vpow2.f32 v11;
	_ =	sdelay $0x8  }
0x2d3: {  	s13 =	simm.s32 $0x7540;
	v11 =	vpop (erf)  }
0x2d4: {  	[tilespmem:s13+$0xFFFFFFE0] =	vst v11  }
0x2d5: {  	s2 =	simm.s32 $0x10;
	v12 =	vld [tilespmem:s5+$0xFFFFFFF0]  }
0x2d6: {  	s11 =	sand.u32 $0x50, s2;
	v13 =	vld [tilespmem:s1+$0xFFFFFFF0]  }
0x2d7: {  	s11 =	sor.u32 s11, s6  }
0x2d8: {  	v14 =	vld [tilespmem:s11+$0x0];
	_ =	sdelay $0x2  }
0x2d9: {  	v12 =	vadd.f32 v13, v12;
	_ =	sdelay $0x1  }
0x2da: {  	v12 =	vadd.f32 v14, v12;
	_ =	sdelay $0x1  }
0x2db: {  	v13 =	vmul.f32 $2.000000030e-01, v12;
	_ =	sdelay $0x1  }
0x2dc: {  	v12 =	vmax.f32 v12, v13  }
0x2dd: {  	v12 =	vmul.f32 $1.442695020e+00, v12;
	_ =	sdelay $0x1  }
0x2de: {  	(erf) = vpow2.f32 v12;
	_ =	sdelay $0x7  }
0x2df: {  	s28 =	simm.s32 $0x122  }
0x2e0: {  	s11 =	simm.s32 $0x62;
	v14 =	vld [tilespmem:s28+$0xFFFFFFFE];
	v13 =	vpop (erf)  }
0x2e1: {  	v12 =	vld [tilespmem:s11+$0xFFFFFFFE];
	[tilespmem:s13+$0xFFFFFFF0] =	vst v13  }
0x2e2: {  	s20 =	simm.s32 $0x20;
	v15 =	vld [tilespmem:s5+$0x0]  }
0x2e3: {  	s20 =	sand.u32 $0x60, s20;
	v16 =	vld [tilespmem:s1+$0x0]  }
0x2e4: {  	s20 =	sadd.s32 s20, s6  }
0x2e5: {  	v17 =	vld [tilespmem:s20+$0x0];
	_ =	sdelay $0x2  }
0x2e6: {  	v15 =	vadd.f32 v16, v15;
	_ =	sdelay $0x1  }
0x2e7: {  	v15 =	vadd.f32 v17, v15;
	_ =	sdelay $0x1  }
0x2e8: {  	v61 =	vmul.f32 $2.000000030e-01, v15;
	_ =	sdelay $0x1  }
0x2e9: {  	v15 =	vmax.f32 v15, v61  }
0x2ea: {  	v15 =	vmul.f32 $1.442695020e+00, v15;
	_ =	sdelay $0x1  }
0x2eb: {  	(erf) = vpow2.f32 v15;
	_ =	sdelay $0x8  }
0x2ec: {  	v15 =	vld [tilespmem:s11+$0xFFFFFFFF];
	v62 =	vpop (erf)  }
0x2ed: {  	v63 =	vld [tilespmem:s28+$0xFFFFFFFF];
	[tilespmem:s13+$0x0] =	vst v62  }
0x2ee: {  	s19 =	simm.s32 $0x30;
	v18 =	vld [tilespmem:s5+$0x10]  }
0x2ef: {  	s2 =	sand.u32 $0x70, s19;
	(v2sf) =	vpush v12, $0x0;
	v12 =	vld [tilespmem:s1+$0x10]  }
0x2f0: {  	(v2sf) =	vpush v14, $0x0;
	s1 =	sadd.s32 s2, s6  }
0x2f1: {  	(v2sf) =	vpush v15, $0x0;
	v14 =	vld [tilespmem:s1+$0x0]  }
0x2f2: {  	(v2sf) =	vpush v63, $0x0;
	_ =	sdelay $0x1  }
0x2f3: {  	v12 =	vadd.f32 v12, v18;
	_ =	sdelay $0x1  }
0x2f4: {  	v12 =	vadd.f32 v14, v12;
	_ =	sdelay $0x1  }
0x2f5: {  	v14 =	vmul.f32 $2.000000030e-01, v12;
	_ =	sdelay $0x1  }
0x2f6: {  	v12 =	vmax.f32 v12, v14  }
0x2f7: {  	v12 =	vmul.f32 $1.442695020e+00, v12;
	_ =	sdelay $0x1  }
0x2f8: {  	(erf) = vpow2.f32 v12  }
0x2f9: {  	s19 =	spop (v2sf)  }
0x2fa: {  	s20 =	spop (v2sf)  }
0x2fb: {  	p0 =	seq.s32 s20, $0x6;
	s6 =	simm.f32 $1.000000000e+00;
	s2 =	spop (v2sf)  }
0x2fc: {  	v11 =	vmul.f32 v1, v11;
	p1 =	seq.s32 s19, $0x6;
	s6 =	simm.s32 @!p0 $0x0;
	s19 =	spop (v2sf)  }
0x2fd: {  	s1 =	simm.f32 $1.000000000e+00;
	s6 =	simm.s32 @!p1 $0x0;
	p0 =	seq.s32 s19, $0x6  }
0x2fe: {  	v11 =	vmul.f32 s6, v11;
	p1 =	seq.s32 s2, $0x6;
	s1 =	simm.s32 @!p0 $0x0;
	v12 =	vmul.f32 v1, v13  }
0x2ff: {  	s1 =	simm.s32 @!p1 $0x0  }
0x300: {  	v11 =	vadd.f32 v11, v10;
	v12 =	vmul.f32 s1, v12  }
0x301: {  	v13 =	vld [tilespmem:s11+$0x0];
	v15 =	vpop (erf)  }
0x302: {  	s31 =	simm.s32 $0x0;
	s6 =	simm.s32 $0x1B80;
	v10 =	vmul.f32 v1, v62;
	v14 =	vld [tilespmem:s28+$0x0];
	s1 =	simm.s32 $0x40;
	v12 =	vadd.f32 v12, v11;
	[tilespmem:s13+$0x10] =	vst v15;
	v11 =	vmul.f32 v1, v15  }
.LBB2_9:
0x303: {  	v15 =	vld [tilespmem:s6+$0xFFFFFFE0];
	s20 =	sand.u32 $0x780, s1;
	s5 =	sadd.s32 $0x40, s5  }
0x304: {  	s2 =	sand.u32 $0x40, s1;
	v16 =	vld [tilespmem:s5+$0xFFFFFFE0];
	s20 =	sadd.s32 $0x720, s20  }
0x305: {  	s2 =	sor.u32 s2, s20;
	v17 =	vld [tilespmem:s28+$0x1]  }
0x306: {  	s31 =	sadd.s32 $0x4, s31;
	v18 =	vld [tilespmem:s2+$0x0];
	(v2sf) =	vpush v13, $0x0  }
0x307: {  	p0 =	slt.u32 s31, $0x4C;
	v13 =	vld [tilespmem:s11+$0x1];
	(v2sf) =	vpush v14, $0x0;
	_ =	sdelay $0x1  }
0x308: {  	v14 =	vadd.f32 v15, v16  }
0x309: {  	(v2sf) =	vpush v17, $0x0  }
0x30a: {  	v14 =	vadd.f32 v18, v14  }
0x30b: {  	(v2sf) =	vpush v13, $0x0  }
0x30c: {  	v13 =	vmul.f32 $2.000000030e-01, v14;
	_ =	sdelay $0x1  }
0x30d: {  	v13 =	vmax.f32 v14, v13  }
0x30e: {  	v13 =	vmul.f32 $1.442695020e+00, v13;
	_ =	sdelay $0x1  }
0x30f: {  	(erf) = vpow2.f32 v13;
	_ =	sdelay $0x2  }
0x310: {  	s2 =	spop (v2sf)  }
0x311: {  	p1 =	seq.s32 s2, $0x6;
	s2 =	spop (v2sf)  }
0x312: {  	p2 =	seq.s32 s2, $0x6;
	s2 =	simm.f32 $1.000000000e+00  }
0x313: {  	s2 =	simm.s32 @!p2 $0x0  }
0x314: {  	s2 =	simm.s32 @!p1 $0x0;
	s19 =	spop (v2sf)  }
0x315: {  	v10 =	vmul.f32 s2, v10;
	p1 =	seq.s32 s19, $0x6;
	s2 =	simm.f32 $1.000000000e+00  }
0x316: {  	s13 =	sadd.s32 $0x40, s13;
	v13 =	vpop (erf);
	s2 =	simm.s32 @!p1 $0x0;
	s19 =	spop (v2sf)  }
0x317: {  	[tilespmem:s13+$0xFFFFFFE0] =	vst v13;
	v13 =	vmul.f32 v1, v13;
	v10 =	vadd.f32 v10, v12;
	p1 =	seq.s32 s19, $0x6  }
0x318: {  	s19 =	sadd.s32 $0x10, s1;
	v12 =	vld [tilespmem:s5+$0xFFFFFFF0];
	s2 =	simm.s32 @!p1 $0x0  }
0x319: {  	s19 =	sand.u32 $0x50, s19;
	v14 =	vld [tilespmem:s6+$0xFFFFFFF0];
	v11 =	vmul.f32 s2, v11  }
0x31a: {  	s2 =	sor.u32 s19, s20  }
0x31b: {  	v15 =	vld [tilespmem:s2+$0x0];
	v10 =	vadd.f32 v11, v10;
	_ =	sdelay $0x2  }
0x31c: {  	v11 =	vadd.f32 v14, v12;
	_ =	sdelay $0x1  }
0x31d: {  	v11 =	vadd.f32 v15, v11;
	_ =	sdelay $0x1  }
0x31e: {  	v12 =	vmul.f32 $2.000000030e-01, v11;
	_ =	sdelay $0x1  }
0x31f: {  	v11 =	vmax.f32 v11, v12  }
0x320: {  	v11 =	vmul.f32 $1.442695020e+00, v11;
	_ =	sdelay $0x1  }
0x321: {  	(erf) = vpow2.f32 v11;
	_ =	sdelay $0x7  }
0x322: {  	s11 =	sadd.s32 $0x4, s11  }
0x323: {  	s28 =	sadd.s32 $0x4, s28;
	v11 =	vld [tilespmem:s11+$0xFFFFFFFE];
	v12 =	vpop (erf)  }
0x324: {  	v14 =	vld [tilespmem:s28+$0xFFFFFFFE];
	[tilespmem:s13+$0xFFFFFFF0] =	vst v12;
	v12 =	vmul.f32 v1, v12  }
0x325: {  	s2 =	sadd.s32 $0x20, s1;
	v15 =	vld [tilespmem:s5+$0x0]  }
0x326: {  	s2 =	sand.u32 $0x60, s2;
	v16 =	vld [tilespmem:s6+$0x0]  }
0x327: {  	s2 =	sadd.s32 s2, s20  }
0x328: {  	v17 =	vld [tilespmem:s2+$0x0];
	(v2sf) =	vpush v11, $0x0  }
0x329: {  	(v2sf) =	vpush v14, $0x0;
	_ =	sdelay $0x1  }
0x32a: {  	v11 =	vadd.f32 v16, v15;
	_ =	sdelay $0x1  }
0x32b: {  	v11 =	vadd.f32 v17, v11;
	_ =	sdelay $0x1  }
0x32c: {  	v14 =	vmul.f32 $2.000000030e-01, v11;
	_ =	sdelay $0x1  }
0x32d: {  	v11 =	vmax.f32 v11, v14  }
0x32e: {  	v11 =	vmul.f32 $1.442695020e+00, v11;
	_ =	sdelay $0x1  }
0x32f: {  	(erf) = vpow2.f32 v11;
	_ =	sdelay $0x2  }
0x330: {  	s2 =	spop (v2sf)  }
0x331: {  	p1 =	seq.s32 s2, $0x6;
	s2 =	spop (v2sf)  }
0x332: {  	p2 =	seq.s32 s2, $0x6;
	s2 =	simm.f32 $1.000000000e+00  }
0x333: {  	s2 =	simm.s32 @!p2 $0x0  }
0x334: {  	s2 =	simm.s32 @!p1 $0x0  }
0x335: {  	v11 =	vmul.f32 s2, v13  }
0x336: {  	v13 =	vld [tilespmem:s11+$0xFFFFFFFF];
	v14 =	vpop (erf)  }
0x337: {  	v11 =	vadd.f32 v11, v10;
	v15 =	vld [tilespmem:s28+$0xFFFFFFFF];
	[tilespmem:s13+$0x0] =	vst v14;
	v10 =	vmul.f32 v1, v14  }
0x338: {  	s2 =	sadd.s32 $0x30, s1;
	v14 =	vld [tilespmem:s5+$0x10]  }
0x339: {  	s2 =	sand.u32 $0x70, s2;
	v16 =	vld [tilespmem:s6+$0x10]  }
0x33a: {  	s2 =	sadd.s32 s2, s20  }
0x33b: {  	v17 =	vld [tilespmem:s2+$0x0];
	(v2sf) =	vpush v13, $0x0  }
0x33c: {  	(v2sf) =	vpush v15, $0x0;
	_ =	sdelay $0x1  }
0x33d: {  	v13 =	vadd.f32 v16, v14;
	_ =	sdelay $0x1  }
0x33e: {  	v13 =	vadd.f32 v17, v13;
	_ =	sdelay $0x1  }
0x33f: {  	v14 =	vmul.f32 $2.000000030e-01, v13;
	_ =	sdelay $0x1  }
0x340: {  	v13 =	vmax.f32 v13, v14  }
0x341: {  	v13 =	vmul.f32 $1.442695020e+00, v13;
	_ =	sdelay $0x1  }
0x342: {  	(erf) = vpow2.f32 v13;
	_ =	sdelay $0x2  }
0x343: {  	s2 =	spop (v2sf)  }
0x344: {  	p1 =	seq.s32 s2, $0x6;
	s2 =	spop (v2sf)  }
0x345: {  	p2 =	seq.s32 s2, $0x6;
	s2 =	simm.f32 $1.000000000e+00  }
.Ltmp5:
0x346: {  	s2 =	simm.s32 @!p2 $0x0;
	(pc) =	sbr.rel @p0 .LBB2_9-.Ltmp5, $4  }
0x347: {  	s2 =	simm.s32 @!p1 $0x0  }
0x348: {  	v12 =	vmul.f32 s2, v12  }
0x349: {  	v13 =	vld [tilespmem:s11+$0x0];
	v15 =	vpop (erf)  }
0x34a: {  	s1 =	sadd.s32 $0x40, s1;
	s6 =	sadd.s32 $0x40, s6;
	v12 =	vadd.f32 v12, v11;
	v14 =	vld [tilespmem:s28+$0x0];
	[tilespmem:s13+$0x10] =	vst v15;
	v11 =	vmul.f32 v1, v15  }
0x34b: {  	v15 =	vld [tilespmem:s28+$0x1]  }
0x34c: {  	v16 =	vld [tilespmem:s11+$0x1];
	_ =	sdelay $0x1  }
0x34d: {  	(v2sf) =	vpush v13, $0x0  }
0x34e: {  	(v2sf) =	vpush v14, $0x0  }
0x34f: {  	(v2sf) =	vpush v15, $0x0  }
0x350: {  	(v2sf) =	vpush v16, $0x0;
	_ =	sdelay $0xb  }
0x351: {  	s1 =	spop (v2sf)  }
0x352: {  	s2 =	spop (v2sf)  }
0x353: {  	s5 =	spop (v2sf)  }
0x354: {  	s6 =	spop (v2sf)  }
0x355: {  	_ =	swait.ge [sflag:s29], $0x50  }
0x356: {  	[sflag:s29] =	ssyncset.done $0x0  }
0x357: {  	[sflag:s29] =	ssyncadd.s32 $0xFFFFFFB0  }
0x358: {  	_ =	swait.ge [sflag:s29], $0x50  }
0x359: {  	[sflag:s29] =	ssyncset.done $0x0  }
0x35a: {  	[sflag:s29] =	ssyncadd.s32 $0xFFFFFFB0  }
0x35b: {  	_ =	swait.ge [sflag:s29], $0x500  }
0x35c: {  	[sflag:s29] =	ssyncset.done $0x0  }
0x35d: {  	[sflag:s29] =	ssyncadd.s32 $0xFFFFFB00  }
0x35e: {  	_ =	swait.ge [sflag:s9], $0x500  }
0x35f: {  	[sflag:s9] =	ssyncset.done $0x0  }
0x360: {  	s20 =	simm.s32 $0xC20;
	s31 =	simm.s32 $0x1620;
	[sflag:s9] =	ssyncadd.s32 $0xFFFFFB00  }
0x361: {  	p1 =	seq.s32 s1, $0x6;
	s1 =	simm.f32 $1.000000000e+00;
	_ =	swait.ge [sflag:s9], $0x2800  }
0x362: {  	p0 =	seq.s32 s2, $0x6;
	s2 =	simm.f32 $1.000000000e+00;
	[sflag:s9] =	ssyncset.done $0x0  }
0x363: {  	s2 =	simm.s32 @!p0 $0x0;
	p0 =	seq.s32 s5, $0x6;
	[sflag:s9] =	ssyncadd.s32 $0xFFFFD800  }
0x364: {  	[tilespmem:s20], [sflag:$0x3] =	stream.indirect.gather [hbm4b:s24+s30], $0x10, s4, s30, $0xb8;
	[tilespmem:$0x1D9B0] =	vst v63  }
0x365: {  	s2 =	simm.s32 @!p1 $0x0;
	s1 =	simm.s32 @!p0 $0x0;
	p0 =	seq.s32 s6, $0x6  }
0x366: {  	v10 =	vmul.f32 s2, v10;
	[tilespmem:s31], [sflag:$0x3] =	stream.indirect.gather [hbm4b:s25+s30], $0x10, s15, s30, $0xb8;
	[tilespmem:$0x1D9B0] =	vst v63  }
0x367: {  	s6 =	simm.s32 $0x48A0;
	s1 =	simm.s32 @!p0 $0x0  }
0x368: {  	v10 =	vadd.f32 v10, v12;
	v12 =	vmul.f32 s1, v11;
	[tilespmem:s16], [sflag:$0x3] =	stream.indirect.gather [hbm4b:s26+s30], $0x80, s4, s30, $0xb8;
	[tilespmem:$0x1D9B0] =	vst v63  }
0x369: {  	s11 =	simm.s32 $0x7530;
	s13 =	simm.s32 $0x2;
	s28 =	simm.s32 $0x49A0;
	v11 =	vld [tilespmem:s6+$0xFFFFFFB0]  }
0x36a: {  	s5 =	simm.s32 $0x49A0;
	s1 =	simm.s32 $0x7550;
	v10 =	vadd.f32 v12, v10;
	s20 =	simm.s32 $0x7550;
	v12 =	vld [tilespmem:s11+$0xFFFFFFF0]  }
.LBB2_11:
0x36b: {  	_ = 	snop  }
0x36c: {  	s13 =	sadd.s32 $0x2, s13;
	s20 =	sadd.s32 $0x20, s20;
	s28 =	sadd.s32 $0x100, s28;
	v13 =	vld [tilespmem:s6+$0xFFFFFFF0]  }
0x36d: {  	p0 =	slt.u32 s13, $0x4E;
	v14 =	vld [tilespmem:s6+$0xFFFFFFA0]  }
0x36e: {  	v15 =	vld [tilespmem:s6+$0xFFFFFFE0]  }
0x36f: {  	v18 =	vld [tilespmem:s6+$0xFFFFFFC0];
	v16 =	vperm.xlane v12, v5;
	v17 =	vperm.xlane v12, v6  }
0x370: {  	v20 =	vperm.xlane v12, v4;
	v21 =	vperm.xlane v12, v9;
	v19 =	vld [tilespmem:s6+$0xFFFFFF90]  }
0x371: {  	v22 =	vperm.xlane v12, v8;
	v11 =	vmul.f32 v11, v16;
	v16 =	vld [tilespmem:s6+$0xFFFFFFD0]  }
0x372: {  	v14 =	vmul.f32 v14, v20;
	v13 =	vmul.f32 v13, v21;
	v23 =	vld [tilespmem:s6+$0xFFFFFF80]  }
0x373: {  	v20 =	vperm.xlane v12, v3;
	[tilespmem:s6+$0xFFFFFFB0] =	vst v11;
	v11 =	vmul.f32 v15, v22  }
0x374: {  	v15 =	vmul.f32 v18, v17;
	v17 =	vperm.xlane v12, v7;
	[tilespmem:s6+$0xFFFFFFF0] =	vst v13  }
0x375: {  	v12 =	vperm.xlane v12, v2;
	v13 =	vmul.f32 v19, v20;
	[tilespmem:s6+$0xFFFFFFE0] =	vst v11  }
0x376: {  	[tilespmem:s6+$0xFFFFFFC0] =	vst v15;
	v11 =	vmul.f32 v16, v17  }
0x377: {  	v12 =	vmul.f32 v23, v12;
	[tilespmem:s6+$0xFFFFFFA0] =	vst v14  }
0x378: {  	[tilespmem:s6+$0xFFFFFFD0] =	vst v11  }
0x379: {  	[tilespmem:s6+$0xFFFFFF80] =	vst v12  }
0x37a: {  	[tilespmem:s6+$0xFFFFFF90] =	vst v13;
	v12 =	vld [tilespmem:s6+$0x20]  }
0x37b: {  	v13 =	vld [tilespmem:s11+$0x0];
	s11 =	smov.u32 s1;
	s1 =	smov.u32 s20  }
0x37c: {  	v11 =	vld [tilespmem:s5+$0xFFFFFFB0]  }
0x37d: {  	v14 =	vld [tilespmem:s6+$0x10]  }
0x37e: {  	v15 =	vld [tilespmem:s6+$0x30]  }
0x37f: {  	v16 =	vld [tilespmem:s6+$0x40]  }
0x380: {  	v17 =	vperm.xlane v13, v3;
	v18 =	vperm.xlane v13, v7;
	v19 =	vld [tilespmem:s6+$0x50]  }
0x381: {  	v20 =	vperm.xlane v13, v4;
	v21 =	vperm.xlane v13, v5;
	v22 =	vld [tilespmem:s6+$0x60]  }
0x382: {  	v23 =	vld [tilespmem:s6+$0x0];
	v14 =	vmul.f32 v14, v17;
	v17 =	vperm.xlane v13, v6  }
0x383: {  	v12 =	vmul.f32 v12, v20;
	v15 =	vmul.f32 v15, v21;
	v20 =	vld [tilespmem:s6+$0x70]  }
0x384: {  	[tilespmem:s6+$0x10] =	vst v14;
	v14 =	vmul.f32 v16, v17;
	v16 =	vperm.xlane v13, v8  }
0x385: {  	v17 =	vperm.xlane v13, v2;
	[tilespmem:s6+$0x20] =	vst v12;
	v12 =	vmul.f32 v19, v18  }
0x386: {  	v13 =	vperm.xlane v13, v9;
	[tilespmem:s6+$0x40] =	vst v14;
	v14 =	vmul.f32 v22, v16  }
0x387: {  	v16 =	vmul.f32 v23, v17;
	[tilespmem:s6+$0x50] =	vst v12  }
.Ltmp6:
0x388: {  	[tilespmem:s6+$0x60] =	vst v14;
	v12 =	vmul.f32 v20, v13;
	(pc) =	sbr.rel @p0 .LBB2_11-.Ltmp6, $4  }
0x389: {  	[tilespmem:s6+$0x30] =	vst v15  }
0x38a: {  	[tilespmem:s6+$0x70] =	vst v12  }
0x38b: {  	[tilespmem:s6+$0x0] =	vst v16;
	s6 =	smov.u32 s5;
	s5 =	smov.u32 s28  }
0x38c: {  	v12 =	vld [tilespmem:s11+$0xFFFFFFF0]  }
0x38d: {  	_ =	sdelay $0x1  }
0x38e: {  	v13 =	vld [tilespmem:s6+$0xFFFFFFF0]  }
0x38f: {  	v15 =	vld [tilespmem:s6+$0xFFFFFFE0]  }
0x390: {  	v17 =	vld [tilespmem:s6+$0xFFFFFFC0];
	v16 =	vperm.xlane v12, v5  }
0x391: {  	v14 =	vld [tilespmem:s6+$0xFFFFFFA0];
	v19 =	vperm.xlane v12, v9  }
0x392: {  	v27 =	vld [tilespmem:s6+$0xFFFFFFD0];
	v20 =	vperm.xlane v12, v8;
	v11 =	vmul.f32 v11, v16  }
0x393: {  	v22 =	vld [tilespmem:s6+$0xFFFFFF80];
	v21 =	vperm.xlane v12, v6;
	v13 =	vmul.f32 v13, v19  }
0x394: {  	v18 =	vld [tilespmem:s6+$0xFFFFFF90];
	v28 =	vperm.xlane v12, v4;
	[tilespmem:s6+$0xFFFFFFB0] =	vst v11;
	v11 =	vmul.f32 v15, v20  }
0x395: {  	v29 =	vperm.xlane v12, v7;
	v15 =	vmul.f32 v17, v21;
	[tilespmem:s6+$0xFFFFFFF0] =	vst v13  }
0x396: {  	v13 =	vmul.f32 v14, v28;
	v14 =	vperm.xlane v12, v2;
	[tilespmem:s6+$0xFFFFFFE0] =	vst v11  }
0x397: {  	v11 =	vperm.xlane v12, v3;
	[tilespmem:s6+$0xFFFFFFC0] =	vst v15;
	v12 =	vmul.f32 v27, v29  }
0x398: {  	v14 =	vmul.f32 v22, v14;
	[tilespmem:s6+$0xFFFFFFA0] =	vst v13  }
0x399: {  	v11 =	vmul.f32 v18, v11;
	[tilespmem:s6+$0xFFFFFFD0] =	vst v12  }
0x39a: {  	[tilespmem:s6+$0xFFFFFF80] =	vst v14  }
0x39b: {  	[tilespmem:s6+$0xFFFFFF90] =	vst v11  }
0x39c: {  	v11 =	vld [tilespmem:s11+$0x0]  }
0x39d: {  	v31 =	vld [tilespmem:s6+$0x50]  }
0x39e: {  	v13 =	vld [tilespmem:s6+$0x10]  }
0x39f: {  	v12 =	vld [tilespmem:s6+$0x20]  }
0x3a0: {  	v15 =	vld [tilespmem:s6+$0x40]  }
0x3a1: {  	v14 =	vld [tilespmem:s6+$0x30];
	v30 =	vperm.xlane v11, v3  }
0x3a2: {  	v33 =	vld [tilespmem:s6+$0x60];
	v32 =	vperm.xlane v11, v4;
	v35 =	vperm.xlane v11, v6  }
0x3a3: {  	v36 =	vperm.xlane v11, v7;
	v13 =	vmul.f32 v13, v30  }
0x3a4: {  	v37 =	vld [tilespmem:s6+$0x70];
	v38 =	vperm.xlane v11, v5;
	v12 =	vmul.f32 v12, v32  }
0x3a5: {  	v34 =	vld [tilespmem:s6+$0x0];
	[tilespmem:s6+$0x10] =	vst v13;
	v13 =	vmul.f32 v15, v35;
	v15 =	vperm.xlane v11, v8  }
0x3a6: {  	v14 =	vmul.f32 v14, v38;
	[tilespmem:s6+$0x20] =	vst v12;
	v12 =	vmul.f32 v31, v36  }
0x3a7: {  	[tilespmem:s6+$0x40] =	vst v13;
	v13 =	vmul.f32 v33, v15;
	v15 =	vperm.xlane v11, v9  }
0x3a8: {  	[tilespmem:s6+$0x30] =	vst v14;
	v11 =	vperm.xlane v11, v2  }
0x3a9: {  	[tilespmem:s6+$0x50] =	vst v12;
	v12 =	vmul.f32 v37, v15  }
0x3aa: {  	[tilespmem:s6+$0x60] =	vst v13;
	v11 =	vmul.f32 v34, v11  }
0x3ab: {  	[tilespmem:s6+$0x70] =	vst v12  }
0x3ac: {  	[tilespmem:s6+$0x0] =	vst v11  }
0x3ad: {  	v11 =	vld [tilespmem:s1+$0xFFFFFFF0];
	_ =	sdelay $0x1  }
0x3ae: {  	v12 =	vld [tilespmem:s5+$0xFFFFFFB0]  }
0x3af: {  	v13 =	vld [tilespmem:s5+$0xFFFFFFF0]  }
0x3b0: {  	v15 =	vld [tilespmem:s5+$0xFFFFFFE0]  }
0x3b1: {  	v40 =	vld [tilespmem:s5+$0xFFFFFFC0];
	v39 =	vperm.xlane v11, v5  }
0x3b2: {  	v14 =	vld [tilespmem:s5+$0xFFFFFFA0];
	v42 =	vperm.xlane v11, v9  }
0x3b3: {  	v43 =	vld [tilespmem:s5+$0xFFFFFFD0];
	v44 =	vperm.xlane v11, v8;
	v12 =	vmul.f32 v12, v39  }
0x3b4: {  	v46 =	vld [tilespmem:s5+$0xFFFFFF80];
	v45 =	vperm.xlane v11, v6;
	v13 =	vmul.f32 v13, v42  }
0x3b5: {  	v41 =	vld [tilespmem:s5+$0xFFFFFF90];
	v47 =	vperm.xlane v11, v4;
	[tilespmem:s5+$0xFFFFFFB0] =	vst v12;
	v12 =	vmul.f32 v15, v44  }
0x3b6: {  	v48 =	vperm.xlane v11, v7;
	v15 =	vmul.f32 v40, v45;
	[tilespmem:s5+$0xFFFFFFF0] =	vst v13  }
0x3b7: {  	v13 =	vmul.f32 v14, v47;
	v14 =	vperm.xlane v11, v2;
	[tilespmem:s5+$0xFFFFFFE0] =	vst v12  }
0x3b8: {  	v11 =	vperm.xlane v11, v3;
	[tilespmem:s5+$0xFFFFFFC0] =	vst v15;
	v12 =	vmul.f32 v43, v48  }
0x3b9: {  	v14 =	vmul.f32 v46, v14;
	[tilespmem:s5+$0xFFFFFFA0] =	vst v13  }
0x3ba: {  	v11 =	vmul.f32 v41, v11;
	[tilespmem:s5+$0xFFFFFFD0] =	vst v12  }
0x3bb: {  	[tilespmem:s5+$0xFFFFFF80] =	vst v14  }
0x3bc: {  	[tilespmem:s5+$0xFFFFFF90] =	vst v11  }
0x3bd: {  	v11 =	vld [tilespmem:s1+$0x0]  }
0x3be: {  	v50 =	vld [tilespmem:s5+$0x50]  }
0x3bf: {  	v13 =	vld [tilespmem:s5+$0x10]  }
0x3c0: {  	v12 =	vld [tilespmem:s5+$0x20]  }
0x3c1: {  	v15 =	vld [tilespmem:s5+$0x40]  }
0x3c2: {  	v14 =	vld [tilespmem:s5+$0x30];
	v49 =	vperm.xlane v11, v3  }
0x3c3: {  	v52 =	vld [tilespmem:s5+$0x60];
	v51 =	vperm.xlane v11, v4;
	v54 =	vperm.xlane v11, v6  }
0x3c4: {  	v55 =	vperm.xlane v11, v7;
	v13 =	vmul.f32 v13, v49  }
0x3c5: {  	v56 =	vld [tilespmem:s5+$0x70];
	v57 =	vperm.xlane v11, v5;
	v12 =	vmul.f32 v12, v51  }
0x3c6: {  	v53 =	vld [tilespmem:s5+$0x0];
	[tilespmem:s5+$0x10] =	vst v13;
	v13 =	vmul.f32 v15, v54;
	v15 =	vperm.xlane v11, v8  }
0x3c7: {  	v14 =	vmul.f32 v14, v57;
	[tilespmem:s5+$0x20] =	vst v12;
	v12 =	vmul.f32 v50, v55  }
0x3c8: {  	[tilespmem:s5+$0x40] =	vst v13;
	v13 =	vmul.f32 v52, v15;
	v15 =	vperm.xlane v11, v9  }
0x3c9: {  	[tilespmem:s5+$0x30] =	vst v14;
	v11 =	vperm.xlane v11, v2  }
0x3ca: {  	[tilespmem:s5+$0x50] =	vst v12;
	v12 =	vmul.f32 v56, v15  }
0x3cb: {  	[tilespmem:s5+$0x60] =	vst v13;
	v11 =	vmul.f32 v53, v11  }
0x3cc: {  	[tilespmem:s5+$0x70] =	vst v12  }
0x3cd: {  	[tilespmem:s5+$0x0] =	vst v11  }
0x3ce: {  	v11 =	vld [tilespmem:$0x120]  }
0x3cf: {  	v12 =	vld [tilespmem:$0x130]  }
0x3d0: {  	v13 =	vld [tilespmem:$0x140]  }
0x3d1: {  	v14 =	vld [tilespmem:$0x150]  }
0x3d2: {  	v15 =	vld [tilespmem:$0x160]  }
0x3d3: {  	[tilespmem:$0x1D0] =	vst v11  }
0x3d4: {  	[tilespmem:$0x1E0] =	vst v12  }
0x3d5: {  	[tilespmem:$0x1F0] =	vst v13  }
0x3d6: {  	[tilespmem:$0x200] =	vst v14  }
0x3d7: {  	s6 =	simm.s32 $0x7520;
	[tilespmem:$0x210] =	vst v15  }
0x3d8: {  	[spmem:s18] =	stream.indirect.scatter.add.f32 [tilespmem:s6], [sflag:$0x6], $0x10, s10, s30, $0xb8;
	[tilespmem:$0x1D9B0] =	vst v63  }
0x3d9: {  	s2 =	simm.s32 $0x4820  }
0x3da: {  	[spmem:s3] =	stream.indirect.scatter.add.f32 [tilespmem:s2], [sflag:$0x6], $0x80, s10, s30, $0xb8;
	[tilespmem:$0x1D9B0] =	vst v63  }
0x3db: {  	p0 =	seq.s32 s12, $0x3D;
	s2 =	sld [smem:$0x7F9]  }
0x3dc: {  	s1 =	smul.u32 @!p0 $0xA0, s12;
	_ =	sdelay $0x1  }
0x3dd: {  	s1 =	sadd.s32 @!p0 s1, s2  }
0x3de: {  	s11 =	simm.s32 @!p0 $0x60;
	s2 =	sshrl.u32 @!p0 s1, $0x3  }
0x3df: {  	s6 =	simm.s32 @!p0 $0x0;
	s1 =	sshll.u32 @!p0 s1, $0x1;
	s5 =	sadd.s32 @!p0 s21, s2  }
0x3e0: {  	[tilespmem:s11], [sflag:$0x2] =	stream.linear.gather @!p0 [hbm4b:s5+s6], $0x50, $0x38;
	[tilespmem:$0x1D9B0] =	vst v63  }
0x3e1: {  	s2 =	sadd.s32 @!p0 s22, s2;
	s1 =	sand.u32 @!p0 $0x1FFFFFE0, s1;
	s5 =	simm.s32 @!p0 $0x120  }
0x3e2: {  	[tilespmem:s5], [sflag:$0x2] =	stream.linear.gather @!p0 [hbm4b:s2+s6], $0x50, $0x38;
	[tilespmem:$0x1D9B0] =	vst v63  }
0x3e3: {  	s1 =	sadd.s32 @!p0 s23, s1;
	s2 =	simm.s32 @!p0 $0x720  }
0x3e4: {  	[tilespmem:s2], [sflag:$0x2] =	stream.linear.gather @!p0 [hbm4b:s1+s6], $0x500, $0x38;
	[tilespmem:$0x1D9B0] =	vst v63  }
0x3e5: {  	_ =	swait.ge [sflag:s0], $0x500  }
0x3e6: {  	[sflag:s0] =	ssyncset.done $0x0  }
0x3e7: {  	[sflag:s0] =	ssyncadd.s32 $0xFFFFFB00  }
0x3e8: {  	_ =	swait.ge [sflag:s0], $0x500  }
0x3e9: {  	[sflag:s0] =	ssyncset.done $0x0  }
0x3ea: {  	[sflag:s0] =	ssyncadd.s32 $0xFFFFFB00  }
0x3eb: {  	_ =	swait.ge [sflag:s0], $0x2800  }
0x3ec: {  	[sflag:s0] =	ssyncset.done $0x0  }
0x3ed: {  	s11 =	simm.s32 $0x0;
	s2 =	simm.s32 $0x1640;
	[sflag:s0] =	ssyncadd.s32 $0xFFFFD800  }
0x3ee: {  	s13 =	sand.u32 $0x780, s11;
	s5 =	simm.s32 $0xC40;
	v11 =	vld [tilespmem:s2+$0xFFFFFFE0]  }
0x3ef: {  	s1 =	sand.u32 $0x40, s11;
	s6 =	sadd.s32 $0x220, s13;
	v12 =	vld [tilespmem:s5+$0xFFFFFFE0]  }
0x3f0: {  	s1 =	sor.u32 s1, s6  }
0x3f1: {  	v13 =	vld [tilespmem:s1+$0x0];
	_ =	sdelay $0x2  }
0x3f2: {  	v11 =	vadd.f32 v11, v12;
	_ =	sdelay $0x1  }
0x3f3: {  	v11 =	vadd.f32 v13, v11;
	_ =	sdelay $0x1  }
0x3f4: {  	v12 =	vmul.f32 $2.000000030e-01, v11;
	_ =	sdelay $0x1  }
0x3f5: {  	v11 =	vmax.f32 v11, v12  }
0x3f6: {  	v11 =	vmul.f32 $1.442695020e+00, v11;
	_ =	sdelay $0x1  }
0x3f7: {  	(erf) = vpow2.f32 v11;
	_ =	sdelay $0x8  }
0x3f8: {  	s13 =	simm.s32 $0x7040;
	v11 =	vpop (erf)  }
0x3f9: {  	[tilespmem:s13+$0xFFFFFFE0] =	vst v11  }
0x3fa: {  	s19 =	simm.s32 $0x10;
	v12 =	vld [tilespmem:s5+$0xFFFFFFF0]  }
0x3fb: {  	s1 =	sand.u32 $0x50, s19;
	v13 =	vld [tilespmem:s2+$0xFFFFFFF0]  }
0x3fc: {  	s1 =	sor.u32 s1, s6  }
0x3fd: {  	v14 =	vld [tilespmem:s1+$0x0];
	_ =	sdelay $0x2  }
0x3fe: {  	v12 =	vadd.f32 v13, v12;
	_ =	sdelay $0x1  }
0x3ff: {  	v12 =	vadd.f32 v14, v12;
	_ =	sdelay $0x1  }
0x400: {  	v13 =	vmul.f32 $2.000000030e-01, v12;
	_ =	sdelay $0x1  }
0x401: {  	v12 =	vmax.f32 v12, v13  }
0x402: {  	v12 =	vmul.f32 $1.442695020e+00, v12;
	_ =	sdelay $0x1  }
0x403: {  	(erf) = vpow2.f32 v12;
	_ =	sdelay $0x7  }
0x404: {  	s28 =	simm.s32 $0xC2  }
0x405: {  	s11 =	simm.s32 $0x2;
	v14 =	vld [tilespmem:s28+$0xFFFFFFFE];
	v13 =	vpop (erf)  }
0x406: {  	v12 =	vld [tilespmem:s11+$0xFFFFFFFE];
	[tilespmem:s13+$0xFFFFFFF0] =	vst v13  }
0x407: {  	s20 =	simm.s32 $0x20;
	v15 =	vld [tilespmem:s5+$0x0]  }
0x408: {  	s1 =	sand.u32 $0x60, s20;
	v58 =	vld [tilespmem:s2+$0x0]  }
0x409: {  	s1 =	sadd.s32 s1, s6  }
0x40a: {  	v59 =	vld [tilespmem:s1+$0x0];
	_ =	sdelay $0x2  }
0x40b: {  	v15 =	vadd.f32 v58, v15;
	_ =	sdelay $0x1  }
0x40c: {  	v15 =	vadd.f32 v59, v15;
	_ =	sdelay $0x1  }
0x40d: {  	v60 =	vmul.f32 $2.000000030e-01, v15;
	_ =	sdelay $0x1  }
0x40e: {  	v15 =	vmax.f32 v15, v60  }
0x40f: {  	v15 =	vmul.f32 $1.442695020e+00, v15;
	_ =	sdelay $0x1  }
0x410: {  	(erf) = vpow2.f32 v15;
	_ =	sdelay $0x8  }
0x411: {  	v15 =	vld [tilespmem:s11+$0xFFFFFFFF];
	v61 =	vpop (erf)  }
0x412: {  	v62 =	vld [tilespmem:s28+$0xFFFFFFFF];
	[tilespmem:s13+$0x0] =	vst v61  }
0x413: {  	s19 =	simm.s32 $0x30;
	v63 =	vld [tilespmem:s5+$0x10]  }
0x414: {  	(v2sf) =	vpush v12, $0x0;
	s1 =	sand.u32 $0x70, s19;
	v12 =	vld [tilespmem:s2+$0x10]  }
0x415: {  	(v2sf) =	vpush v14, $0x0;
	s1 =	sadd.s32 s1, s6  }
0x416: {  	(v2sf) =	vpush v15, $0x0;
	v14 =	vld [tilespmem:s1+$0x0]  }
0x417: {  	(v2sf) =	vpush v62, $0x0;
	_ =	sdelay $0x1  }
0x418: {  	v12 =	vadd.f32 v12, v63;
	_ =	sdelay $0x1  }
0x419: {  	v12 =	vadd.f32 v14, v12;
	_ =	sdelay $0x1  }
0x41a: {  	v14 =	vmul.f32 $2.000000030e-01, v12;
	_ =	sdelay $0x1  }
0x41b: {  	v12 =	vmax.f32 v12, v14  }
0x41c: {  	v12 =	vmul.f32 $1.442695020e+00, v12;
	_ =	sdelay $0x1  }
0x41d: {  	(erf) = vpow2.f32 v12  }
0x41e: {  	s20 =	spop (v2sf)  }
0x41f: {  	s6 =	spop (v2sf)  }
0x420: {  	p1 =	seq.s32 s6, $0x6;
	s2 =	simm.f32 $1.000000000e+00;
	s19 =	spop (v2sf)  }
0x421: {  	v11 =	vmul.f32 v1, v11;
	p2 =	seq.s32 s20, $0x6;
	s2 =	simm.s32 @!p1 $0x0;
	s20 =	spop (v2sf)  }
0x422: {  	s1 =	simm.f32 $1.000000000e+00;
	s2 =	simm.s32 @!p2 $0x0;
	p1 =	seq.s32 s20, $0x6  }
0x423: {  	v11 =	vmul.f32 s2, v11;
	p2 =	seq.s32 s19, $0x6;
	s1 =	simm.s32 @!p1 $0x0;
	v12 =	vmul.f32 v1, v13  }
0x424: {  	s1 =	simm.s32 @!p2 $0x0  }
0x425: {  	v11 =	vadd.f32 v11, v10;
	v12 =	vmul.f32 s1, v12  }
0x426: {  	v13 =	vld [tilespmem:s11+$0x0];
	v15 =	vpop (erf)  }
0x427: {  	s31 =	simm.s32 $0x0;
	s6 =	simm.s32 $0x1680;
	v10 =	vmul.f32 v1, v61;
	v14 =	vld [tilespmem:s28+$0x0];
	s1 =	simm.s32 $0x40;
	v12 =	vadd.f32 v12, v11;
	[tilespmem:s13+$0x10] =	vst v15;
	v11 =	vmul.f32 v1, v15  }
.LBB2_13:
0x428: {  	v15 =	vld [tilespmem:s6+$0xFFFFFFE0];
	s2 =	sand.u32 $0x780, s1;
	s5 =	sadd.s32 $0x40, s5  }
0x429: {  	s19 =	sand.u32 $0x40, s1;
	v16 =	vld [tilespmem:s5+$0xFFFFFFE0];
	s20 =	sadd.s32 $0x220, s2  }
0x42a: {  	s2 =	sor.u32 s19, s20;
	v17 =	vld [tilespmem:s28+$0x1]  }
0x42b: {  	s31 =	sadd.s32 $0x4, s31;
	v18 =	vld [tilespmem:s2+$0x0];
	(v2sf) =	vpush v13, $0x0  }
0x42c: {  	p1 =	slt.u32 s31, $0x4C;
	v13 =	vld [tilespmem:s11+$0x1];
	(v2sf) =	vpush v14, $0x0;
	_ =	sdelay $0x1  }
0x42d: {  	v14 =	vadd.f32 v15, v16  }
0x42e: {  	(v2sf) =	vpush v17, $0x0  }
0x42f: {  	v14 =	vadd.f32 v18, v14  }
0x430: {  	(v2sf) =	vpush v13, $0x0  }
0x431: {  	v13 =	vmul.f32 $2.000000030e-01, v14;
	_ =	sdelay $0x1  }
0x432: {  	v13 =	vmax.f32 v14, v13  }
0x433: {  	v13 =	vmul.f32 $1.442695020e+00, v13;
	_ =	sdelay $0x1  }
0x434: {  	(erf) = vpow2.f32 v13;
	_ =	sdelay $0x2  }
0x435: {  	s2 =	spop (v2sf)  }
0x436: {  	p2 =	seq.s32 s2, $0x6;
	s2 =	spop (v2sf)  }
0x437: {  	p3 =	seq.s32 s2, $0x6;
	s2 =	simm.f32 $1.000000000e+00  }
0x438: {  	s2 =	simm.s32 @!p3 $0x0  }
0x439: {  	s2 =	simm.s32 @!p2 $0x0;
	s19 =	spop (v2sf)  }
0x43a: {  	v10 =	vmul.f32 s2, v10;
	p2 =	seq.s32 s19, $0x6;
	s2 =	simm.f32 $1.000000000e+00  }
0x43b: {  	s13 =	sadd.s32 $0x40, s13;
	v13 =	vpop (erf);
	s2 =	simm.s32 @!p2 $0x0;
	s19 =	spop (v2sf)  }
0x43c: {  	[tilespmem:s13+$0xFFFFFFE0] =	vst v13;
	v13 =	vmul.f32 v1, v13;
	v10 =	vadd.f32 v10, v12;
	p2 =	seq.s32 s19, $0x6  }
0x43d: {  	s19 =	sadd.s32 $0x10, s1;
	v12 =	vld [tilespmem:s5+$0xFFFFFFF0];
	s2 =	simm.s32 @!p2 $0x0  }
0x43e: {  	s19 =	sand.u32 $0x50, s19;
	v14 =	vld [tilespmem:s6+$0xFFFFFFF0];
	v11 =	vmul.f32 s2, v11  }
0x43f: {  	s2 =	sor.u32 s19, s20  }
0x440: {  	v15 =	vld [tilespmem:s2+$0x0];
	v10 =	vadd.f32 v11, v10;
	_ =	sdelay $0x2  }
0x441: {  	v11 =	vadd.f32 v14, v12;
	_ =	sdelay $0x1  }
0x442: {  	v11 =	vadd.f32 v15, v11;
	_ =	sdelay $0x1  }
0x443: {  	v12 =	vmul.f32 $2.000000030e-01, v11;
	_ =	sdelay $0x1  }
0x444: {  	v11 =	vmax.f32 v11, v12  }
0x445: {  	v11 =	vmul.f32 $1.442695020e+00, v11;
	_ =	sdelay $0x1  }
0x446: {  	(erf) = vpow2.f32 v11;
	_ =	sdelay $0x7  }
0x447: {  	s11 =	sadd.s32 $0x4, s11  }
0x448: {  	s28 =	sadd.s32 $0x4, s28;
	v11 =	vld [tilespmem:s11+$0xFFFFFFFE];
	v12 =	vpop (erf)  }
0x449: {  	v14 =	vld [tilespmem:s28+$0xFFFFFFFE];
	[tilespmem:s13+$0xFFFFFFF0] =	vst v12;
	v12 =	vmul.f32 v1, v12  }
0x44a: {  	s2 =	sadd.s32 $0x20, s1;
	v15 =	vld [tilespmem:s5+$0x0]  }
0x44b: {  	s2 =	sand.u32 $0x60, s2;
	v16 =	vld [tilespmem:s6+$0x0]  }
0x44c: {  	s2 =	sadd.s32 s2, s20  }
0x44d: {  	v17 =	vld [tilespmem:s2+$0x0];
	(v2sf) =	vpush v11, $0x0  }
0x44e: {  	(v2sf) =	vpush v14, $0x0;
	_ =	sdelay $0x1  }
0x44f: {  	v11 =	vadd.f32 v16, v15;
	_ =	sdelay $0x1  }
0x450: {  	v11 =	vadd.f32 v17, v11;
	_ =	sdelay $0x1  }
0x451: {  	v14 =	vmul.f32 $2.000000030e-01, v11;
	_ =	sdelay $0x1  }
0x452: {  	v11 =	vmax.f32 v11, v14  }
0x453: {  	v11 =	vmul.f32 $1.442695020e+00, v11;
	_ =	sdelay $0x1  }
0x454: {  	(erf) = vpow2.f32 v11;
	_ =	sdelay $0x2  }
0x455: {  	s2 =	spop (v2sf)  }
0x456: {  	p2 =	seq.s32 s2, $0x6;
	s2 =	spop (v2sf)  }
0x457: {  	p3 =	seq.s32 s2, $0x6;
	s2 =	simm.f32 $1.000000000e+00  }
0x458: {  	s2 =	simm.s32 @!p3 $0x0  }
0x459: {  	s2 =	simm.s32 @!p2 $0x0  }
0x45a: {  	v11 =	vmul.f32 s2, v13  }
0x45b: {  	v13 =	vld [tilespmem:s11+$0xFFFFFFFF];
	v14 =	vpop (erf)  }
0x45c: {  	v11 =	vadd.f32 v11, v10;
	v15 =	vld [tilespmem:s28+$0xFFFFFFFF];
	[tilespmem:s13+$0x0] =	vst v14;
	v10 =	vmul.f32 v1, v14  }
0x45d: {  	s2 =	sadd.s32 $0x30, s1;
	v14 =	vld [tilespmem:s5+$0x10]  }
0x45e: {  	s2 =	sand.u32 $0x70, s2;
	v16 =	vld [tilespmem:s6+$0x10]  }
0x45f: {  	s2 =	sadd.s32 s2, s20  }
0x460: {  	v17 =	vld [tilespmem:s2+$0x0];
	(v2sf) =	vpush v13, $0x0  }
0x461: {  	(v2sf) =	vpush v15, $0x0;
	_ =	sdelay $0x1  }
0x462: {  	v13 =	vadd.f32 v16, v14;
	_ =	sdelay $0x1  }
0x463: {  	v13 =	vadd.f32 v17, v13;
	_ =	sdelay $0x1  }
0x464: {  	v14 =	vmul.f32 $2.000000030e-01, v13;
	_ =	sdelay $0x1  }
0x465: {  	v13 =	vmax.f32 v13, v14  }
0x466: {  	v13 =	vmul.f32 $1.442695020e+00, v13;
	_ =	sdelay $0x1  }
0x467: {  	(erf) = vpow2.f32 v13;
	_ =	sdelay $0x2  }
0x468: {  	s2 =	spop (v2sf)  }
0x469: {  	p2 =	seq.s32 s2, $0x6;
	s2 =	spop (v2sf)  }
0x46a: {  	p3 =	seq.s32 s2, $0x6;
	s2 =	simm.f32 $1.000000000e+00  }
.Ltmp7:
0x46b: {  	s2 =	simm.s32 @!p3 $0x0;
	(pc) =	sbr.rel @p1 .LBB2_13-.Ltmp7, $4  }
0x46c: {  	s2 =	simm.s32 @!p2 $0x0  }
0x46d: {  	v12 =	vmul.f32 s2, v12  }
0x46e: {  	v13 =	vld [tilespmem:s11+$0x0];
	v15 =	vpop (erf)  }
0x46f: {  	s1 =	sadd.s32 $0x40, s1;
	s6 =	sadd.s32 $0x40, s6;
	v12 =	vadd.f32 v12, v11;
	v14 =	vld [tilespmem:s28+$0x0];
	[tilespmem:s13+$0x10] =	vst v15;
	v11 =	vmul.f32 v1, v15  }
0x470: {  	v15 =	vld [tilespmem:s28+$0x1]  }
0x471: {  	v16 =	vld [tilespmem:s11+$0x1];
	_ =	sdelay $0x1  }
0x472: {  	(v2sf) =	vpush v13, $0x0  }
0x473: {  	(v2sf) =	vpush v14, $0x0  }
0x474: {  	(v2sf) =	vpush v15, $0x0  }
0x475: {  	(v2sf) =	vpush v16, $0x0;
	_ =	sdelay $0xb  }
0x476: {  	s1 =	spop (v2sf)  }
0x477: {  	s2 =	spop (v2sf)  }
0x478: {  	s5 =	spop (v2sf)  }
0x479: {  	s11 =	simm.s32 @!p0 $0x2;
	s6 =	spop (v2sf)  }
0x47a: {  	_ =	swait.ge @!p0 [sflag:s11], $0x50  }
0x47b: {  	[sflag:s11] =	ssyncset.done @!p0 $0x0  }
0x47c: {  	[sflag:s11] =	ssyncadd.s32 @!p0 $0xFFFFFFB0  }
0x47d: {  	_ =	swait.ge @!p0 [sflag:s11], $0x50  }
0x47e: {  	[sflag:s11] =	ssyncset.done @!p0 $0x0  }
0x47f: {  	[sflag:s11] =	ssyncadd.s32 @!p0 $0xFFFFFFB0  }
0x480: {  	_ =	swait.ge @!p0 [sflag:s11], $0x500  }
0x481: {  	[sflag:s11] =	ssyncset.done @!p0 $0x0  }
0x482: {  	[sflag:s11] =	ssyncadd.s32 @!p0 $0xFFFFFB00;
	s11 =	simm.s32 @!p0 $0x6  }
0x483: {  	s13 =	simm.s32 @!p0 $0x1120;
	_ =	swait.ge @!p0 [sflag:s11], $0x500  }
0x484: {  	p2 =	seq.s32 s1, $0x6;
	s1 =	simm.f32 $1.000000000e+00;
	[sflag:s11] =	ssyncset.done @!p0 $0x0  }
0x485: {  	p1 =	seq.s32 s2, $0x6;
	s2 =	simm.f32 $1.000000000e+00;
	[sflag:s11] =	ssyncadd.s32 @!p0 $0xFFFFFB00  }
0x486: {  	s2 =	simm.s32 @!p1 $0x0;
	p1 =	seq.s32 s5, $0x6;
	_ =	swait.ge @!p0 [sflag:s11], $0x2800  }
0x487: {  	s5 =	simm.s32 @!p0 $0x50;
	s2 =	simm.s32 @!p2 $0x0;
	[sflag:s11] =	ssyncset.done @!p0 $0x0  }
0x488: {  	s1 =	simm.s32 @!p1 $0x0;
	[sflag:s11] =	ssyncadd.s32 @!p0 $0xFFFFD800;
	s11 =	simm.s32 @!p0 $0x60  }
0x489: {  	[tilespmem:s13], [sflag:$0x4] =	stream.indirect.gather @!p0 [hbm4b:s24+s5], $0x10, s11, s5, $0xb8;
	[tilespmem:$0x1D9B0] =	vst v63  }
0x48a: {  	p1 =	seq.s32 s6, $0x6;
	s6 =	simm.s32 @!p0 $0x120;
	s13 =	simm.s32 @!p0 $0x1B20  }
0x48b: {  	v10 =	vmul.f32 s2, v10;
	[tilespmem:s13], [sflag:$0x4] =	stream.indirect.gather @!p0 [hbm4b:s25+s5], $0x10, s6, s5, $0xb8;
	[tilespmem:$0x1D9B0] =	vst v63  }
0x48c: {  	s1 =	simm.s32 @!p1 $0x0;
	s2 =	simm.s32 @!p0 $0x4820;
	s6 =	simm.s32 $0x20A0  }
0x48d: {  	v10 =	vadd.f32 v10, v12;
	v12 =	vmul.f32 s1, v11;
	[tilespmem:s2], [sflag:$0x4] =	stream.indirect.gather @!p0 [hbm4b:s26+s5], $0x80, s11, s5, $0xb8;
	[tilespmem:$0x1D9B0] =	vst v63  }
0x48e: {  	s20 =	simm.s32 $0x7050;
	s28 =	simm.s32 $0x21A0;
	s11 =	simm.s32 $0x7030;
	v11 =	vld [tilespmem:s6+$0xFFFFFFB0]  }
0x48f: {  	s1 =	simm.s32 $0x7050;
	v10 =	vadd.f32 v12, v10;
	s13 =	simm.s32 $0x2;
	s5 =	simm.s32 $0x21A0;
	v12 =	vld [tilespmem:s11+$0xFFFFFFF0]  }
.LBB2_15:
0x490: {  	_ = 	snop  }
0x491: {  	s13 =	sadd.s32 $0x2, s13;
	s20 =	sadd.s32 $0x20, s20;
	s28 =	sadd.s32 $0x100, s28;
	v13 =	vld [tilespmem:s6+$0xFFFFFFF0]  }
0x492: {  	p1 =	slt.u32 s13, $0x4E;
	v14 =	vld [tilespmem:s6+$0xFFFFFFA0]  }
0x493: {  	v15 =	vld [tilespmem:s6+$0xFFFFFFE0]  }
0x494: {  	v18 =	vld [tilespmem:s6+$0xFFFFFFC0];
	v16 =	vperm.xlane v12, v5;
	v17 =	vperm.xlane v12, v6  }
0x495: {  	v20 =	vperm.xlane v12, v4;
	v21 =	vperm.xlane v12, v9;
	v19 =	vld [tilespmem:s6+$0xFFFFFF90]  }
0x496: {  	v22 =	vperm.xlane v12, v8;
	v11 =	vmul.f32 v11, v16;
	v16 =	vld [tilespmem:s6+$0xFFFFFFD0]  }
0x497: {  	v14 =	vmul.f32 v14, v20;
	v13 =	vmul.f32 v13, v21;
	v23 =	vld [tilespmem:s6+$0xFFFFFF80]  }
0x498: {  	v20 =	vperm.xlane v12, v3;
	[tilespmem:s6+$0xFFFFFFB0] =	vst v11;
	v11 =	vmul.f32 v15, v22  }
0x499: {  	v15 =	vmul.f32 v18, v17;
	v17 =	vperm.xlane v12, v7;
	[tilespmem:s6+$0xFFFFFFF0] =	vst v13  }
0x49a: {  	v12 =	vperm.xlane v12, v2;
	v13 =	vmul.f32 v19, v20;
	[tilespmem:s6+$0xFFFFFFE0] =	vst v11  }
0x49b: {  	[tilespmem:s6+$0xFFFFFFC0] =	vst v15;
	v11 =	vmul.f32 v16, v17  }
0x49c: {  	v12 =	vmul.f32 v23, v12;
	[tilespmem:s6+$0xFFFFFFA0] =	vst v14  }
0x49d: {  	[tilespmem:s6+$0xFFFFFFD0] =	vst v11  }
0x49e: {  	[tilespmem:s6+$0xFFFFFF80] =	vst v12  }
0x49f: {  	[tilespmem:s6+$0xFFFFFF90] =	vst v13;
	v12 =	vld [tilespmem:s6+$0x20]  }
0x4a0: {  	v13 =	vld [tilespmem:s11+$0x0];
	s11 =	smov.u32 s1;
	s1 =	smov.u32 s20  }
0x4a1: {  	v11 =	vld [tilespmem:s5+$0xFFFFFFB0]  }
0x4a2: {  	v14 =	vld [tilespmem:s6+$0x10]  }
0x4a3: {  	v15 =	vld [tilespmem:s6+$0x30]  }
0x4a4: {  	v16 =	vld [tilespmem:s6+$0x40]  }
0x4a5: {  	v17 =	vperm.xlane v13, v3;
	v18 =	vperm.xlane v13, v7;
	v19 =	vld [tilespmem:s6+$0x50]  }
0x4a6: {  	v20 =	vperm.xlane v13, v4;
	v21 =	vperm.xlane v13, v5;
	v22 =	vld [tilespmem:s6+$0x60]  }
0x4a7: {  	v23 =	vld [tilespmem:s6+$0x0];
	v14 =	vmul.f32 v14, v17;
	v17 =	vperm.xlane v13, v6  }
0x4a8: {  	v12 =	vmul.f32 v12, v20;
	v15 =	vmul.f32 v15, v21;
	v20 =	vld [tilespmem:s6+$0x70]  }
0x4a9: {  	[tilespmem:s6+$0x10] =	vst v14;
	v14 =	vmul.f32 v16, v17;
	v16 =	vperm.xlane v13, v8  }
0x4aa: {  	v17 =	vperm.xlane v13, v2;
	[tilespmem:s6+$0x20] =	vst v12;
	v12 =	vmul.f32 v19, v18  }
0x4ab: {  	v13 =	vperm.xlane v13, v9;
	[tilespmem:s6+$0x40] =	vst v14;
	v14 =	vmul.f32 v22, v16  }
0x4ac: {  	v16 =	vmul.f32 v23, v17;
	[tilespmem:s6+$0x50] =	vst v12  }
.Ltmp8:
0x4ad: {  	[tilespmem:s6+$0x60] =	vst v14;
	v12 =	vmul.f32 v20, v13;
	(pc) =	sbr.rel @p1 .LBB2_15-.Ltmp8, $4  }
0x4ae: {  	[tilespmem:s6+$0x30] =	vst v15  }
0x4af: {  	[tilespmem:s6+$0x70] =	vst v12  }
0x4b0: {  	[tilespmem:s6+$0x0] =	vst v16;
	s6 =	smov.u32 s5;
	s5 =	smov.u32 s28  }
0x4b1: {  	v12 =	vld [tilespmem:s11+$0xFFFFFFF0]  }
0x4b2: {  	_ =	sdelay $0x1  }
0x4b3: {  	v13 =	vld [tilespmem:s6+$0xFFFFFFF0]  }
0x4b4: {  	v17 =	vld [tilespmem:s6+$0xFFFFFFC0]  }
0x4b5: {  	v15 =	vld [tilespmem:s6+$0xFFFFFFE0];
	v16 =	vperm.xlane v12, v5  }
0x4b6: {  	v14 =	vld [tilespmem:s6+$0xFFFFFFA0];
	v19 =	vperm.xlane v12, v9  }
0x4b7: {  	v42 =	vld [tilespmem:s6+$0xFFFFFFD0];
	v21 =	vperm.xlane v12, v6;
	v11 =	vmul.f32 v11, v16  }
0x4b8: {  	v22 =	vld [tilespmem:s6+$0xFFFFFF80];
	v20 =	vperm.xlane v12, v8;
	v13 =	vmul.f32 v13, v19  }
0x4b9: {  	v18 =	vld [tilespmem:s6+$0xFFFFFF90];
	v43 =	vperm.xlane v12, v4;
	v44 =	vmul.f32 v17, v21;
	[tilespmem:s6+$0xFFFFFFB0] =	vst v11  }
0x4ba: {  	v45 =	vperm.xlane v12, v7;
	v11 =	vmul.f32 v15, v20;
	[tilespmem:s6+$0xFFFFFFF0] =	vst v13  }
0x4bb: {  	v47 =	vperm.xlane v12, v2;
	v46 =	vmul.f32 v14, v43;
	[tilespmem:s6+$0xFFFFFFC0] =	vst v44  }
0x4bc: {  	v48 =	vmul.f32 v42, v45;
	[tilespmem:s6+$0xFFFFFFE0] =	vst v11;
	v11 =	vperm.xlane v12, v3  }
0x4bd: {  	v14 =	vmul.f32 v22, v47;
	[tilespmem:s6+$0xFFFFFFA0] =	vst v46  }
0x4be: {  	[tilespmem:s6+$0xFFFFFFD0] =	vst v48;
	v11 =	vmul.f32 v18, v11  }
0x4bf: {  	[tilespmem:s6+$0xFFFFFF80] =	vst v14  }
0x4c0: {  	[tilespmem:s6+$0xFFFFFF90] =	vst v11  }
0x4c1: {  	v11 =	vld [tilespmem:s11+$0x0];
	_ =	sdelay $0x1  }
0x4c2: {  	v50 =	vld [tilespmem:s6+$0x10]  }
0x4c3: {  	v49 =	vld [tilespmem:s6+$0x20]  }
0x4c4: {  	v52 =	vld [tilespmem:s6+$0x40]  }
0x4c5: {  	v54 =	vld [tilespmem:s6+$0x50];
	v53 =	vperm.xlane v11, v3  }
0x4c6: {  	v56 =	vld [tilespmem:s6+$0x60];
	v55 =	vperm.xlane v11, v4  }
0x4c7: {  	v51 =	vld [tilespmem:s6+$0x30];
	v58 =	vperm.xlane v11, v6;
	v13 =	vmul.f32 v50, v53  }
0x4c8: {  	v60 =	vld [tilespmem:s6+$0x70];
	v59 =	vperm.xlane v11, v7;
	v12 =	vmul.f32 v49, v55  }
0x4c9: {  	v57 =	vld [tilespmem:s6+$0x0];
	v62 =	vperm.xlane v11, v8;
	v61 =	vmul.f32 v52, v58;
	[tilespmem:s6+$0x10] =	vst v13  }
0x4ca: {  	v63 =	vperm.xlane v11, v5;
	v21 =	vmul.f32 v54, v59;
	[tilespmem:s6+$0x20] =	vst v12  }
0x4cb: {  	v23 =	vperm.xlane v11, v9;
	v22 =	vmul.f32 v56, v62;
	[tilespmem:s6+$0x40] =	vst v61  }
0x4cc: {  	v11 =	vperm.xlane v11, v2;
	v14 =	vmul.f32 v51, v63;
	[tilespmem:s6+$0x50] =	vst v21  }
0x4cd: {  	v24 =	vmul.f32 v60, v23;
	[tilespmem:s6+$0x60] =	vst v22  }
0x4ce: {  	v11 =	vmul.f32 v57, v11;
	[tilespmem:s6+$0x30] =	vst v14  }
0x4cf: {  	[tilespmem:s6+$0x70] =	vst v24  }
0x4d0: {  	[tilespmem:s6+$0x0] =	vst v11  }
0x4d1: {  	v11 =	vld [tilespmem:s1+$0xFFFFFFF0];
	_ =	sdelay $0x1  }
0x4d2: {  	v25 =	vld [tilespmem:s5+$0xFFFFFFB0]  }
0x4d3: {  	v26 =	vld [tilespmem:s5+$0xFFFFFFF0]  }
0x4d4: {  	v28 =	vld [tilespmem:s5+$0xFFFFFFE0]  }
0x4d5: {  	v30 =	vld [tilespmem:s5+$0xFFFFFFC0];
	v29 =	vperm.xlane v11, v5  }
0x4d6: {  	v27 =	vld [tilespmem:s5+$0xFFFFFFA0];
	v32 =	vperm.xlane v11, v9  }
0x4d7: {  	v33 =	vld [tilespmem:s5+$0xFFFFFFD0];
	v34 =	vperm.xlane v11, v8;
	v12 =	vmul.f32 v25, v29  }
0x4d8: {  	v36 =	vld [tilespmem:s5+$0xFFFFFF80];
	v35 =	vperm.xlane v11, v6;
	v13 =	vmul.f32 v26, v32  }
0x4d9: {  	v31 =	vld [tilespmem:s5+$0xFFFFFF90];
	v37 =	vperm.xlane v11, v4;
	v38 =	vmul.f32 v28, v34;
	[tilespmem:s5+$0xFFFFFFB0] =	vst v12  }
0x4da: {  	v40 =	vperm.xlane v11, v7;
	v39 =	vmul.f32 v30, v35;
	[tilespmem:s5+$0xFFFFFFF0] =	vst v13  }
0x4db: {  	v42 =	vperm.xlane v11, v2;
	v41 =	vmul.f32 v27, v37;
	[tilespmem:s5+$0xFFFFFFE0] =	vst v38  }
0x4dc: {  	v11 =	vperm.xlane v11, v3;
	v43 =	vmul.f32 v33, v40;
	[tilespmem:s5+$0xFFFFFFC0] =	vst v39  }
0x4dd: {  	v14 =	vmul.f32 v36, v42;
	[tilespmem:s5+$0xFFFFFFA0] =	vst v41  }
0x4de: {  	v11 =	vmul.f32 v31, v11;
	[tilespmem:s5+$0xFFFFFFD0] =	vst v43  }
0x4df: {  	[tilespmem:s5+$0xFFFFFF80] =	vst v14  }
0x4e0: {  	[tilespmem:s5+$0xFFFFFF90] =	vst v11  }
0x4e1: {  	v11 =	vld [tilespmem:s1+$0x0];
	_ =	sdelay $0x1  }
0x4e2: {  	v45 =	vld [tilespmem:s5+$0x10]  }
0x4e3: {  	v44 =	vld [tilespmem:s5+$0x20]  }
0x4e4: {  	v47 =	vld [tilespmem:s5+$0x40]  }
0x4e5: {  	v49 =	vld [tilespmem:s5+$0x50];
	v48 =	vperm.xlane v11, v3  }
0x4e6: {  	v51 =	vld [tilespmem:s5+$0x60];
	v50 =	vperm.xlane v11, v4  }
0x4e7: {  	v46 =	vld [tilespmem:s5+$0x30];
	v53 =	vperm.xlane v11, v6;
	v13 =	vmul.f32 v45, v48  }
0x4e8: {  	v55 =	vld [tilespmem:s5+$0x70];
	v54 =	vperm.xlane v11, v7;
	v12 =	vmul.f32 v44, v50  }
0x4e9: {  	v52 =	vld [tilespmem:s5+$0x0];
	v57 =	vperm.xlane v11, v8;
	v56 =	vmul.f32 v47, v53;
	[tilespmem:s5+$0x10] =	vst v13  }
0x4ea: {  	v58 =	vperm.xlane v11, v5;
	v59 =	vmul.f32 v49, v54;
	[tilespmem:s5+$0x20] =	vst v12  }
0x4eb: {  	v61 =	vperm.xlane v11, v9;
	v60 =	vmul.f32 v51, v57;
	[tilespmem:s5+$0x40] =	vst v56  }
0x4ec: {  	v11 =	vperm.xlane v11, v2;
	v14 =	vmul.f32 v46, v58;
	[tilespmem:s5+$0x50] =	vst v59  }
0x4ed: {  	v62 =	vmul.f32 v55, v61;
	[tilespmem:s5+$0x60] =	vst v60  }
0x4ee: {  	v11 =	vmul.f32 v52, v11;
	[tilespmem:s5+$0x30] =	vst v14  }
0x4ef: {  	[tilespmem:s5+$0x70] =	vst v62  }
0x4f0: {  	[tilespmem:s5+$0x0] =	vst v11  }
0x4f1: {  	v11 =	vld [tilespmem:$0xC0]  }
0x4f2: {  	v12 =	vld [tilespmem:$0xD0]  }
0x4f3: {  	v13 =	vld [tilespmem:$0xE0]  }
0x4f4: {  	v14 =	vld [tilespmem:$0xF0]  }
0x4f5: {  	v63 =	vld [tilespmem:$0x100]  }
0x4f6: {  	[tilespmem:$0x180] =	vst v11  }
0x4f7: {  	[tilespmem:$0x190] =	vst v12  }
0x4f8: {  	[tilespmem:$0x1A0] =	vst v13  }
.Ltmp9:
0x4f9: {  	[tilespmem:$0x1B0] =	vst v14;
	(pc) =	sbr.rel @p0 .LBB2_18-.Ltmp9, $4  }
0x4fa: {  	s31 =	simm.s32 $0x7020;
	[tilespmem:$0x1C0] =	vst v63  }
0x4fb: {  	[spmem:s18] =	stream.indirect.scatter.add.f32 [tilespmem:s31], [sflag:$0x5], $0x10, s7, s30, $0xb8;
	[tilespmem:$0x1D9B0] =	vst v63  }
0x4fc: {  	_ = 	snop  }
0x4fd: {  	[spmem:s3] =	stream.indirect.scatter.add.f32 [tilespmem:s16], [sflag:$0x5], $0x80, s7, s30, $0xb8;
	[tilespmem:$0x1D9B0] =	vst v63  }
0x4fe: {  	s2 =	sld [smem:$0x7FA]  }
0x4ff: {  	s1 =	smul.u32 $0xA0, s12;
	_ =	sdelay $0x1  }
0x500: {  	s1 =	sadd.s32 s1, s2  }
0x501: {  	s2 =	sshrl.u32 s1, $0x3  }
0x502: {  	s5 =	sadd.s32 s21, s2  }
0x503: {  	[tilespmem:s4], [sflag:$0x1] =	stream.linear.gather [hbm4b:s5+s4], $0x50, $0x38;
	[tilespmem:$0x1D9B0] =	vst v63  }
.Ltmp10:
0x504: {  	s1 =	sshll.u32 s1, $0x1;
	(pc) =	sbr.rel .LBB2_8-.Ltmp10, $4  }
0x505: {  	s2 =	sadd.s32 s22, s2;
	s1 =	sand.u32 $0x1FFFFFE0, s1  }
0x506: {  	[tilespmem:s15], [sflag:$0x1] =	stream.linear.gather [hbm4b:s2+s4], $0x50, $0x38;
	[tilespmem:$0x1D9B0] =	vst v63  }
0x507: {  	s31 =	simm.s32 $0x220;
	s12 =	sadd.s32 $0x1, s12;
	s1 =	sadd.s32 s23, s1  }
0x508: {  	[tilespmem:s31], [sflag:$0x1] =	stream.linear.gather [hbm4b:s1+s4], $0x500, $0x38;
	[tilespmem:$0x1D9B0] =	vst v63  }
.LBB2_19:
0x509: {  	_ =	sfence.sel $0x180000  }
0x50a: {  	[bflag:$0x0] =	sbarrier.arrive $0xFFFF  }
0x50b: {  	_ =	strace $0x90000047  }
0x50c: {  	s0 =	stileid.u32;
	[bflag:$0x2] =	sbarrier.arrive $0xFFFF  }
0x50d: {  	p0 =	sne.s32 s0, $0x0;
	s0 =	rddreg [dreg:$0x3]  }
0x50e: {  	s0 =	sadd.s32 @!p0 $0x100000, s0  }
0x50f: {  	[sflag:s0] =	ssyncadd.tile.s32 @!p0 $0x1;
	_ =	shalt  }
.Lfunc_end2:
_tile_overlayer_lowered:
.L_overlay_start_2:
0x510: {  	(tag) =	ssettag $0x2  }
0x511: {  	s0 =	rddreg [dreg:$0x0];
	s2 =	stileid.u32  }
0x512: {  	s1 =	rddreg [dreg:$0x1];
	p0 =	sne.s32 s2, $0x0  }
0x513: {  	s3 =	rddreg [dreg:$0x2];
	[bflag:$0x3] =	sbarrier.arrive $0xFFFF;
	s2 =	simm.s32 @!p0 $0x1C07  }
0x514: {  	[timem:s3], [sflag:s2] =	dma.local @!p0 [hbm:s0], s1  }
0x515: {  	s0 =	simm.s32 @!p0 $0x7  }
0x516: {  	_ =	swait.ge @!p0 [sflag:s0], s1  }
0x517: {  	s1 =	ssub.s32 @!p0 $0x0, s1;
	[sflag:s0] =	ssyncset.done @!p0 $0x0  }
0x518: {  	[sflag:s0] =	ssyncadd.s32 @!p0 s1  }
0x519: {  	[bflag:$0x3] =	sbarrier.arrive $0xFFFF  }
0x51a: {  	_ =	shalt  }

</sc_bundles>
